<compile_context>
chip_gen: v7x
topology: tpu7x:2x2x1
jax: 0.10.2.dev20260603
libtpu: 0.0.44.dev20260713+nightly
codegen_flags: <defaults>
</compile_context>

<pallas_src>
import jax
import jax.numpy as jnp
from jax import lax
from jax.experimental import pallas as pl
from jax.experimental.pallas import tpu as pltpu
from jax.experimental.pallas import tpu_sc as plsc

K = 16
EPS = 1e-6
SCALE_FACTOR = 640.0
B, N = 2, 2048
M = B * N

NC, NS = 2, 16
NW = NC * NS
ROWS_W = M * K // NW
GCH = 128
GS = ROWS_W // GCH
BN = 256
RB = 128
RBC = 512


def _r128(w):
    return (w + 127) // 128 * 128


def _knn_body(x_ref, xt_ref, idx_ref):
    b = pl.program_id(0)
    i = pl.program_id(1)
    fx = x_ref[0, 0:1, :]
    fy = x_ref[0, 1:2, :]
    fz = x_ref[0, 2:3, :]
    sq = fx * fx + fy * fy + fz * fz
    fr = xt_ref[0, pl.ds(i * BN, BN), :]
    rx = fr[:, 0:1]
    ry = fr[:, 1:2]
    rz = fr[:, 2:3]
    sqr = rx * rx + ry * ry + rz * rz
    g = lax.dot_general(fr, x_ref[0], (((1,), (0,)), ((), ())),
                        preferred_element_type=jnp.float32)
    d2 = (sqr - 2.0 * g) + sq
    col = lax.broadcasted_iota(jnp.int32, (BN, N), 1)
    cols = []
    for _ in range(K):
        m = jnp.min(d2, axis=1, keepdims=True)
        am = jnp.min(jnp.where(d2 == m, col, N), axis=1, keepdims=True)
        cols.append(am)
        d2 = jnp.where(col == am, jnp.inf, d2)
    idx_ref[...] = jnp.concatenate(cols, axis=1) + b * N


def _knn_call(x, xt):
    return pl.pallas_call(
        _knn_body,
        grid=(B, N // BN),
        in_specs=[
            pl.BlockSpec((1, 3, N), lambda b, i: (b, 0, 0)),
            pl.BlockSpec((1, N, 3), lambda b, i: (b, 0, 0)),
        ],
        out_specs=pl.BlockSpec((BN, K), lambda b, i: (b * (N // BN) + i, 0)),
        out_shape=jax.ShapeDtypeStruct((M, K), jnp.int32),
    )(x, xt)


def _sc_gather_call(xrows, idxr):
    RW = xrows.shape[1]
    mesh = plsc.VectorSubcoreMesh(core_axis_name="c", subcore_axis_name="s",
                                  num_cores=NC, num_subcores=NS)

    def body(x_hbm, idx_hbm, nb_hbm, idxb0, idxb1, rows0, rows1,
             si0, si1, sg0, sg1):
        wid = lax.axis_index("s") * NC + lax.axis_index("c")
        base = wid * ROWS_W
        idxb = (idxb0, idxb1)
        rows = (rows0, rows1)
        si = (si0, si1)
        sg = (sg0, sg1)

        def issue_idx(s, j):
            pltpu.async_copy(
                idx_hbm.at[pl.ds(base + s * GCH, GCH)], idxb[j], si[j])

        def wait_idx(s, j):
            pltpu.make_async_copy(
                idx_hbm.at[pl.ds(base + s * GCH, GCH)], idxb[j], si[j]).wait()

        def issue(s, j):
            pltpu.async_copy(x_hbm.at[idxb[j]], rows[j], sg[j])

        def wait(s, j):
            pltpu.make_async_copy(x_hbm.at[idxb[j]], rows[j], sg[j]).wait()

        issue_idx(0, 0)
        wait_idx(0, 0)
        issue(0, 0)
        issue_idx(1, 1)

        def pair(i, carry):
            for j in range(2):
                s = 2 * i + j
                nxt = 1 - j

                wait(s, j)

                @pl.when(s + 1 < GS)
                def _():
                    wait_idx(s + 1, nxt)
                    issue(s + 1, nxt)

                @pl.when(s + 2 < GS)
                def _():
                    issue_idx(s + 2, j)

                pltpu.sync_copy(rows[j], nb_hbm.at[pl.ds(base + s * GCH, GCH)])
            return carry

        lax.fori_loop(0, GS // 2, pair, 0)

    fn = pl.kernel(
        body,
        out_type=jax.ShapeDtypeStruct((M * K, RW), jnp.float32),
        mesh=mesh,
        scratch_types=[
            pltpu.VMEM((GCH,), jnp.int32),
            pltpu.VMEM((GCH,), jnp.int32),
            pltpu.VMEM((GCH, RW), jnp.float32),
            pltpu.VMEM((GCH, RW), jnp.float32),
            pltpu.SemaphoreType.DMA,
            pltpu.SemaphoreType.DMA,
            pltpu.SemaphoreType.DMA,
            pltpu.SemaphoreType.DMA,
        ],
    )
    return fn(xrows, idxr)


def _make_conv_body(C, O, OW):
    def body(nb_ref, x_ref, w_ref, wd_ref, out_ref):
        xe = x_ref[...]
        hs = []
        for c in range(3):
            xc = xe[:, c * C:(c + 1) * C]
            nbc = nb_ref[:, c * C:(c + 1) * C]
            xcb = jnp.broadcast_to(xc[:, None, :], (RB, K, C))
            yd = (nbc.reshape(RB, K, C) - xcb).reshape(RB * K, C)
            ycat = jnp.concatenate([yd, xcb.reshape(RB * K, C)], axis=1)
            h = jnp.dot(ycat, w_ref[...],
                        preferred_element_type=jnp.float32)
            hs.append(h)
        ds = [jnp.dot(h, wd_ref[...], preferred_element_type=jnp.float32)
              for h in hs]
        hx, hy, hz = hs
        dx, dy, dz = ds
        den = jnp.sqrt(dx * dx + dy * dy + dz * dz) + EPS
        dnx = dx / den
        dny = dy / den
        dnz = dz / den
        dt = hx * dnx + hy * dny + hz * dnz
        acted = jnp.where(dt >= 0, dt, 0.2 * dt)
        t = acted - dt
        for c, (h, dn) in enumerate(((hx, dnx), (hy, dny), (hz, dnz))):
            o3 = (h + t * dn).reshape(RB, K, O)
            acc = o3[:, 0, :]
            for k in range(1, K):
                acc = acc + o3[:, k, :]
            out_ref[:, c * O:(c + 1) * O] = acc * (1.0 / K)
        if OW > 3 * O:
            out_ref[:, 3 * O:] = jnp.zeros((RB, OW - 3 * O), jnp.float32)
    return body


def _conv_call(nb, xrows, wt, wdt, O):
    C = wt.shape[0] // 2
    RW = xrows.shape[1]
    OW = _r128(3 * O)
    nblk = M // RB
    return pl.pallas_call(
        _make_conv_body(C, O, OW),
        grid=(nblk,),
        in_specs=[
            pl.BlockSpec((RB * K, RW), lambda i: (i, 0)),
            pl.BlockSpec((RB, RW), lambda i: (i, 0)),
            pl.BlockSpec((2 * C, O), lambda i: (0, 0)),
            pl.BlockSpec((O, O), lambda i: (0, 0)),
        ],
        out_specs=pl.BlockSpec((RB, OW), lambda i: (i, 0)),
        out_shape=jax.ShapeDtypeStruct((M, OW), jnp.float32),
    )(nb, xrows, wt, wdt)


CHC = (32, 64, 128, 128)


def _convc_body(x1_ref, x2_ref, x3_ref, x4_ref,
                w1_ref, w2_ref, w3_ref, w4_ref, wd_ref, out_ref):
    i = pl.program_id(1)
    xs = (x1_ref, x2_ref, x3_ref, x4_ref)
    wcat = jnp.concatenate([w1_ref[...], w2_ref[...], w3_ref[...],
                            w4_ref[...]], axis=0)
    hs = []
    ds = []
    for c in range(3):
        xcat = jnp.concatenate(
            [xr[:, c * cl:(c + 1) * cl] for xr, cl in zip(xs, CHC)], axis=1)
        hc = jnp.dot(xcat, wcat, preferred_element_type=jnp.float32)
        hs.append(hc)
        ds.append(jnp.dot(hc, wd_ref[...],
                          preferred_element_type=jnp.float32))
    hx, hy, hz = hs
    dx, dy, dz = ds
    den = jnp.sqrt(dx * dx + dy * dy + dz * dz) + EPS
    dnx = dx / den
    dny = dy / den
    dnz = dz / den
    dt = hx * dnx + hy * dny + hz * dnz
    acted = jnp.where(dt >= 0, dt, 0.2 * dt)
    t = acted - dt

    @pl.when(i == 0)
    def _():
        out_ref[...] = jnp.zeros_like(out_ref)

    out_ref[:, 0, :] += jnp.sum(hx + t * dnx, axis=0, keepdims=True)
    out_ref[:, 1, :] += jnp.sum(hy + t * dny, axis=0, keepdims=True)
    out_ref[:, 2, :] += jnp.sum(hz + t * dnz, axis=0, keepdims=True)


def _convc_call(x1, x2, x3, x4, w1, w2, w3, w4, wd):
    nb = N // RBC

    def rspec(w):
        return pl.BlockSpec((RBC, w), lambda b, i: (b * nb + i, 0))

    def wspec(c):
        return pl.BlockSpec((c, 128), lambda b, i: (0, 0))

    return pl.pallas_call(
        _convc_body,
        grid=(B, nb),
        in_specs=[rspec(x1.shape[1]), rspec(x2.shape[1]),
                  rspec(x3.shape[1]), rspec(x4.shape[1]),
                  wspec(32), wspec(64), wspec(128), wspec(128),
                  pl.BlockSpec((128, 1), lambda b, i: (0, 0))],
        out_specs=pl.BlockSpec((1, 3, 128), lambda b, i: (b, 0, 0)),
        out_shape=jax.ShapeDtypeStruct((B, 3, 128), jnp.float32),
    )(x1, x2, x3, x4, w1, w2, w3, w4, wd)


def _vl(w, x):
    return jnp.einsum('oi,bi...->bo...', w, x)


def _vact(wdir, x):
    d = _vl(wdir, x)
    dn = d / (jnp.linalg.norm(d, axis=2, keepdims=True) + EPS)
    dot = jnp.sum(x * dn, axis=2, keepdims=True)
    acted = jnp.where(dot >= 0, dot, 0.2 * dot)
    return x + (acted - dot) * dn


def _vlna(p, prefix, x):
    return _vact(p[prefix + '_dir'], _vl(p[prefix + '_lin'], x))


def _cevn(x):
    n = jnp.linalg.norm(x, axis=2, keepdims=True)
    d = x / (n + EPS)
    nrm = n / (jnp.linalg.norm(n, axis=1, keepdims=True) + EPS)
    return d * nrm


def kernel(x, label, params):
    p = params
    xt = jnp.transpose(x, (0, 2, 1))
    idxg = _knn_call(x, xt)
    idxr = idxg.reshape(M * K)

    X = jnp.pad(xt.reshape(M, 3), ((0, 0), (0, 125)))
    feats = []
    for name, C, O in (('conv1', 1, 32), ('conv2', 32, 64),
                       ('conv3', 64, 128), ('conv4', 128, 128)):
        wt = jnp.transpose(p[name + '_lin'])
        wdt = jnp.transpose(p[name + '_dir'])
        nb = _sc_gather_call(X, idxr)
        X = _conv_call(nb, X, wt, wdt, O)
        feats.append(X)

    x1, x2, x3, x4 = feats
    wc = p['convc_lin']
    ygs = _convc_call(
        x1, x2, x3, x4,
        jnp.transpose(wc[:, :32]), jnp.transpose(wc[:, 32:96]),
        jnp.transpose(wc[:, 96:224]), jnp.transpose(wc[:, 224:]),
        jnp.transpose(p['convc_dir']))
    yg = jnp.transpose(ygs, (0, 2, 1)) * (1.0 / N)

    so3f = _cevn(yg)
    z_so3 = _vl(p['fc_O'], so3f)
    r_pred = jnp.swapaxes(z_so3, 2, 1)
    u, _, vh = jnp.linalg.svd(r_pred, full_matrices=False)
    so3 = jnp.swapaxes(jnp.einsum('bij,bjk->bik', u, vh), 2, 1)
    scale = jnp.mean(jnp.linalg.norm(yg, axis=-1) + 1e-12, axis=1) * SCALE_FACTOR
    xg = yg[..., None]
    h = _vlna(p, 'ctr0', xg)
    h = _vlna(p, 'ctr1', h)
    center = (_vl(p['ctr_out'], h) + _vl(p['ctr_sc'], xg))[..., 0] * SCALE_FACTOR
    yn = _cevn(yg)
    m = _vlna(p, 'mean2', _vlna(p, 'mean1', yn))
    lv = _vlna(p, 'logvar2', _vlna(p, 'logvar1', yn))
    so3_m = _vl(p['fc_inv_mean'], m[..., None])[..., 0]
    inv_mean = jnp.sum(m * so3_m, axis=-1)
    so3_lv = _vl(p['fc_inv_logvar'], lv[..., None])[..., 0]
    inv_logvar = jnp.sum(lv * so3_lv, axis=-1)
    return inv_mean, inv_logvar, so3, scale, center

# --- scband reference (transcript-rebuilt; emitter-appended) ---
"""Pipeline reference for scband-vec-dgcnn-67508295958613 (READ-ONLY COPY).

The authoritative reference and input builder live on the scoring server;
editing this copy changes nothing except your own understanding.
"""

import jax, jax.numpy as jnp
import numpy as np

K = 16
NEG_SLOPE = 0.2
SCALE_FACTOR = 640.0
EPS = 1e-6


def vec_linear(W, x):
    return jnp.einsum('oi,bi...->bo...', W, x)


def vec_act(Wdir, x):
    d = vec_linear(Wdir, x)
    dn = d / (jnp.linalg.norm(d, axis=2, keepdims=True) + EPS)
    dot = jnp.sum(x * dn, axis=2, keepdims=True)
    acted = jnp.where(dot >= 0, dot, NEG_SLOPE * dot)
    return x + (acted - dot) * dn


def vec_lna(p, prefix, x):
    h = vec_linear(p[prefix + '_lin'], x)
    return vec_act(p[prefix + '_dir'], h)


def channel_equi_vec_normalize(x):
    n = jnp.linalg.norm(x, axis=2, keepdims=True)
    d = x / (n + EPS)
    nrm = n / (jnp.linalg.norm(n, axis=1, keepdims=True) + EPS)
    return d * nrm


def meanpool(x):
    return jnp.mean(x, axis=-1)


def get_graph_feature(x, k, knn_idx, label):
    B, C, _, N = x.shape
    if knn_idx is None:
        f = x.reshape(B, C * 3, N).transpose(0, 2, 1)
        sq = jnp.sum(f * f, axis=-1)
        d2 = sq[:, :, None] - 2.0 * jnp.einsum('bnd,bmd->bnm', f, f) + sq[:, None, :]
        _, knn_idx = jax.lax.top_k(-d2, k)
    nb = jnp.take_along_axis(x[:, :, :, None, :], knn_idx[:, None, None, :, :], axis=-1)
    xe = jnp.broadcast_to(x[..., None], nb.shape)
    y = jnp.concatenate([nb - xe, xe], axis=1)
    label_map = label[jnp.arange(B)[:, None, None], knn_idx]
    return y, knn_idx, label_map


def vec_resblock(p, x):
    h = vec_lna(p, 'ctr0', x)
    h = vec_lna(p, 'ctr1', h)
    return vec_linear(p['ctr_out'], h) + vec_linear(p['ctr_sc'], x)


def forward(x, label, p):
    x4d = x[:, None, :, :]
    y, knn_idx, _ = get_graph_feature(x4d, K, None, label)
    h = vec_lna(p, 'conv1', y)
    x1 = meanpool(h)
    y, _, _ = get_graph_feature(x1, K, knn_idx, label)
    h = vec_lna(p, 'conv2', y)
    x2 = meanpool(h)
    y, _, _ = get_graph_feature(x2, K, knn_idx, label)
    h = vec_lna(p, 'conv3', y)
    x3 = meanpool(h)
    y, _, _ = get_graph_feature(x3, K, knn_idx, label)
    h = vec_lna(p, 'conv4', y)
    x4 = meanpool(h)
    h = jnp.concatenate([x1, x2, x3, x4], axis=1)
    h = vec_lna(p, 'convc', h)
    yg = meanpool(h)
    so3f = channel_equi_vec_normalize(yg)
    z_so3 = vec_linear(p['fc_O'], so3f)
    R_pred = jnp.swapaxes(z_so3, 2, 1)
    U, _, Vh = jnp.linalg.svd(R_pred, full_matrices=False)
    so3 = jnp.swapaxes(jnp.einsum('bij,bjk->bik', U, Vh), 2, 1)
    scale = jnp.mean(jnp.linalg.norm(yg, axis=-1) + 1e-12, axis=1) * SCALE_FACTOR
    center = vec_resblock(p, yg[..., None])[..., 0] * SCALE_FACTOR
    yn = channel_equi_vec_normalize(yg)
    m = vec_lna(p, 'mean2', vec_lna(p, 'mean1', yn))
    lv = vec_lna(p, 'logvar2', vec_lna(p, 'logvar1', yn))
    so3_m = vec_linear(p['fc_inv_mean'], m[..., None])[..., 0]
    inv_mean = jnp.sum(m * so3_m, axis=-1)
    so3_lv = vec_linear(p['fc_inv_logvar'], lv[..., None])[..., 0]
    inv_logvar = jnp.sum(lv * so3_lv, axis=-1)
    return inv_mean, inv_logvar, so3, scale, center


def setup_inputs(seed: int = 0) -> dict:
    key = jax.random.key(seed)
    ks = jax.random.split(key, 40)
    B, N = 2, 2048
    x = jax.random.normal(ks[0], (B, 3, N), dtype=jnp.float32)
    label = jnp.ones((B, N), dtype=jnp.float32)
    idx = [1]
    p = {}

    def nw(o, i):
        w = jax.random.normal(ks[idx[0]], (o, i), dtype=jnp.float32) / np.sqrt(i)
        idx[0] += 1
        return w

    p['conv1_lin'] = nw(32, 2)
    p['conv1_dir'] = nw(32, 32)
    p['conv2_lin'] = nw(64, 64)
    p['conv2_dir'] = nw(64, 64)
    p['conv3_lin'] = nw(128, 128)
    p['conv3_dir'] = nw(128, 128)
    p['conv4_lin'] = nw(128, 256)
    p['conv4_dir'] = nw(128, 128)
    p['convc_lin'] = nw(128, 352)
    p['convc_dir'] = nw(1, 128)
    p['fc_O'] = nw(3, 128)
    p['mean1_lin'] = nw(128, 128)
    p['mean1_dir'] = nw(128, 128)
    p['mean2_lin'] = nw(128, 128)
    p['mean2_dir'] = nw(128, 128)
    p['logvar1_lin'] = nw(128, 128)
    p['logvar1_dir'] = nw(128, 128)
    p['logvar2_lin'] = nw(128, 128)
    p['logvar2_dir'] = nw(128, 128)
    p['fc_inv_mean'] = nw(128, 128)
    p['fc_inv_logvar'] = nw(128, 128)
    p['ctr0_lin'] = nw(64, 128)
    p['ctr0_dir'] = nw(64, 64)
    p['ctr1_lin'] = nw(64, 64)
    p['ctr1_dir'] = nw(64, 64)
    p['ctr_out'] = nw(1, 64)
    p['ctr_sc'] = nw(1, 128)
    return {'x': x, 'label': label, 'params': p}


def reference(x, label, params):
    return forward(x, label, params)

if __name__ == "__main__":
    import jax
    _d = setup_inputs()
    print(jax.jit(kernel)(*tuple(_d.values())))

</pallas_src>

<mosaic_0001>
#map = affine_map<(d0, d1) -> (0, 0)>
#map1 = affine_map<(d0, d1) -> (0)>
module attributes {stable_mosaic.version = 14 : i64} {
  func.func @body(%arg0: i32, %arg1: i32, %arg2: memref<4096x256xf32, #tpu.memory_space<hbm>>, %arg3: memref<65536xi32, #tpu.memory_space<hbm>>, %arg4: memref<65536x256xf32, #tpu.memory_space<hbm>>, %arg5: memref<128xi32, #tpu.memory_space<vmem>>, %arg6: memref<128xi32, #tpu.memory_space<vmem>>, %arg7: memref<128x256xf32, #tpu.memory_space<vmem>>, %arg8: memref<128x256xf32, #tpu.memory_space<vmem>>, %arg9: memref<!tpu.dma_semaphore, #tpu.memory_space<semaphore_mem>>, %arg10: memref<!tpu.dma_semaphore, #tpu.memory_space<semaphore_mem>>, %arg11: memref<!tpu.dma_semaphore, #tpu.memory_space<semaphore_mem>>, %arg12: memref<!tpu.dma_semaphore, #tpu.memory_space<semaphore_mem>>) attributes {dimension_semantics = [#tpu.dimension_semantics<core_parallel>, #tpu.dimension_semantics<subcore_parallel>], iteration_bounds = array<i64: 2, 16>, scalar_prefetch = 0 : i64, scratch_operands = 8 : i64, tpu.core_type = #tpu.core_type<sc_vector_subcore>, window_params = [{transform_indices = #map}, {transform_indices = #map1}, {transform_indices = #map}]} {
    %mul3A = arith.constant 2 : i32
    %mul3A_0 = arith.muli %arg1, %mul3A : i32
    %add3A = arith.addi %mul3A_0, %arg0 : i32
    %mul3A_1 = arith.constant 2048 : i32
    %mul3A_2 = arith.muli %add3A, %mul3A_1 : i32
    %add3A_3 = arith.constant 0 : i32
    %add3A_4 = arith.addi %mul3A_2, %add3A_3 : i32
    %dma_start3A = tpu.memref_slice %arg3[%add3A_4] : memref<65536xi32, #tpu.memory_space<hbm>> -> memref<128xi32, #tpu.memory_space<hbm>>
    %dma_start3A_5 = tpu.memref_slice %arg3[%add3A_4] : memref<65536xi32, #tpu.memory_space<hbm>> -> memref<128xi32, #tpu.memory_space<hbm>>
    tpu.enqueue_dma source(%dma_start3A_5 : memref<128xi32, #tpu.memory_space<hbm>>) target(%arg5 : memref<128xi32, #tpu.memory_space<vmem>>) target_semaphore(%arg9 : memref<!tpu.dma_semaphore, #tpu.memory_space<semaphore_mem>>)
    %add3A_6 = arith.constant 0 : i32
    %add3A_7 = arith.addi %mul3A_2, %add3A_6 : i32
    %dma_wait3A = tpu.memref_slice %arg3[%add3A_7] : memref<65536xi32, #tpu.memory_space<hbm>> -> memref<128xi32, #tpu.memory_space<hbm>>
    %dma_wait3A_8 = tpu.memref_slice %arg3[%add3A_7] : memref<65536xi32, #tpu.memory_space<hbm>> -> memref<128xi32, #tpu.memory_space<hbm>>
    tpu.wait_dma2 semaphore(%arg9 : memref<!tpu.dma_semaphore, #tpu.memory_space<semaphore_mem>>) src(%dma_wait3A_8 : memref<128xi32, #tpu.memory_space<hbm>>) dst(%arg5 : memref<128xi32, #tpu.memory_space<vmem>>)
    %dma_start3A_9 = arith.constant 0 : i32
    %dma_start3A_10 = arith.constant 0 : i32
    %dma_start3A_11 = tpu.memref_slice %arg2[%dma_start3A_9, %dma_start3A_10] : memref<4096x256xf32, #tpu.memory_space<hbm>> -> memref<4096x256xf32, #tpu.memory_space<hbm>>
    tpu.enqueue_indirect_dma source(%dma_start3A_11 : memref<4096x256xf32, #tpu.memory_space<hbm>>) target(%arg7 : memref<128x256xf32, #tpu.memory_space<vmem>>) offsets(%arg5 : memref<128xi32, #tpu.memory_space<vmem>>) semaphore(%arg11 : memref<!tpu.dma_semaphore, #tpu.memory_space<semaphore_mem>>)
    %add3A_12 = arith.constant 128 : i32
    %add3A_13 = arith.addi %mul3A_2, %add3A_12 : i32
    %dma_start3A_14 = tpu.memref_slice %arg3[%add3A_13] : memref<65536xi32, #tpu.memory_space<hbm>> -> memref<128xi32, #tpu.memory_space<hbm>>
    %dma_start3A_15 = tpu.memref_slice %arg3[%add3A_13] : memref<65536xi32, #tpu.memory_space<hbm>> -> memref<128xi32, #tpu.memory_space<hbm>>
    tpu.enqueue_dma source(%dma_start3A_15 : memref<128xi32, #tpu.memory_space<hbm>>) target(%arg6 : memref<128xi32, #tpu.memory_space<vmem>>) target_semaphore(%arg10 : memref<!tpu.dma_semaphore, #tpu.memory_space<semaphore_mem>>)
    %scan3A = arith.constant 0 : i32
    %scan3A_16 = arith.constant 0 : i32
    %scan3A_17 = arith.constant 8 : i32
    %scan3A_18 = arith.addi %scan3A_16, %scan3A_17 : i32
    %scan3A_19 = arith.constant 1 : i32
    scf.for %scan3A_21 = %scan3A_16 to %scan3A_18 step %scan3A_19  : i32 {
      %mul3A_22 = arith.constant 2 : i32
      %mul3A_23 = arith.muli %mul3A_22, %scan3A_21 : i32
      %add3A_24 = arith.constant 0 : i32
      %add3A_25 = arith.addi %mul3A_23, %add3A_24 : i32
      %dma_wait3A_26 = arith.constant 0 : i32
      %dma_wait3A_27 = arith.constant 0 : i32
      %dma_wait3A_28 = tpu.memref_slice %arg2[%dma_wait3A_26, %dma_wait3A_27] : memref<4096x256xf32, #tpu.memory_space<hbm>> -> memref<4096x256xf32, #tpu.memory_space<hbm>>
      tpu.wait_indirect_dma semaphore(%arg11 : memref<!tpu.dma_semaphore, #tpu.memory_space<semaphore_mem>>) src(%dma_wait3A_28 : memref<4096x256xf32, #tpu.memory_space<hbm>>) dst(%arg7 : memref<128x256xf32, #tpu.memory_space<vmem>>)
      %add3A_29 = arith.constant 1 : i32
      %add3A_30 = arith.addi %add3A_25, %add3A_29 : i32
      %lt3A = arith.constant 16 : i32
      %lt3A_31 = arith.cmpi slt, %add3A_30, %lt3A : i32
      %convert_element_type3A = arith.extui %lt3A_31 : i1 to i32
      %cond3A = arith.constant 0 : i32
      %cond3A_32 = arith.cmpi ne, %convert_element_type3A, %cond3A : i32
      scf.if %cond3A_32 {
        %add3A_67 = arith.constant 1 : i32
        %add3A_68 = arith.addi %add3A_25, %add3A_67 : i32
        %mul3A_69 = arith.constant 128 : i32
        %mul3A_70 = arith.muli %add3A_68, %mul3A_69 : i32
        %add3A_71 = arith.addi %mul3A_2, %mul3A_70 : i32
        %dma_wait3A_72 = tpu.memref_slice %arg3[%add3A_71] : memref<65536xi32, #tpu.memory_space<hbm>> -> memref<128xi32, #tpu.memory_space<hbm>>
        %dma_wait3A_73 = tpu.memref_slice %arg3[%add3A_71] : memref<65536xi32, #tpu.memory_space<hbm>> -> memref<128xi32, #tpu.memory_space<hbm>>
        tpu.wait_dma2 semaphore(%arg10 : memref<!tpu.dma_semaphore, #tpu.memory_space<semaphore_mem>>) src(%dma_wait3A_73 : memref<128xi32, #tpu.memory_space<hbm>>) dst(%arg6 : memref<128xi32, #tpu.memory_space<vmem>>)
        %add3A_74 = arith.constant 1 : i32
        %add3A_75 = arith.addi %add3A_25, %add3A_74 : i32
        %dma_start3A_76 = arith.constant 0 : i32
        %dma_start3A_77 = arith.constant 0 : i32
        %dma_start3A_78 = tpu.memref_slice %arg2[%dma_start3A_76, %dma_start3A_77] : memref<4096x256xf32, #tpu.memory_space<hbm>> -> memref<4096x256xf32, #tpu.memory_space<hbm>>
        tpu.enqueue_indirect_dma source(%dma_start3A_78 : memref<4096x256xf32, #tpu.memory_space<hbm>>) target(%arg8 : memref<128x256xf32, #tpu.memory_space<vmem>>) offsets(%arg6 : memref<128xi32, #tpu.memory_space<vmem>>) semaphore(%arg12 : memref<!tpu.dma_semaphore, #tpu.memory_space<semaphore_mem>>)
      } else {
      }
      %add3A_33 = arith.constant 2 : i32
      %add3A_34 = arith.addi %add3A_25, %add3A_33 : i32
      %lt3A_35 = arith.constant 16 : i32
      %lt3A_36 = arith.cmpi slt, %add3A_34, %lt3A_35 : i32
      %convert_element_type3A_37 = arith.extui %lt3A_36 : i1 to i32
      %cond3A_38 = arith.constant 0 : i32
      %cond3A_39 = arith.cmpi ne, %convert_element_type3A_37, %cond3A_38 : i32
      scf.if %cond3A_39 {
        %add3A_67 = arith.constant 2 : i32
        %add3A_68 = arith.addi %add3A_25, %add3A_67 : i32
        %mul3A_69 = arith.constant 128 : i32
        %mul3A_70 = arith.muli %add3A_68, %mul3A_69 : i32
        %add3A_71 = arith.addi %mul3A_2, %mul3A_70 : i32
        %dma_start3A_72 = tpu.memref_slice %arg3[%add3A_71] : memref<65536xi32, #tpu.memory_space<hbm>> -> memref<128xi32, #tpu.memory_space<hbm>>
        %dma_start3A_73 = tpu.memref_slice %arg3[%add3A_71] : memref<65536xi32, #tpu.memory_space<hbm>> -> memref<128xi32, #tpu.memory_space<hbm>>
        tpu.enqueue_dma source(%dma_start3A_73 : memref<128xi32, #tpu.memory_space<hbm>>) target(%arg5 : memref<128xi32, #tpu.memory_space<vmem>>) target_semaphore(%arg9 : memref<!tpu.dma_semaphore, #tpu.memory_space<semaphore_mem>>)
      } else {
      }
      %mul3A_40 = arith.constant 128 : i32
      %mul3A_41 = arith.muli %add3A_25, %mul3A_40 : i32
      %add3A_42 = arith.addi %mul3A_2, %mul3A_41 : i32
      "tpu.region"() ({
        %run_scoped3A = tpu.sem_alloc : memref<!tpu.dma_semaphore, #tpu.memory_space<semaphore_mem>>
        %dma_start3A_67 = arith.constant 0 : i32
        %dma_start3A_68 = tpu.memref_slice %arg4[%add3A_42, %dma_start3A_67] : memref<65536x256xf32, #tpu.memory_space<hbm>> -> memref<128x256xf32, #tpu.memory_space<hbm>>
        %dma_start3A_69 = arith.constant 0 : i32
        %dma_start3A_70 = tpu.memref_slice %arg4[%add3A_42, %dma_start3A_69] : memref<65536x256xf32, #tpu.memory_space<hbm>> -> memref<128x256xf32, #tpu.memory_space<hbm>>
        tpu.enqueue_dma source(%arg7 : memref<128x256xf32, #tpu.memory_space<vmem>>) target(%dma_start3A_70 : memref<128x256xf32, #tpu.memory_space<hbm>>) target_semaphore(%run_scoped3A : memref<!tpu.dma_semaphore, #tpu.memory_space<semaphore_mem>>)
        %dma_wait3A_71 = arith.constant 0 : i32
        %dma_wait3A_72 = tpu.memref_slice %arg4[%add3A_42, %dma_wait3A_71] : memref<65536x256xf32, #tpu.memory_space<hbm>> -> memref<128x256xf32, #tpu.memory_space<hbm>>
        %dma_wait3A_73 = arith.constant 0 : i32
        %dma_wait3A_74 = tpu.memref_slice %arg4[%add3A_42, %dma_wait3A_73] : memref<65536x256xf32, #tpu.memory_space<hbm>> -> memref<128x256xf32, #tpu.memory_space<hbm>>
        tpu.wait_dma2 semaphore(%run_scoped3A : memref<!tpu.dma_semaphore, #tpu.memory_space<semaphore_mem>>) src(%arg7 : memref<128x256xf32, #tpu.memory_space<vmem>>) dst(%dma_wait3A_74 : memref<128x256xf32, #tpu.memory_space<hbm>>)
        tpu.yield
      }) : () -> ()
      %mul3A_43 = arith.constant 2 : i32
      %mul3A_44 = arith.muli %mul3A_43, %scan3A_21 : i32
      %add3A_45 = arith.constant 1 : i32
      %add3A_46 = arith.addi %mul3A_44, %add3A_45 : i32
      %dma_wait3A_47 = arith.constant 0 : i32
      %dma_wait3A_48 = arith.constant 0 : i32
      %dma_wait3A_49 = tpu.memref_slice %arg2[%dma_wait3A_47, %dma_wait3A_48] : memref<4096x256xf32, #tpu.memory_space<hbm>> -> memref<4096x256xf32, #tpu.memory_space<hbm>>
      tpu.wait_indirect_dma semaphore(%arg12 : memref<!tpu.dma_semaphore, #tpu.memory_space<semaphore_mem>>) src(%dma_wait3A_49 : memref<4096x256xf32, #tpu.memory_space<hbm>>) dst(%arg8 : memref<128x256xf32, #tpu.memory_space<vmem>>)
      %add3A_50 = arith.constant 1 : i32
      %add3A_51 = arith.addi %add3A_46, %add3A_50 : i32
      %lt3A_52 = arith.constant 16 : i32
      %lt3A_53 = arith.cmpi slt, %add3A_51, %lt3A_52 : i32
      %convert_element_type3A_54 = arith.extui %lt3A_53 : i1 to i32
      %cond3A_55 = arith.constant 0 : i32
      %cond3A_56 = arith.cmpi ne, %convert_element_type3A_54, %cond3A_55 : i32
      scf.if %cond3A_56 {
        %add3A_67 = arith.constant 1 : i32
        %add3A_68 = arith.addi %add3A_46, %add3A_67 : i32
        %mul3A_69 = arith.constant 128 : i32
        %mul3A_70 = arith.muli %add3A_68, %mul3A_69 : i32
        %add3A_71 = arith.addi %mul3A_2, %mul3A_70 : i32
        %dma_wait3A_72 = tpu.memref_slice %arg3[%add3A_71] : memref<65536xi32, #tpu.memory_space<hbm>> -> memref<128xi32, #tpu.memory_space<hbm>>
        %dma_wait3A_73 = tpu.memref_slice %arg3[%add3A_71] : memref<65536xi32, #tpu.memory_space<hbm>> -> memref<128xi32, #tpu.memory_space<hbm>>
        tpu.wait_dma2 semaphore(%arg9 : memref<!tpu.dma_semaphore, #tpu.memory_space<semaphore_mem>>) src(%dma_wait3A_73 : memref<128xi32, #tpu.memory_space<hbm>>) dst(%arg5 : memref<128xi32, #tpu.memory_space<vmem>>)
        %add3A_74 = arith.constant 1 : i32
        %add3A_75 = arith.addi %add3A_46, %add3A_74 : i32
        %dma_start3A_76 = arith.constant 0 : i32
        %dma_start3A_77 = arith.constant 0 : i32
        %dma_start3A_78 = tpu.memref_slice %arg2[%dma_start3A_76, %dma_start3A_77] : memref<4096x256xf32, #tpu.memory_space<hbm>> -> memref<4096x256xf32, #tpu.memory_space<hbm>>
        tpu.enqueue_indirect_dma source(%dma_start3A_78 : memref<4096x256xf32, #tpu.memory_space<hbm>>) target(%arg7 : memref<128x256xf32, #tpu.memory_space<vmem>>) offsets(%arg5 : memref<128xi32, #tpu.memory_space<vmem>>) semaphore(%arg11 : memref<!tpu.dma_semaphore, #tpu.memory_space<semaphore_mem>>)
      } else {
      }
      %add3A_57 = arith.constant 2 : i32
      %add3A_58 = arith.addi %add3A_46, %add3A_57 : i32
      %lt3A_59 = arith.constant 16 : i32
      %lt3A_60 = arith.cmpi slt, %add3A_58, %lt3A_59 : i32
      %convert_element_type3A_61 = arith.extui %lt3A_60 : i1 to i32
      %cond3A_62 = arith.constant 0 : i32
      %cond3A_63 = arith.cmpi ne, %convert_element_type3A_61, %cond3A_62 : i32
      scf.if %cond3A_63 {
        %add3A_67 = arith.constant 2 : i32
        %add3A_68 = arith.addi %add3A_46, %add3A_67 : i32
        %mul3A_69 = arith.constant 128 : i32
        %mul3A_70 = arith.muli %add3A_68, %mul3A_69 : i32
        %add3A_71 = arith.addi %mul3A_2, %mul3A_70 : i32
        %dma_start3A_72 = tpu.memref_slice %arg3[%add3A_71] : memref<65536xi32, #tpu.memory_space<hbm>> -> memref<128xi32, #tpu.memory_space<hbm>>
        %dma_start3A_73 = tpu.memref_slice %arg3[%add3A_71] : memref<65536xi32, #tpu.memory_space<hbm>> -> memref<128xi32, #tpu.memory_space<hbm>>
        tpu.enqueue_dma source(%dma_start3A_73 : memref<128xi32, #tpu.memory_space<hbm>>) target(%arg6 : memref<128xi32, #tpu.memory_space<vmem>>) target_semaphore(%arg10 : memref<!tpu.dma_semaphore, #tpu.memory_space<semaphore_mem>>)
      } else {
      }
      %mul3A_64 = arith.constant 128 : i32
      %mul3A_65 = arith.muli %add3A_46, %mul3A_64 : i32
      %add3A_66 = arith.addi %mul3A_2, %mul3A_65 : i32
      "tpu.region"() ({
        %run_scoped3A = tpu.sem_alloc : memref<!tpu.dma_semaphore, #tpu.memory_space<semaphore_mem>>
        %dma_start3A_67 = arith.constant 0 : i32
        %dma_start3A_68 = tpu.memref_slice %arg4[%add3A_66, %dma_start3A_67] : memref<65536x256xf32, #tpu.memory_space<hbm>> -> memref<128x256xf32, #tpu.memory_space<hbm>>
        %dma_start3A_69 = arith.constant 0 : i32
        %dma_start3A_70 = tpu.memref_slice %arg4[%add3A_66, %dma_start3A_69] : memref<65536x256xf32, #tpu.memory_space<hbm>> -> memref<128x256xf32, #tpu.memory_space<hbm>>
        tpu.enqueue_dma source(%arg8 : memref<128x256xf32, #tpu.memory_space<vmem>>) target(%dma_start3A_70 : memref<128x256xf32, #tpu.memory_space<hbm>>) target_semaphore(%run_scoped3A : memref<!tpu.dma_semaphore, #tpu.memory_space<semaphore_mem>>)
        %dma_wait3A_71 = arith.constant 0 : i32
        %dma_wait3A_72 = tpu.memref_slice %arg4[%add3A_66, %dma_wait3A_71] : memref<65536x256xf32, #tpu.memory_space<hbm>> -> memref<128x256xf32, #tpu.memory_space<hbm>>
        %dma_wait3A_73 = arith.constant 0 : i32
        %dma_wait3A_74 = tpu.memref_slice %arg4[%add3A_66, %dma_wait3A_73] : memref<65536x256xf32, #tpu.memory_space<hbm>> -> memref<128x256xf32, #tpu.memory_space<hbm>>
        tpu.wait_dma2 semaphore(%run_scoped3A : memref<!tpu.dma_semaphore, #tpu.memory_space<semaphore_mem>>) src(%arg8 : memref<128x256xf32, #tpu.memory_space<vmem>>) dst(%dma_wait3A_74 : memref<128x256xf32, #tpu.memory_space<hbm>>)
        tpu.yield
      }) : () -> ()
    }
    %scan3A_20 = arith.constant 8 : i32
    return
  }
}

#map = affine_map<(d0, d1) -> (0, 0)>
#map1 = affine_map<(d0, d1) -> (0)>
module attributes {stable_mosaic.version = 14 : i64} {
  func.func @body(%arg0: i32, %arg1: i32, %arg2: memref<4096x128xf32, #tpu.memory_space<hbm>>, %arg3: memref<65536xi32, #tpu.memory_space<hbm>>, %arg4: memref<65536x128xf32, #tpu.memory_space<hbm>>, %arg5: memref<128xi32, #tpu.memory_space<vmem>>, %arg6: memref<128xi32, #tpu.memory_space<vmem>>, %arg7: memref<128x128xf32, #tpu.memory_space<vmem>>, %arg8: memref<128x128xf32, #tpu.memory_space<vmem>>, %arg9: memref<!tpu.dma_semaphore, #tpu.memory_space<semaphore_mem>>, %arg10: memref<!tpu.dma_semaphore, #tpu.memory_space<semaphore_mem>>, %arg11: memref<!tpu.dma_semaphore, #tpu.memory_space<semaphore_mem>>, %arg12: memref<!tpu.dma_semaphore, #tpu.memory_space<semaphore_mem>>) attributes {dimension_semantics = [#tpu.dimension_semantics<core_parallel>, #tpu.dimension_semantics<subcore_parallel>], iteration_bounds = array<i64: 2, 16>, scalar_prefetch = 0 : i64, scratch_operands = 8 : i64, tpu.core_type = #tpu.core_type<sc_vector_subcore>, window_params = [{transform_indices = #map}, {transform_indices = #map1}, {transform_indices = #map}]} {
    %mul3A = arith.constant 2 : i32
    %mul3A_0 = arith.muli %arg1, %mul3A : i32
    %add3A = arith.addi %mul3A_0, %arg0 : i32
    %mul3A_1 = arith.constant 2048 : i32
    %mul3A_2 = arith.muli %add3A, %mul3A_1 : i32
    %add3A_3 = arith.constant 0 : i32
    %add3A_4 = arith.addi %mul3A_2, %add3A_3 : i32
    %dma_start3A = tpu.memref_slice %arg3[%add3A_4] : memref<65536xi32, #tpu.memory_space<hbm>> -> memref<128xi32, #tpu.memory_space<hbm>>
    %dma_start3A_5 = tpu.memref_slice %arg3[%add3A_4] : memref<65536xi32, #tpu.memory_space<hbm>> -> memref<128xi32, #tpu.memory_space<hbm>>
    tpu.enqueue_dma source(%dma_start3A_5 : memref<128xi32, #tpu.memory_space<hbm>>) target(%arg5 : memref<128xi32, #tpu.memory_space<vmem>>) target_semaphore(%arg9 : memref<!tpu.dma_semaphore, #tpu.memory_space<semaphore_mem>>)
    %add3A_6 = arith.constant 0 : i32
    %add3A_7 = arith.addi %mul3A_2, %add3A_6 : i32
    %dma_wait3A = tpu.memref_slice %arg3[%add3A_7] : memref<65536xi32, #tpu.memory_space<hbm>> -> memref<128xi32, #tpu.memory_space<hbm>>
    %dma_wait3A_8 = tpu.memref_slice %arg3[%add3A_7] : memref<65536xi32, #tpu.memory_space<hbm>> -> memref<128xi32, #tpu.memory_space<hbm>>
    tpu.wait_dma2 semaphore(%arg9 : memref<!tpu.dma_semaphore, #tpu.memory_space<semaphore_mem>>) src(%dma_wait3A_8 : memref<128xi32, #tpu.memory_space<hbm>>) dst(%arg5 : memref<128xi32, #tpu.memory_space<vmem>>)
    %dma_start3A_9 = arith.constant 0 : i32
    %dma_start3A_10 = arith.constant 0 : i32
    %dma_start3A_11 = tpu.memref_slice %arg2[%dma_start3A_9, %dma_start3A_10] : memref<4096x128xf32, #tpu.memory_space<hbm>> -> memref<4096x128xf32, #tpu.memory_space<hbm>>
    tpu.enqueue_indirect_dma source(%dma_start3A_11 : memref<4096x128xf32, #tpu.memory_space<hbm>>) target(%arg7 : memref<128x128xf32, #tpu.memory_space<vmem>>) offsets(%arg5 : memref<128xi32, #tpu.memory_space<vmem>>) semaphore(%arg11 : memref<!tpu.dma_semaphore, #tpu.memory_space<semaphore_mem>>)
    %add3A_12 = arith.constant 128 : i32
    %add3A_13 = arith.addi %mul3A_2, %add3A_12 : i32
    %dma_start3A_14 = tpu.memref_slice %arg3[%add3A_13] : memref<65536xi32, #tpu.memory_space<hbm>> -> memref<128xi32, #tpu.memory_space<hbm>>
    %dma_start3A_15 = tpu.memref_slice %arg3[%add3A_13] : memref<65536xi32, #tpu.memory_space<hbm>> -> memref<128xi32, #tpu.memory_space<hbm>>
    tpu.enqueue_dma source(%dma_start3A_15 : memref<128xi32, #tpu.memory_space<hbm>>) target(%arg6 : memref<128xi32, #tpu.memory_space<vmem>>) target_semaphore(%arg10 : memref<!tpu.dma_semaphore, #tpu.memory_space<semaphore_mem>>)
    %scan3A = arith.constant 0 : i32
    %scan3A_16 = arith.constant 0 : i32
    %scan3A_17 = arith.constant 8 : i32
    %scan3A_18 = arith.addi %scan3A_16, %scan3A_17 : i32
    %scan3A_19 = arith.constant 1 : i32
    scf.for %scan3A_21 = %scan3A_16 to %scan3A_18 step %scan3A_19  : i32 {
      %mul3A_22 = arith.constant 2 : i32
      %mul3A_23 = arith.muli %mul3A_22, %scan3A_21 : i32
      %add3A_24 = arith.constant 0 : i32
      %add3A_25 = arith.addi %mul3A_23, %add3A_24 : i32
      %dma_wait3A_26 = arith.constant 0 : i32
      %dma_wait3A_27 = arith.constant 0 : i32
      %dma_wait3A_28 = tpu.memref_slice %arg2[%dma_wait3A_26, %dma_wait3A_27] : memref<4096x128xf32, #tpu.memory_space<hbm>> -> memref<4096x128xf32, #tpu.memory_space<hbm>>
      tpu.wait_indirect_dma semaphore(%arg11 : memref<!tpu.dma_semaphore, #tpu.memory_space<semaphore_mem>>) src(%dma_wait3A_28 : memref<4096x128xf32, #tpu.memory_space<hbm>>) dst(%arg7 : memref<128x128xf32, #tpu.memory_space<vmem>>)
      %add3A_29 = arith.constant 1 : i32
      %add3A_30 = arith.addi %add3A_25, %add3A_29 : i32
      %lt3A = arith.constant 16 : i32
      %lt3A_31 = arith.cmpi slt, %add3A_30, %lt3A : i32
      %convert_element_type3A = arith.extui %lt3A_31 : i1 to i32
      %cond3A = arith.constant 0 : i32
      %cond3A_32 = arith.cmpi ne, %convert_element_type3A, %cond3A : i32
      scf.if %cond3A_32 {
        %add3A_67 = arith.constant 1 : i32
        %add3A_68 = arith.addi %add3A_25, %add3A_67 : i32
        %mul3A_69 = arith.constant 128 : i32
        %mul3A_70 = arith.muli %add3A_68, %mul3A_69 : i32
        %add3A_71 = arith.addi %mul3A_2, %mul3A_70 : i32
        %dma_wait3A_72 = tpu.memref_slice %arg3[%add3A_71] : memref<65536xi32, #tpu.memory_space<hbm>> -> memref<128xi32, #tpu.memory_space<hbm>>
        %dma_wait3A_73 = tpu.memref_slice %arg3[%add3A_71] : memref<65536xi32, #tpu.memory_space<hbm>> -> memref<128xi32, #tpu.memory_space<hbm>>
        tpu.wait_dma2 semaphore(%arg10 : memref<!tpu.dma_semaphore, #tpu.memory_space<semaphore_mem>>) src(%dma_wait3A_73 : memref<128xi32, #tpu.memory_space<hbm>>) dst(%arg6 : memref<128xi32, #tpu.memory_space<vmem>>)
        %add3A_74 = arith.constant 1 : i32
        %add3A_75 = arith.addi %add3A_25, %add3A_74 : i32
        %dma_start3A_76 = arith.constant 0 : i32
        %dma_start3A_77 = arith.constant 0 : i32
        %dma_start3A_78 = tpu.memref_slice %arg2[%dma_start3A_76, %dma_start3A_77] : memref<4096x128xf32, #tpu.memory_space<hbm>> -> memref<4096x128xf32, #tpu.memory_space<hbm>>
        tpu.enqueue_indirect_dma source(%dma_start3A_78 : memref<4096x128xf32, #tpu.memory_space<hbm>>) target(%arg8 : memref<128x128xf32, #tpu.memory_space<vmem>>) offsets(%arg6 : memref<128xi32, #tpu.memory_space<vmem>>) semaphore(%arg12 : memref<!tpu.dma_semaphore, #tpu.memory_space<semaphore_mem>>)
      } else {
      }
      %add3A_33 = arith.constant 2 : i32
      %add3A_34 = arith.addi %add3A_25, %add3A_33 : i32
      %lt3A_35 = arith.constant 16 : i32
      %lt3A_36 = arith.cmpi slt, %add3A_34, %lt3A_35 : i32
      %convert_element_type3A_37 = arith.extui %lt3A_36 : i1 to i32
      %cond3A_38 = arith.constant 0 : i32
      %cond3A_39 = arith.cmpi ne, %convert_element_type3A_37, %cond3A_38 : i32
      scf.if %cond3A_39 {
        %add3A_67 = arith.constant 2 : i32
        %add3A_68 = arith.addi %add3A_25, %add3A_67 : i32
        %mul3A_69 = arith.constant 128 : i32
        %mul3A_70 = arith.muli %add3A_68, %mul3A_69 : i32
        %add3A_71 = arith.addi %mul3A_2, %mul3A_70 : i32
        %dma_start3A_72 = tpu.memref_slice %arg3[%add3A_71] : memref<65536xi32, #tpu.memory_space<hbm>> -> memref<128xi32, #tpu.memory_space<hbm>>
        %dma_start3A_73 = tpu.memref_slice %arg3[%add3A_71] : memref<65536xi32, #tpu.memory_space<hbm>> -> memref<128xi32, #tpu.memory_space<hbm>>
        tpu.enqueue_dma source(%dma_start3A_73 : memref<128xi32, #tpu.memory_space<hbm>>) target(%arg5 : memref<128xi32, #tpu.memory_space<vmem>>) target_semaphore(%arg9 : memref<!tpu.dma_semaphore, #tpu.memory_space<semaphore_mem>>)
      } else {
      }
      %mul3A_40 = arith.constant 128 : i32
      %mul3A_41 = arith.muli %add3A_25, %mul3A_40 : i32
      %add3A_42 = arith.addi %mul3A_2, %mul3A_41 : i32
      "tpu.region"() ({
        %run_scoped3A = tpu.sem_alloc : memref<!tpu.dma_semaphore, #tpu.memory_space<semaphore_mem>>
        %dma_start3A_67 = arith.constant 0 : i32
        %dma_start3A_68 = tpu.memref_slice %arg4[%add3A_42, %dma_start3A_67] : memref<65536x128xf32, #tpu.memory_space<hbm>> -> memref<128x128xf32, #tpu.memory_space<hbm>>
        %dma_start3A_69 = arith.constant 0 : i32
        %dma_start3A_70 = tpu.memref_slice %arg4[%add3A_42, %dma_start3A_69] : memref<65536x128xf32, #tpu.memory_space<hbm>> -> memref<128x128xf32, #tpu.memory_space<hbm>>
        tpu.enqueue_dma source(%arg7 : memref<128x128xf32, #tpu.memory_space<vmem>>) target(%dma_start3A_70 : memref<128x128xf32, #tpu.memory_space<hbm>>) target_semaphore(%run_scoped3A : memref<!tpu.dma_semaphore, #tpu.memory_space<semaphore_mem>>)
        %dma_wait3A_71 = arith.constant 0 : i32
        %dma_wait3A_72 = tpu.memref_slice %arg4[%add3A_42, %dma_wait3A_71] : memref<65536x128xf32, #tpu.memory_space<hbm>> -> memref<128x128xf32, #tpu.memory_space<hbm>>
        %dma_wait3A_73 = arith.constant 0 : i32
        %dma_wait3A_74 = tpu.memref_slice %arg4[%add3A_42, %dma_wait3A_73] : memref<65536x128xf32, #tpu.memory_space<hbm>> -> memref<128x128xf32, #tpu.memory_space<hbm>>
        tpu.wait_dma2 semaphore(%run_scoped3A : memref<!tpu.dma_semaphore, #tpu.memory_space<semaphore_mem>>) src(%arg7 : memref<128x128xf32, #tpu.memory_space<vmem>>) dst(%dma_wait3A_74 : memref<128x128xf32, #tpu.memory_space<hbm>>)
        tpu.yield
      }) : () -> ()
      %mul3A_43 = arith.constant 2 : i32
      %mul3A_44 = arith.muli %mul3A_43, %scan3A_21 : i32
      %add3A_45 = arith.constant 1 : i32
      %add3A_46 = arith.addi %mul3A_44, %add3A_45 : i32
      %dma_wait3A_47 = arith.constant 0 : i32
      %dma_wait3A_48 = arith.constant 0 : i32
      %dma_wait3A_49 = tpu.memref_slice %arg2[%dma_wait3A_47, %dma_wait3A_48] : memref<4096x128xf32, #tpu.memory_space<hbm>> -> memref<4096x128xf32, #tpu.memory_space<hbm>>
      tpu.wait_indirect_dma semaphore(%arg12 : memref<!tpu.dma_semaphore, #tpu.memory_space<semaphore_mem>>) src(%dma_wait3A_49 : memref<4096x128xf32, #tpu.memory_space<hbm>>) dst(%arg8 : memref<128x128xf32, #tpu.memory_space<vmem>>)
      %add3A_50 = arith.constant 1 : i32
      %add3A_51 = arith.addi %add3A_46, %add3A_50 : i32
      %lt3A_52 = arith.constant 16 : i32
      %lt3A_53 = arith.cmpi slt, %add3A_51, %lt3A_52 : i32
      %convert_element_type3A_54 = arith.extui %lt3A_53 : i1 to i32
      %cond3A_55 = arith.constant 0 : i32
      %cond3A_56 = arith.cmpi ne, %convert_element_type3A_54, %cond3A_55 : i32
      scf.if %cond3A_56 {
        %add3A_67 = arith.constant 1 : i32
        %add3A_68 = arith.addi %add3A_46, %add3A_67 : i32
        %mul3A_69 = arith.constant 128 : i32
        %mul3A_70 = arith.muli %add3A_68, %mul3A_69 : i32
        %add3A_71 = arith.addi %mul3A_2, %mul3A_70 : i32
        %dma_wait3A_72 = tpu.memref_slice %arg3[%add3A_71] : memref<65536xi32, #tpu.memory_space<hbm>> -> memref<128xi32, #tpu.memory_space<hbm>>
        %dma_wait3A_73 = tpu.memref_slice %arg3[%add3A_71] : memref<65536xi32, #tpu.memory_space<hbm>> -> memref<128xi32, #tpu.memory_space<hbm>>
        tpu.wait_dma2 semaphore(%arg9 : memref<!tpu.dma_semaphore, #tpu.memory_space<semaphore_mem>>) src(%dma_wait3A_73 : memref<128xi32, #tpu.memory_space<hbm>>) dst(%arg5 : memref<128xi32, #tpu.memory_space<vmem>>)
        %add3A_74 = arith.constant 1 : i32
        %add3A_75 = arith.addi %add3A_46, %add3A_74 : i32
        %dma_start3A_76 = arith.constant 0 : i32
        %dma_start3A_77 = arith.constant 0 : i32
        %dma_start3A_78 = tpu.memref_slice %arg2[%dma_start3A_76, %dma_start3A_77] : memref<4096x128xf32, #tpu.memory_space<hbm>> -> memref<4096x128xf32, #tpu.memory_space<hbm>>
        tpu.enqueue_indirect_dma source(%dma_start3A_78 : memref<4096x128xf32, #tpu.memory_space<hbm>>) target(%arg7 : memref<128x128xf32, #tpu.memory_space<vmem>>) offsets(%arg5 : memref<128xi32, #tpu.memory_space<vmem>>) semaphore(%arg11 : memref<!tpu.dma_semaphore, #tpu.memory_space<semaphore_mem>>)
      } else {
      }
      %add3A_57 = arith.constant 2 : i32
      %add3A_58 = arith.addi %add3A_46, %add3A_57 : i32
      %lt3A_59 = arith.constant 16 : i32
      %lt3A_60 = arith.cmpi slt, %add3A_58, %lt3A_59 : i32
      %convert_element_type3A_61 = arith.extui %lt3A_60 : i1 to i32
      %cond3A_62 = arith.constant 0 : i32
      %cond3A_63 = arith.cmpi ne, %convert_element_type3A_61, %cond3A_62 : i32
      scf.if %cond3A_63 {
        %add3A_67 = arith.constant 2 : i32
        %add3A_68 = arith.addi %add3A_46, %add3A_67 : i32
        %mul3A_69 = arith.constant 128 : i32
        %mul3A_70 = arith.muli %add3A_68, %mul3A_69 : i32
        %add3A_71 = arith.addi %mul3A_2, %mul3A_70 : i32
        %dma_start3A_72 = tpu.memref_slice %arg3[%add3A_71] : memref<65536xi32, #tpu.memory_space<hbm>> -> memref<128xi32, #tpu.memory_space<hbm>>
        %dma_start3A_73 = tpu.memref_slice %arg3[%add3A_71] : memref<65536xi32, #tpu.memory_space<hbm>> -> memref<128xi32, #tpu.memory_space<hbm>>
        tpu.enqueue_dma source(%dma_start3A_73 : memref<128xi32, #tpu.memory_space<hbm>>) target(%arg6 : memref<128xi32, #tpu.memory_space<vmem>>) target_semaphore(%arg10 : memref<!tpu.dma_semaphore, #tpu.memory_space<semaphore_mem>>)
      } else {
      }
      %mul3A_64 = arith.constant 128 : i32
      %mul3A_65 = arith.muli %add3A_46, %mul3A_64 : i32
      %add3A_66 = arith.addi %mul3A_2, %mul3A_65 : i32
      "tpu.region"() ({
        %run_scoped3A = tpu.sem_alloc : memref<!tpu.dma_semaphore, #tpu.memory_space<semaphore_mem>>
        %dma_start3A_67 = arith.constant 0 : i32
        %dma_start3A_68 = tpu.memref_slice %arg4[%add3A_66, %dma_start3A_67] : memref<65536x128xf32, #tpu.memory_space<hbm>> -> memref<128x128xf32, #tpu.memory_space<hbm>>
        %dma_start3A_69 = arith.constant 0 : i32
        %dma_start3A_70 = tpu.memref_slice %arg4[%add3A_66, %dma_start3A_69] : memref<65536x128xf32, #tpu.memory_space<hbm>> -> memref<128x128xf32, #tpu.memory_space<hbm>>
        tpu.enqueue_dma source(%arg8 : memref<128x128xf32, #tpu.memory_space<vmem>>) target(%dma_start3A_70 : memref<128x128xf32, #tpu.memory_space<hbm>>) target_semaphore(%run_scoped3A : memref<!tpu.dma_semaphore, #tpu.memory_space<semaphore_mem>>)
        %dma_wait3A_71 = arith.constant 0 : i32
        %dma_wait3A_72 = tpu.memref_slice %arg4[%add3A_66, %dma_wait3A_71] : memref<65536x128xf32, #tpu.memory_space<hbm>> -> memref<128x128xf32, #tpu.memory_space<hbm>>
        %dma_wait3A_73 = arith.constant 0 : i32
        %dma_wait3A_74 = tpu.memref_slice %arg4[%add3A_66, %dma_wait3A_73] : memref<65536x128xf32, #tpu.memory_space<hbm>> -> memref<128x128xf32, #tpu.memory_space<hbm>>
        tpu.wait_dma2 semaphore(%run_scoped3A : memref<!tpu.dma_semaphore, #tpu.memory_space<semaphore_mem>>) src(%arg8 : memref<128x128xf32, #tpu.memory_space<vmem>>) dst(%dma_wait3A_74 : memref<128x128xf32, #tpu.memory_space<hbm>>)
        tpu.yield
      }) : () -> ()
    }
    %scan3A_20 = arith.constant 8 : i32
    return
  }
}

#map = affine_map<(d0, d1) -> (0, 0)>
#map1 = affine_map<(d0, d1) -> (0)>
module attributes {stable_mosaic.version = 14 : i64} {
  func.func @body(%arg0: i32, %arg1: i32, %arg2: memref<4096x128xf32, #tpu.memory_space<hbm>>, %arg3: memref<65536xi32, #tpu.memory_space<hbm>>, %arg4: memref<65536x128xf32, #tpu.memory_space<hbm>>, %arg5: memref<128xi32, #tpu.memory_space<vmem>>, %arg6: memref<128xi32, #tpu.memory_space<vmem>>, %arg7: memref<128x128xf32, #tpu.memory_space<vmem>>, %arg8: memref<128x128xf32, #tpu.memory_space<vmem>>, %arg9: memref<!tpu.dma_semaphore, #tpu.memory_space<semaphore_mem>>, %arg10: memref<!tpu.dma_semaphore, #tpu.memory_space<semaphore_mem>>, %arg11: memref<!tpu.dma_semaphore, #tpu.memory_space<semaphore_mem>>, %arg12: memref<!tpu.dma_semaphore, #tpu.memory_space<semaphore_mem>>) attributes {dimension_semantics = [#tpu.dimension_semantics<core_parallel>, #tpu.dimension_semantics<subcore_parallel>], iteration_bounds = array<i64: 2, 16>, scalar_prefetch = 0 : i64, scratch_operands = 8 : i64, tpu.core_type = #tpu.core_type<sc_vector_subcore>, window_params = [{transform_indices = #map}, {transform_indices = #map1}, {transform_indices = #map}]} {
    %mul3A = arith.constant 2 : i32
    %mul3A_0 = arith.muli %arg1, %mul3A : i32
    %add3A = arith.addi %mul3A_0, %arg0 : i32
    %mul3A_1 = arith.constant 2048 : i32
    %mul3A_2 = arith.muli %add3A, %mul3A_1 : i32
    %add3A_3 = arith.constant 0 : i32
    %add3A_4 = arith.addi %mul3A_2, %add3A_3 : i32
    %dma_start3A = tpu.memref_slice %arg3[%add3A_4] : memref<65536xi32, #tpu.memory_space<hbm>> -> memref<128xi32, #tpu.memory_space<hbm>>
    %dma_start3A_5 = tpu.memref_slice %arg3[%add3A_4] : memref<65536xi32, #tpu.memory_space<hbm>> -> memref<128xi32, #tpu.memory_space<hbm>>
    tpu.enqueue_dma source(%dma_start3A_5 : memref<128xi32, #tpu.memory_space<hbm>>) target(%arg5 : memref<128xi32, #tpu.memory_space<vmem>>) target_semaphore(%arg9 : memref<!tpu.dma_semaphore, #tpu.memory_space<semaphore_mem>>)
    %add3A_6 = arith.constant 0 : i32
    %add3A_7 = arith.addi %mul3A_2, %add3A_6 : i32
    %dma_wait3A = tpu.memref_slice %arg3[%add3A_7] : memref<65536xi32, #tpu.memory_space<hbm>> -> memref<128xi32, #tpu.memory_space<hbm>>
    %dma_wait3A_8 = tpu.memref_slice %arg3[%add3A_7] : memref<65536xi32, #tpu.memory_space<hbm>> -> memref<128xi32, #tpu.memory_space<hbm>>
    tpu.wait_dma2 semaphore(%arg9 : memref<!tpu.dma_semaphore, #tpu.memory_space<semaphore_mem>>) src(%dma_wait3A_8 : memref<128xi32, #tpu.memory_space<hbm>>) dst(%arg5 : memref<128xi32, #tpu.memory_space<vmem>>)
    %dma_start3A_9 = arith.constant 0 : i32
    %dma_start3A_10 = arith.constant 0 : i32
    %dma_start3A_11 = tpu.memref_slice %arg2[%dma_start3A_9, %dma_start3A_10] : memref<4096x128xf32, #tpu.memory_space<hbm>> -> memref<4096x128xf32, #tpu.memory_space<hbm>>
    tpu.enqueue_indirect_dma source(%dma_start3A_11 : memref<4096x128xf32, #tpu.memory_space<hbm>>) target(%arg7 : memref<128x128xf32, #tpu.memory_space<vmem>>) offsets(%arg5 : memref<128xi32, #tpu.memory_space<vmem>>) semaphore(%arg11 : memref<!tpu.dma_semaphore, #tpu.memory_space<semaphore_mem>>)
    %add3A_12 = arith.constant 128 : i32
    %add3A_13 = arith.addi %mul3A_2, %add3A_12 : i32
    %dma_start3A_14 = tpu.memref_slice %arg3[%add3A_13] : memref<65536xi32, #tpu.memory_space<hbm>> -> memref<128xi32, #tpu.memory_space<hbm>>
    %dma_start3A_15 = tpu.memref_slice %arg3[%add3A_13] : memref<65536xi32, #tpu.memory_space<hbm>> -> memref<128xi32, #tpu.memory_space<hbm>>
    tpu.enqueue_dma source(%dma_start3A_15 : memref<128xi32, #tpu.memory_space<hbm>>) target(%arg6 : memref<128xi32, #tpu.memory_space<vmem>>) target_semaphore(%arg10 : memref<!tpu.dma_semaphore, #tpu.memory_space<semaphore_mem>>)
    %scan3A = arith.constant 0 : i32
    %scan3A_16 = arith.constant 0 : i32
    %scan3A_17 = arith.constant 8 : i32
    %scan3A_18 = arith.addi %scan3A_16, %scan3A_17 : i32
    %scan3A_19 = arith.constant 1 : i32
    scf.for %scan3A_21 = %scan3A_16 to %scan3A_18 step %scan3A_19  : i32 {
      %mul3A_22 = arith.constant 2 : i32
      %mul3A_23 = arith.muli %mul3A_22, %scan3A_21 : i32
      %add3A_24 = arith.constant 0 : i32
      %add3A_25 = arith.addi %mul3A_23, %add3A_24 : i32
      %dma_wait3A_26 = arith.constant 0 : i32
      %dma_wait3A_27 = arith.constant 0 : i32
      %dma_wait3A_28 = tpu.memref_slice %arg2[%dma_wait3A_26, %dma_wait3A_27] : memref<4096x128xf32, #tpu.memory_space<hbm>> -> memref<4096x128xf32, #tpu.memory_space<hbm>>
      tpu.wait_indirect_dma semaphore(%arg11 : memref<!tpu.dma_semaphore, #tpu.memory_space<semaphore_mem>>) src(%dma_wait3A_28 : memref<4096x128xf32, #tpu.memory_space<hbm>>) dst(%arg7 : memref<128x128xf32, #tpu.memory_space<vmem>>)
      %add3A_29 = arith.constant 1 : i32
      %add3A_30 = arith.addi %add3A_25, %add3A_29 : i32
      %lt3A = arith.constant 16 : i32
      %lt3A_31 = arith.cmpi slt, %add3A_30, %lt3A : i32
      %convert_element_type3A = arith.extui %lt3A_31 : i1 to i32
      %cond3A = arith.constant 0 : i32
      %cond3A_32 = arith.cmpi ne, %convert_element_type3A, %cond3A : i32
      scf.if %cond3A_32 {
        %add3A_67 = arith.constant 1 : i32
        %add3A_68 = arith.addi %add3A_25, %add3A_67 : i32
        %mul3A_69 = arith.constant 128 : i32
        %mul3A_70 = arith.muli %add3A_68, %mul3A_69 : i32
        %add3A_71 = arith.addi %mul3A_2, %mul3A_70 : i32
        %dma_wait3A_72 = tpu.memref_slice %arg3[%add3A_71] : memref<65536xi32, #tpu.memory_space<hbm>> -> memref<128xi32, #tpu.memory_space<hbm>>
        %dma_wait3A_73 = tpu.memref_slice %arg3[%add3A_71] : memref<65536xi32, #tpu.memory_space<hbm>> -> memref<128xi32, #tpu.memory_space<hbm>>
        tpu.wait_dma2 semaphore(%arg10 : memref<!tpu.dma_semaphore, #tpu.memory_space<semaphore_mem>>) src(%dma_wait3A_73 : memref<128xi32, #tpu.memory_space<hbm>>) dst(%arg6 : memref<128xi32, #tpu.memory_space<vmem>>)
        %add3A_74 = arith.constant 1 : i32
        %add3A_75 = arith.addi %add3A_25, %add3A_74 : i32
        %dma_start3A_76 = arith.constant 0 : i32
        %dma_start3A_77 = arith.constant 0 : i32
        %dma_start3A_78 = tpu.memref_slice %arg2[%dma_start3A_76, %dma_start3A_77] : memref<4096x128xf32, #tpu.memory_space<hbm>> -> memref<4096x128xf32, #tpu.memory_space<hbm>>
        tpu.enqueue_indirect_dma source(%dma_start3A_78 : memref<4096x128xf32, #tpu.memory_space<hbm>>) target(%arg8 : memref<128x128xf32, #tpu.memory_space<vmem>>) offsets(%arg6 : memref<128xi32, #tpu.memory_space<vmem>>) semaphore(%arg12 : memref<!tpu.dma_semaphore, #tpu.memory_space<semaphore_mem>>)
      } else {
      }
      %add3A_33 = arith.constant 2 : i32
      %add3A_34 = arith.addi %add3A_25, %add3A_33 : i32
      %lt3A_35 = arith.constant 16 : i32
      %lt3A_36 = arith.cmpi slt, %add3A_34, %lt3A_35 : i32
      %convert_element_type3A_37 = arith.extui %lt3A_36 : i1 to i32
      %cond3A_38 = arith.constant 0 : i32
      %cond3A_39 = arith.cmpi ne, %convert_element_type3A_37, %cond3A_38 : i32
      scf.if %cond3A_39 {
        %add3A_67 = arith.constant 2 : i32
        %add3A_68 = arith.addi %add3A_25, %add3A_67 : i32
        %mul3A_69 = arith.constant 128 : i32
        %mul3A_70 = arith.muli %add3A_68, %mul3A_69 : i32
        %add3A_71 = arith.addi %mul3A_2, %mul3A_70 : i32
        %dma_start3A_72 = tpu.memref_slice %arg3[%add3A_71] : memref<65536xi32, #tpu.memory_space<hbm>> -> memref<128xi32, #tpu.memory_space<hbm>>
        %dma_start3A_73 = tpu.memref_slice %arg3[%add3A_71] : memref<65536xi32, #tpu.memory_space<hbm>> -> memref<128xi32, #tpu.memory_space<hbm>>
        tpu.enqueue_dma source(%dma_start3A_73 : memref<128xi32, #tpu.memory_space<hbm>>) target(%arg5 : memref<128xi32, #tpu.memory_space<vmem>>) target_semaphore(%arg9 : memref<!tpu.dma_semaphore, #tpu.memory_space<semaphore_mem>>)
      } else {
      }
      %mul3A_40 = arith.constant 128 : i32
      %mul3A_41 = arith.muli %add3A_25, %mul3A_40 : i32
      %add3A_42 = arith.addi %mul3A_2, %mul3A_41 : i32
      "tpu.region"() ({
        %run_scoped3A = tpu.sem_alloc : memref<!tpu.dma_semaphore, #tpu.memory_space<semaphore_mem>>
        %dma_start3A_67 = arith.constant 0 : i32
        %dma_start3A_68 = tpu.memref_slice %arg4[%add3A_42, %dma_start3A_67] : memref<65536x128xf32, #tpu.memory_space<hbm>> -> memref<128x128xf32, #tpu.memory_space<hbm>>
        %dma_start3A_69 = arith.constant 0 : i32
        %dma_start3A_70 = tpu.memref_slice %arg4[%add3A_42, %dma_start3A_69] : memref<65536x128xf32, #tpu.memory_space<hbm>> -> memref<128x128xf32, #tpu.memory_space<hbm>>
        tpu.enqueue_dma source(%arg7 : memref<128x128xf32, #tpu.memory_space<vmem>>) target(%dma_start3A_70 : memref<128x128xf32, #tpu.memory_space<hbm>>) target_semaphore(%run_scoped3A : memref<!tpu.dma_semaphore, #tpu.memory_space<semaphore_mem>>)
        %dma_wait3A_71 = arith.constant 0 : i32
        %dma_wait3A_72 = tpu.memref_slice %arg4[%add3A_42, %dma_wait3A_71] : memref<65536x128xf32, #tpu.memory_space<hbm>> -> memref<128x128xf32, #tpu.memory_space<hbm>>
        %dma_wait3A_73 = arith.constant 0 : i32
        %dma_wait3A_74 = tpu.memref_slice %arg4[%add3A_42, %dma_wait3A_73] : memref<65536x128xf32, #tpu.memory_space<hbm>> -> memref<128x128xf32, #tpu.memory_space<hbm>>
        tpu.wait_dma2 semaphore(%run_scoped3A : memref<!tpu.dma_semaphore, #tpu.memory_space<semaphore_mem>>) src(%arg7 : memref<128x128xf32, #tpu.memory_space<vmem>>) dst(%dma_wait3A_74 : memref<128x128xf32, #tpu.memory_space<hbm>>)
        tpu.yield
      }) : () -> ()
      %mul3A_43 = arith.constant 2 : i32
      %mul3A_44 = arith.muli %mul3A_43, %scan3A_21 : i32
      %add3A_45 = arith.constant 1 : i32
      %add3A_46 = arith.addi %mul3A_44, %add3A_45 : i32
      %dma_wait3A_47 = arith.constant 0 : i32
      %dma_wait3A_48 = arith.constant 0 : i32
      %dma_wait3A_49 = tpu.memref_slice %arg2[%dma_wait3A_47, %dma_wait3A_48] : memref<4096x128xf32, #tpu.memory_space<hbm>> -> memref<4096x128xf32, #tpu.memory_space<hbm>>
      tpu.wait_indirect_dma semaphore(%arg12 : memref<!tpu.dma_semaphore, #tpu.memory_space<semaphore_mem>>) src(%dma_wait3A_49 : memref<4096x128xf32, #tpu.memory_space<hbm>>) dst(%arg8 : memref<128x128xf32, #tpu.memory_space<vmem>>)
      %add3A_50 = arith.constant 1 : i32
      %add3A_51 = arith.addi %add3A_46, %add3A_50 : i32
      %lt3A_52 = arith.constant 16 : i32
      %lt3A_53 = arith.cmpi slt, %add3A_51, %lt3A_52 : i32
      %convert_element_type3A_54 = arith.extui %lt3A_53 : i1 to i32
      %cond3A_55 = arith.constant 0 : i32
      %cond3A_56 = arith.cmpi ne, %convert_element_type3A_54, %cond3A_55 : i32
      scf.if %cond3A_56 {
        %add3A_67 = arith.constant 1 : i32
        %add3A_68 = arith.addi %add3A_46, %add3A_67 : i32
        %mul3A_69 = arith.constant 128 : i32
        %mul3A_70 = arith.muli %add3A_68, %mul3A_69 : i32
        %add3A_71 = arith.addi %mul3A_2, %mul3A_70 : i32
        %dma_wait3A_72 = tpu.memref_slice %arg3[%add3A_71] : memref<65536xi32, #tpu.memory_space<hbm>> -> memref<128xi32, #tpu.memory_space<hbm>>
        %dma_wait3A_73 = tpu.memref_slice %arg3[%add3A_71] : memref<65536xi32, #tpu.memory_space<hbm>> -> memref<128xi32, #tpu.memory_space<hbm>>
        tpu.wait_dma2 semaphore(%arg9 : memref<!tpu.dma_semaphore, #tpu.memory_space<semaphore_mem>>) src(%dma_wait3A_73 : memref<128xi32, #tpu.memory_space<hbm>>) dst(%arg5 : memref<128xi32, #tpu.memory_space<vmem>>)
        %add3A_74 = arith.constant 1 : i32
        %add3A_75 = arith.addi %add3A_46, %add3A_74 : i32
        %dma_start3A_76 = arith.constant 0 : i32
        %dma_start3A_77 = arith.constant 0 : i32
        %dma_start3A_78 = tpu.memref_slice %arg2[%dma_start3A_76, %dma_start3A_77] : memref<4096x128xf32, #tpu.memory_space<hbm>> -> memref<4096x128xf32, #tpu.memory_space<hbm>>
        tpu.enqueue_indirect_dma source(%dma_start3A_78 : memref<4096x128xf32, #tpu.memory_space<hbm>>) target(%arg7 : memref<128x128xf32, #tpu.memory_space<vmem>>) offsets(%arg5 : memref<128xi32, #tpu.memory_space<vmem>>) semaphore(%arg11 : memref<!tpu.dma_semaphore, #tpu.memory_space<semaphore_mem>>)
      } else {
      }
      %add3A_57 = arith.constant 2 : i32
      %add3A_58 = arith.addi %add3A_46, %add3A_57 : i32
      %lt3A_59 = arith.constant 16 : i32
      %lt3A_60 = arith.cmpi slt, %add3A_58, %lt3A_59 : i32
      %convert_element_type3A_61 = arith.extui %lt3A_60 : i1 to i32
      %cond3A_62 = arith.constant 0 : i32
      %cond3A_63 = arith.cmpi ne, %convert_element_type3A_61, %cond3A_62 : i32
      scf.if %cond3A_63 {
        %add3A_67 = arith.constant 2 : i32
        %add3A_68 = arith.addi %add3A_46, %add3A_67 : i32
        %mul3A_69 = arith.constant 128 : i32
        %mul3A_70 = arith.muli %add3A_68, %mul3A_69 : i32
        %add3A_71 = arith.addi %mul3A_2, %mul3A_70 : i32
        %dma_start3A_72 = tpu.memref_slice %arg3[%add3A_71] : memref<65536xi32, #tpu.memory_space<hbm>> -> memref<128xi32, #tpu.memory_space<hbm>>
        %dma_start3A_73 = tpu.memref_slice %arg3[%add3A_71] : memref<65536xi32, #tpu.memory_space<hbm>> -> memref<128xi32, #tpu.memory_space<hbm>>
        tpu.enqueue_dma source(%dma_start3A_73 : memref<128xi32, #tpu.memory_space<hbm>>) target(%arg6 : memref<128xi32, #tpu.memory_space<vmem>>) target_semaphore(%arg10 : memref<!tpu.dma_semaphore, #tpu.memory_space<semaphore_mem>>)
      } else {
      }
      %mul3A_64 = arith.constant 128 : i32
      %mul3A_65 = arith.muli %add3A_46, %mul3A_64 : i32
      %add3A_66 = arith.addi %mul3A_2, %mul3A_65 : i32
      "tpu.region"() ({
        %run_scoped3A = tpu.sem_alloc : memref<!tpu.dma_semaphore, #tpu.memory_space<semaphore_mem>>
        %dma_start3A_67 = arith.constant 0 : i32
        %dma_start3A_68 = tpu.memref_slice %arg4[%add3A_66, %dma_start3A_67] : memref<65536x128xf32, #tpu.memory_space<hbm>> -> memref<128x128xf32, #tpu.memory_space<hbm>>
        %dma_start3A_69 = arith.constant 0 : i32
        %dma_start3A_70 = tpu.memref_slice %arg4[%add3A_66, %dma_start3A_69] : memref<65536x128xf32, #tpu.memory_space<hbm>> -> memref<128x128xf32, #tpu.memory_space<hbm>>
        tpu.enqueue_dma source(%arg8 : memref<128x128xf32, #tpu.memory_space<vmem>>) target(%dma_start3A_70 : memref<128x128xf32, #tpu.memory_space<hbm>>) target_semaphore(%run_scoped3A : memref<!tpu.dma_semaphore, #tpu.memory_space<semaphore_mem>>)
        %dma_wait3A_71 = arith.constant 0 : i32
        %dma_wait3A_72 = tpu.memref_slice %arg4[%add3A_66, %dma_wait3A_71] : memref<65536x128xf32, #tpu.memory_space<hbm>> -> memref<128x128xf32, #tpu.memory_space<hbm>>
        %dma_wait3A_73 = arith.constant 0 : i32
        %dma_wait3A_74 = tpu.memref_slice %arg4[%add3A_66, %dma_wait3A_73] : memref<65536x128xf32, #tpu.memory_space<hbm>> -> memref<128x128xf32, #tpu.memory_space<hbm>>
        tpu.wait_dma2 semaphore(%run_scoped3A : memref<!tpu.dma_semaphore, #tpu.memory_space<semaphore_mem>>) src(%arg8 : memref<128x128xf32, #tpu.memory_space<vmem>>) dst(%dma_wait3A_74 : memref<128x128xf32, #tpu.memory_space<hbm>>)
        tpu.yield
      }) : () -> ()
    }
    %scan3A_20 = arith.constant 8 : i32
    return
  }
}

#map = affine_map<(d0, d1) -> (0, 0)>
#map1 = affine_map<(d0, d1) -> (0)>
module attributes {stable_mosaic.version = 14 : i64} {
  func.func @body(%arg0: i32, %arg1: i32, %arg2: memref<4096x384xf32, #tpu.memory_space<hbm>>, %arg3: memref<65536xi32, #tpu.memory_space<hbm>>, %arg4: memref<65536x384xf32, #tpu.memory_space<hbm>>, %arg5: memref<128xi32, #tpu.memory_space<vmem>>, %arg6: memref<128xi32, #tpu.memory_space<vmem>>, %arg7: memref<128x384xf32, #tpu.memory_space<vmem>>, %arg8: memref<128x384xf32, #tpu.memory_space<vmem>>, %arg9: memref<!tpu.dma_semaphore, #tpu.memory_space<semaphore_mem>>, %arg10: memref<!tpu.dma_semaphore, #tpu.memory_space<semaphore_mem>>, %arg11: memref<!tpu.dma_semaphore, #tpu.memory_space<semaphore_mem>>, %arg12: memref<!tpu.dma_semaphore, #tpu.memory_space<semaphore_mem>>) attributes {dimension_semantics = [#tpu.dimension_semantics<core_parallel>, #tpu.dimension_semantics<subcore_parallel>], iteration_bounds = array<i64: 2, 16>, scalar_prefetch = 0 : i64, scratch_operands = 8 : i64, tpu.core_type = #tpu.core_type<sc_vector_subcore>, window_params = [{transform_indices = #map}, {transform_indices = #map1}, {transform_indices = #map}]} {
    %mul3A = arith.constant 2 : i32
    %mul3A_0 = arith.muli %arg1, %mul3A : i32
    %add3A = arith.addi %mul3A_0, %arg0 : i32
    %mul3A_1 = arith.constant 2048 : i32
    %mul3A_2 = arith.muli %add3A, %mul3A_1 : i32
    %add3A_3 = arith.constant 0 : i32
    %add3A_4 = arith.addi %mul3A_2, %add3A_3 : i32
    %dma_start3A = tpu.memref_slice %arg3[%add3A_4] : memref<65536xi32, #tpu.memory_space<hbm>> -> memref<128xi32, #tpu.memory_space<hbm>>
    %dma_start3A_5 = tpu.memref_slice %arg3[%add3A_4] : memref<65536xi32, #tpu.memory_space<hbm>> -> memref<128xi32, #tpu.memory_space<hbm>>
    tpu.enqueue_dma source(%dma_start3A_5 : memref<128xi32, #tpu.memory_space<hbm>>) target(%arg5 : memref<128xi32, #tpu.memory_space<vmem>>) target_semaphore(%arg9 : memref<!tpu.dma_semaphore, #tpu.memory_space<semaphore_mem>>)
    %add3A_6 = arith.constant 0 : i32
    %add3A_7 = arith.addi %mul3A_2, %add3A_6 : i32
    %dma_wait3A = tpu.memref_slice %arg3[%add3A_7] : memref<65536xi32, #tpu.memory_space<hbm>> -> memref<128xi32, #tpu.memory_space<hbm>>
    %dma_wait3A_8 = tpu.memref_slice %arg3[%add3A_7] : memref<65536xi32, #tpu.memory_space<hbm>> -> memref<128xi32, #tpu.memory_space<hbm>>
    tpu.wait_dma2 semaphore(%arg9 : memref<!tpu.dma_semaphore, #tpu.memory_space<semaphore_mem>>) src(%dma_wait3A_8 : memref<128xi32, #tpu.memory_space<hbm>>) dst(%arg5 : memref<128xi32, #tpu.memory_space<vmem>>)
    %dma_start3A_9 = arith.constant 0 : i32
    %dma_start3A_10 = arith.constant 0 : i32
    %dma_start3A_11 = tpu.memref_slice %arg2[%dma_start3A_9, %dma_start3A_10] : memref<4096x384xf32, #tpu.memory_space<hbm>> -> memref<4096x384xf32, #tpu.memory_space<hbm>>
    tpu.enqueue_indirect_dma source(%dma_start3A_11 : memref<4096x384xf32, #tpu.memory_space<hbm>>) target(%arg7 : memref<128x384xf32, #tpu.memory_space<vmem>>) offsets(%arg5 : memref<128xi32, #tpu.memory_space<vmem>>) semaphore(%arg11 : memref<!tpu.dma_semaphore, #tpu.memory_space<semaphore_mem>>)
    %add3A_12 = arith.constant 128 : i32
    %add3A_13 = arith.addi %mul3A_2, %add3A_12 : i32
    %dma_start3A_14 = tpu.memref_slice %arg3[%add3A_13] : memref<65536xi32, #tpu.memory_space<hbm>> -> memref<128xi32, #tpu.memory_space<hbm>>
    %dma_start3A_15 = tpu.memref_slice %arg3[%add3A_13] : memref<65536xi32, #tpu.memory_space<hbm>> -> memref<128xi32, #tpu.memory_space<hbm>>
    tpu.enqueue_dma source(%dma_start3A_15 : memref<128xi32, #tpu.memory_space<hbm>>) target(%arg6 : memref<128xi32, #tpu.memory_space<vmem>>) target_semaphore(%arg10 : memref<!tpu.dma_semaphore, #tpu.memory_space<semaphore_mem>>)
    %scan3A = arith.constant 0 : i32
    %scan3A_16 = arith.constant 0 : i32
    %scan3A_17 = arith.constant 8 : i32
    %scan3A_18 = arith.addi %scan3A_16, %scan3A_17 : i32
    %scan3A_19 = arith.constant 1 : i32
    scf.for %scan3A_21 = %scan3A_16 to %scan3A_18 step %scan3A_19  : i32 {
      %mul3A_22 = arith.constant 2 : i32
      %mul3A_23 = arith.muli %mul3A_22, %scan3A_21 : i32
      %add3A_24 = arith.constant 0 : i32
      %add3A_25 = arith.addi %mul3A_23, %add3A_24 : i32
      %dma_wait3A_26 = arith.constant 0 : i32
      %dma_wait3A_27 = arith.constant 0 : i32
      %dma_wait3A_28 = tpu.memref_slice %arg2[%dma_wait3A_26, %dma_wait3A_27] : memref<4096x384xf32, #tpu.memory_space<hbm>> -> memref<4096x384xf32, #tpu.memory_space<hbm>>
      tpu.wait_indirect_dma semaphore(%arg11 : memref<!tpu.dma_semaphore, #tpu.memory_space<semaphore_mem>>) src(%dma_wait3A_28 : memref<4096x384xf32, #tpu.memory_space<hbm>>) dst(%arg7 : memref<128x384xf32, #tpu.memory_space<vmem>>)
      %add3A_29 = arith.constant 1 : i32
      %add3A_30 = arith.addi %add3A_25, %add3A_29 : i32
      %lt3A = arith.constant 16 : i32
      %lt3A_31 = arith.cmpi slt, %add3A_30, %lt3A : i32
      %convert_element_type3A = arith.extui %lt3A_31 : i1 to i32
      %cond3A = arith.constant 0 : i32
      %cond3A_32 = arith.cmpi ne, %convert_element_type3A, %cond3A : i32
      scf.if %cond3A_32 {
        %add3A_67 = arith.constant 1 : i32
        %add3A_68 = arith.addi %add3A_25, %add3A_67 : i32
        %mul3A_69 = arith.constant 128 : i32
        %mul3A_70 = arith.muli %add3A_68, %mul3A_69 : i32
        %add3A_71 = arith.addi %mul3A_2, %mul3A_70 : i32
        %dma_wait3A_72 = tpu.memref_slice %arg3[%add3A_71] : memref<65536xi32, #tpu.memory_space<hbm>> -> memref<128xi32, #tpu.memory_space<hbm>>
        %dma_wait3A_73 = tpu.memref_slice %arg3[%add3A_71] : memref<65536xi32, #tpu.memory_space<hbm>> -> memref<128xi32, #tpu.memory_space<hbm>>
        tpu.wait_dma2 semaphore(%arg10 : memref<!tpu.dma_semaphore, #tpu.memory_space<semaphore_mem>>) src(%dma_wait3A_73 : memref<128xi32, #tpu.memory_space<hbm>>) dst(%arg6 : memref<128xi32, #tpu.memory_space<vmem>>)
        %add3A_74 = arith.constant 1 : i32
        %add3A_75 = arith.addi %add3A_25, %add3A_74 : i32
        %dma_start3A_76 = arith.constant 0 : i32
        %dma_start3A_77 = arith.constant 0 : i32
        %dma_start3A_78 = tpu.memref_slice %arg2[%dma_start3A_76, %dma_start3A_77] : memref<4096x384xf32, #tpu.memory_space<hbm>> -> memref<4096x384xf32, #tpu.memory_space<hbm>>
        tpu.enqueue_indirect_dma source(%dma_start3A_78 : memref<4096x384xf32, #tpu.memory_space<hbm>>) target(%arg8 : memref<128x384xf32, #tpu.memory_space<vmem>>) offsets(%arg6 : memref<128xi32, #tpu.memory_space<vmem>>) semaphore(%arg12 : memref<!tpu.dma_semaphore, #tpu.memory_space<semaphore_mem>>)
      } else {
      }
      %add3A_33 = arith.constant 2 : i32
      %add3A_34 = arith.addi %add3A_25, %add3A_33 : i32
      %lt3A_35 = arith.constant 16 : i32
      %lt3A_36 = arith.cmpi slt, %add3A_34, %lt3A_35 : i32
      %convert_element_type3A_37 = arith.extui %lt3A_36 : i1 to i32
      %cond3A_38 = arith.constant 0 : i32
      %cond3A_39 = arith.cmpi ne, %convert_element_type3A_37, %cond3A_38 : i32
      scf.if %cond3A_39 {
        %add3A_67 = arith.constant 2 : i32
        %add3A_68 = arith.addi %add3A_25, %add3A_67 : i32
        %mul3A_69 = arith.constant 128 : i32
        %mul3A_70 = arith.muli %add3A_68, %mul3A_69 : i32
        %add3A_71 = arith.addi %mul3A_2, %mul3A_70 : i32
        %dma_start3A_72 = tpu.memref_slice %arg3[%add3A_71] : memref<65536xi32, #tpu.memory_space<hbm>> -> memref<128xi32, #tpu.memory_space<hbm>>
        %dma_start3A_73 = tpu.memref_slice %arg3[%add3A_71] : memref<65536xi32, #tpu.memory_space<hbm>> -> memref<128xi32, #tpu.memory_space<hbm>>
        tpu.enqueue_dma source(%dma_start3A_73 : memref<128xi32, #tpu.memory_space<hbm>>) target(%arg5 : memref<128xi32, #tpu.memory_space<vmem>>) target_semaphore(%arg9 : memref<!tpu.dma_semaphore, #tpu.memory_space<semaphore_mem>>)
      } else {
      }
      %mul3A_40 = arith.constant 128 : i32
      %mul3A_41 = arith.muli %add3A_25, %mul3A_40 : i32
      %add3A_42 = arith.addi %mul3A_2, %mul3A_41 : i32
      "tpu.region"() ({
        %run_scoped3A = tpu.sem_alloc : memref<!tpu.dma_semaphore, #tpu.memory_space<semaphore_mem>>
        %dma_start3A_67 = arith.constant 0 : i32
        %dma_start3A_68 = tpu.memref_slice %arg4[%add3A_42, %dma_start3A_67] : memref<65536x384xf32, #tpu.memory_space<hbm>> -> memref<128x384xf32, #tpu.memory_space<hbm>>
        %dma_start3A_69 = arith.constant 0 : i32
        %dma_start3A_70 = tpu.memref_slice %arg4[%add3A_42, %dma_start3A_69] : memref<65536x384xf32, #tpu.memory_space<hbm>> -> memref<128x384xf32, #tpu.memory_space<hbm>>
        tpu.enqueue_dma source(%arg7 : memref<128x384xf32, #tpu.memory_space<vmem>>) target(%dma_start3A_70 : memref<128x384xf32, #tpu.memory_space<hbm>>) target_semaphore(%run_scoped3A : memref<!tpu.dma_semaphore, #tpu.memory_space<semaphore_mem>>)
        %dma_wait3A_71 = arith.constant 0 : i32
        %dma_wait3A_72 = tpu.memref_slice %arg4[%add3A_42, %dma_wait3A_71] : memref<65536x384xf32, #tpu.memory_space<hbm>> -> memref<128x384xf32, #tpu.memory_space<hbm>>
        %dma_wait3A_73 = arith.constant 0 : i32
        %dma_wait3A_74 = tpu.memref_slice %arg4[%add3A_42, %dma_wait3A_73] : memref<65536x384xf32, #tpu.memory_space<hbm>> -> memref<128x384xf32, #tpu.memory_space<hbm>>
        tpu.wait_dma2 semaphore(%run_scoped3A : memref<!tpu.dma_semaphore, #tpu.memory_space<semaphore_mem>>) src(%arg7 : memref<128x384xf32, #tpu.memory_space<vmem>>) dst(%dma_wait3A_74 : memref<128x384xf32, #tpu.memory_space<hbm>>)
        tpu.yield
      }) : () -> ()
      %mul3A_43 = arith.constant 2 : i32
      %mul3A_44 = arith.muli %mul3A_43, %scan3A_21 : i32
      %add3A_45 = arith.constant 1 : i32
      %add3A_46 = arith.addi %mul3A_44, %add3A_45 : i32
      %dma_wait3A_47 = arith.constant 0 : i32
      %dma_wait3A_48 = arith.constant 0 : i32
      %dma_wait3A_49 = tpu.memref_slice %arg2[%dma_wait3A_47, %dma_wait3A_48] : memref<4096x384xf32, #tpu.memory_space<hbm>> -> memref<4096x384xf32, #tpu.memory_space<hbm>>
      tpu.wait_indirect_dma semaphore(%arg12 : memref<!tpu.dma_semaphore, #tpu.memory_space<semaphore_mem>>) src(%dma_wait3A_49 : memref<4096x384xf32, #tpu.memory_space<hbm>>) dst(%arg8 : memref<128x384xf32, #tpu.memory_space<vmem>>)
      %add3A_50 = arith.constant 1 : i32
      %add3A_51 = arith.addi %add3A_46, %add3A_50 : i32
      %lt3A_52 = arith.constant 16 : i32
      %lt3A_53 = arith.cmpi slt, %add3A_51, %lt3A_52 : i32
      %convert_element_type3A_54 = arith.extui %lt3A_53 : i1 to i32
      %cond3A_55 = arith.constant 0 : i32
      %cond3A_56 = arith.cmpi ne, %convert_element_type3A_54, %cond3A_55 : i32
      scf.if %cond3A_56 {
        %add3A_67 = arith.constant 1 : i32
        %add3A_68 = arith.addi %add3A_46, %add3A_67 : i32
        %mul3A_69 = arith.constant 128 : i32
        %mul3A_70 = arith.muli %add3A_68, %mul3A_69 : i32
        %add3A_71 = arith.addi %mul3A_2, %mul3A_70 : i32
        %dma_wait3A_72 = tpu.memref_slice %arg3[%add3A_71] : memref<65536xi32, #tpu.memory_space<hbm>> -> memref<128xi32, #tpu.memory_space<hbm>>
        %dma_wait3A_73 = tpu.memref_slice %arg3[%add3A_71] : memref<65536xi32, #tpu.memory_space<hbm>> -> memref<128xi32, #tpu.memory_space<hbm>>
        tpu.wait_dma2 semaphore(%arg9 : memref<!tpu.dma_semaphore, #tpu.memory_space<semaphore_mem>>) src(%dma_wait3A_73 : memref<128xi32, #tpu.memory_space<hbm>>) dst(%arg5 : memref<128xi32, #tpu.memory_space<vmem>>)
        %add3A_74 = arith.constant 1 : i32
        %add3A_75 = arith.addi %add3A_46, %add3A_74 : i32
        %dma_start3A_76 = arith.constant 0 : i32
        %dma_start3A_77 = arith.constant 0 : i32
        %dma_start3A_78 = tpu.memref_slice %arg2[%dma_start3A_76, %dma_start3A_77] : memref<4096x384xf32, #tpu.memory_space<hbm>> -> memref<4096x384xf32, #tpu.memory_space<hbm>>
        tpu.enqueue_indirect_dma source(%dma_start3A_78 : memref<4096x384xf32, #tpu.memory_space<hbm>>) target(%arg7 : memref<128x384xf32, #tpu.memory_space<vmem>>) offsets(%arg5 : memref<128xi32, #tpu.memory_space<vmem>>) semaphore(%arg11 : memref<!tpu.dma_semaphore, #tpu.memory_space<semaphore_mem>>)
      } else {
      }
      %add3A_57 = arith.constant 2 : i32
      %add3A_58 = arith.addi %add3A_46, %add3A_57 : i32
      %lt3A_59 = arith.constant 16 : i32
      %lt3A_60 = arith.cmpi slt, %add3A_58, %lt3A_59 : i32
      %convert_element_type3A_61 = arith.extui %lt3A_60 : i1 to i32
      %cond3A_62 = arith.constant 0 : i32
      %cond3A_63 = arith.cmpi ne, %convert_element_type3A_61, %cond3A_62 : i32
      scf.if %cond3A_63 {
        %add3A_67 = arith.constant 2 : i32
        %add3A_68 = arith.addi %add3A_46, %add3A_67 : i32
        %mul3A_69 = arith.constant 128 : i32
        %mul3A_70 = arith.muli %add3A_68, %mul3A_69 : i32
        %add3A_71 = arith.addi %mul3A_2, %mul3A_70 : i32
        %dma_start3A_72 = tpu.memref_slice %arg3[%add3A_71] : memref<65536xi32, #tpu.memory_space<hbm>> -> memref<128xi32, #tpu.memory_space<hbm>>
        %dma_start3A_73 = tpu.memref_slice %arg3[%add3A_71] : memref<65536xi32, #tpu.memory_space<hbm>> -> memref<128xi32, #tpu.memory_space<hbm>>
        tpu.enqueue_dma source(%dma_start3A_73 : memref<128xi32, #tpu.memory_space<hbm>>) target(%arg6 : memref<128xi32, #tpu.memory_space<vmem>>) target_semaphore(%arg10 : memref<!tpu.dma_semaphore, #tpu.memory_space<semaphore_mem>>)
      } else {
      }
      %mul3A_64 = arith.constant 128 : i32
      %mul3A_65 = arith.muli %add3A_46, %mul3A_64 : i32
      %add3A_66 = arith.addi %mul3A_2, %mul3A_65 : i32
      "tpu.region"() ({
        %run_scoped3A = tpu.sem_alloc : memref<!tpu.dma_semaphore, #tpu.memory_space<semaphore_mem>>
        %dma_start3A_67 = arith.constant 0 : i32
        %dma_start3A_68 = tpu.memref_slice %arg4[%add3A_66, %dma_start3A_67] : memref<65536x384xf32, #tpu.memory_space<hbm>> -> memref<128x384xf32, #tpu.memory_space<hbm>>
        %dma_start3A_69 = arith.constant 0 : i32
        %dma_start3A_70 = tpu.memref_slice %arg4[%add3A_66, %dma_start3A_69] : memref<65536x384xf32, #tpu.memory_space<hbm>> -> memref<128x384xf32, #tpu.memory_space<hbm>>
        tpu.enqueue_dma source(%arg8 : memref<128x384xf32, #tpu.memory_space<vmem>>) target(%dma_start3A_70 : memref<128x384xf32, #tpu.memory_space<hbm>>) target_semaphore(%run_scoped3A : memref<!tpu.dma_semaphore, #tpu.memory_space<semaphore_mem>>)
        %dma_wait3A_71 = arith.constant 0 : i32
        %dma_wait3A_72 = tpu.memref_slice %arg4[%add3A_66, %dma_wait3A_71] : memref<65536x384xf32, #tpu.memory_space<hbm>> -> memref<128x384xf32, #tpu.memory_space<hbm>>
        %dma_wait3A_73 = arith.constant 0 : i32
        %dma_wait3A_74 = tpu.memref_slice %arg4[%add3A_66, %dma_wait3A_73] : memref<65536x384xf32, #tpu.memory_space<hbm>> -> memref<128x384xf32, #tpu.memory_space<hbm>>
        tpu.wait_dma2 semaphore(%run_scoped3A : memref<!tpu.dma_semaphore, #tpu.memory_space<semaphore_mem>>) src(%arg8 : memref<128x384xf32, #tpu.memory_space<vmem>>) dst(%dma_wait3A_74 : memref<128x384xf32, #tpu.memory_space<hbm>>)
        tpu.yield
      }) : () -> ()
    }
    %scan3A_20 = arith.constant 8 : i32
    return
  }
}

module attributes {stable_mosaic.version = 14 : i64} {
  func.func @_knn_body(%arg0: i32, %arg1: i32, %arg2: memref<1x3x2048xf32, #tpu.memory_space<vmem>>, %arg3: memref<1x2048x3xf32, #tpu.memory_space<vmem>>, %arg4: memref<256x16xi32, #tpu.memory_space<vmem>>) attributes {dimension_semantics = [#tpu.dimension_semantics<arbitrary>, #tpu.dimension_semantics<arbitrary>], iteration_bounds = array<i64: 2, 8>, scalar_prefetch = 0 : i64, scratch_operands = 0 : i64, tpu.core_type = #tpu.core_type<tc>, window_params = [{transform_indices = @transform_0, window_bounds = array<i64: 1, 3, 2048>}, {transform_indices = @transform_1, window_bounds = array<i64: 1, 2048, 3>}, {transform_indices = @transform_2, window_bounds = array<i64: 256, 16>}]} {
    %get3A = arith.constant 0 : index
    %get3A_0 = arith.constant 0 : index
    %get3A_1 = arith.constant 0 : index
    %get3A_2 = vector.load %arg2[%get3A, %get3A_0, %get3A_1] : memref<1x3x2048xf32, #tpu.memory_space<vmem>>, vector<1x1x2048xf32>
    %get3A_3 = vector.shape_cast %get3A_2 : vector<1x1x2048xf32> to vector<1x2048xf32>
    %get3A_4 = arith.constant 0 : index
    %get3A_5 = arith.constant 1 : index
    %get3A_6 = arith.constant 0 : index
    %get3A_7 = vector.load %arg2[%get3A_4, %get3A_5, %get3A_6] : memref<1x3x2048xf32, #tpu.memory_space<vmem>>, vector<1x1x2048xf32>
    %get3A_8 = vector.shape_cast %get3A_7 : vector<1x1x2048xf32> to vector<1x2048xf32>
    %get3A_9 = arith.constant 0 : index
    %get3A_10 = arith.constant 2 : index
    %get3A_11 = arith.constant 0 : index
    %get3A_12 = vector.load %arg2[%get3A_9, %get3A_10, %get3A_11] : memref<1x3x2048xf32, #tpu.memory_space<vmem>>, vector<1x1x2048xf32>
    %get3A_13 = vector.shape_cast %get3A_12 : vector<1x1x2048xf32> to vector<1x2048xf32>
    %mul3A = arith.mulf %get3A_3, %get3A_3 : vector<1x2048xf32>
    %mul3A_14 = arith.mulf %get3A_8, %get3A_8 : vector<1x2048xf32>
    %add3A = arith.addf %mul3A, %mul3A_14 : vector<1x2048xf32>
    %mul3A_15 = arith.mulf %get3A_13, %get3A_13 : vector<1x2048xf32>
    %add3A_16 = arith.addf %add3A, %mul3A_15 : vector<1x2048xf32>
    %mul3A_17 = arith.constant 256 : i32
    %mul3A_18 = arith.muli %arg1, %mul3A_17 : i32
    %get3A_19 = arith.constant 0 : index
    %get3A_20 = arith.index_cast %mul3A_18 : i32 to index
    %get3A_21 = arith.constant 0 : index
    %get3A_22 = vector.load %arg3[%get3A_19, %get3A_20, %get3A_21] : memref<1x2048x3xf32, #tpu.memory_space<vmem>>, vector<1x256x3xf32>
    %get3A_23 = vector.shape_cast %get3A_22 : vector<1x256x3xf32> to vector<256x3xf32>
    %slice3A = vector.extract_strided_slice %get3A_23 {offsets = [0, 0], sizes = [256, 1], strides = [1, 1]} : vector<256x3xf32> to vector<256x1xf32>
    %slice3A_24 = vector.extract_strided_slice %get3A_23 {offsets = [0, 1], sizes = [256, 1], strides = [1, 1]} : vector<256x3xf32> to vector<256x1xf32>
    %slice3A_25 = vector.extract_strided_slice %get3A_23 {offsets = [0, 2], sizes = [256, 1], strides = [1, 1]} : vector<256x3xf32> to vector<256x1xf32>
    %mul3A_26 = arith.mulf %slice3A, %slice3A : vector<256x1xf32>
    %mul3A_27 = arith.mulf %slice3A_24, %slice3A_24 : vector<256x1xf32>
    %add3A_28 = arith.addf %mul3A_26, %mul3A_27 : vector<256x1xf32>
    %mul3A_29 = arith.mulf %slice3A_25, %slice3A_25 : vector<256x1xf32>
    %add3A_30 = arith.addf %add3A_28, %mul3A_29 : vector<256x1xf32>
    %get3A_31 = arith.constant 0 : index
    %get3A_32 = arith.constant 0 : index
    %get3A_33 = arith.constant 0 : index
    %get3A_34 = vector.load %arg2[%get3A_31, %get3A_32, %get3A_33] : memref<1x3x2048xf32, #tpu.memory_space<vmem>>, vector<1x3x2048xf32>
    %get3A_35 = vector.shape_cast %get3A_34 : vector<1x3x2048xf32> to vector<3x2048xf32>
    %dot_general3A = arith.constant dense<0.000000e+00> : vector<256x2048xf32>
    %dot_general3A_36 = tpu.matmul %get3A_23, %get3A_35, %dot_general3A {dimension_numbers = #tpu.dot_dimension_numbers<[1], [0], [0], [1], [0, 0, 1, 1], [], []>, transpose_lhs_hint = false} : vector<256x3xf32>, vector<3x2048xf32>, vector<256x2048xf32> -> vector<256x2048xf32>
    %mul3A_37 = arith.constant 2.000000e+00 : f32
    %mul3A_38 = vector.broadcast %mul3A_37 : f32 to vector<256x2048xf32>
    %mul3A_39 = arith.mulf %mul3A_38, %dot_general3A_36 : vector<256x2048xf32>
    %sub3A = vector.broadcast %add3A_30 : vector<256x1xf32> to vector<256x2048xf32>
    %sub3A_40 = arith.subf %sub3A, %mul3A_39 : vector<256x2048xf32>
    %add3A_41 = vector.broadcast %add3A_16 : vector<1x2048xf32> to vector<256x2048xf32>
    %add3A_42 = arith.addf %sub3A_40, %add3A_41 : vector<256x2048xf32>
    %iota3A = tpu.iota {dimensions = array<i32: 1>} : vector<256x2048xi32>
    %reduce_min3A = arith.constant dense<0x7F800000> : vector<256xf32>
    %reduce_min3A_43 = vector.multi_reduction <minimumf>, %add3A_42, %reduce_min3A [1] : vector<256x2048xf32> to vector<256xf32>
    %broadcast_in_dim3A = vector.shape_cast %reduce_min3A_43 : vector<256xf32> to vector<256x1xf32>
    %eq3A = vector.broadcast %broadcast_in_dim3A : vector<256x1xf32> to vector<256x2048xf32>
    %eq3A_44 = arith.cmpf oeq, %add3A_42, %eq3A : vector<256x2048xf32>
    %jit3A = arith.constant 2048 : i32
    %broadcast_in_dim3A_45 = vector.broadcast %jit3A : i32 to vector<256x2048xi32>
    %select_n3A = arith.select %eq3A_44, %iota3A, %broadcast_in_dim3A_45 : vector<256x2048xi1>, vector<256x2048xi32>
    %reduce_min3A_46 = arith.constant dense<2147483647> : vector<256xi32>
    %reduce_min3A_47 = vector.multi_reduction <minsi>, %select_n3A, %reduce_min3A_46 [1] : vector<256x2048xi32> to vector<256xi32>
    %broadcast_in_dim3A_48 = vector.shape_cast %reduce_min3A_47 : vector<256xi32> to vector<256x1xi32>
    %eq3A_49 = vector.broadcast %broadcast_in_dim3A_48 : vector<256x1xi32> to vector<256x2048xi32>
    %eq3A_50 = arith.cmpi eq, %iota3A, %eq3A_49 : vector<256x2048xi32>
    %jit3A_51 = arith.constant 0x7F800000 : f32
    %broadcast_in_dim3A_52 = vector.broadcast %jit3A_51 : f32 to vector<256x2048xf32>
    %select_n3A_53 = arith.select %eq3A_50, %broadcast_in_dim3A_52, %add3A_42 : vector<256x2048xi1>, vector<256x2048xf32>
    %reduce_min3A_54 = arith.constant dense<0x7F800000> : vector<256xf32>
    %reduce_min3A_55 = vector.multi_reduction <minimumf>, %select_n3A_53, %reduce_min3A_54 [1] : vector<256x2048xf32> to vector<256xf32>
    %broadcast_in_dim3A_56 = vector.shape_cast %reduce_min3A_55 : vector<256xf32> to vector<256x1xf32>
    %eq3A_57 = vector.broadcast %broadcast_in_dim3A_56 : vector<256x1xf32> to vector<256x2048xf32>
    %eq3A_58 = arith.cmpf oeq, %select_n3A_53, %eq3A_57 : vector<256x2048xf32>
    %jit3A_59 = arith.constant 2048 : i32
    %broadcast_in_dim3A_60 = vector.broadcast %jit3A_59 : i32 to vector<256x2048xi32>
    %select_n3A_61 = arith.select %eq3A_58, %iota3A, %broadcast_in_dim3A_60 : vector<256x2048xi1>, vector<256x2048xi32>
    %reduce_min3A_62 = arith.constant dense<2147483647> : vector<256xi32>
    %reduce_min3A_63 = vector.multi_reduction <minsi>, %select_n3A_61, %reduce_min3A_62 [1] : vector<256x2048xi32> to vector<256xi32>
    %broadcast_in_dim3A_64 = vector.shape_cast %reduce_min3A_63 : vector<256xi32> to vector<256x1xi32>
    %eq3A_65 = vector.broadcast %broadcast_in_dim3A_64 : vector<256x1xi32> to vector<256x2048xi32>
    %eq3A_66 = arith.cmpi eq, %iota3A, %eq3A_65 : vector<256x2048xi32>
    %jit3A_67 = arith.constant 0x7F800000 : f32
    %broadcast_in_dim3A_68 = vector.broadcast %jit3A_67 : f32 to vector<256x2048xf32>
    %select_n3A_69 = arith.select %eq3A_66, %broadcast_in_dim3A_68, %select_n3A_53 : vector<256x2048xi1>, vector<256x2048xf32>
    %reduce_min3A_70 = arith.constant dense<0x7F800000> : vector<256xf32>
    %reduce_min3A_71 = vector.multi_reduction <minimumf>, %select_n3A_69, %reduce_min3A_70 [1] : vector<256x2048xf32> to vector<256xf32>
    %broadcast_in_dim3A_72 = vector.shape_cast %reduce_min3A_71 : vector<256xf32> to vector<256x1xf32>
    %eq3A_73 = vector.broadcast %broadcast_in_dim3A_72 : vector<256x1xf32> to vector<256x2048xf32>
    %eq3A_74 = arith.cmpf oeq, %select_n3A_69, %eq3A_73 : vector<256x2048xf32>
    %jit3A_75 = arith.constant 2048 : i32
    %broadcast_in_dim3A_76 = vector.broadcast %jit3A_75 : i32 to vector<256x2048xi32>
    %select_n3A_77 = arith.select %eq3A_74, %iota3A, %broadcast_in_dim3A_76 : vector<256x2048xi1>, vector<256x2048xi32>
    %reduce_min3A_78 = arith.constant dense<2147483647> : vector<256xi32>
    %reduce_min3A_79 = vector.multi_reduction <minsi>, %select_n3A_77, %reduce_min3A_78 [1] : vector<256x2048xi32> to vector<256xi32>
    %broadcast_in_dim3A_80 = vector.shape_cast %reduce_min3A_79 : vector<256xi32> to vector<256x1xi32>
    %eq3A_81 = vector.broadcast %broadcast_in_dim3A_80 : vector<256x1xi32> to vector<256x2048xi32>
    %eq3A_82 = arith.cmpi eq, %iota3A, %eq3A_81 : vector<256x2048xi32>
    %jit3A_83 = arith.constant 0x7F800000 : f32
    %broadcast_in_dim3A_84 = vector.broadcast %jit3A_83 : f32 to vector<256x2048xf32>
    %select_n3A_85 = arith.select %eq3A_82, %broadcast_in_dim3A_84, %select_n3A_69 : vector<256x2048xi1>, vector<256x2048xf32>
    %reduce_min3A_86 = arith.constant dense<0x7F800000> : vector<256xf32>
    %reduce_min3A_87 = vector.multi_reduction <minimumf>, %select_n3A_85, %reduce_min3A_86 [1] : vector<256x2048xf32> to vector<256xf32>
    %broadcast_in_dim3A_88 = vector.shape_cast %reduce_min3A_87 : vector<256xf32> to vector<256x1xf32>
    %eq3A_89 = vector.broadcast %broadcast_in_dim3A_88 : vector<256x1xf32> to vector<256x2048xf32>
    %eq3A_90 = arith.cmpf oeq, %select_n3A_85, %eq3A_89 : vector<256x2048xf32>
    %jit3A_91 = arith.constant 2048 : i32
    %broadcast_in_dim3A_92 = vector.broadcast %jit3A_91 : i32 to vector<256x2048xi32>
    %select_n3A_93 = arith.select %eq3A_90, %iota3A, %broadcast_in_dim3A_92 : vector<256x2048xi1>, vector<256x2048xi32>
    %reduce_min3A_94 = arith.constant dense<2147483647> : vector<256xi32>
    %reduce_min3A_95 = vector.multi_reduction <minsi>, %select_n3A_93, %reduce_min3A_94 [1] : vector<256x2048xi32> to vector<256xi32>
    %broadcast_in_dim3A_96 = vector.shape_cast %reduce_min3A_95 : vector<256xi32> to vector<256x1xi32>
    %eq3A_97 = vector.broadcast %broadcast_in_dim3A_96 : vector<256x1xi32> to vector<256x2048xi32>
    %eq3A_98 = arith.cmpi eq, %iota3A, %eq3A_97 : vector<256x2048xi32>
    %jit3A_99 = arith.constant 0x7F800000 : f32
    %broadcast_in_dim3A_100 = vector.broadcast %jit3A_99 : f32 to vector<256x2048xf32>
    %select_n3A_101 = arith.select %eq3A_98, %broadcast_in_dim3A_100, %select_n3A_85 : vector<256x2048xi1>, vector<256x2048xf32>
    %reduce_min3A_102 = arith.constant dense<0x7F800000> : vector<256xf32>
    %reduce_min3A_103 = vector.multi_reduction <minimumf>, %select_n3A_101, %reduce_min3A_102 [1] : vector<256x2048xf32> to vector<256xf32>
    %broadcast_in_dim3A_104 = vector.shape_cast %reduce_min3A_103 : vector<256xf32> to vector<256x1xf32>
    %eq3A_105 = vector.broadcast %broadcast_in_dim3A_104 : vector<256x1xf32> to vector<256x2048xf32>
    %eq3A_106 = arith.cmpf oeq, %select_n3A_101, %eq3A_105 : vector<256x2048xf32>
    %jit3A_107 = arith.constant 2048 : i32
    %broadcast_in_dim3A_108 = vector.broadcast %jit3A_107 : i32 to vector<256x2048xi32>
    %select_n3A_109 = arith.select %eq3A_106, %iota3A, %broadcast_in_dim3A_108 : vector<256x2048xi1>, vector<256x2048xi32>
    %reduce_min3A_110 = arith.constant dense<2147483647> : vector<256xi32>
    %reduce_min3A_111 = vector.multi_reduction <minsi>, %select_n3A_109, %reduce_min3A_110 [1] : vector<256x2048xi32> to vector<256xi32>
    %broadcast_in_dim3A_112 = vector.shape_cast %reduce_min3A_111 : vector<256xi32> to vector<256x1xi32>
    %eq3A_113 = vector.broadcast %broadcast_in_dim3A_112 : vector<256x1xi32> to vector<256x2048xi32>
    %eq3A_114 = arith.cmpi eq, %iota3A, %eq3A_113 : vector<256x2048xi32>
    %jit3A_115 = arith.constant 0x7F800000 : f32
    %broadcast_in_dim3A_116 = vector.broadcast %jit3A_115 : f32 to vector<256x2048xf32>
    %select_n3A_117 = arith.select %eq3A_114, %broadcast_in_dim3A_116, %select_n3A_101 : vector<256x2048xi1>, vector<256x2048xf32>
    %reduce_min3A_118 = arith.constant dense<0x7F800000> : vector<256xf32>
    %reduce_min3A_119 = vector.multi_reduction <minimumf>, %select_n3A_117, %reduce_min3A_118 [1] : vector<256x2048xf32> to vector<256xf32>
    %broadcast_in_dim3A_120 = vector.shape_cast %reduce_min3A_119 : vector<256xf32> to vector<256x1xf32>
    %eq3A_121 = vector.broadcast %broadcast_in_dim3A_120 : vector<256x1xf32> to vector<256x2048xf32>
    %eq3A_122 = arith.cmpf oeq, %select_n3A_117, %eq3A_121 : vector<256x2048xf32>
    %jit3A_123 = arith.constant 2048 : i32
    %broadcast_in_dim3A_124 = vector.broadcast %jit3A_123 : i32 to vector<256x2048xi32>
    %select_n3A_125 = arith.select %eq3A_122, %iota3A, %broadcast_in_dim3A_124 : vector<256x2048xi1>, vector<256x2048xi32>
    %reduce_min3A_126 = arith.constant dense<2147483647> : vector<256xi32>
    %reduce_min3A_127 = vector.multi_reduction <minsi>, %select_n3A_125, %reduce_min3A_126 [1] : vector<256x2048xi32> to vector<256xi32>
    %broadcast_in_dim3A_128 = vector.shape_cast %reduce_min3A_127 : vector<256xi32> to vector<256x1xi32>
    %eq3A_129 = vector.broadcast %broadcast_in_dim3A_128 : vector<256x1xi32> to vector<256x2048xi32>
    %eq3A_130 = arith.cmpi eq, %iota3A, %eq3A_129 : vector<256x2048xi32>
    %jit3A_131 = arith.constant 0x7F800000 : f32
    %broadcast_in_dim3A_132 = vector.broadcast %jit3A_131 : f32 to vector<256x2048xf32>
    %select_n3A_133 = arith.select %eq3A_130, %broadcast_in_dim3A_132, %select_n3A_117 : vector<256x2048xi1>, vector<256x2048xf32>
    %reduce_min3A_134 = arith.constant dense<0x7F800000> : vector<256xf32>
    %reduce_min3A_135 = vector.multi_reduction <minimumf>, %select_n3A_133, %reduce_min3A_134 [1] : vector<256x2048xf32> to vector<256xf32>
    %broadcast_in_dim3A_136 = vector.shape_cast %reduce_min3A_135 : vector<256xf32> to vector<256x1xf32>
    %eq3A_137 = vector.broadcast %broadcast_in_dim3A_136 : vector<256x1xf32> to vector<256x2048xf32>
    %eq3A_138 = arith.cmpf oeq, %select_n3A_133, %eq3A_137 : vector<256x2048xf32>
    %jit3A_139 = arith.constant 2048 : i32
    %broadcast_in_dim3A_140 = vector.broadcast %jit3A_139 : i32 to vector<256x2048xi32>
    %select_n3A_141 = arith.select %eq3A_138, %iota3A, %broadcast_in_dim3A_140 : vector<256x2048xi1>, vector<256x2048xi32>
    %reduce_min3A_142 = arith.constant dense<2147483647> : vector<256xi32>
    %reduce_min3A_143 = vector.multi_reduction <minsi>, %select_n3A_141, %reduce_min3A_142 [1] : vector<256x2048xi32> to vector<256xi32>
    %broadcast_in_dim3A_144 = vector.shape_cast %reduce_min3A_143 : vector<256xi32> to vector<256x1xi32>
    %eq3A_145 = vector.broadcast %broadcast_in_dim3A_144 : vector<256x1xi32> to vector<256x2048xi32>
    %eq3A_146 = arith.cmpi eq, %iota3A, %eq3A_145 : vector<256x2048xi32>
    %jit3A_147 = arith.constant 0x7F800000 : f32
    %broadcast_in_dim3A_148 = vector.broadcast %jit3A_147 : f32 to vector<256x2048xf32>
    %select_n3A_149 = arith.select %eq3A_146, %broadcast_in_dim3A_148, %select_n3A_133 : vector<256x2048xi1>, vector<256x2048xf32>
    %reduce_min3A_150 = arith.constant dense<0x7F800000> : vector<256xf32>
    %reduce_min3A_151 = vector.multi_reduction <minimumf>, %select_n3A_149, %reduce_min3A_150 [1] : vector<256x2048xf32> to vector<256xf32>
    %broadcast_in_dim3A_152 = vector.shape_cast %reduce_min3A_151 : vector<256xf32> to vector<256x1xf32>
    %eq3A_153 = vector.broadcast %broadcast_in_dim3A_152 : vector<256x1xf32> to vector<256x2048xf32>
    %eq3A_154 = arith.cmpf oeq, %select_n3A_149, %eq3A_153 : vector<256x2048xf32>
    %jit3A_155 = arith.constant 2048 : i32
    %broadcast_in_dim3A_156 = vector.broadcast %jit3A_155 : i32 to vector<256x2048xi32>
    %select_n3A_157 = arith.select %eq3A_154, %iota3A, %broadcast_in_dim3A_156 : vector<256x2048xi1>, vector<256x2048xi32>
    %reduce_min3A_158 = arith.constant dense<2147483647> : vector<256xi32>
    %reduce_min3A_159 = vector.multi_reduction <minsi>, %select_n3A_157, %reduce_min3A_158 [1] : vector<256x2048xi32> to vector<256xi32>
    %broadcast_in_dim3A_160 = vector.shape_cast %reduce_min3A_159 : vector<256xi32> to vector<256x1xi32>
    %eq3A_161 = vector.broadcast %broadcast_in_dim3A_160 : vector<256x1xi32> to vector<256x2048xi32>
    %eq3A_162 = arith.cmpi eq, %iota3A, %eq3A_161 : vector<256x2048xi32>
    %jit3A_163 = arith.constant 0x7F800000 : f32
    %broadcast_in_dim3A_164 = vector.broadcast %jit3A_163 : f32 to vector<256x2048xf32>
    %select_n3A_165 = arith.select %eq3A_162, %broadcast_in_dim3A_164, %select_n3A_149 : vector<256x2048xi1>, vector<256x2048xf32>
    %reduce_min3A_166 = arith.constant dense<0x7F800000> : vector<256xf32>
    %reduce_min3A_167 = vector.multi_reduction <minimumf>, %select_n3A_165, %reduce_min3A_166 [1] : vector<256x2048xf32> to vector<256xf32>
    %broadcast_in_dim3A_168 = vector.shape_cast %reduce_min3A_167 : vector<256xf32> to vector<256x1xf32>
    %eq3A_169 = vector.broadcast %broadcast_in_dim3A_168 : vector<256x1xf32> to vector<256x2048xf32>
    %eq3A_170 = arith.cmpf oeq, %select_n3A_165, %eq3A_169 : vector<256x2048xf32>
    %jit3A_171 = arith.constant 2048 : i32
    %broadcast_in_dim3A_172 = vector.broadcast %jit3A_171 : i32 to vector<256x2048xi32>
    %select_n3A_173 = arith.select %eq3A_170, %iota3A, %broadcast_in_dim3A_172 : vector<256x2048xi1>, vector<256x2048xi32>
    %reduce_min3A_174 = arith.constant dense<2147483647> : vector<256xi32>
    %reduce_min3A_175 = vector.multi_reduction <minsi>, %select_n3A_173, %reduce_min3A_174 [1] : vector<256x2048xi32> to vector<256xi32>
    %broadcast_in_dim3A_176 = vector.shape_cast %reduce_min3A_175 : vector<256xi32> to vector<256x1xi32>
    %eq3A_177 = vector.broadcast %broadcast_in_dim3A_176 : vector<256x1xi32> to vector<256x2048xi32>
    %eq3A_178 = arith.cmpi eq, %iota3A, %eq3A_177 : vector<256x2048xi32>
    %jit3A_179 = arith.constant 0x7F800000 : f32
    %broadcast_in_dim3A_180 = vector.broadcast %jit3A_179 : f32 to vector<256x2048xf32>
    %select_n3A_181 = arith.select %eq3A_178, %broadcast_in_dim3A_180, %select_n3A_165 : vector<256x2048xi1>, vector<256x2048xf32>
    %reduce_min3A_182 = arith.constant dense<0x7F800000> : vector<256xf32>
    %reduce_min3A_183 = vector.multi_reduction <minimumf>, %select_n3A_181, %reduce_min3A_182 [1] : vector<256x2048xf32> to vector<256xf32>
    %broadcast_in_dim3A_184 = vector.shape_cast %reduce_min3A_183 : vector<256xf32> to vector<256x1xf32>
    %eq3A_185 = vector.broadcast %broadcast_in_dim3A_184 : vector<256x1xf32> to vector<256x2048xf32>
    %eq3A_186 = arith.cmpf oeq, %select_n3A_181, %eq3A_185 : vector<256x2048xf32>
    %jit3A_187 = arith.constant 2048 : i32
    %broadcast_in_dim3A_188 = vector.broadcast %jit3A_187 : i32 to vector<256x2048xi32>
    %select_n3A_189 = arith.select %eq3A_186, %iota3A, %broadcast_in_dim3A_188 : vector<256x2048xi1>, vector<256x2048xi32>
    %reduce_min3A_190 = arith.constant dense<2147483647> : vector<256xi32>
    %reduce_min3A_191 = vector.multi_reduction <minsi>, %select_n3A_189, %reduce_min3A_190 [1] : vector<256x2048xi32> to vector<256xi32>
    %broadcast_in_dim3A_192 = vector.shape_cast %reduce_min3A_191 : vector<256xi32> to vector<256x1xi32>
    %eq3A_193 = vector.broadcast %broadcast_in_dim3A_192 : vector<256x1xi32> to vector<256x2048xi32>
    %eq3A_194 = arith.cmpi eq, %iota3A, %eq3A_193 : vector<256x2048xi32>
    %jit3A_195 = arith.constant 0x7F800000 : f32
    %broadcast_in_dim3A_196 = vector.broadcast %jit3A_195 : f32 to vector<256x2048xf32>
    %select_n3A_197 = arith.select %eq3A_194, %broadcast_in_dim3A_196, %select_n3A_181 : vector<256x2048xi1>, vector<256x2048xf32>
    %reduce_min3A_198 = arith.constant dense<0x7F800000> : vector<256xf32>
    %reduce_min3A_199 = vector.multi_reduction <minimumf>, %select_n3A_197, %reduce_min3A_198 [1] : vector<256x2048xf32> to vector<256xf32>
    %broadcast_in_dim3A_200 = vector.shape_cast %reduce_min3A_199 : vector<256xf32> to vector<256x1xf32>
    %eq3A_201 = vector.broadcast %broadcast_in_dim3A_200 : vector<256x1xf32> to vector<256x2048xf32>
    %eq3A_202 = arith.cmpf oeq, %select_n3A_197, %eq3A_201 : vector<256x2048xf32>
    %jit3A_203 = arith.constant 2048 : i32
    %broadcast_in_dim3A_204 = vector.broadcast %jit3A_203 : i32 to vector<256x2048xi32>
    %select_n3A_205 = arith.select %eq3A_202, %iota3A, %broadcast_in_dim3A_204 : vector<256x2048xi1>, vector<256x2048xi32>
    %reduce_min3A_206 = arith.constant dense<2147483647> : vector<256xi32>
    %reduce_min3A_207 = vector.multi_reduction <minsi>, %select_n3A_205, %reduce_min3A_206 [1] : vector<256x2048xi32> to vector<256xi32>
    %broadcast_in_dim3A_208 = vector.shape_cast %reduce_min3A_207 : vector<256xi32> to vector<256x1xi32>
    %eq3A_209 = vector.broadcast %broadcast_in_dim3A_208 : vector<256x1xi32> to vector<256x2048xi32>
    %eq3A_210 = arith.cmpi eq, %iota3A, %eq3A_209 : vector<256x2048xi32>
    %jit3A_211 = arith.constant 0x7F800000 : f32
    %broadcast_in_dim3A_212 = vector.broadcast %jit3A_211 : f32 to vector<256x2048xf32>
    %select_n3A_213 = arith.select %eq3A_210, %broadcast_in_dim3A_212, %select_n3A_197 : vector<256x2048xi1>, vector<256x2048xf32>
    %reduce_min3A_214 = arith.constant dense<0x7F800000> : vector<256xf32>
    %reduce_min3A_215 = vector.multi_reduction <minimumf>, %select_n3A_213, %reduce_min3A_214 [1] : vector<256x2048xf32> to vector<256xf32>
    %broadcast_in_dim3A_216 = vector.shape_cast %reduce_min3A_215 : vector<256xf32> to vector<256x1xf32>
    %eq3A_217 = vector.broadcast %broadcast_in_dim3A_216 : vector<256x1xf32> to vector<256x2048xf32>
    %eq3A_218 = arith.cmpf oeq, %select_n3A_213, %eq3A_217 : vector<256x2048xf32>
    %jit3A_219 = arith.constant 2048 : i32
    %broadcast_in_dim3A_220 = vector.broadcast %jit3A_219 : i32 to vector<256x2048xi32>
    %select_n3A_221 = arith.select %eq3A_218, %iota3A, %broadcast_in_dim3A_220 : vector<256x2048xi1>, vector<256x2048xi32>
    %reduce_min3A_222 = arith.constant dense<2147483647> : vector<256xi32>
    %reduce_min3A_223 = vector.multi_reduction <minsi>, %select_n3A_221, %reduce_min3A_222 [1] : vector<256x2048xi32> to vector<256xi32>
    %broadcast_in_dim3A_224 = vector.shape_cast %reduce_min3A_223 : vector<256xi32> to vector<256x1xi32>
    %eq3A_225 = vector.broadcast %broadcast_in_dim3A_224 : vector<256x1xi32> to vector<256x2048xi32>
    %eq3A_226 = arith.cmpi eq, %iota3A, %eq3A_225 : vector<256x2048xi32>
    %jit3A_227 = arith.constant 0x7F800000 : f32
    %broadcast_in_dim3A_228 = vector.broadcast %jit3A_227 : f32 to vector<256x2048xf32>
    %select_n3A_229 = arith.select %eq3A_226, %broadcast_in_dim3A_228, %select_n3A_213 : vector<256x2048xi1>, vector<256x2048xf32>
    %reduce_min3A_230 = arith.constant dense<0x7F800000> : vector<256xf32>
    %reduce_min3A_231 = vector.multi_reduction <minimumf>, %select_n3A_229, %reduce_min3A_230 [1] : vector<256x2048xf32> to vector<256xf32>
    %broadcast_in_dim3A_232 = vector.shape_cast %reduce_min3A_231 : vector<256xf32> to vector<256x1xf32>
    %eq3A_233 = vector.broadcast %broadcast_in_dim3A_232 : vector<256x1xf32> to vector<256x2048xf32>
    %eq3A_234 = arith.cmpf oeq, %select_n3A_229, %eq3A_233 : vector<256x2048xf32>
    %jit3A_235 = arith.constant 2048 : i32
    %broadcast_in_dim3A_236 = vector.broadcast %jit3A_235 : i32 to vector<256x2048xi32>
    %select_n3A_237 = arith.select %eq3A_234, %iota3A, %broadcast_in_dim3A_236 : vector<256x2048xi1>, vector<256x2048xi32>
    %reduce_min3A_238 = arith.constant dense<2147483647> : vector<256xi32>
    %reduce_min3A_239 = vector.multi_reduction <minsi>, %select_n3A_237, %reduce_min3A_238 [1] : vector<256x2048xi32> to vector<256xi32>
    %broadcast_in_dim3A_240 = vector.shape_cast %reduce_min3A_239 : vector<256xi32> to vector<256x1xi32>
    %eq3A_241 = vector.broadcast %broadcast_in_dim3A_240 : vector<256x1xi32> to vector<256x2048xi32>
    %eq3A_242 = arith.cmpi eq, %iota3A, %eq3A_241 : vector<256x2048xi32>
    %jit3A_243 = arith.constant 0x7F800000 : f32
    %broadcast_in_dim3A_244 = vector.broadcast %jit3A_243 : f32 to vector<256x2048xf32>
    %select_n3A_245 = arith.select %eq3A_242, %broadcast_in_dim3A_244, %select_n3A_229 : vector<256x2048xi1>, vector<256x2048xf32>
    %reduce_min3A_246 = arith.constant dense<0x7F800000> : vector<256xf32>
    %reduce_min3A_247 = vector.multi_reduction <minimumf>, %select_n3A_245, %reduce_min3A_246 [1] : vector<256x2048xf32> to vector<256xf32>
    %broadcast_in_dim3A_248 = vector.shape_cast %reduce_min3A_247 : vector<256xf32> to vector<256x1xf32>
    %eq3A_249 = vector.broadcast %broadcast_in_dim3A_248 : vector<256x1xf32> to vector<256x2048xf32>
    %eq3A_250 = arith.cmpf oeq, %select_n3A_245, %eq3A_249 : vector<256x2048xf32>
    %jit3A_251 = arith.constant 2048 : i32
    %broadcast_in_dim3A_252 = vector.broadcast %jit3A_251 : i32 to vector<256x2048xi32>
    %select_n3A_253 = arith.select %eq3A_250, %iota3A, %broadcast_in_dim3A_252 : vector<256x2048xi1>, vector<256x2048xi32>
    %reduce_min3A_254 = arith.constant dense<2147483647> : vector<256xi32>
    %reduce_min3A_255 = vector.multi_reduction <minsi>, %select_n3A_253, %reduce_min3A_254 [1] : vector<256x2048xi32> to vector<256xi32>
    %broadcast_in_dim3A_256 = vector.shape_cast %reduce_min3A_255 : vector<256xi32> to vector<256x1xi32>
    %eq3A_257 = vector.broadcast %broadcast_in_dim3A_256 : vector<256x1xi32> to vector<256x2048xi32>
    %eq3A_258 = arith.cmpi eq, %iota3A, %eq3A_257 : vector<256x2048xi32>
    %jit3A_259 = arith.constant 0x7F800000 : f32
    %broadcast_in_dim3A_260 = vector.broadcast %jit3A_259 : f32 to vector<256x2048xf32>
    %select_n3A_261 = arith.select %eq3A_258, %broadcast_in_dim3A_260, %select_n3A_245 : vector<256x2048xi1>, vector<256x2048xf32>
    %reduce_min3A_262 = arith.constant dense<0x7F800000> : vector<256xf32>
    %reduce_min3A_263 = vector.multi_reduction <minimumf>, %select_n3A_261, %reduce_min3A_262 [1] : vector<256x2048xf32> to vector<256xf32>
    %broadcast_in_dim3A_264 = vector.shape_cast %reduce_min3A_263 : vector<256xf32> to vector<256x1xf32>
    %eq3A_265 = vector.broadcast %broadcast_in_dim3A_264 : vector<256x1xf32> to vector<256x2048xf32>
    %eq3A_266 = arith.cmpf oeq, %select_n3A_261, %eq3A_265 : vector<256x2048xf32>
    %jit3A_267 = arith.constant 2048 : i32
    %broadcast_in_dim3A_268 = vector.broadcast %jit3A_267 : i32 to vector<256x2048xi32>
    %select_n3A_269 = arith.select %eq3A_266, %iota3A, %broadcast_in_dim3A_268 : vector<256x2048xi1>, vector<256x2048xi32>
    %reduce_min3A_270 = arith.constant dense<2147483647> : vector<256xi32>
    %reduce_min3A_271 = vector.multi_reduction <minsi>, %select_n3A_269, %reduce_min3A_270 [1] : vector<256x2048xi32> to vector<256xi32>
    %broadcast_in_dim3A_272 = vector.shape_cast %reduce_min3A_271 : vector<256xi32> to vector<256x1xi32>
    %eq3A_273 = vector.broadcast %broadcast_in_dim3A_272 : vector<256x1xi32> to vector<256x2048xi32>
    %eq3A_274 = arith.cmpi eq, %iota3A, %eq3A_273 : vector<256x2048xi32>
    %jit3A_275 = arith.constant 0x7F800000 : f32
    %broadcast_in_dim3A_276 = vector.broadcast %jit3A_275 : f32 to vector<256x2048xf32>
    %select_n3A_277 = arith.select %eq3A_274, %broadcast_in_dim3A_276, %select_n3A_261 : vector<256x2048xi1>, vector<256x2048xf32>
    %reduce_min3A_278 = arith.constant dense<0x7F800000> : vector<256xf32>
    %reduce_min3A_279 = vector.multi_reduction <minimumf>, %select_n3A_277, %reduce_min3A_278 [1] : vector<256x2048xf32> to vector<256xf32>
    %broadcast_in_dim3A_280 = vector.shape_cast %reduce_min3A_279 : vector<256xf32> to vector<256x1xf32>
    %eq3A_281 = vector.broadcast %broadcast_in_dim3A_280 : vector<256x1xf32> to vector<256x2048xf32>
    %eq3A_282 = arith.cmpf oeq, %select_n3A_277, %eq3A_281 : vector<256x2048xf32>
    %jit3A_283 = arith.constant 2048 : i32
    %broadcast_in_dim3A_284 = vector.broadcast %jit3A_283 : i32 to vector<256x2048xi32>
    %select_n3A_285 = arith.select %eq3A_282, %iota3A, %broadcast_in_dim3A_284 : vector<256x2048xi1>, vector<256x2048xi32>
    %reduce_min3A_286 = arith.constant dense<2147483647> : vector<256xi32>
    %reduce_min3A_287 = vector.multi_reduction <minsi>, %select_n3A_285, %reduce_min3A_286 [1] : vector<256x2048xi32> to vector<256xi32>
    %broadcast_in_dim3A_288 = vector.shape_cast %reduce_min3A_287 : vector<256xi32> to vector<256x1xi32>
    %concatenate3A = tpu.concatenate %broadcast_in_dim3A_48, %broadcast_in_dim3A_64, %broadcast_in_dim3A_80, %broadcast_in_dim3A_96, %broadcast_in_dim3A_112, %broadcast_in_dim3A_128, %broadcast_in_dim3A_144, %broadcast_in_dim3A_160, %broadcast_in_dim3A_176, %broadcast_in_dim3A_192, %broadcast_in_dim3A_208, %broadcast_in_dim3A_224, %broadcast_in_dim3A_240, %broadcast_in_dim3A_256, %broadcast_in_dim3A_272, %broadcast_in_dim3A_288 in 1 : vector<256x1xi32>, vector<256x1xi32>, vector<256x1xi32>, vector<256x1xi32>, vector<256x1xi32>, vector<256x1xi32>, vector<256x1xi32>, vector<256x1xi32>, vector<256x1xi32>, vector<256x1xi32>, vector<256x1xi32>, vector<256x1xi32>, vector<256x1xi32>, vector<256x1xi32>, vector<256x1xi32>, vector<256x1xi32> -> vector<256x16xi32>
    %mul3A_289 = arith.constant 2048 : i32
    %mul3A_290 = arith.muli %arg0, %mul3A_289 : i32
    %add3A_291 = vector.broadcast %mul3A_290 : i32 to vector<256x16xi32>
    %add3A_292 = arith.addi %concatenate3A, %add3A_291 : vector<256x16xi32>
    %swap3A = arith.constant 0 : index
    %swap3A_293 = arith.constant 0 : index
    %swap3A_294 = vector.load %arg4[%swap3A, %swap3A_293] : memref<256x16xi32, #tpu.memory_space<vmem>>, vector<256x16xi32>
    tpu.vector_store %arg4[%swap3A, %swap3A_293], %add3A_292 {strides = array<i32>} : memref<256x16xi32, #tpu.memory_space<vmem>>, vector<256x16xi32>,
    return
  }
  func.func @transform_0(%arg0: i32, %arg1: i32) -> (i32, i32, i32) {
    %c0_i32 = arith.constant 0 : i32
    %c0_i32_0 = arith.constant 0 : i32
    %c0_i32_1 = arith.constant 0 : i32
    return %arg0, %c0_i32, %c0_i32_0 : i32, i32, i32
  }
  func.func @transform_1(%arg0: i32, %arg1: i32) -> (i32, i32, i32) {
    %c0_i32 = arith.constant 0 : i32
    %c0_i32_0 = arith.constant 0 : i32
    %c0_i32_1 = arith.constant 0 : i32
    return %arg0, %c0_i32, %c0_i32_0 : i32, i32, i32
  }
  func.func @transform_2(%arg0: i32, %arg1: i32) -> (i32, i32) {
    %mul3A = arith.constant 8 : i32
    %mul3A_0 = arith.muli %arg0, %mul3A : i32
    %add3A = arith.addi %mul3A_0, %arg1 : i32
    %c0_i32 = arith.constant 0 : i32
    %c0_i32_1 = arith.constant 0 : i32
    return %add3A, %c0_i32 : i32, i32
  }
}

module attributes {stable_mosaic.version = 14 : i64} {
  func.func @body(%arg0: i32, %arg1: memref<2048x128xf32, #tpu.memory_space<vmem>>, %arg2: memref<128x128xf32, #tpu.memory_space<vmem>>, %arg3: memref<2x32xf32, #tpu.memory_space<vmem>>, %arg4: memref<32x32xf32, #tpu.memory_space<vmem>>, %arg5: memref<128x128xf32, #tpu.memory_space<vmem>>) attributes {dimension_semantics = [#tpu.dimension_semantics<arbitrary>], iteration_bounds = array<i64: 32>, scalar_prefetch = 0 : i64, scratch_operands = 0 : i64, tpu.core_type = #tpu.core_type<tc>, window_params = [{transform_indices = @transform_0, window_bounds = array<i64: 2048, 128>}, {transform_indices = @transform_1, window_bounds = array<i64: 128, 128>}, {pipeline_mode = #tpu.pipeline_mode<synchronous>, transform_indices = @transform_2, window_bounds = array<i64: 2, 32>}, {pipeline_mode = #tpu.pipeline_mode<synchronous>, transform_indices = @transform_3, window_bounds = array<i64: 32, 32>}, {transform_indices = @transform_4, window_bounds = array<i64: 128, 128>}]} {
    %get3A = arith.constant 0 : index
    %get3A_0 = arith.constant 0 : index
    %get3A_1 = vector.load %arg2[%get3A, %get3A_0] : memref<128x128xf32, #tpu.memory_space<vmem>>, vector<128x128xf32>
    %slice3A = vector.extract_strided_slice %get3A_1 {offsets = [0, 0], sizes = [128, 1], strides = [1, 1]} : vector<128x128xf32> to vector<128x1xf32>
    %get3A_2 = arith.constant 0 : index
    %get3A_3 = arith.constant 0 : index
    %get3A_4 = vector.load %arg1[%get3A_2, %get3A_3] : memref<2048x128xf32, #tpu.memory_space<vmem>>, vector<2048x1xf32>
    %broadcast_in_dim3A = vector.shape_cast %slice3A : vector<128x1xf32> to vector<128x1x1xf32>
    %broadcast_in_dim3A_5 = vector.shape_cast %broadcast_in_dim3A : vector<128x1x1xf32> to vector<128x1x1xf32>
    %broadcast_in_dim3A_6 = vector.broadcast %broadcast_in_dim3A_5 : vector<128x1x1xf32> to vector<128x16x1xf32>
    %reshape3A = vector.shape_cast %get3A_4 : vector<2048x1xf32> to vector<128x16x1xf32>
    %sub3A = arith.subf %reshape3A, %broadcast_in_dim3A_6 : vector<128x16x1xf32>
    %reshape3A_7 = vector.shape_cast %sub3A : vector<128x16x1xf32> to vector<2048x1xf32>
    %reshape3A_8 = vector.shape_cast %broadcast_in_dim3A_6 : vector<128x16x1xf32> to vector<2048x1xf32>
    %concatenate3A = tpu.concatenate %reshape3A_7, %reshape3A_8 in 1 : vector<2048x1xf32>, vector<2048x1xf32> -> vector<2048x2xf32>
    %get3A_9 = arith.constant 0 : index
    %get3A_10 = arith.constant 0 : index
    %get3A_11 = vector.load %arg3[%get3A_9, %get3A_10] : memref<2x32xf32, #tpu.memory_space<vmem>>, vector<2x32xf32>
    %dot_general3A = arith.constant dense<0.000000e+00> : vector<2048x32xf32>
    %dot_general3A_12 = tpu.matmul %concatenate3A, %get3A_11, %dot_general3A {dimension_numbers = #tpu.dot_dimension_numbers<[1], [0], [0], [1], [0, 0, 1, 1], [], []>, transpose_lhs_hint = false} : vector<2048x2xf32>, vector<2x32xf32>, vector<2048x32xf32> -> vector<2048x32xf32>
    %slice3A_13 = vector.extract_strided_slice %get3A_1 {offsets = [0, 1], sizes = [128, 1], strides = [1, 1]} : vector<128x128xf32> to vector<128x1xf32>
    %get3A_14 = arith.constant 0 : index
    %get3A_15 = arith.constant 1 : index
    %get3A_16 = vector.load %arg1[%get3A_14, %get3A_15] : memref<2048x128xf32, #tpu.memory_space<vmem>>, vector<2048x1xf32>
    %broadcast_in_dim3A_17 = vector.shape_cast %slice3A_13 : vector<128x1xf32> to vector<128x1x1xf32>
    %broadcast_in_dim3A_18 = vector.shape_cast %broadcast_in_dim3A_17 : vector<128x1x1xf32> to vector<128x1x1xf32>
    %broadcast_in_dim3A_19 = vector.broadcast %broadcast_in_dim3A_18 : vector<128x1x1xf32> to vector<128x16x1xf32>
    %reshape3A_20 = vector.shape_cast %get3A_16 : vector<2048x1xf32> to vector<128x16x1xf32>
    %sub3A_21 = arith.subf %reshape3A_20, %broadcast_in_dim3A_19 : vector<128x16x1xf32>
    %reshape3A_22 = vector.shape_cast %sub3A_21 : vector<128x16x1xf32> to vector<2048x1xf32>
    %reshape3A_23 = vector.shape_cast %broadcast_in_dim3A_19 : vector<128x16x1xf32> to vector<2048x1xf32>
    %concatenate3A_24 = tpu.concatenate %reshape3A_22, %reshape3A_23 in 1 : vector<2048x1xf32>, vector<2048x1xf32> -> vector<2048x2xf32>
    %get3A_25 = arith.constant 0 : index
    %get3A_26 = arith.constant 0 : index
    %get3A_27 = vector.load %arg3[%get3A_25, %get3A_26] : memref<2x32xf32, #tpu.memory_space<vmem>>, vector<2x32xf32>
    %dot_general3A_28 = arith.constant dense<0.000000e+00> : vector<2048x32xf32>
    %dot_general3A_29 = tpu.matmul %concatenate3A_24, %get3A_27, %dot_general3A_28 {dimension_numbers = #tpu.dot_dimension_numbers<[1], [0], [0], [1], [0, 0, 1, 1], [], []>, transpose_lhs_hint = false} : vector<2048x2xf32>, vector<2x32xf32>, vector<2048x32xf32> -> vector<2048x32xf32>
    %slice3A_30 = vector.extract_strided_slice %get3A_1 {offsets = [0, 2], sizes = [128, 1], strides = [1, 1]} : vector<128x128xf32> to vector<128x1xf32>
    %get3A_31 = arith.constant 0 : index
    %get3A_32 = arith.constant 2 : index
    %get3A_33 = vector.load %arg1[%get3A_31, %get3A_32] : memref<2048x128xf32, #tpu.memory_space<vmem>>, vector<2048x1xf32>
    %broadcast_in_dim3A_34 = vector.shape_cast %slice3A_30 : vector<128x1xf32> to vector<128x1x1xf32>
    %broadcast_in_dim3A_35 = vector.shape_cast %broadcast_in_dim3A_34 : vector<128x1x1xf32> to vector<128x1x1xf32>
    %broadcast_in_dim3A_36 = vector.broadcast %broadcast_in_dim3A_35 : vector<128x1x1xf32> to vector<128x16x1xf32>
    %reshape3A_37 = vector.shape_cast %get3A_33 : vector<2048x1xf32> to vector<128x16x1xf32>
    %sub3A_38 = arith.subf %reshape3A_37, %broadcast_in_dim3A_36 : vector<128x16x1xf32>
    %reshape3A_39 = vector.shape_cast %sub3A_38 : vector<128x16x1xf32> to vector<2048x1xf32>
    %reshape3A_40 = vector.shape_cast %broadcast_in_dim3A_36 : vector<128x16x1xf32> to vector<2048x1xf32>
    %concatenate3A_41 = tpu.concatenate %reshape3A_39, %reshape3A_40 in 1 : vector<2048x1xf32>, vector<2048x1xf32> -> vector<2048x2xf32>
    %get3A_42 = arith.constant 0 : index
    %get3A_43 = arith.constant 0 : index
    %get3A_44 = vector.load %arg3[%get3A_42, %get3A_43] : memref<2x32xf32, #tpu.memory_space<vmem>>, vector<2x32xf32>
    %dot_general3A_45 = arith.constant dense<0.000000e+00> : vector<2048x32xf32>
    %dot_general3A_46 = tpu.matmul %concatenate3A_41, %get3A_44, %dot_general3A_45 {dimension_numbers = #tpu.dot_dimension_numbers<[1], [0], [0], [1], [0, 0, 1, 1], [], []>, transpose_lhs_hint = false} : vector<2048x2xf32>, vector<2x32xf32>, vector<2048x32xf32> -> vector<2048x32xf32>
    %get3A_47 = arith.constant 0 : index
    %get3A_48 = arith.constant 0 : index
    %get3A_49 = vector.load %arg4[%get3A_47, %get3A_48] : memref<32x32xf32, #tpu.memory_space<vmem>>, vector<32x32xf32>
    %dot_general3A_50 = arith.constant dense<0.000000e+00> : vector<2048x32xf32>
    %dot_general3A_51 = tpu.matmul %dot_general3A_12, %get3A_49, %dot_general3A_50 {dimension_numbers = #tpu.dot_dimension_numbers<[1], [0], [0], [1], [0, 0, 1, 1], [], []>, transpose_lhs_hint = false} : vector<2048x32xf32>, vector<32x32xf32>, vector<2048x32xf32> -> vector<2048x32xf32>
    %get3A_52 = arith.constant 0 : index
    %get3A_53 = arith.constant 0 : index
    %get3A_54 = vector.load %arg4[%get3A_52, %get3A_53] : memref<32x32xf32, #tpu.memory_space<vmem>>, vector<32x32xf32>
    %dot_general3A_55 = arith.constant dense<0.000000e+00> : vector<2048x32xf32>
    %dot_general3A_56 = tpu.matmul %dot_general3A_29, %get3A_54, %dot_general3A_55 {dimension_numbers = #tpu.dot_dimension_numbers<[1], [0], [0], [1], [0, 0, 1, 1], [], []>, transpose_lhs_hint = false} : vector<2048x32xf32>, vector<32x32xf32>, vector<2048x32xf32> -> vector<2048x32xf32>
    %get3A_57 = arith.constant 0 : index
    %get3A_58 = arith.constant 0 : index
    %get3A_59 = vector.load %arg4[%get3A_57, %get3A_58] : memref<32x32xf32, #tpu.memory_space<vmem>>, vector<32x32xf32>
    %dot_general3A_60 = arith.constant dense<0.000000e+00> : vector<2048x32xf32>
    %dot_general3A_61 = tpu.matmul %dot_general3A_46, %get3A_59, %dot_general3A_60 {dimension_numbers = #tpu.dot_dimension_numbers<[1], [0], [0], [1], [0, 0, 1, 1], [], []>, transpose_lhs_hint = false} : vector<2048x32xf32>, vector<32x32xf32>, vector<2048x32xf32> -> vector<2048x32xf32>
    %mul3A = arith.mulf %dot_general3A_51, %dot_general3A_51 : vector<2048x32xf32>
    %mul3A_62 = arith.mulf %dot_general3A_56, %dot_general3A_56 : vector<2048x32xf32>
    %add3A = arith.addf %mul3A, %mul3A_62 : vector<2048x32xf32>
    %mul3A_63 = arith.mulf %dot_general3A_61, %dot_general3A_61 : vector<2048x32xf32>
    %add3A_64 = arith.addf %add3A, %mul3A_63 : vector<2048x32xf32>
    %sqrt3A = math.sqrt %add3A_64 : vector<2048x32xf32>
    %add3A_65 = arith.constant 9.99999997E-7 : f32
    %add3A_66 = vector.broadcast %add3A_65 : f32 to vector<2048x32xf32>
    %add3A_67 = arith.addf %sqrt3A, %add3A_66 : vector<2048x32xf32>
    %div3A = arith.divf %dot_general3A_51, %add3A_67 : vector<2048x32xf32>
    %div3A_68 = arith.divf %dot_general3A_56, %add3A_67 : vector<2048x32xf32>
    %div3A_69 = arith.divf %dot_general3A_61, %add3A_67 : vector<2048x32xf32>
    %mul3A_70 = arith.mulf %dot_general3A_12, %div3A : vector<2048x32xf32>
    %mul3A_71 = arith.mulf %dot_general3A_29, %div3A_68 : vector<2048x32xf32>
    %add3A_72 = arith.addf %mul3A_70, %mul3A_71 : vector<2048x32xf32>
    %mul3A_73 = arith.mulf %dot_general3A_46, %div3A_69 : vector<2048x32xf32>
    %add3A_74 = arith.addf %add3A_72, %mul3A_73 : vector<2048x32xf32>
    %ge3A = arith.constant 0.000000e+00 : f32
    %ge3A_75 = vector.broadcast %ge3A : f32 to vector<2048x32xf32>
    %ge3A_76 = arith.cmpf oge, %add3A_74, %ge3A_75 : vector<2048x32xf32>
    %mul3A_77 = arith.constant 2.000000e-01 : f32
    %mul3A_78 = vector.broadcast %mul3A_77 : f32 to vector<2048x32xf32>
    %mul3A_79 = arith.mulf %mul3A_78, %add3A_74 : vector<2048x32xf32>
    %select_n3A = arith.select %ge3A_76, %add3A_74, %mul3A_79 : vector<2048x32xi1>, vector<2048x32xf32>
    %sub3A_80 = arith.subf %select_n3A, %add3A_74 : vector<2048x32xf32>
    %mul3A_81 = arith.mulf %sub3A_80, %div3A : vector<2048x32xf32>
    %add3A_82 = arith.addf %dot_general3A_12, %mul3A_81 : vector<2048x32xf32>
    %reshape3A_83 = vector.shape_cast %add3A_82 : vector<2048x32xf32> to vector<128x16x32xf32>
    %slice3A_84 = vector.extract_strided_slice %reshape3A_83 {offsets = [0, 0, 0], sizes = [128, 1, 32], strides = [1, 1, 1]} : vector<128x16x32xf32> to vector<128x1x32xf32>
    %squeeze3A = vector.shape_cast %slice3A_84 : vector<128x1x32xf32> to vector<128x32xf32>
    %slice3A_85 = vector.extract_strided_slice %reshape3A_83 {offsets = [0, 1, 0], sizes = [128, 1, 32], strides = [1, 1, 1]} : vector<128x16x32xf32> to vector<128x1x32xf32>
    %squeeze3A_86 = vector.shape_cast %slice3A_85 : vector<128x1x32xf32> to vector<128x32xf32>
    %add3A_87 = arith.addf %squeeze3A, %squeeze3A_86 : vector<128x32xf32>
    %slice3A_88 = vector.extract_strided_slice %reshape3A_83 {offsets = [0, 2, 0], sizes = [128, 1, 32], strides = [1, 1, 1]} : vector<128x16x32xf32> to vector<128x1x32xf32>
    %squeeze3A_89 = vector.shape_cast %slice3A_88 : vector<128x1x32xf32> to vector<128x32xf32>
    %add3A_90 = arith.addf %add3A_87, %squeeze3A_89 : vector<128x32xf32>
    %slice3A_91 = vector.extract_strided_slice %reshape3A_83 {offsets = [0, 3, 0], sizes = [128, 1, 32], strides = [1, 1, 1]} : vector<128x16x32xf32> to vector<128x1x32xf32>
    %squeeze3A_92 = vector.shape_cast %slice3A_91 : vector<128x1x32xf32> to vector<128x32xf32>
    %add3A_93 = arith.addf %add3A_90, %squeeze3A_92 : vector<128x32xf32>
    %slice3A_94 = vector.extract_strided_slice %reshape3A_83 {offsets = [0, 4, 0], sizes = [128, 1, 32], strides = [1, 1, 1]} : vector<128x16x32xf32> to vector<128x1x32xf32>
    %squeeze3A_95 = vector.shape_cast %slice3A_94 : vector<128x1x32xf32> to vector<128x32xf32>
    %add3A_96 = arith.addf %add3A_93, %squeeze3A_95 : vector<128x32xf32>
    %slice3A_97 = vector.extract_strided_slice %reshape3A_83 {offsets = [0, 5, 0], sizes = [128, 1, 32], strides = [1, 1, 1]} : vector<128x16x32xf32> to vector<128x1x32xf32>
    %squeeze3A_98 = vector.shape_cast %slice3A_97 : vector<128x1x32xf32> to vector<128x32xf32>
    %add3A_99 = arith.addf %add3A_96, %squeeze3A_98 : vector<128x32xf32>
    %slice3A_100 = vector.extract_strided_slice %reshape3A_83 {offsets = [0, 6, 0], sizes = [128, 1, 32], strides = [1, 1, 1]} : vector<128x16x32xf32> to vector<128x1x32xf32>
    %squeeze3A_101 = vector.shape_cast %slice3A_100 : vector<128x1x32xf32> to vector<128x32xf32>
    %add3A_102 = arith.addf %add3A_99, %squeeze3A_101 : vector<128x32xf32>
    %slice3A_103 = vector.extract_strided_slice %reshape3A_83 {offsets = [0, 7, 0], sizes = [128, 1, 32], strides = [1, 1, 1]} : vector<128x16x32xf32> to vector<128x1x32xf32>
    %squeeze3A_104 = vector.shape_cast %slice3A_103 : vector<128x1x32xf32> to vector<128x32xf32>
    %add3A_105 = arith.addf %add3A_102, %squeeze3A_104 : vector<128x32xf32>
    %slice3A_106 = vector.extract_strided_slice %reshape3A_83 {offsets = [0, 8, 0], sizes = [128, 1, 32], strides = [1, 1, 1]} : vector<128x16x32xf32> to vector<128x1x32xf32>
    %squeeze3A_107 = vector.shape_cast %slice3A_106 : vector<128x1x32xf32> to vector<128x32xf32>
    %add3A_108 = arith.addf %add3A_105, %squeeze3A_107 : vector<128x32xf32>
    %slice3A_109 = vector.extract_strided_slice %reshape3A_83 {offsets = [0, 9, 0], sizes = [128, 1, 32], strides = [1, 1, 1]} : vector<128x16x32xf32> to vector<128x1x32xf32>
    %squeeze3A_110 = vector.shape_cast %slice3A_109 : vector<128x1x32xf32> to vector<128x32xf32>
    %add3A_111 = arith.addf %add3A_108, %squeeze3A_110 : vector<128x32xf32>
    %slice3A_112 = vector.extract_strided_slice %reshape3A_83 {offsets = [0, 10, 0], sizes = [128, 1, 32], strides = [1, 1, 1]} : vector<128x16x32xf32> to vector<128x1x32xf32>
    %squeeze3A_113 = vector.shape_cast %slice3A_112 : vector<128x1x32xf32> to vector<128x32xf32>
    %add3A_114 = arith.addf %add3A_111, %squeeze3A_113 : vector<128x32xf32>
    %slice3A_115 = vector.extract_strided_slice %reshape3A_83 {offsets = [0, 11, 0], sizes = [128, 1, 32], strides = [1, 1, 1]} : vector<128x16x32xf32> to vector<128x1x32xf32>
    %squeeze3A_116 = vector.shape_cast %slice3A_115 : vector<128x1x32xf32> to vector<128x32xf32>
    %add3A_117 = arith.addf %add3A_114, %squeeze3A_116 : vector<128x32xf32>
    %slice3A_118 = vector.extract_strided_slice %reshape3A_83 {offsets = [0, 12, 0], sizes = [128, 1, 32], strides = [1, 1, 1]} : vector<128x16x32xf32> to vector<128x1x32xf32>
    %squeeze3A_119 = vector.shape_cast %slice3A_118 : vector<128x1x32xf32> to vector<128x32xf32>
    %add3A_120 = arith.addf %add3A_117, %squeeze3A_119 : vector<128x32xf32>
    %slice3A_121 = vector.extract_strided_slice %reshape3A_83 {offsets = [0, 13, 0], sizes = [128, 1, 32], strides = [1, 1, 1]} : vector<128x16x32xf32> to vector<128x1x32xf32>
    %squeeze3A_122 = vector.shape_cast %slice3A_121 : vector<128x1x32xf32> to vector<128x32xf32>
    %add3A_123 = arith.addf %add3A_120, %squeeze3A_122 : vector<128x32xf32>
    %slice3A_124 = vector.extract_strided_slice %reshape3A_83 {offsets = [0, 14, 0], sizes = [128, 1, 32], strides = [1, 1, 1]} : vector<128x16x32xf32> to vector<128x1x32xf32>
    %squeeze3A_125 = vector.shape_cast %slice3A_124 : vector<128x1x32xf32> to vector<128x32xf32>
    %add3A_126 = arith.addf %add3A_123, %squeeze3A_125 : vector<128x32xf32>
    %slice3A_127 = vector.extract_strided_slice %reshape3A_83 {offsets = [0, 15, 0], sizes = [128, 1, 32], strides = [1, 1, 1]} : vector<128x16x32xf32> to vector<128x1x32xf32>
    %squeeze3A_128 = vector.shape_cast %slice3A_127 : vector<128x1x32xf32> to vector<128x32xf32>
    %add3A_129 = arith.addf %add3A_126, %squeeze3A_128 : vector<128x32xf32>
    %mul3A_130 = arith.constant 6.250000e-02 : f32
    %mul3A_131 = vector.broadcast %mul3A_130 : f32 to vector<128x32xf32>
    %mul3A_132 = arith.mulf %add3A_129, %mul3A_131 : vector<128x32xf32>
    %swap3A = arith.constant 0 : index
    %swap3A_133 = arith.constant 0 : index
    %swap3A_134 = vector.load %arg5[%swap3A, %swap3A_133] : memref<128x128xf32, #tpu.memory_space<vmem>>, vector<128x32xf32>
    tpu.vector_store %arg5[%swap3A, %swap3A_133], %mul3A_132 {strides = array<i32>} : memref<128x128xf32, #tpu.memory_space<vmem>>, vector<128x32xf32>,
    %mul3A_135 = arith.mulf %sub3A_80, %div3A_68 : vector<2048x32xf32>
    %add3A_136 = arith.addf %dot_general3A_29, %mul3A_135 : vector<2048x32xf32>
    %reshape3A_137 = vector.shape_cast %add3A_136 : vector<2048x32xf32> to vector<128x16x32xf32>
    %slice3A_138 = vector.extract_strided_slice %reshape3A_137 {offsets = [0, 0, 0], sizes = [128, 1, 32], strides = [1, 1, 1]} : vector<128x16x32xf32> to vector<128x1x32xf32>
    %squeeze3A_139 = vector.shape_cast %slice3A_138 : vector<128x1x32xf32> to vector<128x32xf32>
    %slice3A_140 = vector.extract_strided_slice %reshape3A_137 {offsets = [0, 1, 0], sizes = [128, 1, 32], strides = [1, 1, 1]} : vector<128x16x32xf32> to vector<128x1x32xf32>
    %squeeze3A_141 = vector.shape_cast %slice3A_140 : vector<128x1x32xf32> to vector<128x32xf32>
    %add3A_142 = arith.addf %squeeze3A_139, %squeeze3A_141 : vector<128x32xf32>
    %slice3A_143 = vector.extract_strided_slice %reshape3A_137 {offsets = [0, 2, 0], sizes = [128, 1, 32], strides = [1, 1, 1]} : vector<128x16x32xf32> to vector<128x1x32xf32>
    %squeeze3A_144 = vector.shape_cast %slice3A_143 : vector<128x1x32xf32> to vector<128x32xf32>
    %add3A_145 = arith.addf %add3A_142, %squeeze3A_144 : vector<128x32xf32>
    %slice3A_146 = vector.extract_strided_slice %reshape3A_137 {offsets = [0, 3, 0], sizes = [128, 1, 32], strides = [1, 1, 1]} : vector<128x16x32xf32> to vector<128x1x32xf32>
    %squeeze3A_147 = vector.shape_cast %slice3A_146 : vector<128x1x32xf32> to vector<128x32xf32>
    %add3A_148 = arith.addf %add3A_145, %squeeze3A_147 : vector<128x32xf32>
    %slice3A_149 = vector.extract_strided_slice %reshape3A_137 {offsets = [0, 4, 0], sizes = [128, 1, 32], strides = [1, 1, 1]} : vector<128x16x32xf32> to vector<128x1x32xf32>
    %squeeze3A_150 = vector.shape_cast %slice3A_149 : vector<128x1x32xf32> to vector<128x32xf32>
    %add3A_151 = arith.addf %add3A_148, %squeeze3A_150 : vector<128x32xf32>
    %slice3A_152 = vector.extract_strided_slice %reshape3A_137 {offsets = [0, 5, 0], sizes = [128, 1, 32], strides = [1, 1, 1]} : vector<128x16x32xf32> to vector<128x1x32xf32>
    %squeeze3A_153 = vector.shape_cast %slice3A_152 : vector<128x1x32xf32> to vector<128x32xf32>
    %add3A_154 = arith.addf %add3A_151, %squeeze3A_153 : vector<128x32xf32>
    %slice3A_155 = vector.extract_strided_slice %reshape3A_137 {offsets = [0, 6, 0], sizes = [128, 1, 32], strides = [1, 1, 1]} : vector<128x16x32xf32> to vector<128x1x32xf32>
    %squeeze3A_156 = vector.shape_cast %slice3A_155 : vector<128x1x32xf32> to vector<128x32xf32>
    %add3A_157 = arith.addf %add3A_154, %squeeze3A_156 : vector<128x32xf32>
    %slice3A_158 = vector.extract_strided_slice %reshape3A_137 {offsets = [0, 7, 0], sizes = [128, 1, 32], strides = [1, 1, 1]} : vector<128x16x32xf32> to vector<128x1x32xf32>
    %squeeze3A_159 = vector.shape_cast %slice3A_158 : vector<128x1x32xf32> to vector<128x32xf32>
    %add3A_160 = arith.addf %add3A_157, %squeeze3A_159 : vector<128x32xf32>
    %slice3A_161 = vector.extract_strided_slice %reshape3A_137 {offsets = [0, 8, 0], sizes = [128, 1, 32], strides = [1, 1, 1]} : vector<128x16x32xf32> to vector<128x1x32xf32>
    %squeeze3A_162 = vector.shape_cast %slice3A_161 : vector<128x1x32xf32> to vector<128x32xf32>
    %add3A_163 = arith.addf %add3A_160, %squeeze3A_162 : vector<128x32xf32>
    %slice3A_164 = vector.extract_strided_slice %reshape3A_137 {offsets = [0, 9, 0], sizes = [128, 1, 32], strides = [1, 1, 1]} : vector<128x16x32xf32> to vector<128x1x32xf32>
    %squeeze3A_165 = vector.shape_cast %slice3A_164 : vector<128x1x32xf32> to vector<128x32xf32>
    %add3A_166 = arith.addf %add3A_163, %squeeze3A_165 : vector<128x32xf32>
    %slice3A_167 = vector.extract_strided_slice %reshape3A_137 {offsets = [0, 10, 0], sizes = [128, 1, 32], strides = [1, 1, 1]} : vector<128x16x32xf32> to vector<128x1x32xf32>
    %squeeze3A_168 = vector.shape_cast %slice3A_167 : vector<128x1x32xf32> to vector<128x32xf32>
    %add3A_169 = arith.addf %add3A_166, %squeeze3A_168 : vector<128x32xf32>
    %slice3A_170 = vector.extract_strided_slice %reshape3A_137 {offsets = [0, 11, 0], sizes = [128, 1, 32], strides = [1, 1, 1]} : vector<128x16x32xf32> to vector<128x1x32xf32>
    %squeeze3A_171 = vector.shape_cast %slice3A_170 : vector<128x1x32xf32> to vector<128x32xf32>
    %add3A_172 = arith.addf %add3A_169, %squeeze3A_171 : vector<128x32xf32>
    %slice3A_173 = vector.extract_strided_slice %reshape3A_137 {offsets = [0, 12, 0], sizes = [128, 1, 32], strides = [1, 1, 1]} : vector<128x16x32xf32> to vector<128x1x32xf32>
    %squeeze3A_174 = vector.shape_cast %slice3A_173 : vector<128x1x32xf32> to vector<128x32xf32>
    %add3A_175 = arith.addf %add3A_172, %squeeze3A_174 : vector<128x32xf32>
    %slice3A_176 = vector.extract_strided_slice %reshape3A_137 {offsets = [0, 13, 0], sizes = [128, 1, 32], strides = [1, 1, 1]} : vector<128x16x32xf32> to vector<128x1x32xf32>
    %squeeze3A_177 = vector.shape_cast %slice3A_176 : vector<128x1x32xf32> to vector<128x32xf32>
    %add3A_178 = arith.addf %add3A_175, %squeeze3A_177 : vector<128x32xf32>
    %slice3A_179 = vector.extract_strided_slice %reshape3A_137 {offsets = [0, 14, 0], sizes = [128, 1, 32], strides = [1, 1, 1]} : vector<128x16x32xf32> to vector<128x1x32xf32>
    %squeeze3A_180 = vector.shape_cast %slice3A_179 : vector<128x1x32xf32> to vector<128x32xf32>
    %add3A_181 = arith.addf %add3A_178, %squeeze3A_180 : vector<128x32xf32>
    %slice3A_182 = vector.extract_strided_slice %reshape3A_137 {offsets = [0, 15, 0], sizes = [128, 1, 32], strides = [1, 1, 1]} : vector<128x16x32xf32> to vector<128x1x32xf32>
    %squeeze3A_183 = vector.shape_cast %slice3A_182 : vector<128x1x32xf32> to vector<128x32xf32>
    %add3A_184 = arith.addf %add3A_181, %squeeze3A_183 : vector<128x32xf32>
    %mul3A_185 = arith.constant 6.250000e-02 : f32
    %mul3A_186 = vector.broadcast %mul3A_185 : f32 to vector<128x32xf32>
    %mul3A_187 = arith.mulf %add3A_184, %mul3A_186 : vector<128x32xf32>
    %swap3A_188 = arith.constant 0 : index
    %swap3A_189 = arith.constant 32 : index
    %swap3A_190 = vector.load %arg5[%swap3A_188, %swap3A_189] : memref<128x128xf32, #tpu.memory_space<vmem>>, vector<128x32xf32>
    tpu.vector_store %arg5[%swap3A_188, %swap3A_189], %mul3A_187 {strides = array<i32>} : memref<128x128xf32, #tpu.memory_space<vmem>>, vector<128x32xf32>,
    %mul3A_191 = arith.mulf %sub3A_80, %div3A_69 : vector<2048x32xf32>
    %add3A_192 = arith.addf %dot_general3A_46, %mul3A_191 : vector<2048x32xf32>
    %reshape3A_193 = vector.shape_cast %add3A_192 : vector<2048x32xf32> to vector<128x16x32xf32>
    %slice3A_194 = vector.extract_strided_slice %reshape3A_193 {offsets = [0, 0, 0], sizes = [128, 1, 32], strides = [1, 1, 1]} : vector<128x16x32xf32> to vector<128x1x32xf32>
    %squeeze3A_195 = vector.shape_cast %slice3A_194 : vector<128x1x32xf32> to vector<128x32xf32>
    %slice3A_196 = vector.extract_strided_slice %reshape3A_193 {offsets = [0, 1, 0], sizes = [128, 1, 32], strides = [1, 1, 1]} : vector<128x16x32xf32> to vector<128x1x32xf32>
    %squeeze3A_197 = vector.shape_cast %slice3A_196 : vector<128x1x32xf32> to vector<128x32xf32>
    %add3A_198 = arith.addf %squeeze3A_195, %squeeze3A_197 : vector<128x32xf32>
    %slice3A_199 = vector.extract_strided_slice %reshape3A_193 {offsets = [0, 2, 0], sizes = [128, 1, 32], strides = [1, 1, 1]} : vector<128x16x32xf32> to vector<128x1x32xf32>
    %squeeze3A_200 = vector.shape_cast %slice3A_199 : vector<128x1x32xf32> to vector<128x32xf32>
    %add3A_201 = arith.addf %add3A_198, %squeeze3A_200 : vector<128x32xf32>
    %slice3A_202 = vector.extract_strided_slice %reshape3A_193 {offsets = [0, 3, 0], sizes = [128, 1, 32], strides = [1, 1, 1]} : vector<128x16x32xf32> to vector<128x1x32xf32>
    %squeeze3A_203 = vector.shape_cast %slice3A_202 : vector<128x1x32xf32> to vector<128x32xf32>
    %add3A_204 = arith.addf %add3A_201, %squeeze3A_203 : vector<128x32xf32>
    %slice3A_205 = vector.extract_strided_slice %reshape3A_193 {offsets = [0, 4, 0], sizes = [128, 1, 32], strides = [1, 1, 1]} : vector<128x16x32xf32> to vector<128x1x32xf32>
    %squeeze3A_206 = vector.shape_cast %slice3A_205 : vector<128x1x32xf32> to vector<128x32xf32>
    %add3A_207 = arith.addf %add3A_204, %squeeze3A_206 : vector<128x32xf32>
    %slice3A_208 = vector.extract_strided_slice %reshape3A_193 {offsets = [0, 5, 0], sizes = [128, 1, 32], strides = [1, 1, 1]} : vector<128x16x32xf32> to vector<128x1x32xf32>
    %squeeze3A_209 = vector.shape_cast %slice3A_208 : vector<128x1x32xf32> to vector<128x32xf32>
    %add3A_210 = arith.addf %add3A_207, %squeeze3A_209 : vector<128x32xf32>
    %slice3A_211 = vector.extract_strided_slice %reshape3A_193 {offsets = [0, 6, 0], sizes = [128, 1, 32], strides = [1, 1, 1]} : vector<128x16x32xf32> to vector<128x1x32xf32>
    %squeeze3A_212 = vector.shape_cast %slice3A_211 : vector<128x1x32xf32> to vector<128x32xf32>
    %add3A_213 = arith.addf %add3A_210, %squeeze3A_212 : vector<128x32xf32>
    %slice3A_214 = vector.extract_strided_slice %reshape3A_193 {offsets = [0, 7, 0], sizes = [128, 1, 32], strides = [1, 1, 1]} : vector<128x16x32xf32> to vector<128x1x32xf32>
    %squeeze3A_215 = vector.shape_cast %slice3A_214 : vector<128x1x32xf32> to vector<128x32xf32>
    %add3A_216 = arith.addf %add3A_213, %squeeze3A_215 : vector<128x32xf32>
    %slice3A_217 = vector.extract_strided_slice %reshape3A_193 {offsets = [0, 8, 0], sizes = [128, 1, 32], strides = [1, 1, 1]} : vector<128x16x32xf32> to vector<128x1x32xf32>
    %squeeze3A_218 = vector.shape_cast %slice3A_217 : vector<128x1x32xf32> to vector<128x32xf32>
    %add3A_219 = arith.addf %add3A_216, %squeeze3A_218 : vector<128x32xf32>
    %slice3A_220 = vector.extract_strided_slice %reshape3A_193 {offsets = [0, 9, 0], sizes = [128, 1, 32], strides = [1, 1, 1]} : vector<128x16x32xf32> to vector<128x1x32xf32>
    %squeeze3A_221 = vector.shape_cast %slice3A_220 : vector<128x1x32xf32> to vector<128x32xf32>
    %add3A_222 = arith.addf %add3A_219, %squeeze3A_221 : vector<128x32xf32>
    %slice3A_223 = vector.extract_strided_slice %reshape3A_193 {offsets = [0, 10, 0], sizes = [128, 1, 32], strides = [1, 1, 1]} : vector<128x16x32xf32> to vector<128x1x32xf32>
    %squeeze3A_224 = vector.shape_cast %slice3A_223 : vector<128x1x32xf32> to vector<128x32xf32>
    %add3A_225 = arith.addf %add3A_222, %squeeze3A_224 : vector<128x32xf32>
    %slice3A_226 = vector.extract_strided_slice %reshape3A_193 {offsets = [0, 11, 0], sizes = [128, 1, 32], strides = [1, 1, 1]} : vector<128x16x32xf32> to vector<128x1x32xf32>
    %squeeze3A_227 = vector.shape_cast %slice3A_226 : vector<128x1x32xf32> to vector<128x32xf32>
    %add3A_228 = arith.addf %add3A_225, %squeeze3A_227 : vector<128x32xf32>
    %slice3A_229 = vector.extract_strided_slice %reshape3A_193 {offsets = [0, 12, 0], sizes = [128, 1, 32], strides = [1, 1, 1]} : vector<128x16x32xf32> to vector<128x1x32xf32>
    %squeeze3A_230 = vector.shape_cast %slice3A_229 : vector<128x1x32xf32> to vector<128x32xf32>
    %add3A_231 = arith.addf %add3A_228, %squeeze3A_230 : vector<128x32xf32>
    %slice3A_232 = vector.extract_strided_slice %reshape3A_193 {offsets = [0, 13, 0], sizes = [128, 1, 32], strides = [1, 1, 1]} : vector<128x16x32xf32> to vector<128x1x32xf32>
    %squeeze3A_233 = vector.shape_cast %slice3A_232 : vector<128x1x32xf32> to vector<128x32xf32>
    %add3A_234 = arith.addf %add3A_231, %squeeze3A_233 : vector<128x32xf32>
    %slice3A_235 = vector.extract_strided_slice %reshape3A_193 {offsets = [0, 14, 0], sizes = [128, 1, 32], strides = [1, 1, 1]} : vector<128x16x32xf32> to vector<128x1x32xf32>
    %squeeze3A_236 = vector.shape_cast %slice3A_235 : vector<128x1x32xf32> to vector<128x32xf32>
    %add3A_237 = arith.addf %add3A_234, %squeeze3A_236 : vector<128x32xf32>
    %slice3A_238 = vector.extract_strided_slice %reshape3A_193 {offsets = [0, 15, 0], sizes = [128, 1, 32], strides = [1, 1, 1]} : vector<128x16x32xf32> to vector<128x1x32xf32>
    %squeeze3A_239 = vector.shape_cast %slice3A_238 : vector<128x1x32xf32> to vector<128x32xf32>
    %add3A_240 = arith.addf %add3A_237, %squeeze3A_239 : vector<128x32xf32>
    %mul3A_241 = arith.constant 6.250000e-02 : f32
    %mul3A_242 = vector.broadcast %mul3A_241 : f32 to vector<128x32xf32>
    %mul3A_243 = arith.mulf %add3A_240, %mul3A_242 : vector<128x32xf32>
    %swap3A_244 = arith.constant 0 : index
    %swap3A_245 = arith.constant 64 : index
    %swap3A_246 = vector.load %arg5[%swap3A_244, %swap3A_245] : memref<128x128xf32, #tpu.memory_space<vmem>>, vector<128x32xf32>
    tpu.vector_store %arg5[%swap3A_244, %swap3A_245], %mul3A_243 {strides = array<i32>} : memref<128x128xf32, #tpu.memory_space<vmem>>, vector<128x32xf32>,
    %broadcast_in_dim3A_247 = arith.constant 0.000000e+00 : f32
    %broadcast_in_dim3A_248 = vector.broadcast %broadcast_in_dim3A_247 : f32 to vector<128x32xf32>
    %swap3A_249 = arith.constant 0 : index
    %swap3A_250 = arith.constant 96 : index
    %swap3A_251 = vector.load %arg5[%swap3A_249, %swap3A_250] : memref<128x128xf32, #tpu.memory_space<vmem>>, vector<128x32xf32>
    tpu.vector_store %arg5[%swap3A_249, %swap3A_250], %broadcast_in_dim3A_248 {strides = array<i32>} : memref<128x128xf32, #tpu.memory_space<vmem>>, vector<128x32xf32>,
    return
  }
  func.func @transform_0(%arg0: i32) -> (i32, i32) {
    %c0_i32 = arith.constant 0 : i32
    %c0_i32_0 = arith.constant 0 : i32
    return %arg0, %c0_i32 : i32, i32
  }
  func.func @transform_1(%arg0: i32) -> (i32, i32) {
    %c0_i32 = arith.constant 0 : i32
    %c0_i32_0 = arith.constant 0 : i32
    return %arg0, %c0_i32 : i32, i32
  }
  func.func @transform_2(%arg0: i32) -> (i32, i32) {
    %c0_i32 = arith.constant 0 : i32
    %c0_i32_0 = arith.constant 0 : i32
    %c0_i32_1 = arith.constant 0 : i32
    return %c0_i32, %c0_i32_0 : i32, i32
  }
  func.func @transform_3(%arg0: i32) -> (i32, i32) {
    %c0_i32 = arith.constant 0 : i32
    %c0_i32_0 = arith.constant 0 : i32
    %c0_i32_1 = arith.constant 0 : i32
    return %c0_i32, %c0_i32_0 : i32, i32
  }
  func.func @transform_4(%arg0: i32) -> (i32, i32) {
    %c0_i32 = arith.constant 0 : i32
    %c0_i32_0 = arith.constant 0 : i32
    return %arg0, %c0_i32 : i32, i32
  }
}

module attributes {stable_mosaic.version = 14 : i64} {
  func.func @body(%arg0: i32, %arg1: memref<2048x128xf32, #tpu.memory_space<vmem>>, %arg2: memref<128x128xf32, #tpu.memory_space<vmem>>, %arg3: memref<64x64xf32, #tpu.memory_space<vmem>>, %arg4: memref<64x64xf32, #tpu.memory_space<vmem>>, %arg5: memref<128x256xf32, #tpu.memory_space<vmem>>) attributes {dimension_semantics = [#tpu.dimension_semantics<arbitrary>], iteration_bounds = array<i64: 32>, scalar_prefetch = 0 : i64, scratch_operands = 0 : i64, tpu.core_type = #tpu.core_type<tc>, window_params = [{transform_indices = @transform_0, window_bounds = array<i64: 2048, 128>}, {transform_indices = @transform_1, window_bounds = array<i64: 128, 128>}, {pipeline_mode = #tpu.pipeline_mode<synchronous>, transform_indices = @transform_2, window_bounds = array<i64: 64, 64>}, {pipeline_mode = #tpu.pipeline_mode<synchronous>, transform_indices = @transform_3, window_bounds = array<i64: 64, 64>}, {transform_indices = @transform_4, window_bounds = array<i64: 128, 256>}]} {
    %get3A = arith.constant 0 : index
    %get3A_0 = arith.constant 0 : index
    %get3A_1 = vector.load %arg2[%get3A, %get3A_0] : memref<128x128xf32, #tpu.memory_space<vmem>>, vector<128x128xf32>
    %slice3A = vector.extract_strided_slice %get3A_1 {offsets = [0, 0], sizes = [128, 32], strides = [1, 1]} : vector<128x128xf32> to vector<128x32xf32>
    %get3A_2 = arith.constant 0 : index
    %get3A_3 = arith.constant 0 : index
    %get3A_4 = vector.load %arg1[%get3A_2, %get3A_3] : memref<2048x128xf32, #tpu.memory_space<vmem>>, vector<2048x32xf32>
    %broadcast_in_dim3A = vector.shape_cast %slice3A : vector<128x32xf32> to vector<128x1x32xf32>
    %broadcast_in_dim3A_5 = vector.shape_cast %broadcast_in_dim3A : vector<128x1x32xf32> to vector<128x1x32xf32>
    %broadcast_in_dim3A_6 = vector.broadcast %broadcast_in_dim3A_5 : vector<128x1x32xf32> to vector<128x16x32xf32>
    %reshape3A = vector.shape_cast %get3A_4 : vector<2048x32xf32> to vector<128x16x32xf32>
    %sub3A = arith.subf %reshape3A, %broadcast_in_dim3A_6 : vector<128x16x32xf32>
    %reshape3A_7 = vector.shape_cast %sub3A : vector<128x16x32xf32> to vector<2048x32xf32>
    %reshape3A_8 = vector.shape_cast %broadcast_in_dim3A_6 : vector<128x16x32xf32> to vector<2048x32xf32>
    %concatenate3A = tpu.concatenate %reshape3A_7, %reshape3A_8 in 1 : vector<2048x32xf32>, vector<2048x32xf32> -> vector<2048x64xf32>
    %get3A_9 = arith.constant 0 : index
    %get3A_10 = arith.constant 0 : index
    %get3A_11 = vector.load %arg3[%get3A_9, %get3A_10] : memref<64x64xf32, #tpu.memory_space<vmem>>, vector<64x64xf32>
    %dot_general3A = arith.constant dense<0.000000e+00> : vector<2048x64xf32>
    %dot_general3A_12 = tpu.matmul %concatenate3A, %get3A_11, %dot_general3A {dimension_numbers = #tpu.dot_dimension_numbers<[1], [0], [0], [1], [0, 0, 1, 1], [], []>, transpose_lhs_hint = false} : vector<2048x64xf32>, vector<64x64xf32>, vector<2048x64xf32> -> vector<2048x64xf32>
    %slice3A_13 = vector.extract_strided_slice %get3A_1 {offsets = [0, 32], sizes = [128, 32], strides = [1, 1]} : vector<128x128xf32> to vector<128x32xf32>
    %get3A_14 = arith.constant 0 : index
    %get3A_15 = arith.constant 32 : index
    %get3A_16 = vector.load %arg1[%get3A_14, %get3A_15] : memref<2048x128xf32, #tpu.memory_space<vmem>>, vector<2048x32xf32>
    %broadcast_in_dim3A_17 = vector.shape_cast %slice3A_13 : vector<128x32xf32> to vector<128x1x32xf32>
    %broadcast_in_dim3A_18 = vector.shape_cast %broadcast_in_dim3A_17 : vector<128x1x32xf32> to vector<128x1x32xf32>
    %broadcast_in_dim3A_19 = vector.broadcast %broadcast_in_dim3A_18 : vector<128x1x32xf32> to vector<128x16x32xf32>
    %reshape3A_20 = vector.shape_cast %get3A_16 : vector<2048x32xf32> to vector<128x16x32xf32>
    %sub3A_21 = arith.subf %reshape3A_20, %broadcast_in_dim3A_19 : vector<128x16x32xf32>
    %reshape3A_22 = vector.shape_cast %sub3A_21 : vector<128x16x32xf32> to vector<2048x32xf32>
    %reshape3A_23 = vector.shape_cast %broadcast_in_dim3A_19 : vector<128x16x32xf32> to vector<2048x32xf32>
    %concatenate3A_24 = tpu.concatenate %reshape3A_22, %reshape3A_23 in 1 : vector<2048x32xf32>, vector<2048x32xf32> -> vector<2048x64xf32>
    %get3A_25 = arith.constant 0 : index
    %get3A_26 = arith.constant 0 : index
    %get3A_27 = vector.load %arg3[%get3A_25, %get3A_26] : memref<64x64xf32, #tpu.memory_space<vmem>>, vector<64x64xf32>
    %dot_general3A_28 = arith.constant dense<0.000000e+00> : vector<2048x64xf32>
    %dot_general3A_29 = tpu.matmul %concatenate3A_24, %get3A_27, %dot_general3A_28 {dimension_numbers = #tpu.dot_dimension_numbers<[1], [0], [0], [1], [0, 0, 1, 1], [], []>, transpose_lhs_hint = false} : vector<2048x64xf32>, vector<64x64xf32>, vector<2048x64xf32> -> vector<2048x64xf32>
    %slice3A_30 = vector.extract_strided_slice %get3A_1 {offsets = [0, 64], sizes = [128, 32], strides = [1, 1]} : vector<128x128xf32> to vector<128x32xf32>
    %get3A_31 = arith.constant 0 : index
    %get3A_32 = arith.constant 64 : index
    %get3A_33 = vector.load %arg1[%get3A_31, %get3A_32] : memref<2048x128xf32, #tpu.memory_space<vmem>>, vector<2048x32xf32>
    %broadcast_in_dim3A_34 = vector.shape_cast %slice3A_30 : vector<128x32xf32> to vector<128x1x32xf32>
    %broadcast_in_dim3A_35 = vector.shape_cast %broadcast_in_dim3A_34 : vector<128x1x32xf32> to vector<128x1x32xf32>
    %broadcast_in_dim3A_36 = vector.broadcast %broadcast_in_dim3A_35 : vector<128x1x32xf32> to vector<128x16x32xf32>
    %reshape3A_37 = vector.shape_cast %get3A_33 : vector<2048x32xf32> to vector<128x16x32xf32>
    %sub3A_38 = arith.subf %reshape3A_37, %broadcast_in_dim3A_36 : vector<128x16x32xf32>
    %reshape3A_39 = vector.shape_cast %sub3A_38 : vector<128x16x32xf32> to vector<2048x32xf32>
    %reshape3A_40 = vector.shape_cast %broadcast_in_dim3A_36 : vector<128x16x32xf32> to vector<2048x32xf32>
    %concatenate3A_41 = tpu.concatenate %reshape3A_39, %reshape3A_40 in 1 : vector<2048x32xf32>, vector<2048x32xf32> -> vector<2048x64xf32>
    %get3A_42 = arith.constant 0 : index
    %get3A_43 = arith.constant 0 : index
    %get3A_44 = vector.load %arg3[%get3A_42, %get3A_43] : memref<64x64xf32, #tpu.memory_space<vmem>>, vector<64x64xf32>
    %dot_general3A_45 = arith.constant dense<0.000000e+00> : vector<2048x64xf32>
    %dot_general3A_46 = tpu.matmul %concatenate3A_41, %get3A_44, %dot_general3A_45 {dimension_numbers = #tpu.dot_dimension_numbers<[1], [0], [0], [1], [0, 0, 1, 1], [], []>, transpose_lhs_hint = false} : vector<2048x64xf32>, vector<64x64xf32>, vector<2048x64xf32> -> vector<2048x64xf32>
    %get3A_47 = arith.constant 0 : index
    %get3A_48 = arith.constant 0 : index
    %get3A_49 = vector.load %arg4[%get3A_47, %get3A_48] : memref<64x64xf32, #tpu.memory_space<vmem>>, vector<64x64xf32>
    %dot_general3A_50 = arith.constant dense<0.000000e+00> : vector<2048x64xf32>
    %dot_general3A_51 = tpu.matmul %dot_general3A_12, %get3A_49, %dot_general3A_50 {dimension_numbers = #tpu.dot_dimension_numbers<[1], [0], [0], [1], [0, 0, 1, 1], [], []>, transpose_lhs_hint = false} : vector<2048x64xf32>, vector<64x64xf32>, vector<2048x64xf32> -> vector<2048x64xf32>
    %get3A_52 = arith.constant 0 : index
    %get3A_53 = arith.constant 0 : index
    %get3A_54 = vector.load %arg4[%get3A_52, %get3A_53] : memref<64x64xf32, #tpu.memory_space<vmem>>, vector<64x64xf32>
    %dot_general3A_55 = arith.constant dense<0.000000e+00> : vector<2048x64xf32>
    %dot_general3A_56 = tpu.matmul %dot_general3A_29, %get3A_54, %dot_general3A_55 {dimension_numbers = #tpu.dot_dimension_numbers<[1], [0], [0], [1], [0, 0, 1, 1], [], []>, transpose_lhs_hint = false} : vector<2048x64xf32>, vector<64x64xf32>, vector<2048x64xf32> -> vector<2048x64xf32>
    %get3A_57 = arith.constant 0 : index
    %get3A_58 = arith.constant 0 : index
    %get3A_59 = vector.load %arg4[%get3A_57, %get3A_58] : memref<64x64xf32, #tpu.memory_space<vmem>>, vector<64x64xf32>
    %dot_general3A_60 = arith.constant dense<0.000000e+00> : vector<2048x64xf32>
    %dot_general3A_61 = tpu.matmul %dot_general3A_46, %get3A_59, %dot_general3A_60 {dimension_numbers = #tpu.dot_dimension_numbers<[1], [0], [0], [1], [0, 0, 1, 1], [], []>, transpose_lhs_hint = false} : vector<2048x64xf32>, vector<64x64xf32>, vector<2048x64xf32> -> vector<2048x64xf32>
    %mul3A = arith.mulf %dot_general3A_51, %dot_general3A_51 : vector<2048x64xf32>
    %mul3A_62 = arith.mulf %dot_general3A_56, %dot_general3A_56 : vector<2048x64xf32>
    %add3A = arith.addf %mul3A, %mul3A_62 : vector<2048x64xf32>
    %mul3A_63 = arith.mulf %dot_general3A_61, %dot_general3A_61 : vector<2048x64xf32>
    %add3A_64 = arith.addf %add3A, %mul3A_63 : vector<2048x64xf32>
    %sqrt3A = math.sqrt %add3A_64 : vector<2048x64xf32>
    %add3A_65 = arith.constant 9.99999997E-7 : f32
    %add3A_66 = vector.broadcast %add3A_65 : f32 to vector<2048x64xf32>
    %add3A_67 = arith.addf %sqrt3A, %add3A_66 : vector<2048x64xf32>
    %div3A = arith.divf %dot_general3A_51, %add3A_67 : vector<2048x64xf32>
    %div3A_68 = arith.divf %dot_general3A_56, %add3A_67 : vector<2048x64xf32>
    %div3A_69 = arith.divf %dot_general3A_61, %add3A_67 : vector<2048x64xf32>
    %mul3A_70 = arith.mulf %dot_general3A_12, %div3A : vector<2048x64xf32>
    %mul3A_71 = arith.mulf %dot_general3A_29, %div3A_68 : vector<2048x64xf32>
    %add3A_72 = arith.addf %mul3A_70, %mul3A_71 : vector<2048x64xf32>
    %mul3A_73 = arith.mulf %dot_general3A_46, %div3A_69 : vector<2048x64xf32>
    %add3A_74 = arith.addf %add3A_72, %mul3A_73 : vector<2048x64xf32>
    %ge3A = arith.constant 0.000000e+00 : f32
    %ge3A_75 = vector.broadcast %ge3A : f32 to vector<2048x64xf32>
    %ge3A_76 = arith.cmpf oge, %add3A_74, %ge3A_75 : vector<2048x64xf32>
    %mul3A_77 = arith.constant 2.000000e-01 : f32
    %mul3A_78 = vector.broadcast %mul3A_77 : f32 to vector<2048x64xf32>
    %mul3A_79 = arith.mulf %mul3A_78, %add3A_74 : vector<2048x64xf32>
    %select_n3A = arith.select %ge3A_76, %add3A_74, %mul3A_79 : vector<2048x64xi1>, vector<2048x64xf32>
    %sub3A_80 = arith.subf %select_n3A, %add3A_74 : vector<2048x64xf32>
    %mul3A_81 = arith.mulf %sub3A_80, %div3A : vector<2048x64xf32>
    %add3A_82 = arith.addf %dot_general3A_12, %mul3A_81 : vector<2048x64xf32>
    %reshape3A_83 = vector.shape_cast %add3A_82 : vector<2048x64xf32> to vector<128x16x64xf32>
    %slice3A_84 = vector.extract_strided_slice %reshape3A_83 {offsets = [0, 0, 0], sizes = [128, 1, 64], strides = [1, 1, 1]} : vector<128x16x64xf32> to vector<128x1x64xf32>
    %squeeze3A = vector.shape_cast %slice3A_84 : vector<128x1x64xf32> to vector<128x64xf32>
    %slice3A_85 = vector.extract_strided_slice %reshape3A_83 {offsets = [0, 1, 0], sizes = [128, 1, 64], strides = [1, 1, 1]} : vector<128x16x64xf32> to vector<128x1x64xf32>
    %squeeze3A_86 = vector.shape_cast %slice3A_85 : vector<128x1x64xf32> to vector<128x64xf32>
    %add3A_87 = arith.addf %squeeze3A, %squeeze3A_86 : vector<128x64xf32>
    %slice3A_88 = vector.extract_strided_slice %reshape3A_83 {offsets = [0, 2, 0], sizes = [128, 1, 64], strides = [1, 1, 1]} : vector<128x16x64xf32> to vector<128x1x64xf32>
    %squeeze3A_89 = vector.shape_cast %slice3A_88 : vector<128x1x64xf32> to vector<128x64xf32>
    %add3A_90 = arith.addf %add3A_87, %squeeze3A_89 : vector<128x64xf32>
    %slice3A_91 = vector.extract_strided_slice %reshape3A_83 {offsets = [0, 3, 0], sizes = [128, 1, 64], strides = [1, 1, 1]} : vector<128x16x64xf32> to vector<128x1x64xf32>
    %squeeze3A_92 = vector.shape_cast %slice3A_91 : vector<128x1x64xf32> to vector<128x64xf32>
    %add3A_93 = arith.addf %add3A_90, %squeeze3A_92 : vector<128x64xf32>
    %slice3A_94 = vector.extract_strided_slice %reshape3A_83 {offsets = [0, 4, 0], sizes = [128, 1, 64], strides = [1, 1, 1]} : vector<128x16x64xf32> to vector<128x1x64xf32>
    %squeeze3A_95 = vector.shape_cast %slice3A_94 : vector<128x1x64xf32> to vector<128x64xf32>
    %add3A_96 = arith.addf %add3A_93, %squeeze3A_95 : vector<128x64xf32>
    %slice3A_97 = vector.extract_strided_slice %reshape3A_83 {offsets = [0, 5, 0], sizes = [128, 1, 64], strides = [1, 1, 1]} : vector<128x16x64xf32> to vector<128x1x64xf32>
    %squeeze3A_98 = vector.shape_cast %slice3A_97 : vector<128x1x64xf32> to vector<128x64xf32>
    %add3A_99 = arith.addf %add3A_96, %squeeze3A_98 : vector<128x64xf32>
    %slice3A_100 = vector.extract_strided_slice %reshape3A_83 {offsets = [0, 6, 0], sizes = [128, 1, 64], strides = [1, 1, 1]} : vector<128x16x64xf32> to vector<128x1x64xf32>
    %squeeze3A_101 = vector.shape_cast %slice3A_100 : vector<128x1x64xf32> to vector<128x64xf32>
    %add3A_102 = arith.addf %add3A_99, %squeeze3A_101 : vector<128x64xf32>
    %slice3A_103 = vector.extract_strided_slice %reshape3A_83 {offsets = [0, 7, 0], sizes = [128, 1, 64], strides = [1, 1, 1]} : vector<128x16x64xf32> to vector<128x1x64xf32>
    %squeeze3A_104 = vector.shape_cast %slice3A_103 : vector<128x1x64xf32> to vector<128x64xf32>
    %add3A_105 = arith.addf %add3A_102, %squeeze3A_104 : vector<128x64xf32>
    %slice3A_106 = vector.extract_strided_slice %reshape3A_83 {offsets = [0, 8, 0], sizes = [128, 1, 64], strides = [1, 1, 1]} : vector<128x16x64xf32> to vector<128x1x64xf32>
    %squeeze3A_107 = vector.shape_cast %slice3A_106 : vector<128x1x64xf32> to vector<128x64xf32>
    %add3A_108 = arith.addf %add3A_105, %squeeze3A_107 : vector<128x64xf32>
    %slice3A_109 = vector.extract_strided_slice %reshape3A_83 {offsets = [0, 9, 0], sizes = [128, 1, 64], strides = [1, 1, 1]} : vector<128x16x64xf32> to vector<128x1x64xf32>
    %squeeze3A_110 = vector.shape_cast %slice3A_109 : vector<128x1x64xf32> to vector<128x64xf32>
    %add3A_111 = arith.addf %add3A_108, %squeeze3A_110 : vector<128x64xf32>
    %slice3A_112 = vector.extract_strided_slice %reshape3A_83 {offsets = [0, 10, 0], sizes = [128, 1, 64], strides = [1, 1, 1]} : vector<128x16x64xf32> to vector<128x1x64xf32>
    %squeeze3A_113 = vector.shape_cast %slice3A_112 : vector<128x1x64xf32> to vector<128x64xf32>
    %add3A_114 = arith.addf %add3A_111, %squeeze3A_113 : vector<128x64xf32>
    %slice3A_115 = vector.extract_strided_slice %reshape3A_83 {offsets = [0, 11, 0], sizes = [128, 1, 64], strides = [1, 1, 1]} : vector<128x16x64xf32> to vector<128x1x64xf32>
    %squeeze3A_116 = vector.shape_cast %slice3A_115 : vector<128x1x64xf32> to vector<128x64xf32>
    %add3A_117 = arith.addf %add3A_114, %squeeze3A_116 : vector<128x64xf32>
    %slice3A_118 = vector.extract_strided_slice %reshape3A_83 {offsets = [0, 12, 0], sizes = [128, 1, 64], strides = [1, 1, 1]} : vector<128x16x64xf32> to vector<128x1x64xf32>
    %squeeze3A_119 = vector.shape_cast %slice3A_118 : vector<128x1x64xf32> to vector<128x64xf32>
    %add3A_120 = arith.addf %add3A_117, %squeeze3A_119 : vector<128x64xf32>
    %slice3A_121 = vector.extract_strided_slice %reshape3A_83 {offsets = [0, 13, 0], sizes = [128, 1, 64], strides = [1, 1, 1]} : vector<128x16x64xf32> to vector<128x1x64xf32>
    %squeeze3A_122 = vector.shape_cast %slice3A_121 : vector<128x1x64xf32> to vector<128x64xf32>
    %add3A_123 = arith.addf %add3A_120, %squeeze3A_122 : vector<128x64xf32>
    %slice3A_124 = vector.extract_strided_slice %reshape3A_83 {offsets = [0, 14, 0], sizes = [128, 1, 64], strides = [1, 1, 1]} : vector<128x16x64xf32> to vector<128x1x64xf32>
    %squeeze3A_125 = vector.shape_cast %slice3A_124 : vector<128x1x64xf32> to vector<128x64xf32>
    %add3A_126 = arith.addf %add3A_123, %squeeze3A_125 : vector<128x64xf32>
    %slice3A_127 = vector.extract_strided_slice %reshape3A_83 {offsets = [0, 15, 0], sizes = [128, 1, 64], strides = [1, 1, 1]} : vector<128x16x64xf32> to vector<128x1x64xf32>
    %squeeze3A_128 = vector.shape_cast %slice3A_127 : vector<128x1x64xf32> to vector<128x64xf32>
    %add3A_129 = arith.addf %add3A_126, %squeeze3A_128 : vector<128x64xf32>
    %mul3A_130 = arith.constant 6.250000e-02 : f32
    %mul3A_131 = vector.broadcast %mul3A_130 : f32 to vector<128x64xf32>
    %mul3A_132 = arith.mulf %add3A_129, %mul3A_131 : vector<128x64xf32>
    %swap3A = arith.constant 0 : index
    %swap3A_133 = arith.constant 0 : index
    %swap3A_134 = vector.load %arg5[%swap3A, %swap3A_133] : memref<128x256xf32, #tpu.memory_space<vmem>>, vector<128x64xf32>
    tpu.vector_store %arg5[%swap3A, %swap3A_133], %mul3A_132 {strides = array<i32>} : memref<128x256xf32, #tpu.memory_space<vmem>>, vector<128x64xf32>,
    %mul3A_135 = arith.mulf %sub3A_80, %div3A_68 : vector<2048x64xf32>
    %add3A_136 = arith.addf %dot_general3A_29, %mul3A_135 : vector<2048x64xf32>
    %reshape3A_137 = vector.shape_cast %add3A_136 : vector<2048x64xf32> to vector<128x16x64xf32>
    %slice3A_138 = vector.extract_strided_slice %reshape3A_137 {offsets = [0, 0, 0], sizes = [128, 1, 64], strides = [1, 1, 1]} : vector<128x16x64xf32> to vector<128x1x64xf32>
    %squeeze3A_139 = vector.shape_cast %slice3A_138 : vector<128x1x64xf32> to vector<128x64xf32>
    %slice3A_140 = vector.extract_strided_slice %reshape3A_137 {offsets = [0, 1, 0], sizes = [128, 1, 64], strides = [1, 1, 1]} : vector<128x16x64xf32> to vector<128x1x64xf32>
    %squeeze3A_141 = vector.shape_cast %slice3A_140 : vector<128x1x64xf32> to vector<128x64xf32>
    %add3A_142 = arith.addf %squeeze3A_139, %squeeze3A_141 : vector<128x64xf32>
    %slice3A_143 = vector.extract_strided_slice %reshape3A_137 {offsets = [0, 2, 0], sizes = [128, 1, 64], strides = [1, 1, 1]} : vector<128x16x64xf32> to vector<128x1x64xf32>
    %squeeze3A_144 = vector.shape_cast %slice3A_143 : vector<128x1x64xf32> to vector<128x64xf32>
    %add3A_145 = arith.addf %add3A_142, %squeeze3A_144 : vector<128x64xf32>
    %slice3A_146 = vector.extract_strided_slice %reshape3A_137 {offsets = [0, 3, 0], sizes = [128, 1, 64], strides = [1, 1, 1]} : vector<128x16x64xf32> to vector<128x1x64xf32>
    %squeeze3A_147 = vector.shape_cast %slice3A_146 : vector<128x1x64xf32> to vector<128x64xf32>
    %add3A_148 = arith.addf %add3A_145, %squeeze3A_147 : vector<128x64xf32>
    %slice3A_149 = vector.extract_strided_slice %reshape3A_137 {offsets = [0, 4, 0], sizes = [128, 1, 64], strides = [1, 1, 1]} : vector<128x16x64xf32> to vector<128x1x64xf32>
    %squeeze3A_150 = vector.shape_cast %slice3A_149 : vector<128x1x64xf32> to vector<128x64xf32>
    %add3A_151 = arith.addf %add3A_148, %squeeze3A_150 : vector<128x64xf32>
    %slice3A_152 = vector.extract_strided_slice %reshape3A_137 {offsets = [0, 5, 0], sizes = [128, 1, 64], strides = [1, 1, 1]} : vector<128x16x64xf32> to vector<128x1x64xf32>
    %squeeze3A_153 = vector.shape_cast %slice3A_152 : vector<128x1x64xf32> to vector<128x64xf32>
    %add3A_154 = arith.addf %add3A_151, %squeeze3A_153 : vector<128x64xf32>
    %slice3A_155 = vector.extract_strided_slice %reshape3A_137 {offsets = [0, 6, 0], sizes = [128, 1, 64], strides = [1, 1, 1]} : vector<128x16x64xf32> to vector<128x1x64xf32>
    %squeeze3A_156 = vector.shape_cast %slice3A_155 : vector<128x1x64xf32> to vector<128x64xf32>
    %add3A_157 = arith.addf %add3A_154, %squeeze3A_156 : vector<128x64xf32>
    %slice3A_158 = vector.extract_strided_slice %reshape3A_137 {offsets = [0, 7, 0], sizes = [128, 1, 64], strides = [1, 1, 1]} : vector<128x16x64xf32> to vector<128x1x64xf32>
    %squeeze3A_159 = vector.shape_cast %slice3A_158 : vector<128x1x64xf32> to vector<128x64xf32>
    %add3A_160 = arith.addf %add3A_157, %squeeze3A_159 : vector<128x64xf32>
    %slice3A_161 = vector.extract_strided_slice %reshape3A_137 {offsets = [0, 8, 0], sizes = [128, 1, 64], strides = [1, 1, 1]} : vector<128x16x64xf32> to vector<128x1x64xf32>
    %squeeze3A_162 = vector.shape_cast %slice3A_161 : vector<128x1x64xf32> to vector<128x64xf32>
    %add3A_163 = arith.addf %add3A_160, %squeeze3A_162 : vector<128x64xf32>
    %slice3A_164 = vector.extract_strided_slice %reshape3A_137 {offsets = [0, 9, 0], sizes = [128, 1, 64], strides = [1, 1, 1]} : vector<128x16x64xf32> to vector<128x1x64xf32>
    %squeeze3A_165 = vector.shape_cast %slice3A_164 : vector<128x1x64xf32> to vector<128x64xf32>
    %add3A_166 = arith.addf %add3A_163, %squeeze3A_165 : vector<128x64xf32>
    %slice3A_167 = vector.extract_strided_slice %reshape3A_137 {offsets = [0, 10, 0], sizes = [128, 1, 64], strides = [1, 1, 1]} : vector<128x16x64xf32> to vector<128x1x64xf32>
    %squeeze3A_168 = vector.shape_cast %slice3A_167 : vector<128x1x64xf32> to vector<128x64xf32>
    %add3A_169 = arith.addf %add3A_166, %squeeze3A_168 : vector<128x64xf32>
    %slice3A_170 = vector.extract_strided_slice %reshape3A_137 {offsets = [0, 11, 0], sizes = [128, 1, 64], strides = [1, 1, 1]} : vector<128x16x64xf32> to vector<128x1x64xf32>
    %squeeze3A_171 = vector.shape_cast %slice3A_170 : vector<128x1x64xf32> to vector<128x64xf32>
    %add3A_172 = arith.addf %add3A_169, %squeeze3A_171 : vector<128x64xf32>
    %slice3A_173 = vector.extract_strided_slice %reshape3A_137 {offsets = [0, 12, 0], sizes = [128, 1, 64], strides = [1, 1, 1]} : vector<128x16x64xf32> to vector<128x1x64xf32>
    %squeeze3A_174 = vector.shape_cast %slice3A_173 : vector<128x1x64xf32> to vector<128x64xf32>
    %add3A_175 = arith.addf %add3A_172, %squeeze3A_174 : vector<128x64xf32>
    %slice3A_176 = vector.extract_strided_slice %reshape3A_137 {offsets = [0, 13, 0], sizes = [128, 1, 64], strides = [1, 1, 1]} : vector<128x16x64xf32> to vector<128x1x64xf32>
    %squeeze3A_177 = vector.shape_cast %slice3A_176 : vector<128x1x64xf32> to vector<128x64xf32>
    %add3A_178 = arith.addf %add3A_175, %squeeze3A_177 : vector<128x64xf32>
    %slice3A_179 = vector.extract_strided_slice %reshape3A_137 {offsets = [0, 14, 0], sizes = [128, 1, 64], strides = [1, 1, 1]} : vector<128x16x64xf32> to vector<128x1x64xf32>
    %squeeze3A_180 = vector.shape_cast %slice3A_179 : vector<128x1x64xf32> to vector<128x64xf32>
    %add3A_181 = arith.addf %add3A_178, %squeeze3A_180 : vector<128x64xf32>
    %slice3A_182 = vector.extract_strided_slice %reshape3A_137 {offsets = [0, 15, 0], sizes = [128, 1, 64], strides = [1, 1, 1]} : vector<128x16x64xf32> to vector<128x1x64xf32>
    %squeeze3A_183 = vector.shape_cast %slice3A_182 : vector<128x1x64xf32> to vector<128x64xf32>
    %add3A_184 = arith.addf %add3A_181, %squeeze3A_183 : vector<128x64xf32>
    %mul3A_185 = arith.constant 6.250000e-02 : f32
    %mul3A_186 = vector.broadcast %mul3A_185 : f32 to vector<128x64xf32>
    %mul3A_187 = arith.mulf %add3A_184, %mul3A_186 : vector<128x64xf32>
    %swap3A_188 = arith.constant 0 : index
    %swap3A_189 = arith.constant 64 : index
    %swap3A_190 = vector.load %arg5[%swap3A_188, %swap3A_189] : memref<128x256xf32, #tpu.memory_space<vmem>>, vector<128x64xf32>
    tpu.vector_store %arg5[%swap3A_188, %swap3A_189], %mul3A_187 {strides = array<i32>} : memref<128x256xf32, #tpu.memory_space<vmem>>, vector<128x64xf32>,
    %mul3A_191 = arith.mulf %sub3A_80, %div3A_69 : vector<2048x64xf32>
    %add3A_192 = arith.addf %dot_general3A_46, %mul3A_191 : vector<2048x64xf32>
    %reshape3A_193 = vector.shape_cast %add3A_192 : vector<2048x64xf32> to vector<128x16x64xf32>
    %slice3A_194 = vector.extract_strided_slice %reshape3A_193 {offsets = [0, 0, 0], sizes = [128, 1, 64], strides = [1, 1, 1]} : vector<128x16x64xf32> to vector<128x1x64xf32>
    %squeeze3A_195 = vector.shape_cast %slice3A_194 : vector<128x1x64xf32> to vector<128x64xf32>
    %slice3A_196 = vector.extract_strided_slice %reshape3A_193 {offsets = [0, 1, 0], sizes = [128, 1, 64], strides = [1, 1, 1]} : vector<128x16x64xf32> to vector<128x1x64xf32>
    %squeeze3A_197 = vector.shape_cast %slice3A_196 : vector<128x1x64xf32> to vector<128x64xf32>
    %add3A_198 = arith.addf %squeeze3A_195, %squeeze3A_197 : vector<128x64xf32>
    %slice3A_199 = vector.extract_strided_slice %reshape3A_193 {offsets = [0, 2, 0], sizes = [128, 1, 64], strides = [1, 1, 1]} : vector<128x16x64xf32> to vector<128x1x64xf32>
    %squeeze3A_200 = vector.shape_cast %slice3A_199 : vector<128x1x64xf32> to vector<128x64xf32>
    %add3A_201 = arith.addf %add3A_198, %squeeze3A_200 : vector<128x64xf32>
    %slice3A_202 = vector.extract_strided_slice %reshape3A_193 {offsets = [0, 3, 0], sizes = [128, 1, 64], strides = [1, 1, 1]} : vector<128x16x64xf32> to vector<128x1x64xf32>
    %squeeze3A_203 = vector.shape_cast %slice3A_202 : vector<128x1x64xf32> to vector<128x64xf32>
    %add3A_204 = arith.addf %add3A_201, %squeeze3A_203 : vector<128x64xf32>
    %slice3A_205 = vector.extract_strided_slice %reshape3A_193 {offsets = [0, 4, 0], sizes = [128, 1, 64], strides = [1, 1, 1]} : vector<128x16x64xf32> to vector<128x1x64xf32>
    %squeeze3A_206 = vector.shape_cast %slice3A_205 : vector<128x1x64xf32> to vector<128x64xf32>
    %add3A_207 = arith.addf %add3A_204, %squeeze3A_206 : vector<128x64xf32>
    %slice3A_208 = vector.extract_strided_slice %reshape3A_193 {offsets = [0, 5, 0], sizes = [128, 1, 64], strides = [1, 1, 1]} : vector<128x16x64xf32> to vector<128x1x64xf32>
    %squeeze3A_209 = vector.shape_cast %slice3A_208 : vector<128x1x64xf32> to vector<128x64xf32>
    %add3A_210 = arith.addf %add3A_207, %squeeze3A_209 : vector<128x64xf32>
    %slice3A_211 = vector.extract_strided_slice %reshape3A_193 {offsets = [0, 6, 0], sizes = [128, 1, 64], strides = [1, 1, 1]} : vector<128x16x64xf32> to vector<128x1x64xf32>
    %squeeze3A_212 = vector.shape_cast %slice3A_211 : vector<128x1x64xf32> to vector<128x64xf32>
    %add3A_213 = arith.addf %add3A_210, %squeeze3A_212 : vector<128x64xf32>
    %slice3A_214 = vector.extract_strided_slice %reshape3A_193 {offsets = [0, 7, 0], sizes = [128, 1, 64], strides = [1, 1, 1]} : vector<128x16x64xf32> to vector<128x1x64xf32>
    %squeeze3A_215 = vector.shape_cast %slice3A_214 : vector<128x1x64xf32> to vector<128x64xf32>
    %add3A_216 = arith.addf %add3A_213, %squeeze3A_215 : vector<128x64xf32>
    %slice3A_217 = vector.extract_strided_slice %reshape3A_193 {offsets = [0, 8, 0], sizes = [128, 1, 64], strides = [1, 1, 1]} : vector<128x16x64xf32> to vector<128x1x64xf32>
    %squeeze3A_218 = vector.shape_cast %slice3A_217 : vector<128x1x64xf32> to vector<128x64xf32>
    %add3A_219 = arith.addf %add3A_216, %squeeze3A_218 : vector<128x64xf32>
    %slice3A_220 = vector.extract_strided_slice %reshape3A_193 {offsets = [0, 9, 0], sizes = [128, 1, 64], strides = [1, 1, 1]} : vector<128x16x64xf32> to vector<128x1x64xf32>
    %squeeze3A_221 = vector.shape_cast %slice3A_220 : vector<128x1x64xf32> to vector<128x64xf32>
    %add3A_222 = arith.addf %add3A_219, %squeeze3A_221 : vector<128x64xf32>
    %slice3A_223 = vector.extract_strided_slice %reshape3A_193 {offsets = [0, 10, 0], sizes = [128, 1, 64], strides = [1, 1, 1]} : vector<128x16x64xf32> to vector<128x1x64xf32>
    %squeeze3A_224 = vector.shape_cast %slice3A_223 : vector<128x1x64xf32> to vector<128x64xf32>
    %add3A_225 = arith.addf %add3A_222, %squeeze3A_224 : vector<128x64xf32>
    %slice3A_226 = vector.extract_strided_slice %reshape3A_193 {offsets = [0, 11, 0], sizes = [128, 1, 64], strides = [1, 1, 1]} : vector<128x16x64xf32> to vector<128x1x64xf32>
    %squeeze3A_227 = vector.shape_cast %slice3A_226 : vector<128x1x64xf32> to vector<128x64xf32>
    %add3A_228 = arith.addf %add3A_225, %squeeze3A_227 : vector<128x64xf32>
    %slice3A_229 = vector.extract_strided_slice %reshape3A_193 {offsets = [0, 12, 0], sizes = [128, 1, 64], strides = [1, 1, 1]} : vector<128x16x64xf32> to vector<128x1x64xf32>
    %squeeze3A_230 = vector.shape_cast %slice3A_229 : vector<128x1x64xf32> to vector<128x64xf32>
    %add3A_231 = arith.addf %add3A_228, %squeeze3A_230 : vector<128x64xf32>
    %slice3A_232 = vector.extract_strided_slice %reshape3A_193 {offsets = [0, 13, 0], sizes = [128, 1, 64], strides = [1, 1, 1]} : vector<128x16x64xf32> to vector<128x1x64xf32>
    %squeeze3A_233 = vector.shape_cast %slice3A_232 : vector<128x1x64xf32> to vector<128x64xf32>
    %add3A_234 = arith.addf %add3A_231, %squeeze3A_233 : vector<128x64xf32>
    %slice3A_235 = vector.extract_strided_slice %reshape3A_193 {offsets = [0, 14, 0], sizes = [128, 1, 64], strides = [1, 1, 1]} : vector<128x16x64xf32> to vector<128x1x64xf32>
    %squeeze3A_236 = vector.shape_cast %slice3A_235 : vector<128x1x64xf32> to vector<128x64xf32>
    %add3A_237 = arith.addf %add3A_234, %squeeze3A_236 : vector<128x64xf32>
    %slice3A_238 = vector.extract_strided_slice %reshape3A_193 {offsets = [0, 15, 0], sizes = [128, 1, 64], strides = [1, 1, 1]} : vector<128x16x64xf32> to vector<128x1x64xf32>
    %squeeze3A_239 = vector.shape_cast %slice3A_238 : vector<128x1x64xf32> to vector<128x64xf32>
    %add3A_240 = arith.addf %add3A_237, %squeeze3A_239 : vector<128x64xf32>
    %mul3A_241 = arith.constant 6.250000e-02 : f32
    %mul3A_242 = vector.broadcast %mul3A_241 : f32 to vector<128x64xf32>
    %mul3A_243 = arith.mulf %add3A_240, %mul3A_242 : vector<128x64xf32>
    %swap3A_244 = arith.constant 0 : index
    %swap3A_245 = arith.constant 128 : index
    %swap3A_246 = vector.load %arg5[%swap3A_244, %swap3A_245] : memref<128x256xf32, #tpu.memory_space<vmem>>, vector<128x64xf32>
    tpu.vector_store %arg5[%swap3A_244, %swap3A_245], %mul3A_243 {strides = array<i32>} : memref<128x256xf32, #tpu.memory_space<vmem>>, vector<128x64xf32>,
    %broadcast_in_dim3A_247 = arith.constant 0.000000e+00 : f32
    %broadcast_in_dim3A_248 = vector.broadcast %broadcast_in_dim3A_247 : f32 to vector<128x64xf32>
    %swap3A_249 = arith.constant 0 : index
    %swap3A_250 = arith.constant 192 : index
    %swap3A_251 = vector.load %arg5[%swap3A_249, %swap3A_250] : memref<128x256xf32, #tpu.memory_space<vmem>>, vector<128x64xf32>
    tpu.vector_store %arg5[%swap3A_249, %swap3A_250], %broadcast_in_dim3A_248 {strides = array<i32>} : memref<128x256xf32, #tpu.memory_space<vmem>>, vector<128x64xf32>,
    return
  }
  func.func @transform_0(%arg0: i32) -> (i32, i32) {
    %c0_i32 = arith.constant 0 : i32
    %c0_i32_0 = arith.constant 0 : i32
    return %arg0, %c0_i32 : i32, i32
  }
  func.func @transform_1(%arg0: i32) -> (i32, i32) {
    %c0_i32 = arith.constant 0 : i32
    %c0_i32_0 = arith.constant 0 : i32
    return %arg0, %c0_i32 : i32, i32
  }
  func.func @transform_2(%arg0: i32) -> (i32, i32) {
    %c0_i32 = arith.constant 0 : i32
    %c0_i32_0 = arith.constant 0 : i32
    %c0_i32_1 = arith.constant 0 : i32
    return %c0_i32, %c0_i32_0 : i32, i32
  }
  func.func @transform_3(%arg0: i32) -> (i32, i32) {
    %c0_i32 = arith.constant 0 : i32
    %c0_i32_0 = arith.constant 0 : i32
    %c0_i32_1 = arith.constant 0 : i32
    return %c0_i32, %c0_i32_0 : i32, i32
  }
  func.func @transform_4(%arg0: i32) -> (i32, i32) {
    %c0_i32 = arith.constant 0 : i32
    %c0_i32_0 = arith.constant 0 : i32
    return %arg0, %c0_i32 : i32, i32
  }
}

module attributes {stable_mosaic.version = 14 : i64} {
  func.func @body(%arg0: i32, %arg1: memref<2048x256xf32, #tpu.memory_space<vmem>>, %arg2: memref<128x256xf32, #tpu.memory_space<vmem>>, %arg3: memref<128x128xf32, #tpu.memory_space<vmem>>, %arg4: memref<128x128xf32, #tpu.memory_space<vmem>>, %arg5: memref<128x384xf32, #tpu.memory_space<vmem>>) attributes {dimension_semantics = [#tpu.dimension_semantics<arbitrary>], iteration_bounds = array<i64: 32>, scalar_prefetch = 0 : i64, scratch_operands = 0 : i64, tpu.core_type = #tpu.core_type<tc>, window_params = [{transform_indices = @transform_0, window_bounds = array<i64: 2048, 256>}, {transform_indices = @transform_1, window_bounds = array<i64: 128, 256>}, {pipeline_mode = #tpu.pipeline_mode<synchronous>, transform_indices = @transform_2, window_bounds = array<i64: 128, 128>}, {pipeline_mode = #tpu.pipeline_mode<synchronous>, transform_indices = @transform_3, window_bounds = array<i64: 128, 128>}, {transform_indices = @transform_4, window_bounds = array<i64: 128, 384>}]} {
    %get3A = arith.constant 0 : index
    %get3A_0 = arith.constant 0 : index
    %get3A_1 = vector.load %arg2[%get3A, %get3A_0] : memref<128x256xf32, #tpu.memory_space<vmem>>, vector<128x256xf32>
    %slice3A = vector.extract_strided_slice %get3A_1 {offsets = [0, 0], sizes = [128, 64], strides = [1, 1]} : vector<128x256xf32> to vector<128x64xf32>
    %get3A_2 = arith.constant 0 : index
    %get3A_3 = arith.constant 0 : index
    %get3A_4 = vector.load %arg1[%get3A_2, %get3A_3] : memref<2048x256xf32, #tpu.memory_space<vmem>>, vector<2048x64xf32>
    %broadcast_in_dim3A = vector.shape_cast %slice3A : vector<128x64xf32> to vector<128x1x64xf32>
    %broadcast_in_dim3A_5 = vector.shape_cast %broadcast_in_dim3A : vector<128x1x64xf32> to vector<128x1x64xf32>
    %broadcast_in_dim3A_6 = vector.broadcast %broadcast_in_dim3A_5 : vector<128x1x64xf32> to vector<128x16x64xf32>
    %reshape3A = vector.shape_cast %get3A_4 : vector<2048x64xf32> to vector<128x16x64xf32>
    %sub3A = arith.subf %reshape3A, %broadcast_in_dim3A_6 : vector<128x16x64xf32>
    %reshape3A_7 = vector.shape_cast %sub3A : vector<128x16x64xf32> to vector<2048x64xf32>
    %reshape3A_8 = vector.shape_cast %broadcast_in_dim3A_6 : vector<128x16x64xf32> to vector<2048x64xf32>
    %concatenate3A = tpu.concatenate %reshape3A_7, %reshape3A_8 in 1 : vector<2048x64xf32>, vector<2048x64xf32> -> vector<2048x128xf32>
    %get3A_9 = arith.constant 0 : index
    %get3A_10 = arith.constant 0 : index
    %get3A_11 = vector.load %arg3[%get3A_9, %get3A_10] : memref<128x128xf32, #tpu.memory_space<vmem>>, vector<128x128xf32>
    %dot_general3A = arith.constant dense<0.000000e+00> : vector<2048x128xf32>
    %dot_general3A_12 = tpu.matmul %concatenate3A, %get3A_11, %dot_general3A {dimension_numbers = #tpu.dot_dimension_numbers<[1], [0], [0], [1], [0, 0, 1, 1], [], []>, transpose_lhs_hint = false} : vector<2048x128xf32>, vector<128x128xf32>, vector<2048x128xf32> -> vector<2048x128xf32>
    %slice3A_13 = vector.extract_strided_slice %get3A_1 {offsets = [0, 64], sizes = [128, 64], strides = [1, 1]} : vector<128x256xf32> to vector<128x64xf32>
    %get3A_14 = arith.constant 0 : index
    %get3A_15 = arith.constant 64 : index
    %get3A_16 = vector.load %arg1[%get3A_14, %get3A_15] : memref<2048x256xf32, #tpu.memory_space<vmem>>, vector<2048x64xf32>
    %broadcast_in_dim3A_17 = vector.shape_cast %slice3A_13 : vector<128x64xf32> to vector<128x1x64xf32>
    %broadcast_in_dim3A_18 = vector.shape_cast %broadcast_in_dim3A_17 : vector<128x1x64xf32> to vector<128x1x64xf32>
    %broadcast_in_dim3A_19 = vector.broadcast %broadcast_in_dim3A_18 : vector<128x1x64xf32> to vector<128x16x64xf32>
    %reshape3A_20 = vector.shape_cast %get3A_16 : vector<2048x64xf32> to vector<128x16x64xf32>
    %sub3A_21 = arith.subf %reshape3A_20, %broadcast_in_dim3A_19 : vector<128x16x64xf32>
    %reshape3A_22 = vector.shape_cast %sub3A_21 : vector<128x16x64xf32> to vector<2048x64xf32>
    %reshape3A_23 = vector.shape_cast %broadcast_in_dim3A_19 : vector<128x16x64xf32> to vector<2048x64xf32>
    %concatenate3A_24 = tpu.concatenate %reshape3A_22, %reshape3A_23 in 1 : vector<2048x64xf32>, vector<2048x64xf32> -> vector<2048x128xf32>
    %get3A_25 = arith.constant 0 : index
    %get3A_26 = arith.constant 0 : index
    %get3A_27 = vector.load %arg3[%get3A_25, %get3A_26] : memref<128x128xf32, #tpu.memory_space<vmem>>, vector<128x128xf32>
    %dot_general3A_28 = arith.constant dense<0.000000e+00> : vector<2048x128xf32>
    %dot_general3A_29 = tpu.matmul %concatenate3A_24, %get3A_27, %dot_general3A_28 {dimension_numbers = #tpu.dot_dimension_numbers<[1], [0], [0], [1], [0, 0, 1, 1], [], []>, transpose_lhs_hint = false} : vector<2048x128xf32>, vector<128x128xf32>, vector<2048x128xf32> -> vector<2048x128xf32>
    %slice3A_30 = vector.extract_strided_slice %get3A_1 {offsets = [0, 128], sizes = [128, 64], strides = [1, 1]} : vector<128x256xf32> to vector<128x64xf32>
    %get3A_31 = arith.constant 0 : index
    %get3A_32 = arith.constant 128 : index
    %get3A_33 = vector.load %arg1[%get3A_31, %get3A_32] : memref<2048x256xf32, #tpu.memory_space<vmem>>, vector<2048x64xf32>
    %broadcast_in_dim3A_34 = vector.shape_cast %slice3A_30 : vector<128x64xf32> to vector<128x1x64xf32>
    %broadcast_in_dim3A_35 = vector.shape_cast %broadcast_in_dim3A_34 : vector<128x1x64xf32> to vector<128x1x64xf32>
    %broadcast_in_dim3A_36 = vector.broadcast %broadcast_in_dim3A_35 : vector<128x1x64xf32> to vector<128x16x64xf32>
    %reshape3A_37 = vector.shape_cast %get3A_33 : vector<2048x64xf32> to vector<128x16x64xf32>
    %sub3A_38 = arith.subf %reshape3A_37, %broadcast_in_dim3A_36 : vector<128x16x64xf32>
    %reshape3A_39 = vector.shape_cast %sub3A_38 : vector<128x16x64xf32> to vector<2048x64xf32>
    %reshape3A_40 = vector.shape_cast %broadcast_in_dim3A_36 : vector<128x16x64xf32> to vector<2048x64xf32>
    %concatenate3A_41 = tpu.concatenate %reshape3A_39, %reshape3A_40 in 1 : vector<2048x64xf32>, vector<2048x64xf32> -> vector<2048x128xf32>
    %get3A_42 = arith.constant 0 : index
    %get3A_43 = arith.constant 0 : index
    %get3A_44 = vector.load %arg3[%get3A_42, %get3A_43] : memref<128x128xf32, #tpu.memory_space<vmem>>, vector<128x128xf32>
    %dot_general3A_45 = arith.constant dense<0.000000e+00> : vector<2048x128xf32>
    %dot_general3A_46 = tpu.matmul %concatenate3A_41, %get3A_44, %dot_general3A_45 {dimension_numbers = #tpu.dot_dimension_numbers<[1], [0], [0], [1], [0, 0, 1, 1], [], []>, transpose_lhs_hint = false} : vector<2048x128xf32>, vector<128x128xf32>, vector<2048x128xf32> -> vector<2048x128xf32>
    %get3A_47 = arith.constant 0 : index
    %get3A_48 = arith.constant 0 : index
    %get3A_49 = vector.load %arg4[%get3A_47, %get3A_48] : memref<128x128xf32, #tpu.memory_space<vmem>>, vector<128x128xf32>
    %dot_general3A_50 = arith.constant dense<0.000000e+00> : vector<2048x128xf32>
    %dot_general3A_51 = tpu.matmul %dot_general3A_12, %get3A_49, %dot_general3A_50 {dimension_numbers = #tpu.dot_dimension_numbers<[1], [0], [0], [1], [0, 0, 1, 1], [], []>, transpose_lhs_hint = false} : vector<2048x128xf32>, vector<128x128xf32>, vector<2048x128xf32> -> vector<2048x128xf32>
    %get3A_52 = arith.constant 0 : index
    %get3A_53 = arith.constant 0 : index
    %get3A_54 = vector.load %arg4[%get3A_52, %get3A_53] : memref<128x128xf32, #tpu.memory_space<vmem>>, vector<128x128xf32>
    %dot_general3A_55 = arith.constant dense<0.000000e+00> : vector<2048x128xf32>
    %dot_general3A_56 = tpu.matmul %dot_general3A_29, %get3A_54, %dot_general3A_55 {dimension_numbers = #tpu.dot_dimension_numbers<[1], [0], [0], [1], [0, 0, 1, 1], [], []>, transpose_lhs_hint = false} : vector<2048x128xf32>, vector<128x128xf32>, vector<2048x128xf32> -> vector<2048x128xf32>
    %get3A_57 = arith.constant 0 : index
    %get3A_58 = arith.constant 0 : index
    %get3A_59 = vector.load %arg4[%get3A_57, %get3A_58] : memref<128x128xf32, #tpu.memory_space<vmem>>, vector<128x128xf32>
    %dot_general3A_60 = arith.constant dense<0.000000e+00> : vector<2048x128xf32>
    %dot_general3A_61 = tpu.matmul %dot_general3A_46, %get3A_59, %dot_general3A_60 {dimension_numbers = #tpu.dot_dimension_numbers<[1], [0], [0], [1], [0, 0, 1, 1], [], []>, transpose_lhs_hint = false} : vector<2048x128xf32>, vector<128x128xf32>, vector<2048x128xf32> -> vector<2048x128xf32>
    %mul3A = arith.mulf %dot_general3A_51, %dot_general3A_51 : vector<2048x128xf32>
    %mul3A_62 = arith.mulf %dot_general3A_56, %dot_general3A_56 : vector<2048x128xf32>
    %add3A = arith.addf %mul3A, %mul3A_62 : vector<2048x128xf32>
    %mul3A_63 = arith.mulf %dot_general3A_61, %dot_general3A_61 : vector<2048x128xf32>
    %add3A_64 = arith.addf %add3A, %mul3A_63 : vector<2048x128xf32>
    %sqrt3A = math.sqrt %add3A_64 : vector<2048x128xf32>
    %add3A_65 = arith.constant 9.99999997E-7 : f32
    %add3A_66 = vector.broadcast %add3A_65 : f32 to vector<2048x128xf32>
    %add3A_67 = arith.addf %sqrt3A, %add3A_66 : vector<2048x128xf32>
    %div3A = arith.divf %dot_general3A_51, %add3A_67 : vector<2048x128xf32>
    %div3A_68 = arith.divf %dot_general3A_56, %add3A_67 : vector<2048x128xf32>
    %div3A_69 = arith.divf %dot_general3A_61, %add3A_67 : vector<2048x128xf32>
    %mul3A_70 = arith.mulf %dot_general3A_12, %div3A : vector<2048x128xf32>
    %mul3A_71 = arith.mulf %dot_general3A_29, %div3A_68 : vector<2048x128xf32>
    %add3A_72 = arith.addf %mul3A_70, %mul3A_71 : vector<2048x128xf32>
    %mul3A_73 = arith.mulf %dot_general3A_46, %div3A_69 : vector<2048x128xf32>
    %add3A_74 = arith.addf %add3A_72, %mul3A_73 : vector<2048x128xf32>
    %ge3A = arith.constant 0.000000e+00 : f32
    %ge3A_75 = vector.broadcast %ge3A : f32 to vector<2048x128xf32>
    %ge3A_76 = arith.cmpf oge, %add3A_74, %ge3A_75 : vector<2048x128xf32>
    %mul3A_77 = arith.constant 2.000000e-01 : f32
    %mul3A_78 = vector.broadcast %mul3A_77 : f32 to vector<2048x128xf32>
    %mul3A_79 = arith.mulf %mul3A_78, %add3A_74 : vector<2048x128xf32>
    %select_n3A = arith.select %ge3A_76, %add3A_74, %mul3A_79 : vector<2048x128xi1>, vector<2048x128xf32>
    %sub3A_80 = arith.subf %select_n3A, %add3A_74 : vector<2048x128xf32>
    %mul3A_81 = arith.mulf %sub3A_80, %div3A : vector<2048x128xf32>
    %add3A_82 = arith.addf %dot_general3A_12, %mul3A_81 : vector<2048x128xf32>
    %reshape3A_83 = vector.shape_cast %add3A_82 : vector<2048x128xf32> to vector<128x16x128xf32>
    %slice3A_84 = vector.extract_strided_slice %reshape3A_83 {offsets = [0, 0, 0], sizes = [128, 1, 128], strides = [1, 1, 1]} : vector<128x16x128xf32> to vector<128x1x128xf32>
    %squeeze3A = vector.shape_cast %slice3A_84 : vector<128x1x128xf32> to vector<128x128xf32>
    %slice3A_85 = vector.extract_strided_slice %reshape3A_83 {offsets = [0, 1, 0], sizes = [128, 1, 128], strides = [1, 1, 1]} : vector<128x16x128xf32> to vector<128x1x128xf32>
    %squeeze3A_86 = vector.shape_cast %slice3A_85 : vector<128x1x128xf32> to vector<128x128xf32>
    %add3A_87 = arith.addf %squeeze3A, %squeeze3A_86 : vector<128x128xf32>
    %slice3A_88 = vector.extract_strided_slice %reshape3A_83 {offsets = [0, 2, 0], sizes = [128, 1, 128], strides = [1, 1, 1]} : vector<128x16x128xf32> to vector<128x1x128xf32>
    %squeeze3A_89 = vector.shape_cast %slice3A_88 : vector<128x1x128xf32> to vector<128x128xf32>
    %add3A_90 = arith.addf %add3A_87, %squeeze3A_89 : vector<128x128xf32>
    %slice3A_91 = vector.extract_strided_slice %reshape3A_83 {offsets = [0, 3, 0], sizes = [128, 1, 128], strides = [1, 1, 1]} : vector<128x16x128xf32> to vector<128x1x128xf32>
    %squeeze3A_92 = vector.shape_cast %slice3A_91 : vector<128x1x128xf32> to vector<128x128xf32>
    %add3A_93 = arith.addf %add3A_90, %squeeze3A_92 : vector<128x128xf32>
    %slice3A_94 = vector.extract_strided_slice %reshape3A_83 {offsets = [0, 4, 0], sizes = [128, 1, 128], strides = [1, 1, 1]} : vector<128x16x128xf32> to vector<128x1x128xf32>
    %squeeze3A_95 = vector.shape_cast %slice3A_94 : vector<128x1x128xf32> to vector<128x128xf32>
    %add3A_96 = arith.addf %add3A_93, %squeeze3A_95 : vector<128x128xf32>
    %slice3A_97 = vector.extract_strided_slice %reshape3A_83 {offsets = [0, 5, 0], sizes = [128, 1, 128], strides = [1, 1, 1]} : vector<128x16x128xf32> to vector<128x1x128xf32>
    %squeeze3A_98 = vector.shape_cast %slice3A_97 : vector<128x1x128xf32> to vector<128x128xf32>
    %add3A_99 = arith.addf %add3A_96, %squeeze3A_98 : vector<128x128xf32>
    %slice3A_100 = vector.extract_strided_slice %reshape3A_83 {offsets = [0, 6, 0], sizes = [128, 1, 128], strides = [1, 1, 1]} : vector<128x16x128xf32> to vector<128x1x128xf32>
    %squeeze3A_101 = vector.shape_cast %slice3A_100 : vector<128x1x128xf32> to vector<128x128xf32>
    %add3A_102 = arith.addf %add3A_99, %squeeze3A_101 : vector<128x128xf32>
    %slice3A_103 = vector.extract_strided_slice %reshape3A_83 {offsets = [0, 7, 0], sizes = [128, 1, 128], strides = [1, 1, 1]} : vector<128x16x128xf32> to vector<128x1x128xf32>
    %squeeze3A_104 = vector.shape_cast %slice3A_103 : vector<128x1x128xf32> to vector<128x128xf32>
    %add3A_105 = arith.addf %add3A_102, %squeeze3A_104 : vector<128x128xf32>
    %slice3A_106 = vector.extract_strided_slice %reshape3A_83 {offsets = [0, 8, 0], sizes = [128, 1, 128], strides = [1, 1, 1]} : vector<128x16x128xf32> to vector<128x1x128xf32>
    %squeeze3A_107 = vector.shape_cast %slice3A_106 : vector<128x1x128xf32> to vector<128x128xf32>
    %add3A_108 = arith.addf %add3A_105, %squeeze3A_107 : vector<128x128xf32>
    %slice3A_109 = vector.extract_strided_slice %reshape3A_83 {offsets = [0, 9, 0], sizes = [128, 1, 128], strides = [1, 1, 1]} : vector<128x16x128xf32> to vector<128x1x128xf32>
    %squeeze3A_110 = vector.shape_cast %slice3A_109 : vector<128x1x128xf32> to vector<128x128xf32>
    %add3A_111 = arith.addf %add3A_108, %squeeze3A_110 : vector<128x128xf32>
    %slice3A_112 = vector.extract_strided_slice %reshape3A_83 {offsets = [0, 10, 0], sizes = [128, 1, 128], strides = [1, 1, 1]} : vector<128x16x128xf32> to vector<128x1x128xf32>
    %squeeze3A_113 = vector.shape_cast %slice3A_112 : vector<128x1x128xf32> to vector<128x128xf32>
    %add3A_114 = arith.addf %add3A_111, %squeeze3A_113 : vector<128x128xf32>
    %slice3A_115 = vector.extract_strided_slice %reshape3A_83 {offsets = [0, 11, 0], sizes = [128, 1, 128], strides = [1, 1, 1]} : vector<128x16x128xf32> to vector<128x1x128xf32>
    %squeeze3A_116 = vector.shape_cast %slice3A_115 : vector<128x1x128xf32> to vector<128x128xf32>
    %add3A_117 = arith.addf %add3A_114, %squeeze3A_116 : vector<128x128xf32>
    %slice3A_118 = vector.extract_strided_slice %reshape3A_83 {offsets = [0, 12, 0], sizes = [128, 1, 128], strides = [1, 1, 1]} : vector<128x16x128xf32> to vector<128x1x128xf32>
    %squeeze3A_119 = vector.shape_cast %slice3A_118 : vector<128x1x128xf32> to vector<128x128xf32>
    %add3A_120 = arith.addf %add3A_117, %squeeze3A_119 : vector<128x128xf32>
    %slice3A_121 = vector.extract_strided_slice %reshape3A_83 {offsets = [0, 13, 0], sizes = [128, 1, 128], strides = [1, 1, 1]} : vector<128x16x128xf32> to vector<128x1x128xf32>
    %squeeze3A_122 = vector.shape_cast %slice3A_121 : vector<128x1x128xf32> to vector<128x128xf32>
    %add3A_123 = arith.addf %add3A_120, %squeeze3A_122 : vector<128x128xf32>
    %slice3A_124 = vector.extract_strided_slice %reshape3A_83 {offsets = [0, 14, 0], sizes = [128, 1, 128], strides = [1, 1, 1]} : vector<128x16x128xf32> to vector<128x1x128xf32>
    %squeeze3A_125 = vector.shape_cast %slice3A_124 : vector<128x1x128xf32> to vector<128x128xf32>
    %add3A_126 = arith.addf %add3A_123, %squeeze3A_125 : vector<128x128xf32>
    %slice3A_127 = vector.extract_strided_slice %reshape3A_83 {offsets = [0, 15, 0], sizes = [128, 1, 128], strides = [1, 1, 1]} : vector<128x16x128xf32> to vector<128x1x128xf32>
    %squeeze3A_128 = vector.shape_cast %slice3A_127 : vector<128x1x128xf32> to vector<128x128xf32>
    %add3A_129 = arith.addf %add3A_126, %squeeze3A_128 : vector<128x128xf32>
    %mul3A_130 = arith.constant 6.250000e-02 : f32
    %mul3A_131 = vector.broadcast %mul3A_130 : f32 to vector<128x128xf32>
    %mul3A_132 = arith.mulf %add3A_129, %mul3A_131 : vector<128x128xf32>
    %swap3A = arith.constant 0 : index
    %swap3A_133 = arith.constant 0 : index
    %swap3A_134 = vector.load %arg5[%swap3A, %swap3A_133] : memref<128x384xf32, #tpu.memory_space<vmem>>, vector<128x128xf32>
    tpu.vector_store %arg5[%swap3A, %swap3A_133], %mul3A_132 {strides = array<i32>} : memref<128x384xf32, #tpu.memory_space<vmem>>, vector<128x128xf32>,
    %mul3A_135 = arith.mulf %sub3A_80, %div3A_68 : vector<2048x128xf32>
    %add3A_136 = arith.addf %dot_general3A_29, %mul3A_135 : vector<2048x128xf32>
    %reshape3A_137 = vector.shape_cast %add3A_136 : vector<2048x128xf32> to vector<128x16x128xf32>
    %slice3A_138 = vector.extract_strided_slice %reshape3A_137 {offsets = [0, 0, 0], sizes = [128, 1, 128], strides = [1, 1, 1]} : vector<128x16x128xf32> to vector<128x1x128xf32>
    %squeeze3A_139 = vector.shape_cast %slice3A_138 : vector<128x1x128xf32> to vector<128x128xf32>
    %slice3A_140 = vector.extract_strided_slice %reshape3A_137 {offsets = [0, 1, 0], sizes = [128, 1, 128], strides = [1, 1, 1]} : vector<128x16x128xf32> to vector<128x1x128xf32>
    %squeeze3A_141 = vector.shape_cast %slice3A_140 : vector<128x1x128xf32> to vector<128x128xf32>
    %add3A_142 = arith.addf %squeeze3A_139, %squeeze3A_141 : vector<128x128xf32>
    %slice3A_143 = vector.extract_strided_slice %reshape3A_137 {offsets = [0, 2, 0], sizes = [128, 1, 128], strides = [1, 1, 1]} : vector<128x16x128xf32> to vector<128x1x128xf32>
    %squeeze3A_144 = vector.shape_cast %slice3A_143 : vector<128x1x128xf32> to vector<128x128xf32>
    %add3A_145 = arith.addf %add3A_142, %squeeze3A_144 : vector<128x128xf32>
    %slice3A_146 = vector.extract_strided_slice %reshape3A_137 {offsets = [0, 3, 0], sizes = [128, 1, 128], strides = [1, 1, 1]} : vector<128x16x128xf32> to vector<128x1x128xf32>
    %squeeze3A_147 = vector.shape_cast %slice3A_146 : vector<128x1x128xf32> to vector<128x128xf32>
    %add3A_148 = arith.addf %add3A_145, %squeeze3A_147 : vector<128x128xf32>
    %slice3A_149 = vector.extract_strided_slice %reshape3A_137 {offsets = [0, 4, 0], sizes = [128, 1, 128], strides = [1, 1, 1]} : vector<128x16x128xf32> to vector<128x1x128xf32>
    %squeeze3A_150 = vector.shape_cast %slice3A_149 : vector<128x1x128xf32> to vector<128x128xf32>
    %add3A_151 = arith.addf %add3A_148, %squeeze3A_150 : vector<128x128xf32>
    %slice3A_152 = vector.extract_strided_slice %reshape3A_137 {offsets = [0, 5, 0], sizes = [128, 1, 128], strides = [1, 1, 1]} : vector<128x16x128xf32> to vector<128x1x128xf32>
    %squeeze3A_153 = vector.shape_cast %slice3A_152 : vector<128x1x128xf32> to vector<128x128xf32>
    %add3A_154 = arith.addf %add3A_151, %squeeze3A_153 : vector<128x128xf32>
    %slice3A_155 = vector.extract_strided_slice %reshape3A_137 {offsets = [0, 6, 0], sizes = [128, 1, 128], strides = [1, 1, 1]} : vector<128x16x128xf32> to vector<128x1x128xf32>
    %squeeze3A_156 = vector.shape_cast %slice3A_155 : vector<128x1x128xf32> to vector<128x128xf32>
    %add3A_157 = arith.addf %add3A_154, %squeeze3A_156 : vector<128x128xf32>
    %slice3A_158 = vector.extract_strided_slice %reshape3A_137 {offsets = [0, 7, 0], sizes = [128, 1, 128], strides = [1, 1, 1]} : vector<128x16x128xf32> to vector<128x1x128xf32>
    %squeeze3A_159 = vector.shape_cast %slice3A_158 : vector<128x1x128xf32> to vector<128x128xf32>
    %add3A_160 = arith.addf %add3A_157, %squeeze3A_159 : vector<128x128xf32>
    %slice3A_161 = vector.extract_strided_slice %reshape3A_137 {offsets = [0, 8, 0], sizes = [128, 1, 128], strides = [1, 1, 1]} : vector<128x16x128xf32> to vector<128x1x128xf32>
    %squeeze3A_162 = vector.shape_cast %slice3A_161 : vector<128x1x128xf32> to vector<128x128xf32>
    %add3A_163 = arith.addf %add3A_160, %squeeze3A_162 : vector<128x128xf32>
    %slice3A_164 = vector.extract_strided_slice %reshape3A_137 {offsets = [0, 9, 0], sizes = [128, 1, 128], strides = [1, 1, 1]} : vector<128x16x128xf32> to vector<128x1x128xf32>
    %squeeze3A_165 = vector.shape_cast %slice3A_164 : vector<128x1x128xf32> to vector<128x128xf32>
    %add3A_166 = arith.addf %add3A_163, %squeeze3A_165 : vector<128x128xf32>
    %slice3A_167 = vector.extract_strided_slice %reshape3A_137 {offsets = [0, 10, 0], sizes = [128, 1, 128], strides = [1, 1, 1]} : vector<128x16x128xf32> to vector<128x1x128xf32>
    %squeeze3A_168 = vector.shape_cast %slice3A_167 : vector<128x1x128xf32> to vector<128x128xf32>
    %add3A_169 = arith.addf %add3A_166, %squeeze3A_168 : vector<128x128xf32>
    %slice3A_170 = vector.extract_strided_slice %reshape3A_137 {offsets = [0, 11, 0], sizes = [128, 1, 128], strides = [1, 1, 1]} : vector<128x16x128xf32> to vector<128x1x128xf32>
    %squeeze3A_171 = vector.shape_cast %slice3A_170 : vector<128x1x128xf32> to vector<128x128xf32>
    %add3A_172 = arith.addf %add3A_169, %squeeze3A_171 : vector<128x128xf32>
    %slice3A_173 = vector.extract_strided_slice %reshape3A_137 {offsets = [0, 12, 0], sizes = [128, 1, 128], strides = [1, 1, 1]} : vector<128x16x128xf32> to vector<128x1x128xf32>
    %squeeze3A_174 = vector.shape_cast %slice3A_173 : vector<128x1x128xf32> to vector<128x128xf32>
    %add3A_175 = arith.addf %add3A_172, %squeeze3A_174 : vector<128x128xf32>
    %slice3A_176 = vector.extract_strided_slice %reshape3A_137 {offsets = [0, 13, 0], sizes = [128, 1, 128], strides = [1, 1, 1]} : vector<128x16x128xf32> to vector<128x1x128xf32>
    %squeeze3A_177 = vector.shape_cast %slice3A_176 : vector<128x1x128xf32> to vector<128x128xf32>
    %add3A_178 = arith.addf %add3A_175, %squeeze3A_177 : vector<128x128xf32>
    %slice3A_179 = vector.extract_strided_slice %reshape3A_137 {offsets = [0, 14, 0], sizes = [128, 1, 128], strides = [1, 1, 1]} : vector<128x16x128xf32> to vector<128x1x128xf32>
    %squeeze3A_180 = vector.shape_cast %slice3A_179 : vector<128x1x128xf32> to vector<128x128xf32>
    %add3A_181 = arith.addf %add3A_178, %squeeze3A_180 : vector<128x128xf32>
    %slice3A_182 = vector.extract_strided_slice %reshape3A_137 {offsets = [0, 15, 0], sizes = [128, 1, 128], strides = [1, 1, 1]} : vector<128x16x128xf32> to vector<128x1x128xf32>
    %squeeze3A_183 = vector.shape_cast %slice3A_182 : vector<128x1x128xf32> to vector<128x128xf32>
    %add3A_184 = arith.addf %add3A_181, %squeeze3A_183 : vector<128x128xf32>
    %mul3A_185 = arith.constant 6.250000e-02 : f32
    %mul3A_186 = vector.broadcast %mul3A_185 : f32 to vector<128x128xf32>
    %mul3A_187 = arith.mulf %add3A_184, %mul3A_186 : vector<128x128xf32>
    %swap3A_188 = arith.constant 0 : index
    %swap3A_189 = arith.constant 128 : index
    %swap3A_190 = vector.load %arg5[%swap3A_188, %swap3A_189] : memref<128x384xf32, #tpu.memory_space<vmem>>, vector<128x128xf32>
    tpu.vector_store %arg5[%swap3A_188, %swap3A_189], %mul3A_187 {strides = array<i32>} : memref<128x384xf32, #tpu.memory_space<vmem>>, vector<128x128xf32>,
    %mul3A_191 = arith.mulf %sub3A_80, %div3A_69 : vector<2048x128xf32>
    %add3A_192 = arith.addf %dot_general3A_46, %mul3A_191 : vector<2048x128xf32>
    %reshape3A_193 = vector.shape_cast %add3A_192 : vector<2048x128xf32> to vector<128x16x128xf32>
    %slice3A_194 = vector.extract_strided_slice %reshape3A_193 {offsets = [0, 0, 0], sizes = [128, 1, 128], strides = [1, 1, 1]} : vector<128x16x128xf32> to vector<128x1x128xf32>
    %squeeze3A_195 = vector.shape_cast %slice3A_194 : vector<128x1x128xf32> to vector<128x128xf32>
    %slice3A_196 = vector.extract_strided_slice %reshape3A_193 {offsets = [0, 1, 0], sizes = [128, 1, 128], strides = [1, 1, 1]} : vector<128x16x128xf32> to vector<128x1x128xf32>
    %squeeze3A_197 = vector.shape_cast %slice3A_196 : vector<128x1x128xf32> to vector<128x128xf32>
    %add3A_198 = arith.addf %squeeze3A_195, %squeeze3A_197 : vector<128x128xf32>
    %slice3A_199 = vector.extract_strided_slice %reshape3A_193 {offsets = [0, 2, 0], sizes = [128, 1, 128], strides = [1, 1, 1]} : vector<128x16x128xf32> to vector<128x1x128xf32>
    %squeeze3A_200 = vector.shape_cast %slice3A_199 : vector<128x1x128xf32> to vector<128x128xf32>
    %add3A_201 = arith.addf %add3A_198, %squeeze3A_200 : vector<128x128xf32>
    %slice3A_202 = vector.extract_strided_slice %reshape3A_193 {offsets = [0, 3, 0], sizes = [128, 1, 128], strides = [1, 1, 1]} : vector<128x16x128xf32> to vector<128x1x128xf32>
    %squeeze3A_203 = vector.shape_cast %slice3A_202 : vector<128x1x128xf32> to vector<128x128xf32>
    %add3A_204 = arith.addf %add3A_201, %squeeze3A_203 : vector<128x128xf32>
    %slice3A_205 = vector.extract_strided_slice %reshape3A_193 {offsets = [0, 4, 0], sizes = [128, 1, 128], strides = [1, 1, 1]} : vector<128x16x128xf32> to vector<128x1x128xf32>
    %squeeze3A_206 = vector.shape_cast %slice3A_205 : vector<128x1x128xf32> to vector<128x128xf32>
    %add3A_207 = arith.addf %add3A_204, %squeeze3A_206 : vector<128x128xf32>
    %slice3A_208 = vector.extract_strided_slice %reshape3A_193 {offsets = [0, 5, 0], sizes = [128, 1, 128], strides = [1, 1, 1]} : vector<128x16x128xf32> to vector<128x1x128xf32>
    %squeeze3A_209 = vector.shape_cast %slice3A_208 : vector<128x1x128xf32> to vector<128x128xf32>
    %add3A_210 = arith.addf %add3A_207, %squeeze3A_209 : vector<128x128xf32>
    %slice3A_211 = vector.extract_strided_slice %reshape3A_193 {offsets = [0, 6, 0], sizes = [128, 1, 128], strides = [1, 1, 1]} : vector<128x16x128xf32> to vector<128x1x128xf32>
    %squeeze3A_212 = vector.shape_cast %slice3A_211 : vector<128x1x128xf32> to vector<128x128xf32>
    %add3A_213 = arith.addf %add3A_210, %squeeze3A_212 : vector<128x128xf32>
    %slice3A_214 = vector.extract_strided_slice %reshape3A_193 {offsets = [0, 7, 0], sizes = [128, 1, 128], strides = [1, 1, 1]} : vector<128x16x128xf32> to vector<128x1x128xf32>
    %squeeze3A_215 = vector.shape_cast %slice3A_214 : vector<128x1x128xf32> to vector<128x128xf32>
    %add3A_216 = arith.addf %add3A_213, %squeeze3A_215 : vector<128x128xf32>
    %slice3A_217 = vector.extract_strided_slice %reshape3A_193 {offsets = [0, 8, 0], sizes = [128, 1, 128], strides = [1, 1, 1]} : vector<128x16x128xf32> to vector<128x1x128xf32>
    %squeeze3A_218 = vector.shape_cast %slice3A_217 : vector<128x1x128xf32> to vector<128x128xf32>
    %add3A_219 = arith.addf %add3A_216, %squeeze3A_218 : vector<128x128xf32>
    %slice3A_220 = vector.extract_strided_slice %reshape3A_193 {offsets = [0, 9, 0], sizes = [128, 1, 128], strides = [1, 1, 1]} : vector<128x16x128xf32> to vector<128x1x128xf32>
    %squeeze3A_221 = vector.shape_cast %slice3A_220 : vector<128x1x128xf32> to vector<128x128xf32>
    %add3A_222 = arith.addf %add3A_219, %squeeze3A_221 : vector<128x128xf32>
    %slice3A_223 = vector.extract_strided_slice %reshape3A_193 {offsets = [0, 10, 0], sizes = [128, 1, 128], strides = [1, 1, 1]} : vector<128x16x128xf32> to vector<128x1x128xf32>
    %squeeze3A_224 = vector.shape_cast %slice3A_223 : vector<128x1x128xf32> to vector<128x128xf32>
    %add3A_225 = arith.addf %add3A_222, %squeeze3A_224 : vector<128x128xf32>
    %slice3A_226 = vector.extract_strided_slice %reshape3A_193 {offsets = [0, 11, 0], sizes = [128, 1, 128], strides = [1, 1, 1]} : vector<128x16x128xf32> to vector<128x1x128xf32>
    %squeeze3A_227 = vector.shape_cast %slice3A_226 : vector<128x1x128xf32> to vector<128x128xf32>
    %add3A_228 = arith.addf %add3A_225, %squeeze3A_227 : vector<128x128xf32>
    %slice3A_229 = vector.extract_strided_slice %reshape3A_193 {offsets = [0, 12, 0], sizes = [128, 1, 128], strides = [1, 1, 1]} : vector<128x16x128xf32> to vector<128x1x128xf32>
    %squeeze3A_230 = vector.shape_cast %slice3A_229 : vector<128x1x128xf32> to vector<128x128xf32>
    %add3A_231 = arith.addf %add3A_228, %squeeze3A_230 : vector<128x128xf32>
    %slice3A_232 = vector.extract_strided_slice %reshape3A_193 {offsets = [0, 13, 0], sizes = [128, 1, 128], strides = [1, 1, 1]} : vector<128x16x128xf32> to vector<128x1x128xf32>
    %squeeze3A_233 = vector.shape_cast %slice3A_232 : vector<128x1x128xf32> to vector<128x128xf32>
    %add3A_234 = arith.addf %add3A_231, %squeeze3A_233 : vector<128x128xf32>
    %slice3A_235 = vector.extract_strided_slice %reshape3A_193 {offsets = [0, 14, 0], sizes = [128, 1, 128], strides = [1, 1, 1]} : vector<128x16x128xf32> to vector<128x1x128xf32>
    %squeeze3A_236 = vector.shape_cast %slice3A_235 : vector<128x1x128xf32> to vector<128x128xf32>
    %add3A_237 = arith.addf %add3A_234, %squeeze3A_236 : vector<128x128xf32>
    %slice3A_238 = vector.extract_strided_slice %reshape3A_193 {offsets = [0, 15, 0], sizes = [128, 1, 128], strides = [1, 1, 1]} : vector<128x16x128xf32> to vector<128x1x128xf32>
    %squeeze3A_239 = vector.shape_cast %slice3A_238 : vector<128x1x128xf32> to vector<128x128xf32>
    %add3A_240 = arith.addf %add3A_237, %squeeze3A_239 : vector<128x128xf32>
    %mul3A_241 = arith.constant 6.250000e-02 : f32
    %mul3A_242 = vector.broadcast %mul3A_241 : f32 to vector<128x128xf32>
    %mul3A_243 = arith.mulf %add3A_240, %mul3A_242 : vector<128x128xf32>
    %swap3A_244 = arith.constant 0 : index
    %swap3A_245 = arith.constant 256 : index
    %swap3A_246 = vector.load %arg5[%swap3A_244, %swap3A_245] : memref<128x384xf32, #tpu.memory_space<vmem>>, vector<128x128xf32>
    tpu.vector_store %arg5[%swap3A_244, %swap3A_245], %mul3A_243 {strides = array<i32>} : memref<128x384xf32, #tpu.memory_space<vmem>>, vector<128x128xf32>,
    return
  }
  func.func @transform_0(%arg0: i32) -> (i32, i32) {
    %c0_i32 = arith.constant 0 : i32
    %c0_i32_0 = arith.constant 0 : i32
    return %arg0, %c0_i32 : i32, i32
  }
  func.func @transform_1(%arg0: i32) -> (i32, i32) {
    %c0_i32 = arith.constant 0 : i32
    %c0_i32_0 = arith.constant 0 : i32
    return %arg0, %c0_i32 : i32, i32
  }
  func.func @transform_2(%arg0: i32) -> (i32, i32) {
    %c0_i32 = arith.constant 0 : i32
    %c0_i32_0 = arith.constant 0 : i32
    %c0_i32_1 = arith.constant 0 : i32
    return %c0_i32, %c0_i32_0 : i32, i32
  }
  func.func @transform_3(%arg0: i32) -> (i32, i32) {
    %c0_i32 = arith.constant 0 : i32
    %c0_i32_0 = arith.constant 0 : i32
    %c0_i32_1 = arith.constant 0 : i32
    return %c0_i32, %c0_i32_0 : i32, i32
  }
  func.func @transform_4(%arg0: i32) -> (i32, i32) {
    %c0_i32 = arith.constant 0 : i32
    %c0_i32_0 = arith.constant 0 : i32
    return %arg0, %c0_i32 : i32, i32
  }
}

module attributes {stable_mosaic.version = 14 : i64} {
  func.func @_convc_body(%arg0: i32, %arg1: i32, %arg2: memref<512x128xf32, #tpu.memory_space<vmem>>, %arg3: memref<512x256xf32, #tpu.memory_space<vmem>>, %arg4: memref<512x384xf32, #tpu.memory_space<vmem>>, %arg5: memref<512x384xf32, #tpu.memory_space<vmem>>, %arg6: memref<32x128xf32, #tpu.memory_space<vmem>>, %arg7: memref<64x128xf32, #tpu.memory_space<vmem>>, %arg8: memref<128x128xf32, #tpu.memory_space<vmem>>, %arg9: memref<128x128xf32, #tpu.memory_space<vmem>>, %arg10: memref<128x1xf32, #tpu.memory_space<vmem>>, %arg11: memref<1x3x128xf32, #tpu.memory_space<vmem>>) attributes {dimension_semantics = [#tpu.dimension_semantics<arbitrary>, #tpu.dimension_semantics<arbitrary>], iteration_bounds = array<i64: 2, 4>, scalar_prefetch = 0 : i64, scratch_operands = 0 : i64, tpu.core_type = #tpu.core_type<tc>, window_params = [{transform_indices = @transform_0, window_bounds = array<i64: 512, 128>}, {transform_indices = @transform_1, window_bounds = array<i64: 512, 256>}, {transform_indices = @transform_2, window_bounds = array<i64: 512, 384>}, {transform_indices = @transform_3, window_bounds = array<i64: 512, 384>}, {pipeline_mode = #tpu.pipeline_mode<synchronous>, transform_indices = @transform_4, window_bounds = array<i64: 32, 128>}, {pipeline_mode = #tpu.pipeline_mode<synchronous>, transform_indices = @transform_5, window_bounds = array<i64: 64, 128>}, {pipeline_mode = #tpu.pipeline_mode<synchronous>, transform_indices = @transform_6, window_bounds = array<i64: 128, 128>}, {pipeline_mode = #tpu.pipeline_mode<synchronous>, transform_indices = @transform_7, window_bounds = array<i64: 128, 128>}, {pipeline_mode = #tpu.pipeline_mode<synchronous>, transform_indices = @transform_8, window_bounds = array<i64: 128, 1>}, {transform_indices = @transform_9, window_bounds = array<i64: 1, 3, 128>}]} {
    %get3A = arith.constant 0 : index
    %get3A_0 = arith.constant 0 : index
    %get3A_1 = vector.load %arg6[%get3A, %get3A_0] : memref<32x128xf32, #tpu.memory_space<vmem>>, vector<32x128xf32>
    %get3A_2 = arith.constant 0 : index
    %get3A_3 = arith.constant 0 : index
    %get3A_4 = vector.load %arg7[%get3A_2, %get3A_3] : memref<64x128xf32, #tpu.memory_space<vmem>>, vector<64x128xf32>
    %get3A_5 = arith.constant 0 : index
    %get3A_6 = arith.constant 0 : index
    %get3A_7 = vector.load %arg8[%get3A_5, %get3A_6] : memref<128x128xf32, #tpu.memory_space<vmem>>, vector<128x128xf32>
    %get3A_8 = arith.constant 0 : index
    %get3A_9 = arith.constant 0 : index
    %get3A_10 = vector.load %arg9[%get3A_8, %get3A_9] : memref<128x128xf32, #tpu.memory_space<vmem>>, vector<128x128xf32>
    %concatenate3A = tpu.concatenate %get3A_1, %get3A_4, %get3A_7, %get3A_10 in 0 : vector<32x128xf32>, vector<64x128xf32>, vector<128x128xf32>, vector<128x128xf32> -> vector<352x128xf32>
    %get3A_11 = arith.constant 0 : index
    %get3A_12 = arith.constant 0 : index
    %get3A_13 = vector.load %arg2[%get3A_11, %get3A_12] : memref<512x128xf32, #tpu.memory_space<vmem>>, vector<512x32xf32>
    %get3A_14 = arith.constant 0 : index
    %get3A_15 = arith.constant 0 : index
    %get3A_16 = vector.load %arg3[%get3A_14, %get3A_15] : memref<512x256xf32, #tpu.memory_space<vmem>>, vector<512x64xf32>
    %get3A_17 = arith.constant 0 : index
    %get3A_18 = arith.constant 0 : index
    %get3A_19 = vector.load %arg4[%get3A_17, %get3A_18] : memref<512x384xf32, #tpu.memory_space<vmem>>, vector<512x128xf32>
    %get3A_20 = arith.constant 0 : index
    %get3A_21 = arith.constant 0 : index
    %get3A_22 = vector.load %arg5[%get3A_20, %get3A_21] : memref<512x384xf32, #tpu.memory_space<vmem>>, vector<512x128xf32>
    %concatenate3A_23 = tpu.concatenate %get3A_13, %get3A_16, %get3A_19, %get3A_22 in 1 : vector<512x32xf32>, vector<512x64xf32>, vector<512x128xf32>, vector<512x128xf32> -> vector<512x352xf32>
    %dot_general3A = arith.constant dense<0.000000e+00> : vector<512x128xf32>
    %dot_general3A_24 = tpu.matmul %concatenate3A_23, %concatenate3A, %dot_general3A {dimension_numbers = #tpu.dot_dimension_numbers<[1], [0], [0], [1], [0, 0, 1, 1], [], []>, transpose_lhs_hint = false} : vector<512x352xf32>, vector<352x128xf32>, vector<512x128xf32> -> vector<512x128xf32>
    %get3A_25 = arith.constant 0 : index
    %get3A_26 = arith.constant 0 : index
    %get3A_27 = vector.load %arg10[%get3A_25, %get3A_26] : memref<128x1xf32, #tpu.memory_space<vmem>>, vector<128x1xf32>
    %dot_general3A_28 = arith.constant dense<0.000000e+00> : vector<512x1xf32>
    %dot_general3A_29 = tpu.matmul %dot_general3A_24, %get3A_27, %dot_general3A_28 {dimension_numbers = #tpu.dot_dimension_numbers<[1], [0], [0], [1], [0, 0, 1, 1], [], []>, transpose_lhs_hint = false} : vector<512x128xf32>, vector<128x1xf32>, vector<512x1xf32> -> vector<512x1xf32>
    %get3A_30 = arith.constant 0 : index
    %get3A_31 = arith.constant 32 : index
    %get3A_32 = vector.load %arg2[%get3A_30, %get3A_31] : memref<512x128xf32, #tpu.memory_space<vmem>>, vector<512x32xf32>
    %get3A_33 = arith.constant 0 : index
    %get3A_34 = arith.constant 64 : index
    %get3A_35 = vector.load %arg3[%get3A_33, %get3A_34] : memref<512x256xf32, #tpu.memory_space<vmem>>, vector<512x64xf32>
    %get3A_36 = arith.constant 0 : index
    %get3A_37 = arith.constant 128 : index
    %get3A_38 = vector.load %arg4[%get3A_36, %get3A_37] : memref<512x384xf32, #tpu.memory_space<vmem>>, vector<512x128xf32>
    %get3A_39 = arith.constant 0 : index
    %get3A_40 = arith.constant 128 : index
    %get3A_41 = vector.load %arg5[%get3A_39, %get3A_40] : memref<512x384xf32, #tpu.memory_space<vmem>>, vector<512x128xf32>
    %concatenate3A_42 = tpu.concatenate %get3A_32, %get3A_35, %get3A_38, %get3A_41 in 1 : vector<512x32xf32>, vector<512x64xf32>, vector<512x128xf32>, vector<512x128xf32> -> vector<512x352xf32>
    %dot_general3A_43 = arith.constant dense<0.000000e+00> : vector<512x128xf32>
    %dot_general3A_44 = tpu.matmul %concatenate3A_42, %concatenate3A, %dot_general3A_43 {dimension_numbers = #tpu.dot_dimension_numbers<[1], [0], [0], [1], [0, 0, 1, 1], [], []>, transpose_lhs_hint = false} : vector<512x352xf32>, vector<352x128xf32>, vector<512x128xf32> -> vector<512x128xf32>
    %get3A_45 = arith.constant 0 : index
    %get3A_46 = arith.constant 0 : index
    %get3A_47 = vector.load %arg10[%get3A_45, %get3A_46] : memref<128x1xf32, #tpu.memory_space<vmem>>, vector<128x1xf32>
    %dot_general3A_48 = arith.constant dense<0.000000e+00> : vector<512x1xf32>
    %dot_general3A_49 = tpu.matmul %dot_general3A_44, %get3A_47, %dot_general3A_48 {dimension_numbers = #tpu.dot_dimension_numbers<[1], [0], [0], [1], [0, 0, 1, 1], [], []>, transpose_lhs_hint = false} : vector<512x128xf32>, vector<128x1xf32>, vector<512x1xf32> -> vector<512x1xf32>
    %get3A_50 = arith.constant 0 : index
    %get3A_51 = arith.constant 64 : index
    %get3A_52 = vector.load %arg2[%get3A_50, %get3A_51] : memref<512x128xf32, #tpu.memory_space<vmem>>, vector<512x32xf32>
    %get3A_53 = arith.constant 0 : index
    %get3A_54 = arith.constant 128 : index
    %get3A_55 = vector.load %arg3[%get3A_53, %get3A_54] : memref<512x256xf32, #tpu.memory_space<vmem>>, vector<512x64xf32>
    %get3A_56 = arith.constant 0 : index
    %get3A_57 = arith.constant 256 : index
    %get3A_58 = vector.load %arg4[%get3A_56, %get3A_57] : memref<512x384xf32, #tpu.memory_space<vmem>>, vector<512x128xf32>
    %get3A_59 = arith.constant 0 : index
    %get3A_60 = arith.constant 256 : index
    %get3A_61 = vector.load %arg5[%get3A_59, %get3A_60] : memref<512x384xf32, #tpu.memory_space<vmem>>, vector<512x128xf32>
    %concatenate3A_62 = tpu.concatenate %get3A_52, %get3A_55, %get3A_58, %get3A_61 in 1 : vector<512x32xf32>, vector<512x64xf32>, vector<512x128xf32>, vector<512x128xf32> -> vector<512x352xf32>
    %dot_general3A_63 = arith.constant dense<0.000000e+00> : vector<512x128xf32>
    %dot_general3A_64 = tpu.matmul %concatenate3A_62, %concatenate3A, %dot_general3A_63 {dimension_numbers = #tpu.dot_dimension_numbers<[1], [0], [0], [1], [0, 0, 1, 1], [], []>, transpose_lhs_hint = false} : vector<512x352xf32>, vector<352x128xf32>, vector<512x128xf32> -> vector<512x128xf32>
    %get3A_65 = arith.constant 0 : index
    %get3A_66 = arith.constant 0 : index
    %get3A_67 = vector.load %arg10[%get3A_65, %get3A_66] : memref<128x1xf32, #tpu.memory_space<vmem>>, vector<128x1xf32>
    %dot_general3A_68 = arith.constant dense<0.000000e+00> : vector<512x1xf32>
    %dot_general3A_69 = tpu.matmul %dot_general3A_64, %get3A_67, %dot_general3A_68 {dimension_numbers = #tpu.dot_dimension_numbers<[1], [0], [0], [1], [0, 0, 1, 1], [], []>, transpose_lhs_hint = false} : vector<512x128xf32>, vector<128x1xf32>, vector<512x1xf32> -> vector<512x1xf32>
    %mul3A = arith.mulf %dot_general3A_29, %dot_general3A_29 : vector<512x1xf32>
    %mul3A_70 = arith.mulf %dot_general3A_49, %dot_general3A_49 : vector<512x1xf32>
    %add3A = arith.addf %mul3A, %mul3A_70 : vector<512x1xf32>
    %mul3A_71 = arith.mulf %dot_general3A_69, %dot_general3A_69 : vector<512x1xf32>
    %add3A_72 = arith.addf %add3A, %mul3A_71 : vector<512x1xf32>
    %sqrt3A = math.sqrt %add3A_72 : vector<512x1xf32>
    %add3A_73 = arith.constant 9.99999997E-7 : f32
    %add3A_74 = vector.broadcast %add3A_73 : f32 to vector<512x1xf32>
    %add3A_75 = arith.addf %sqrt3A, %add3A_74 : vector<512x1xf32>
    %div3A = arith.divf %dot_general3A_29, %add3A_75 : vector<512x1xf32>
    %div3A_76 = arith.divf %dot_general3A_49, %add3A_75 : vector<512x1xf32>
    %div3A_77 = arith.divf %dot_general3A_69, %add3A_75 : vector<512x1xf32>
    %mul3A_78 = vector.broadcast %div3A : vector<512x1xf32> to vector<512x128xf32>
    %mul3A_79 = arith.mulf %dot_general3A_24, %mul3A_78 : vector<512x128xf32>
    %mul3A_80 = vector.broadcast %div3A_76 : vector<512x1xf32> to vector<512x128xf32>
    %mul3A_81 = arith.mulf %dot_general3A_44, %mul3A_80 : vector<512x128xf32>
    %add3A_82 = arith.addf %mul3A_79, %mul3A_81 : vector<512x128xf32>
    %mul3A_83 = vector.broadcast %div3A_77 : vector<512x1xf32> to vector<512x128xf32>
    %mul3A_84 = arith.mulf %dot_general3A_64, %mul3A_83 : vector<512x128xf32>
    %add3A_85 = arith.addf %add3A_82, %mul3A_84 : vector<512x128xf32>
    %ge3A = arith.constant 0.000000e+00 : f32
    %ge3A_86 = vector.broadcast %ge3A : f32 to vector<512x128xf32>
    %ge3A_87 = arith.cmpf oge, %add3A_85, %ge3A_86 : vector<512x128xf32>
    %mul3A_88 = arith.constant 2.000000e-01 : f32
    %mul3A_89 = vector.broadcast %mul3A_88 : f32 to vector<512x128xf32>
    %mul3A_90 = arith.mulf %mul3A_89, %add3A_85 : vector<512x128xf32>
    %select_n3A = arith.select %ge3A_87, %add3A_85, %mul3A_90 : vector<512x128xi1>, vector<512x128xf32>
    %sub3A = arith.subf %select_n3A, %add3A_85 : vector<512x128xf32>
    %eq3A = arith.constant 0 : i32
    %eq3A_91 = arith.cmpi eq, %arg1, %eq3A : i32
    %convert_element_type3A = arith.extui %eq3A_91 : i1 to i32
    %cond3A = arith.constant 0 : i32
    %cond3A_92 = arith.cmpi ne, %convert_element_type3A, %cond3A : i32
    scf.if %cond3A_92 {
      %broadcast_in_dim3A_144 = arith.constant 0.000000e+00 : f32
      %broadcast_in_dim3A_145 = vector.broadcast %broadcast_in_dim3A_144 : f32 to vector<1x3x128xf32>
      %swap3A_146 = arith.constant 0 : index
      %swap3A_147 = arith.constant 0 : index
      %swap3A_148 = arith.constant 0 : index
      %swap3A_149 = vector.load %arg11[%swap3A_146, %swap3A_147, %swap3A_148] : memref<1x3x128xf32, #tpu.memory_space<vmem>>, vector<1x3x128xf32>
      tpu.vector_store %arg11[%swap3A_146, %swap3A_147, %swap3A_148], %broadcast_in_dim3A_145 {strides = array<i32>} : memref<1x3x128xf32, #tpu.memory_space<vmem>>, vector<1x3x128xf32>,
    } else {
    }
    %get3A_93 = arith.constant 0 : index
    %get3A_94 = arith.constant 0 : index
    %get3A_95 = arith.constant 0 : index
    %get3A_96 = vector.load %arg11[%get3A_93, %get3A_94, %get3A_95] : memref<1x3x128xf32, #tpu.memory_space<vmem>>, vector<1x1x128xf32>
    %get3A_97 = vector.shape_cast %get3A_96 : vector<1x1x128xf32> to vector<1x128xf32>
    %mul3A_98 = vector.broadcast %div3A : vector<512x1xf32> to vector<512x128xf32>
    %mul3A_99 = arith.mulf %sub3A, %mul3A_98 : vector<512x128xf32>
    %add3A_100 = arith.addf %dot_general3A_24, %mul3A_99 : vector<512x128xf32>
    %reduce_sum3A = arith.constant dense<0.000000e+00> : vector<128xf32>
    %reduce_sum3A_101 = vector.multi_reduction <add>, %add3A_100, %reduce_sum3A [0] : vector<512x128xf32> to vector<128xf32>
    %broadcast_in_dim3A = vector.shape_cast %reduce_sum3A_101 : vector<128xf32> to vector<1x128xf32>
    %add3A_102 = arith.addf %get3A_97, %broadcast_in_dim3A : vector<1x128xf32>
    %swap3A = arith.constant 0 : index
    %swap3A_103 = arith.constant 0 : index
    %swap3A_104 = arith.constant 0 : index
    %swap3A_105 = vector.load %arg11[%swap3A, %swap3A_103, %swap3A_104] : memref<1x3x128xf32, #tpu.memory_space<vmem>>, vector<1x1x128xf32>
    %swap3A_106 = vector.shape_cast %swap3A_105 : vector<1x1x128xf32> to vector<1x128xf32>
    %swap3A_107 = vector.shape_cast %add3A_102 : vector<1x128xf32> to vector<1x1x128xf32>
    tpu.vector_store %arg11[%swap3A, %swap3A_103, %swap3A_104], %swap3A_107 {strides = array<i32>} : memref<1x3x128xf32, #tpu.memory_space<vmem>>, vector<1x1x128xf32>,
    %get3A_108 = arith.constant 0 : index
    %get3A_109 = arith.constant 1 : index
    %get3A_110 = arith.constant 0 : index
    %get3A_111 = vector.load %arg11[%get3A_108, %get3A_109, %get3A_110] : memref<1x3x128xf32, #tpu.memory_space<vmem>>, vector<1x1x128xf32>
    %get3A_112 = vector.shape_cast %get3A_111 : vector<1x1x128xf32> to vector<1x128xf32>
    %mul3A_113 = vector.broadcast %div3A_76 : vector<512x1xf32> to vector<512x128xf32>
    %mul3A_114 = arith.mulf %sub3A, %mul3A_113 : vector<512x128xf32>
    %add3A_115 = arith.addf %dot_general3A_44, %mul3A_114 : vector<512x128xf32>
    %reduce_sum3A_116 = arith.constant dense<0.000000e+00> : vector<128xf32>
    %reduce_sum3A_117 = vector.multi_reduction <add>, %add3A_115, %reduce_sum3A_116 [0] : vector<512x128xf32> to vector<128xf32>
    %broadcast_in_dim3A_118 = vector.shape_cast %reduce_sum3A_117 : vector<128xf32> to vector<1x128xf32>
    %add3A_119 = arith.addf %get3A_112, %broadcast_in_dim3A_118 : vector<1x128xf32>
    %swap3A_120 = arith.constant 0 : index
    %swap3A_121 = arith.constant 1 : index
    %swap3A_122 = arith.constant 0 : index
    %swap3A_123 = vector.load %arg11[%swap3A_120, %swap3A_121, %swap3A_122] : memref<1x3x128xf32, #tpu.memory_space<vmem>>, vector<1x1x128xf32>
    %swap3A_124 = vector.shape_cast %swap3A_123 : vector<1x1x128xf32> to vector<1x128xf32>
    %swap3A_125 = vector.shape_cast %add3A_119 : vector<1x128xf32> to vector<1x1x128xf32>
    tpu.vector_store %arg11[%swap3A_120, %swap3A_121, %swap3A_122], %swap3A_125 {strides = array<i32>} : memref<1x3x128xf32, #tpu.memory_space<vmem>>, vector<1x1x128xf32>,
    %get3A_126 = arith.constant 0 : index
    %get3A_127 = arith.constant 2 : index
    %get3A_128 = arith.constant 0 : index
    %get3A_129 = vector.load %arg11[%get3A_126, %get3A_127, %get3A_128] : memref<1x3x128xf32, #tpu.memory_space<vmem>>, vector<1x1x128xf32>
    %get3A_130 = vector.shape_cast %get3A_129 : vector<1x1x128xf32> to vector<1x128xf32>
    %mul3A_131 = vector.broadcast %div3A_77 : vector<512x1xf32> to vector<512x128xf32>
    %mul3A_132 = arith.mulf %sub3A, %mul3A_131 : vector<512x128xf32>
    %add3A_133 = arith.addf %dot_general3A_64, %mul3A_132 : vector<512x128xf32>
    %reduce_sum3A_134 = arith.constant dense<0.000000e+00> : vector<128xf32>
    %reduce_sum3A_135 = vector.multi_reduction <add>, %add3A_133, %reduce_sum3A_134 [0] : vector<512x128xf32> to vector<128xf32>
    %broadcast_in_dim3A_136 = vector.shape_cast %reduce_sum3A_135 : vector<128xf32> to vector<1x128xf32>
    %add3A_137 = arith.addf %get3A_130, %broadcast_in_dim3A_136 : vector<1x128xf32>
    %swap3A_138 = arith.constant 0 : index
    %swap3A_139 = arith.constant 2 : index
    %swap3A_140 = arith.constant 0 : index
    %swap3A_141 = vector.load %arg11[%swap3A_138, %swap3A_139, %swap3A_140] : memref<1x3x128xf32, #tpu.memory_space<vmem>>, vector<1x1x128xf32>
    %swap3A_142 = vector.shape_cast %swap3A_141 : vector<1x1x128xf32> to vector<1x128xf32>
    %swap3A_143 = vector.shape_cast %add3A_137 : vector<1x128xf32> to vector<1x1x128xf32>
    tpu.vector_store %arg11[%swap3A_138, %swap3A_139, %swap3A_140], %swap3A_143 {strides = array<i32>} : memref<1x3x128xf32, #tpu.memory_space<vmem>>, vector<1x1x128xf32>,
    return
  }
  func.func @transform_0(%arg0: i32, %arg1: i32) -> (i32, i32) {
    %mul3A = arith.constant 4 : i32
    %mul3A_0 = arith.muli %arg0, %mul3A : i32
    %add3A = arith.addi %mul3A_0, %arg1 : i32
    %c0_i32 = arith.constant 0 : i32
    %c0_i32_1 = arith.constant 0 : i32
    return %add3A, %c0_i32 : i32, i32
  }
  func.func @transform_1(%arg0: i32, %arg1: i32) -> (i32, i32) {
    %mul3A = arith.constant 4 : i32
    %mul3A_0 = arith.muli %arg0, %mul3A : i32
    %add3A = arith.addi %mul3A_0, %arg1 : i32
    %c0_i32 = arith.constant 0 : i32
    %c0_i32_1 = arith.constant 0 : i32
    return %add3A, %c0_i32 : i32, i32
  }
  func.func @transform_2(%arg0: i32, %arg1: i32) -> (i32, i32) {
    %mul3A = arith.constant 4 : i32
    %mul3A_0 = arith.muli %arg0, %mul3A : i32
    %add3A = arith.addi %mul3A_0, %arg1 : i32
    %c0_i32 = arith.constant 0 : i32
    %c0_i32_1 = arith.constant 0 : i32
    return %add3A, %c0_i32 : i32, i32
  }
  func.func @transform_3(%arg0: i32, %arg1: i32) -> (i32, i32) {
    %mul3A = arith.constant 4 : i32
    %mul3A_0 = arith.muli %arg0, %mul3A : i32
    %add3A = arith.addi %mul3A_0, %arg1 : i32
    %c0_i32 = arith.constant 0 : i32
    %c0_i32_1 = arith.constant 0 : i32
    return %add3A, %c0_i32 : i32, i32
  }
  func.func @transform_4(%arg0: i32, %arg1: i32) -> (i32, i32) {
    %c0_i32 = arith.constant 0 : i32
    %c0_i32_0 = arith.constant 0 : i32
    %c0_i32_1 = arith.constant 0 : i32
    return %c0_i32, %c0_i32_0 : i32, i32
  }
  func.func @transform_5(%arg0: i32, %arg1: i32) -> (i32, i32) {
    %c0_i32 = arith.constant 0 : i32
    %c0_i32_0 = arith.constant 0 : i32
    %c0_i32_1 = arith.constant 0 : i32
    return %c0_i32, %c0_i32_0 : i32, i32
  }
  func.func @transform_6(%arg0: i32, %arg1: i32) -> (i32, i32) {
    %c0_i32 = arith.constant 0 : i32
    %c0_i32_0 = arith.constant 0 : i32
    %c0_i32_1 = arith.constant 0 : i32
    return %c0_i32, %c0_i32_0 : i32, i32
  }
  func.func @transform_7(%arg0: i32, %arg1: i32) -> (i32, i32) {
    %c0_i32 = arith.constant 0 : i32
    %c0_i32_0 = arith.constant 0 : i32
    %c0_i32_1 = arith.constant 0 : i32
    return %c0_i32, %c0_i32_0 : i32, i32
  }
  func.func @transform_8(%arg0: i32, %arg1: i32) -> (i32, i32) {
    %c0_i32 = arith.constant 0 : i32
    %c0_i32_0 = arith.constant 0 : i32
    %c0_i32_1 = arith.constant 0 : i32
    return %c0_i32, %c0_i32_0 : i32, i32
  }
  func.func @transform_9(%arg0: i32, %arg1: i32) -> (i32, i32, i32) {
    %c0_i32 = arith.constant 0 : i32
    %c0_i32_0 = arith.constant 0 : i32
    %c0_i32_1 = arith.constant 0 : i32
    return %arg0, %c0_i32, %c0_i32_0 : i32, i32, i32
  }
}

module attributes {stable_mosaic.version = 14 : i64} {
  func.func @body(%arg0: i32, %arg1: memref<2048x384xf32, #tpu.memory_space<vmem>>, %arg2: memref<128x384xf32, #tpu.memory_space<vmem>>, %arg3: memref<256x128xf32, #tpu.memory_space<vmem>>, %arg4: memref<128x128xf32, #tpu.memory_space<vmem>>, %arg5: memref<128x384xf32, #tpu.memory_space<vmem>>) attributes {dimension_semantics = [#tpu.dimension_semantics<arbitrary>], iteration_bounds = array<i64: 32>, scalar_prefetch = 0 : i64, scratch_operands = 0 : i64, tpu.core_type = #tpu.core_type<tc>, window_params = [{transform_indices = @transform_0, window_bounds = array<i64: 2048, 384>}, {transform_indices = @transform_1, window_bounds = array<i64: 128, 384>}, {pipeline_mode = #tpu.pipeline_mode<synchronous>, transform_indices = @transform_2, window_bounds = array<i64: 256, 128>}, {pipeline_mode = #tpu.pipeline_mode<synchronous>, transform_indices = @transform_3, window_bounds = array<i64: 128, 128>}, {transform_indices = @transform_4, window_bounds = array<i64: 128, 384>}]} {
    %get3A = arith.constant 0 : index
    %get3A_0 = arith.constant 0 : index
    %get3A_1 = vector.load %arg2[%get3A, %get3A_0] : memref<128x384xf32, #tpu.memory_space<vmem>>, vector<128x384xf32>
    %slice3A = vector.extract_strided_slice %get3A_1 {offsets = [0, 0], sizes = [128, 128], strides = [1, 1]} : vector<128x384xf32> to vector<128x128xf32>
    %get3A_2 = arith.constant 0 : index
    %get3A_3 = arith.constant 0 : index
    %get3A_4 = vector.load %arg1[%get3A_2, %get3A_3] : memref<2048x384xf32, #tpu.memory_space<vmem>>, vector<2048x128xf32>
    %broadcast_in_dim3A = vector.shape_cast %slice3A : vector<128x128xf32> to vector<128x1x128xf32>
    %broadcast_in_dim3A_5 = vector.shape_cast %broadcast_in_dim3A : vector<128x1x128xf32> to vector<128x1x128xf32>
    %broadcast_in_dim3A_6 = vector.broadcast %broadcast_in_dim3A_5 : vector<128x1x128xf32> to vector<128x16x128xf32>
    %reshape3A = vector.shape_cast %get3A_4 : vector<2048x128xf32> to vector<128x16x128xf32>
    %sub3A = arith.subf %reshape3A, %broadcast_in_dim3A_6 : vector<128x16x128xf32>
    %reshape3A_7 = vector.shape_cast %sub3A : vector<128x16x128xf32> to vector<2048x128xf32>
    %reshape3A_8 = vector.shape_cast %broadcast_in_dim3A_6 : vector<128x16x128xf32> to vector<2048x128xf32>
    %concatenate3A = tpu.concatenate %reshape3A_7, %reshape3A_8 in 1 : vector<2048x128xf32>, vector<2048x128xf32> -> vector<2048x256xf32>
    %get3A_9 = arith.constant 0 : index
    %get3A_10 = arith.constant 0 : index
    %get3A_11 = vector.load %arg3[%get3A_9, %get3A_10] : memref<256x128xf32, #tpu.memory_space<vmem>>, vector<256x128xf32>
    %dot_general3A = arith.constant dense<0.000000e+00> : vector<2048x128xf32>
    %dot_general3A_12 = tpu.matmul %concatenate3A, %get3A_11, %dot_general3A {dimension_numbers = #tpu.dot_dimension_numbers<[1], [0], [0], [1], [0, 0, 1, 1], [], []>, transpose_lhs_hint = false} : vector<2048x256xf32>, vector<256x128xf32>, vector<2048x128xf32> -> vector<2048x128xf32>
    %slice3A_13 = vector.extract_strided_slice %get3A_1 {offsets = [0, 128], sizes = [128, 128], strides = [1, 1]} : vector<128x384xf32> to vector<128x128xf32>
    %get3A_14 = arith.constant 0 : index
    %get3A_15 = arith.constant 128 : index
    %get3A_16 = vector.load %arg1[%get3A_14, %get3A_15] : memref<2048x384xf32, #tpu.memory_space<vmem>>, vector<2048x128xf32>
    %broadcast_in_dim3A_17 = vector.shape_cast %slice3A_13 : vector<128x128xf32> to vector<128x1x128xf32>
    %broadcast_in_dim3A_18 = vector.shape_cast %broadcast_in_dim3A_17 : vector<128x1x128xf32> to vector<128x1x128xf32>
    %broadcast_in_dim3A_19 = vector.broadcast %broadcast_in_dim3A_18 : vector<128x1x128xf32> to vector<128x16x128xf32>
    %reshape3A_20 = vector.shape_cast %get3A_16 : vector<2048x128xf32> to vector<128x16x128xf32>
    %sub3A_21 = arith.subf %reshape3A_20, %broadcast_in_dim3A_19 : vector<128x16x128xf32>
    %reshape3A_22 = vector.shape_cast %sub3A_21 : vector<128x16x128xf32> to vector<2048x128xf32>
    %reshape3A_23 = vector.shape_cast %broadcast_in_dim3A_19 : vector<128x16x128xf32> to vector<2048x128xf32>
    %concatenate3A_24 = tpu.concatenate %reshape3A_22, %reshape3A_23 in 1 : vector<2048x128xf32>, vector<2048x128xf32> -> vector<2048x256xf32>
    %get3A_25 = arith.constant 0 : index
    %get3A_26 = arith.constant 0 : index
    %get3A_27 = vector.load %arg3[%get3A_25, %get3A_26] : memref<256x128xf32, #tpu.memory_space<vmem>>, vector<256x128xf32>
    %dot_general3A_28 = arith.constant dense<0.000000e+00> : vector<2048x128xf32>
    %dot_general3A_29 = tpu.matmul %concatenate3A_24, %get3A_27, %dot_general3A_28 {dimension_numbers = #tpu.dot_dimension_numbers<[1], [0], [0], [1], [0, 0, 1, 1], [], []>, transpose_lhs_hint = false} : vector<2048x256xf32>, vector<256x128xf32>, vector<2048x128xf32> -> vector<2048x128xf32>
    %slice3A_30 = vector.extract_strided_slice %get3A_1 {offsets = [0, 256], sizes = [128, 128], strides = [1, 1]} : vector<128x384xf32> to vector<128x128xf32>
    %get3A_31 = arith.constant 0 : index
    %get3A_32 = arith.constant 256 : index
    %get3A_33 = vector.load %arg1[%get3A_31, %get3A_32] : memref<2048x384xf32, #tpu.memory_space<vmem>>, vector<2048x128xf32>
    %broadcast_in_dim3A_34 = vector.shape_cast %slice3A_30 : vector<128x128xf32> to vector<128x1x128xf32>
    %broadcast_in_dim3A_35 = vector.shape_cast %broadcast_in_dim3A_34 : vector<128x1x128xf32> to vector<128x1x128xf32>
    %broadcast_in_dim3A_36 = vector.broadcast %broadcast_in_dim3A_35 : vector<128x1x128xf32> to vector<128x16x128xf32>
    %reshape3A_37 = vector.shape_cast %get3A_33 : vector<2048x128xf32> to vector<128x16x128xf32>
    %sub3A_38 = arith.subf %reshape3A_37, %broadcast_in_dim3A_36 : vector<128x16x128xf32>
    %reshape3A_39 = vector.shape_cast %sub3A_38 : vector<128x16x128xf32> to vector<2048x128xf32>
    %reshape3A_40 = vector.shape_cast %broadcast_in_dim3A_36 : vector<128x16x128xf32> to vector<2048x128xf32>
    %concatenate3A_41 = tpu.concatenate %reshape3A_39, %reshape3A_40 in 1 : vector<2048x128xf32>, vector<2048x128xf32> -> vector<2048x256xf32>
    %get3A_42 = arith.constant 0 : index
    %get3A_43 = arith.constant 0 : index
    %get3A_44 = vector.load %arg3[%get3A_42, %get3A_43] : memref<256x128xf32, #tpu.memory_space<vmem>>, vector<256x128xf32>
    %dot_general3A_45 = arith.constant dense<0.000000e+00> : vector<2048x128xf32>
    %dot_general3A_46 = tpu.matmul %concatenate3A_41, %get3A_44, %dot_general3A_45 {dimension_numbers = #tpu.dot_dimension_numbers<[1], [0], [0], [1], [0, 0, 1, 1], [], []>, transpose_lhs_hint = false} : vector<2048x256xf32>, vector<256x128xf32>, vector<2048x128xf32> -> vector<2048x128xf32>
    %get3A_47 = arith.constant 0 : index
    %get3A_48 = arith.constant 0 : index
    %get3A_49 = vector.load %arg4[%get3A_47, %get3A_48] : memref<128x128xf32, #tpu.memory_space<vmem>>, vector<128x128xf32>
    %dot_general3A_50 = arith.constant dense<0.000000e+00> : vector<2048x128xf32>
    %dot_general3A_51 = tpu.matmul %dot_general3A_12, %get3A_49, %dot_general3A_50 {dimension_numbers = #tpu.dot_dimension_numbers<[1], [0], [0], [1], [0, 0, 1, 1], [], []>, transpose_lhs_hint = false} : vector<2048x128xf32>, vector<128x128xf32>, vector<2048x128xf32> -> vector<2048x128xf32>
    %get3A_52 = arith.constant 0 : index
    %get3A_53 = arith.constant 0 : index
    %get3A_54 = vector.load %arg4[%get3A_52, %get3A_53] : memref<128x128xf32, #tpu.memory_space<vmem>>, vector<128x128xf32>
    %dot_general3A_55 = arith.constant dense<0.000000e+00> : vector<2048x128xf32>
    %dot_general3A_56 = tpu.matmul %dot_general3A_29, %get3A_54, %dot_general3A_55 {dimension_numbers = #tpu.dot_dimension_numbers<[1], [0], [0], [1], [0, 0, 1, 1], [], []>, transpose_lhs_hint = false} : vector<2048x128xf32>, vector<128x128xf32>, vector<2048x128xf32> -> vector<2048x128xf32>
    %get3A_57 = arith.constant 0 : index
    %get3A_58 = arith.constant 0 : index
    %get3A_59 = vector.load %arg4[%get3A_57, %get3A_58] : memref<128x128xf32, #tpu.memory_space<vmem>>, vector<128x128xf32>
    %dot_general3A_60 = arith.constant dense<0.000000e+00> : vector<2048x128xf32>
    %dot_general3A_61 = tpu.matmul %dot_general3A_46, %get3A_59, %dot_general3A_60 {dimension_numbers = #tpu.dot_dimension_numbers<[1], [0], [0], [1], [0, 0, 1, 1], [], []>, transpose_lhs_hint = false} : vector<2048x128xf32>, vector<128x128xf32>, vector<2048x128xf32> -> vector<2048x128xf32>
    %mul3A = arith.mulf %dot_general3A_51, %dot_general3A_51 : vector<2048x128xf32>
    %mul3A_62 = arith.mulf %dot_general3A_56, %dot_general3A_56 : vector<2048x128xf32>
    %add3A = arith.addf %mul3A, %mul3A_62 : vector<2048x128xf32>
    %mul3A_63 = arith.mulf %dot_general3A_61, %dot_general3A_61 : vector<2048x128xf32>
    %add3A_64 = arith.addf %add3A, %mul3A_63 : vector<2048x128xf32>
    %sqrt3A = math.sqrt %add3A_64 : vector<2048x128xf32>
    %add3A_65 = arith.constant 9.99999997E-7 : f32
    %add3A_66 = vector.broadcast %add3A_65 : f32 to vector<2048x128xf32>
    %add3A_67 = arith.addf %sqrt3A, %add3A_66 : vector<2048x128xf32>
    %div3A = arith.divf %dot_general3A_51, %add3A_67 : vector<2048x128xf32>
    %div3A_68 = arith.divf %dot_general3A_56, %add3A_67 : vector<2048x128xf32>
    %div3A_69 = arith.divf %dot_general3A_61, %add3A_67 : vector<2048x128xf32>
    %mul3A_70 = arith.mulf %dot_general3A_12, %div3A : vector<2048x128xf32>
    %mul3A_71 = arith.mulf %dot_general3A_29, %div3A_68 : vector<2048x128xf32>
    %add3A_72 = arith.addf %mul3A_70, %mul3A_71 : vector<2048x128xf32>
    %mul3A_73 = arith.mulf %dot_general3A_46, %div3A_69 : vector<2048x128xf32>
    %add3A_74 = arith.addf %add3A_72, %mul3A_73 : vector<2048x128xf32>
    %ge3A = arith.constant 0.000000e+00 : f32
    %ge3A_75 = vector.broadcast %ge3A : f32 to vector<2048x128xf32>
    %ge3A_76 = arith.cmpf oge, %add3A_74, %ge3A_75 : vector<2048x128xf32>
    %mul3A_77 = arith.constant 2.000000e-01 : f32
    %mul3A_78 = vector.broadcast %mul3A_77 : f32 to vector<2048x128xf32>
    %mul3A_79 = arith.mulf %mul3A_78, %add3A_74 : vector<2048x128xf32>
    %select_n3A = arith.select %ge3A_76, %add3A_74, %mul3A_79 : vector<2048x128xi1>, vector<2048x128xf32>
    %sub3A_80 = arith.subf %select_n3A, %add3A_74 : vector<2048x128xf32>
    %mul3A_81 = arith.mulf %sub3A_80, %div3A : vector<2048x128xf32>
    %add3A_82 = arith.addf %dot_general3A_12, %mul3A_81 : vector<2048x128xf32>
    %reshape3A_83 = vector.shape_cast %add3A_82 : vector<2048x128xf32> to vector<128x16x128xf32>
    %slice3A_84 = vector.extract_strided_slice %reshape3A_83 {offsets = [0, 0, 0], sizes = [128, 1, 128], strides = [1, 1, 1]} : vector<128x16x128xf32> to vector<128x1x128xf32>
    %squeeze3A = vector.shape_cast %slice3A_84 : vector<128x1x128xf32> to vector<128x128xf32>
    %slice3A_85 = vector.extract_strided_slice %reshape3A_83 {offsets = [0, 1, 0], sizes = [128, 1, 128], strides = [1, 1, 1]} : vector<128x16x128xf32> to vector<128x1x128xf32>
    %squeeze3A_86 = vector.shape_cast %slice3A_85 : vector<128x1x128xf32> to vector<128x128xf32>
    %add3A_87 = arith.addf %squeeze3A, %squeeze3A_86 : vector<128x128xf32>
    %slice3A_88 = vector.extract_strided_slice %reshape3A_83 {offsets = [0, 2, 0], sizes = [128, 1, 128], strides = [1, 1, 1]} : vector<128x16x128xf32> to vector<128x1x128xf32>
    %squeeze3A_89 = vector.shape_cast %slice3A_88 : vector<128x1x128xf32> to vector<128x128xf32>
    %add3A_90 = arith.addf %add3A_87, %squeeze3A_89 : vector<128x128xf32>
    %slice3A_91 = vector.extract_strided_slice %reshape3A_83 {offsets = [0, 3, 0], sizes = [128, 1, 128], strides = [1, 1, 1]} : vector<128x16x128xf32> to vector<128x1x128xf32>
    %squeeze3A_92 = vector.shape_cast %slice3A_91 : vector<128x1x128xf32> to vector<128x128xf32>
    %add3A_93 = arith.addf %add3A_90, %squeeze3A_92 : vector<128x128xf32>
    %slice3A_94 = vector.extract_strided_slice %reshape3A_83 {offsets = [0, 4, 0], sizes = [128, 1, 128], strides = [1, 1, 1]} : vector<128x16x128xf32> to vector<128x1x128xf32>
    %squeeze3A_95 = vector.shape_cast %slice3A_94 : vector<128x1x128xf32> to vector<128x128xf32>
    %add3A_96 = arith.addf %add3A_93, %squeeze3A_95 : vector<128x128xf32>
    %slice3A_97 = vector.extract_strided_slice %reshape3A_83 {offsets = [0, 5, 0], sizes = [128, 1, 128], strides = [1, 1, 1]} : vector<128x16x128xf32> to vector<128x1x128xf32>
    %squeeze3A_98 = vector.shape_cast %slice3A_97 : vector<128x1x128xf32> to vector<128x128xf32>
    %add3A_99 = arith.addf %add3A_96, %squeeze3A_98 : vector<128x128xf32>
    %slice3A_100 = vector.extract_strided_slice %reshape3A_83 {offsets = [0, 6, 0], sizes = [128, 1, 128], strides = [1, 1, 1]} : vector<128x16x128xf32> to vector<128x1x128xf32>
    %squeeze3A_101 = vector.shape_cast %slice3A_100 : vector<128x1x128xf32> to vector<128x128xf32>
    %add3A_102 = arith.addf %add3A_99, %squeeze3A_101 : vector<128x128xf32>
    %slice3A_103 = vector.extract_strided_slice %reshape3A_83 {offsets = [0, 7, 0], sizes = [128, 1, 128], strides = [1, 1, 1]} : vector<128x16x128xf32> to vector<128x1x128xf32>
    %squeeze3A_104 = vector.shape_cast %slice3A_103 : vector<128x1x128xf32> to vector<128x128xf32>
    %add3A_105 = arith.addf %add3A_102, %squeeze3A_104 : vector<128x128xf32>
    %slice3A_106 = vector.extract_strided_slice %reshape3A_83 {offsets = [0, 8, 0], sizes = [128, 1, 128], strides = [1, 1, 1]} : vector<128x16x128xf32> to vector<128x1x128xf32>
    %squeeze3A_107 = vector.shape_cast %slice3A_106 : vector<128x1x128xf32> to vector<128x128xf32>
    %add3A_108 = arith.addf %add3A_105, %squeeze3A_107 : vector<128x128xf32>
    %slice3A_109 = vector.extract_strided_slice %reshape3A_83 {offsets = [0, 9, 0], sizes = [128, 1, 128], strides = [1, 1, 1]} : vector<128x16x128xf32> to vector<128x1x128xf32>
    %squeeze3A_110 = vector.shape_cast %slice3A_109 : vector<128x1x128xf32> to vector<128x128xf32>
    %add3A_111 = arith.addf %add3A_108, %squeeze3A_110 : vector<128x128xf32>
    %slice3A_112 = vector.extract_strided_slice %reshape3A_83 {offsets = [0, 10, 0], sizes = [128, 1, 128], strides = [1, 1, 1]} : vector<128x16x128xf32> to vector<128x1x128xf32>
    %squeeze3A_113 = vector.shape_cast %slice3A_112 : vector<128x1x128xf32> to vector<128x128xf32>
    %add3A_114 = arith.addf %add3A_111, %squeeze3A_113 : vector<128x128xf32>
    %slice3A_115 = vector.extract_strided_slice %reshape3A_83 {offsets = [0, 11, 0], sizes = [128, 1, 128], strides = [1, 1, 1]} : vector<128x16x128xf32> to vector<128x1x128xf32>
    %squeeze3A_116 = vector.shape_cast %slice3A_115 : vector<128x1x128xf32> to vector<128x128xf32>
    %add3A_117 = arith.addf %add3A_114, %squeeze3A_116 : vector<128x128xf32>
    %slice3A_118 = vector.extract_strided_slice %reshape3A_83 {offsets = [0, 12, 0], sizes = [128, 1, 128], strides = [1, 1, 1]} : vector<128x16x128xf32> to vector<128x1x128xf32>
    %squeeze3A_119 = vector.shape_cast %slice3A_118 : vector<128x1x128xf32> to vector<128x128xf32>
    %add3A_120 = arith.addf %add3A_117, %squeeze3A_119 : vector<128x128xf32>
    %slice3A_121 = vector.extract_strided_slice %reshape3A_83 {offsets = [0, 13, 0], sizes = [128, 1, 128], strides = [1, 1, 1]} : vector<128x16x128xf32> to vector<128x1x128xf32>
    %squeeze3A_122 = vector.shape_cast %slice3A_121 : vector<128x1x128xf32> to vector<128x128xf32>
    %add3A_123 = arith.addf %add3A_120, %squeeze3A_122 : vector<128x128xf32>
    %slice3A_124 = vector.extract_strided_slice %reshape3A_83 {offsets = [0, 14, 0], sizes = [128, 1, 128], strides = [1, 1, 1]} : vector<128x16x128xf32> to vector<128x1x128xf32>
    %squeeze3A_125 = vector.shape_cast %slice3A_124 : vector<128x1x128xf32> to vector<128x128xf32>
    %add3A_126 = arith.addf %add3A_123, %squeeze3A_125 : vector<128x128xf32>
    %slice3A_127 = vector.extract_strided_slice %reshape3A_83 {offsets = [0, 15, 0], sizes = [128, 1, 128], strides = [1, 1, 1]} : vector<128x16x128xf32> to vector<128x1x128xf32>
    %squeeze3A_128 = vector.shape_cast %slice3A_127 : vector<128x1x128xf32> to vector<128x128xf32>
    %add3A_129 = arith.addf %add3A_126, %squeeze3A_128 : vector<128x128xf32>
    %mul3A_130 = arith.constant 6.250000e-02 : f32
    %mul3A_131 = vector.broadcast %mul3A_130 : f32 to vector<128x128xf32>
    %mul3A_132 = arith.mulf %add3A_129, %mul3A_131 : vector<128x128xf32>
    %swap3A = arith.constant 0 : index
    %swap3A_133 = arith.constant 0 : index
    %swap3A_134 = vector.load %arg5[%swap3A, %swap3A_133] : memref<128x384xf32, #tpu.memory_space<vmem>>, vector<128x128xf32>
    tpu.vector_store %arg5[%swap3A, %swap3A_133], %mul3A_132 {strides = array<i32>} : memref<128x384xf32, #tpu.memory_space<vmem>>, vector<128x128xf32>,
    %mul3A_135 = arith.mulf %sub3A_80, %div3A_68 : vector<2048x128xf32>
    %add3A_136 = arith.addf %dot_general3A_29, %mul3A_135 : vector<2048x128xf32>
    %reshape3A_137 = vector.shape_cast %add3A_136 : vector<2048x128xf32> to vector<128x16x128xf32>
    %slice3A_138 = vector.extract_strided_slice %reshape3A_137 {offsets = [0, 0, 0], sizes = [128, 1, 128], strides = [1, 1, 1]} : vector<128x16x128xf32> to vector<128x1x128xf32>
    %squeeze3A_139 = vector.shape_cast %slice3A_138 : vector<128x1x128xf32> to vector<128x128xf32>
    %slice3A_140 = vector.extract_strided_slice %reshape3A_137 {offsets = [0, 1, 0], sizes = [128, 1, 128], strides = [1, 1, 1]} : vector<128x16x128xf32> to vector<128x1x128xf32>
    %squeeze3A_141 = vector.shape_cast %slice3A_140 : vector<128x1x128xf32> to vector<128x128xf32>
    %add3A_142 = arith.addf %squeeze3A_139, %squeeze3A_141 : vector<128x128xf32>
    %slice3A_143 = vector.extract_strided_slice %reshape3A_137 {offsets = [0, 2, 0], sizes = [128, 1, 128], strides = [1, 1, 1]} : vector<128x16x128xf32> to vector<128x1x128xf32>
    %squeeze3A_144 = vector.shape_cast %slice3A_143 : vector<128x1x128xf32> to vector<128x128xf32>
    %add3A_145 = arith.addf %add3A_142, %squeeze3A_144 : vector<128x128xf32>
    %slice3A_146 = vector.extract_strided_slice %reshape3A_137 {offsets = [0, 3, 0], sizes = [128, 1, 128], strides = [1, 1, 1]} : vector<128x16x128xf32> to vector<128x1x128xf32>
    %squeeze3A_147 = vector.shape_cast %slice3A_146 : vector<128x1x128xf32> to vector<128x128xf32>
    %add3A_148 = arith.addf %add3A_145, %squeeze3A_147 : vector<128x128xf32>
    %slice3A_149 = vector.extract_strided_slice %reshape3A_137 {offsets = [0, 4, 0], sizes = [128, 1, 128], strides = [1, 1, 1]} : vector<128x16x128xf32> to vector<128x1x128xf32>
    %squeeze3A_150 = vector.shape_cast %slice3A_149 : vector<128x1x128xf32> to vector<128x128xf32>
    %add3A_151 = arith.addf %add3A_148, %squeeze3A_150 : vector<128x128xf32>
    %slice3A_152 = vector.extract_strided_slice %reshape3A_137 {offsets = [0, 5, 0], sizes = [128, 1, 128], strides = [1, 1, 1]} : vector<128x16x128xf32> to vector<128x1x128xf32>
    %squeeze3A_153 = vector.shape_cast %slice3A_152 : vector<128x1x128xf32> to vector<128x128xf32>
    %add3A_154 = arith.addf %add3A_151, %squeeze3A_153 : vector<128x128xf32>
    %slice3A_155 = vector.extract_strided_slice %reshape3A_137 {offsets = [0, 6, 0], sizes = [128, 1, 128], strides = [1, 1, 1]} : vector<128x16x128xf32> to vector<128x1x128xf32>
    %squeeze3A_156 = vector.shape_cast %slice3A_155 : vector<128x1x128xf32> to vector<128x128xf32>
    %add3A_157 = arith.addf %add3A_154, %squeeze3A_156 : vector<128x128xf32>
    %slice3A_158 = vector.extract_strided_slice %reshape3A_137 {offsets = [0, 7, 0], sizes = [128, 1, 128], strides = [1, 1, 1]} : vector<128x16x128xf32> to vector<128x1x128xf32>
    %squeeze3A_159 = vector.shape_cast %slice3A_158 : vector<128x1x128xf32> to vector<128x128xf32>
    %add3A_160 = arith.addf %add3A_157, %squeeze3A_159 : vector<128x128xf32>
    %slice3A_161 = vector.extract_strided_slice %reshape3A_137 {offsets = [0, 8, 0], sizes = [128, 1, 128], strides = [1, 1, 1]} : vector<128x16x128xf32> to vector<128x1x128xf32>
    %squeeze3A_162 = vector.shape_cast %slice3A_161 : vector<128x1x128xf32> to vector<128x128xf32>
    %add3A_163 = arith.addf %add3A_160, %squeeze3A_162 : vector<128x128xf32>
    %slice3A_164 = vector.extract_strided_slice %reshape3A_137 {offsets = [0, 9, 0], sizes = [128, 1, 128], strides = [1, 1, 1]} : vector<128x16x128xf32> to vector<128x1x128xf32>
    %squeeze3A_165 = vector.shape_cast %slice3A_164 : vector<128x1x128xf32> to vector<128x128xf32>
    %add3A_166 = arith.addf %add3A_163, %squeeze3A_165 : vector<128x128xf32>
    %slice3A_167 = vector.extract_strided_slice %reshape3A_137 {offsets = [0, 10, 0], sizes = [128, 1, 128], strides = [1, 1, 1]} : vector<128x16x128xf32> to vector<128x1x128xf32>
    %squeeze3A_168 = vector.shape_cast %slice3A_167 : vector<128x1x128xf32> to vector<128x128xf32>
    %add3A_169 = arith.addf %add3A_166, %squeeze3A_168 : vector<128x128xf32>
    %slice3A_170 = vector.extract_strided_slice %reshape3A_137 {offsets = [0, 11, 0], sizes = [128, 1, 128], strides = [1, 1, 1]} : vector<128x16x128xf32> to vector<128x1x128xf32>
    %squeeze3A_171 = vector.shape_cast %slice3A_170 : vector<128x1x128xf32> to vector<128x128xf32>
    %add3A_172 = arith.addf %add3A_169, %squeeze3A_171 : vector<128x128xf32>
    %slice3A_173 = vector.extract_strided_slice %reshape3A_137 {offsets = [0, 12, 0], sizes = [128, 1, 128], strides = [1, 1, 1]} : vector<128x16x128xf32> to vector<128x1x128xf32>
    %squeeze3A_174 = vector.shape_cast %slice3A_173 : vector<128x1x128xf32> to vector<128x128xf32>
    %add3A_175 = arith.addf %add3A_172, %squeeze3A_174 : vector<128x128xf32>
    %slice3A_176 = vector.extract_strided_slice %reshape3A_137 {offsets = [0, 13, 0], sizes = [128, 1, 128], strides = [1, 1, 1]} : vector<128x16x128xf32> to vector<128x1x128xf32>
    %squeeze3A_177 = vector.shape_cast %slice3A_176 : vector<128x1x128xf32> to vector<128x128xf32>
    %add3A_178 = arith.addf %add3A_175, %squeeze3A_177 : vector<128x128xf32>
    %slice3A_179 = vector.extract_strided_slice %reshape3A_137 {offsets = [0, 14, 0], sizes = [128, 1, 128], strides = [1, 1, 1]} : vector<128x16x128xf32> to vector<128x1x128xf32>
    %squeeze3A_180 = vector.shape_cast %slice3A_179 : vector<128x1x128xf32> to vector<128x128xf32>
    %add3A_181 = arith.addf %add3A_178, %squeeze3A_180 : vector<128x128xf32>
    %slice3A_182 = vector.extract_strided_slice %reshape3A_137 {offsets = [0, 15, 0], sizes = [128, 1, 128], strides = [1, 1, 1]} : vector<128x16x128xf32> to vector<128x1x128xf32>
    %squeeze3A_183 = vector.shape_cast %slice3A_182 : vector<128x1x128xf32> to vector<128x128xf32>
    %add3A_184 = arith.addf %add3A_181, %squeeze3A_183 : vector<128x128xf32>
    %mul3A_185 = arith.constant 6.250000e-02 : f32
    %mul3A_186 = vector.broadcast %mul3A_185 : f32 to vector<128x128xf32>
    %mul3A_187 = arith.mulf %add3A_184, %mul3A_186 : vector<128x128xf32>
    %swap3A_188 = arith.constant 0 : index
    %swap3A_189 = arith.constant 128 : index
    %swap3A_190 = vector.load %arg5[%swap3A_188, %swap3A_189] : memref<128x384xf32, #tpu.memory_space<vmem>>, vector<128x128xf32>
    tpu.vector_store %arg5[%swap3A_188, %swap3A_189], %mul3A_187 {strides = array<i32>} : memref<128x384xf32, #tpu.memory_space<vmem>>, vector<128x128xf32>,
    %mul3A_191 = arith.mulf %sub3A_80, %div3A_69 : vector<2048x128xf32>
    %add3A_192 = arith.addf %dot_general3A_46, %mul3A_191 : vector<2048x128xf32>
    %reshape3A_193 = vector.shape_cast %add3A_192 : vector<2048x128xf32> to vector<128x16x128xf32>
    %slice3A_194 = vector.extract_strided_slice %reshape3A_193 {offsets = [0, 0, 0], sizes = [128, 1, 128], strides = [1, 1, 1]} : vector<128x16x128xf32> to vector<128x1x128xf32>
    %squeeze3A_195 = vector.shape_cast %slice3A_194 : vector<128x1x128xf32> to vector<128x128xf32>
    %slice3A_196 = vector.extract_strided_slice %reshape3A_193 {offsets = [0, 1, 0], sizes = [128, 1, 128], strides = [1, 1, 1]} : vector<128x16x128xf32> to vector<128x1x128xf32>
    %squeeze3A_197 = vector.shape_cast %slice3A_196 : vector<128x1x128xf32> to vector<128x128xf32>
    %add3A_198 = arith.addf %squeeze3A_195, %squeeze3A_197 : vector<128x128xf32>
    %slice3A_199 = vector.extract_strided_slice %reshape3A_193 {offsets = [0, 2, 0], sizes = [128, 1, 128], strides = [1, 1, 1]} : vector<128x16x128xf32> to vector<128x1x128xf32>
    %squeeze3A_200 = vector.shape_cast %slice3A_199 : vector<128x1x128xf32> to vector<128x128xf32>
    %add3A_201 = arith.addf %add3A_198, %squeeze3A_200 : vector<128x128xf32>
    %slice3A_202 = vector.extract_strided_slice %reshape3A_193 {offsets = [0, 3, 0], sizes = [128, 1, 128], strides = [1, 1, 1]} : vector<128x16x128xf32> to vector<128x1x128xf32>
    %squeeze3A_203 = vector.shape_cast %slice3A_202 : vector<128x1x128xf32> to vector<128x128xf32>
    %add3A_204 = arith.addf %add3A_201, %squeeze3A_203 : vector<128x128xf32>
    %slice3A_205 = vector.extract_strided_slice %reshape3A_193 {offsets = [0, 4, 0], sizes = [128, 1, 128], strides = [1, 1, 1]} : vector<128x16x128xf32> to vector<128x1x128xf32>
    %squeeze3A_206 = vector.shape_cast %slice3A_205 : vector<128x1x128xf32> to vector<128x128xf32>
    %add3A_207 = arith.addf %add3A_204, %squeeze3A_206 : vector<128x128xf32>
    %slice3A_208 = vector.extract_strided_slice %reshape3A_193 {offsets = [0, 5, 0], sizes = [128, 1, 128], strides = [1, 1, 1]} : vector<128x16x128xf32> to vector<128x1x128xf32>
    %squeeze3A_209 = vector.shape_cast %slice3A_208 : vector<128x1x128xf32> to vector<128x128xf32>
    %add3A_210 = arith.addf %add3A_207, %squeeze3A_209 : vector<128x128xf32>
    %slice3A_211 = vector.extract_strided_slice %reshape3A_193 {offsets = [0, 6, 0], sizes = [128, 1, 128], strides = [1, 1, 1]} : vector<128x16x128xf32> to vector<128x1x128xf32>
    %squeeze3A_212 = vector.shape_cast %slice3A_211 : vector<128x1x128xf32> to vector<128x128xf32>
    %add3A_213 = arith.addf %add3A_210, %squeeze3A_212 : vector<128x128xf32>
    %slice3A_214 = vector.extract_strided_slice %reshape3A_193 {offsets = [0, 7, 0], sizes = [128, 1, 128], strides = [1, 1, 1]} : vector<128x16x128xf32> to vector<128x1x128xf32>
    %squeeze3A_215 = vector.shape_cast %slice3A_214 : vector<128x1x128xf32> to vector<128x128xf32>
    %add3A_216 = arith.addf %add3A_213, %squeeze3A_215 : vector<128x128xf32>
    %slice3A_217 = vector.extract_strided_slice %reshape3A_193 {offsets = [0, 8, 0], sizes = [128, 1, 128], strides = [1, 1, 1]} : vector<128x16x128xf32> to vector<128x1x128xf32>
    %squeeze3A_218 = vector.shape_cast %slice3A_217 : vector<128x1x128xf32> to vector<128x128xf32>
    %add3A_219 = arith.addf %add3A_216, %squeeze3A_218 : vector<128x128xf32>
    %slice3A_220 = vector.extract_strided_slice %reshape3A_193 {offsets = [0, 9, 0], sizes = [128, 1, 128], strides = [1, 1, 1]} : vector<128x16x128xf32> to vector<128x1x128xf32>
    %squeeze3A_221 = vector.shape_cast %slice3A_220 : vector<128x1x128xf32> to vector<128x128xf32>
    %add3A_222 = arith.addf %add3A_219, %squeeze3A_221 : vector<128x128xf32>
    %slice3A_223 = vector.extract_strided_slice %reshape3A_193 {offsets = [0, 10, 0], sizes = [128, 1, 128], strides = [1, 1, 1]} : vector<128x16x128xf32> to vector<128x1x128xf32>
    %squeeze3A_224 = vector.shape_cast %slice3A_223 : vector<128x1x128xf32> to vector<128x128xf32>
    %add3A_225 = arith.addf %add3A_222, %squeeze3A_224 : vector<128x128xf32>
    %slice3A_226 = vector.extract_strided_slice %reshape3A_193 {offsets = [0, 11, 0], sizes = [128, 1, 128], strides = [1, 1, 1]} : vector<128x16x128xf32> to vector<128x1x128xf32>
    %squeeze3A_227 = vector.shape_cast %slice3A_226 : vector<128x1x128xf32> to vector<128x128xf32>
    %add3A_228 = arith.addf %add3A_225, %squeeze3A_227 : vector<128x128xf32>
    %slice3A_229 = vector.extract_strided_slice %reshape3A_193 {offsets = [0, 12, 0], sizes = [128, 1, 128], strides = [1, 1, 1]} : vector<128x16x128xf32> to vector<128x1x128xf32>
    %squeeze3A_230 = vector.shape_cast %slice3A_229 : vector<128x1x128xf32> to vector<128x128xf32>
    %add3A_231 = arith.addf %add3A_228, %squeeze3A_230 : vector<128x128xf32>
    %slice3A_232 = vector.extract_strided_slice %reshape3A_193 {offsets = [0, 13, 0], sizes = [128, 1, 128], strides = [1, 1, 1]} : vector<128x16x128xf32> to vector<128x1x128xf32>
    %squeeze3A_233 = vector.shape_cast %slice3A_232 : vector<128x1x128xf32> to vector<128x128xf32>
    %add3A_234 = arith.addf %add3A_231, %squeeze3A_233 : vector<128x128xf32>
    %slice3A_235 = vector.extract_strided_slice %reshape3A_193 {offsets = [0, 14, 0], sizes = [128, 1, 128], strides = [1, 1, 1]} : vector<128x16x128xf32> to vector<128x1x128xf32>
    %squeeze3A_236 = vector.shape_cast %slice3A_235 : vector<128x1x128xf32> to vector<128x128xf32>
    %add3A_237 = arith.addf %add3A_234, %squeeze3A_236 : vector<128x128xf32>
    %slice3A_238 = vector.extract_strided_slice %reshape3A_193 {offsets = [0, 15, 0], sizes = [128, 1, 128], strides = [1, 1, 1]} : vector<128x16x128xf32> to vector<128x1x128xf32>
    %squeeze3A_239 = vector.shape_cast %slice3A_238 : vector<128x1x128xf32> to vector<128x128xf32>
    %add3A_240 = arith.addf %add3A_237, %squeeze3A_239 : vector<128x128xf32>
    %mul3A_241 = arith.constant 6.250000e-02 : f32
    %mul3A_242 = vector.broadcast %mul3A_241 : f32 to vector<128x128xf32>
    %mul3A_243 = arith.mulf %add3A_240, %mul3A_242 : vector<128x128xf32>
    %swap3A_244 = arith.constant 0 : index
    %swap3A_245 = arith.constant 256 : index
    %swap3A_246 = vector.load %arg5[%swap3A_244, %swap3A_245] : memref<128x384xf32, #tpu.memory_space<vmem>>, vector<128x128xf32>
    tpu.vector_store %arg5[%swap3A_244, %swap3A_245], %mul3A_243 {strides = array<i32>} : memref<128x384xf32, #tpu.memory_space<vmem>>, vector<128x128xf32>,
    return
  }
  func.func @transform_0(%arg0: i32) -> (i32, i32) {
    %c0_i32 = arith.constant 0 : i32
    %c0_i32_0 = arith.constant 0 : i32
    return %arg0, %c0_i32 : i32, i32
  }
  func.func @transform_1(%arg0: i32) -> (i32, i32) {
    %c0_i32 = arith.constant 0 : i32
    %c0_i32_0 = arith.constant 0 : i32
    return %arg0, %c0_i32 : i32, i32
  }
  func.func @transform_2(%arg0: i32) -> (i32, i32) {
    %c0_i32 = arith.constant 0 : i32
    %c0_i32_0 = arith.constant 0 : i32
    %c0_i32_1 = arith.constant 0 : i32
    return %c0_i32, %c0_i32_0 : i32, i32
  }
  func.func @transform_3(%arg0: i32) -> (i32, i32) {
    %c0_i32 = arith.constant 0 : i32
    %c0_i32_0 = arith.constant 0 : i32
    %c0_i32_1 = arith.constant 0 : i32
    return %c0_i32, %c0_i32_0 : i32, i32
  }
  func.func @transform_4(%arg0: i32) -> (i32, i32) {
    %c0_i32 = arith.constant 0 : i32
    %c0_i32_0 = arith.constant 0 : i32
    return %arg0, %c0_i32 : i32, i32
  }
}

</mosaic_0001>

<sc_bundles>
// kernel: kernel.12.cloned.1.call-start
scs
__scs_entry_jumppad:
0x0: {  	(pc) =	sbr.rel $0x88, $3  }
0x1: {  	(tag) =	ssettag $0x0;
	lr =	simm.s32 $0x1  }
0x2: {  	[smem:$0x3F85] =	sst lr;
	_ =	strace $0xD0000000  }
0x3: {  	_ = 	snop  }
0x4: {  	_ = 	snop  }
0x5: {  	_ = 	snop  }
0x6: {  	_ = 	snop  }
0x7: {  	_ = 	snop  }
__scs_overlays_trampoline_lowered:
0x8: {  	[smem:$0x3F94] =	sst s0  }
0x9: {  	[smem:$0x3F95] =	sst s1  }
0xa: {  	[smem:$0x3F96] =	sst s2  }
0xb: {  	[smem:$0x3F97] =	sst s3  }
0xc: {  	[smem:$0x3F98] =	sst s4  }
0xd: {  	[smem:$0x3F99] =	sst s5  }
0xe: {  	[smem:$0x3F9A] =	sst s6  }
0xf: {  	[smem:$0x3F9B] =	sst s7  }
0x10: {  	[smem:$0x3F9C] =	sst s8  }
0x11: {  	[smem:$0x3F9D] =	sst s9;
	s0 =	simm.s32 @!p0 $0x0  }
0x12: {  	s1 =	sld [smem:$0x3F83];
	s0 =	simm.s32 @p0 $0x1  }
0x13: {  	[smem:$0x3F9E] =	sst s0;
	s0 =	simm.s32 @!p1 $0x0  }
0x14: {  	s2 =	sld [smem:$0x3F82];
	s0 =	simm.s32 @p1 $0x1  }
0x15: {  	[smem:$0x3F9F] =	sst s0;
	s0 =	simm.s32 @!p2 $0x0  }
0x16: {  	s3 =	sld [smem:$0x3FDB];
	s0 =	simm.s32 @p2 $0x1  }
0x17: {  	s4 =	simm.s32 $0x1BF5;
	[smem:$0x3FA1] =	sst s0  }
0x18: {  	s0 =	sld [smem:$0x3F84];
	_ =	swait.ge [sflag:s4], $0x0  }
0x19: {  	s7 =	sld [smem:$0x3F85]  }
0x1a: {  	s8 =	sadd.s32 $0xFFFFE003, lr  }
0x1b: {  	s9 =	sadd.s32 $0xFFFFFEF7, lr;
	s5 =	simm.s32 $0xFFFFFFFF;
	p2 =	slt.u32 s8, $0xFFFFF086  }
0x1c: {  	p1 =	slt.u32 s9, $0xF7A;
	s5 =	simm.s32 @!p2 $0x0  }
0x1d: {  	s5 =	simm.s32 @p1 $0x1;
	p0 =	seq.s32 s7, s2  }
0x1e: {  	s7 =	smul.u32 @!p0 $0xF7A, s2;
	p2 =	seq.s32 @!p0 s5, $0x0  }
0x1f: {  	s9 =	smul.u32 $0xF7A, s1;
	s8 =	simm.s32 @!p0 $0x1BF5;
	p2 =	por !p2, p0  }
0x20: {  	[sflag:s8] =	ssyncset.s32 @!p0 $0xFFFFF086;
	s6 =	sadd.s32 @!p0 s3, s7;
	s7 =	simm.s32 @!p0 $0x108  }
0x21: {  	s3 =	sadd.s32 s3, s9;
	s6 =	sadd.s32 @!p0 $0x88, s6;
	s7 =	simm.s32 @p2 $0x1082  }
0x22: {  	[simem:s7], [sflag:s8] =	dma.local @!p0 [hbm:s6], $0xF7A  }
0x23: {  	s9 =	sor.u32 $0xD0000000, s2;
	s6 =	simm.s32 $0x108;
	_ =	swait.ge @!p0 [sflag:s8], $0x0  }
0x24: {  	s3 =	sadd.s32 $0x88, s3;
	s6 =	simm.s32 @!p1 $0x1082;
	[sflag:s4] =	ssyncset.s32 $0xFFFFF086  }
0x25: {  	[simem:s6], [sflag:s4] =	dma.local [hbm:s3], $0xF7A  }
0x26: {  	[smem:$0x3F85] =	sst s1;
	(tag) =	ssettag s2;
	_ =	strace s9  }
0x27: {  	s1 =	sld [smem:$0x3F95]  }
0x28: {  	s2 =	sld [smem:$0x3F96]  }
0x29: {  	s4 =	sld [smem:$0x3F98]  }
0x2a: {  	p0 =	seq.s32 s5, $0x0;
	s5 =	sld [smem:$0x3F99]  }
0x2b: {  	s6 =	sld [smem:$0x3F9A]  }
0x2c: {  	s7 =	sld [smem:$0x3F9B]  }
0x2d: {  	s3 =	simm.s32 $0x108;
	s8 =	sld [smem:$0x3F9C]  }
0x2e: {  	s3 =	simm.s32 @!p0 $0x1082;
	s9 =	sld [smem:$0x3F9D]  }
0x2f: {  	lr =	sadd.s32 s0, s3;
	s0 =	sld [smem:$0x3F94]  }
0x30: {  	s3 =	sld [smem:$0x3F97]  }
0x31: {  	[smem:$0x3FA0] =	sst s10  }
0x32: {  	s10 =	sld [smem:$0x3F9E];
	_ =	sdelay $0x3  }
0x33: {  	p0 =	seq.s32 s10, $0x1;
	s10 =	sld [smem:$0x3FA0];
	_ =	sdelay $0x3  }
0x34: {  	[smem:$0x3FA0] =	sst s10  }
0x35: {  	s10 =	sld [smem:$0x3F9F];
	_ =	sdelay $0x3  }
0x36: {  	p1 =	seq.s32 s10, $0x1;
	s10 =	sld [smem:$0x3FA0];
	_ =	sdelay $0x3  }
0x37: {  	[smem:$0x3FA0] =	sst s10  }
0x38: {  	s10 =	sld [smem:$0x3FA1]  }
0x39: {  	_ = 	snop;
	(pc) =	sbr.ind lr, $3  }
0x3a: {  	_ = 	snop  }
0x3b: {  	_ = 	snop  }
0x3c: {  	p2 =	seq.s32 s10, $0x1;
	s10 =	sld [smem:$0x3FA0]  }
0x3d: {  	_ =	shalt  }
0x3e: {  	_ =	shalt  }
0x3f: {  	_ =	shalt  }
0x40: {  	_ =	shalt  }
0x41: {  	_ =	shalt  }
0x42: {  	_ =	shalt  }
0x43: {  	_ =	shalt  }
0x44: {  	_ =	shalt  }
0x45: {  	_ =	shalt  }
0x46: {  	_ =	shalt  }
0x47: {  	_ =	shalt  }
0x48: {  	_ =	shalt  }
0x49: {  	_ =	shalt  }
0x4a: {  	_ =	shalt  }
0x4b: {  	_ =	shalt  }
0x4c: {  	_ =	shalt  }
0x4d: {  	_ =	shalt  }
0x4e: {  	_ =	shalt  }
0x4f: {  	_ =	shalt  }
0x50: {  	_ =	shalt  }
0x51: {  	_ =	shalt  }
0x52: {  	_ =	shalt  }
0x53: {  	_ =	shalt  }
0x54: {  	_ =	shalt  }
0x55: {  	_ =	shalt  }
0x56: {  	_ =	shalt  }
0x57: {  	_ =	shalt  }
0x58: {  	_ =	shalt  }
0x59: {  	_ =	shalt  }
0x5a: {  	_ =	shalt  }
0x5b: {  	_ =	shalt  }
0x5c: {  	_ =	shalt  }
0x5d: {  	_ =	shalt  }
0x5e: {  	_ =	shalt  }
0x5f: {  	_ =	shalt  }
0x60: {  	_ =	shalt  }
0x61: {  	_ =	shalt  }
0x62: {  	_ =	shalt  }
0x63: {  	_ =	shalt  }
0x64: {  	_ =	shalt  }
0x65: {  	_ =	shalt  }
0x66: {  	_ =	shalt  }
0x67: {  	_ =	shalt  }
0x68: {  	_ =	shalt  }
0x69: {  	_ =	shalt  }
0x6a: {  	_ =	shalt  }
0x6b: {  	_ =	shalt  }
0x6c: {  	_ =	shalt  }
0x6d: {  	_ =	shalt  }
0x6e: {  	_ =	shalt  }
0x6f: {  	_ =	shalt  }
0x70: {  	_ =	shalt  }
0x71: {  	_ =	shalt  }
0x72: {  	_ =	shalt  }
0x73: {  	_ =	shalt  }
0x74: {  	_ =	shalt  }
0x75: {  	_ =	shalt  }
0x76: {  	_ =	shalt  }
0x77: {  	_ =	shalt  }
0x78: {  	_ =	shalt  }
0x79: {  	_ =	shalt  }
0x7a: {  	_ =	shalt  }
0x7b: {  	_ =	shalt  }
0x7c: {  	_ =	shalt  }
0x7d: {  	_ =	shalt  }
0x7e: {  	_ =	shalt  }
0x7f: {  	_ =	shalt  }
0x80: {  	_ =	shalt  }
0x81: {  	_ =	shalt  }
0x82: {  	_ =	shalt  }
0x83: {  	_ =	shalt  }
0x84: {  	_ =	shalt  }
0x85: {  	_ =	shalt  }
0x86: {  	_ =	shalt  }
0x87: {  	_ =	shalt  }
.Lfunc_end0:
.L_simem_size_0:
called_computation_lowered:
.L_overlay_start_0:
0x88: {  	s2 =	sld [smem:$0x3FD9]  }
0x89: {  	s3 =	sld [smem:$0x3FFE];
	_ =	sdelay $0x1  }
0x8a: {  	s1 =	srdreg.scid  }
0x8b: {  	s0 =	sand.u32 $0x1, s1  }
0x8c: {  	s16 =	sshll.u32 s0, $0xA;
	s2 =	sadd.s32 s3, s2  }
0x8d: {  	s2 =	sadd.s32 s2, s16  }
0x8e: {  	[smem:$0x3FAC] =	sst s2  }
0x8f: {  	_ = 	snop  }
0x90: {  	(tm) =	ssettm $0x1  }
0x91: {  	s17 =	sld [smem:$0x3FFB];
	_ =	sdelay $0x3  }
0x92: {  	_ =	strace s17  }
0x93: {  	s2 =	sld [smem:$0x3FFC];
	_ =	sdelay $0x3  }
0x94: {  	_ =	strace s2  }
0x95: {  	s2 =	sld [smem:$0x3FFD];
	_ =	sdelay $0x3  }
0x96: {  	_ =	strace s2  }
0x97: {  	_ =	strace $0x8FFFFFFF  }
0x98: {  	s18 =	sld [smem:$0x3FDB];
	_ =	sdelay $0x1  }
0x99: {  	s19 =	simm.s32 $_scs_section_size  }
0x9a: {  	s4 =	simm.s32 $_size__tile_overlayer_lowered;
	s5 =	simm.s32 $_tile_overlayer_lowered  }
0x9b: {  	s22 =	simm.s32 $0x1BFF;
	s21 =	sshll.u32 s5, $0x1;
	s2 =	sadd.s32 s19, s18  }
0x9c: {  	s6 =	simm.s32 $0x0;
	s20 =	sshll.u32 s4, $0x1;
	s4 =	sadd.s32 s21, s2  }
0x9d: {  	[timem:s6], [sflag:s22] =	dma.local [hbm:s4], s20  }
0x9e: {  	_ =	swait.ge [sflag:s22], s20  }
0x9f: {  	s3 =	ssub.s32 $0x0, s20;
	[sflag:s22] =	ssyncset.done $0x0  }
0xa0: {  	[sflag:s22] =	ssyncadd.s32 s3;
	_ =	sdelay $0x1  }
0xa1: {  	s23 =	simm.s32 $0x1B8B  }
0xa2: {  	_ =	swait.ge [sflag:s23], $0x1  }
0xa3: {  	[sflag:s23] =	ssyncset.done $0x0  }
0xa4: {  	s25 =	simm.s32 $0x1B8E;
	s24 =	sld [smem:$0x3FFE];
	[sflag:s23] =	ssyncadd.s32 $0xFFFFFFFF  }
0xa5: {  	s26 =	simm.s32 $execute0_lowered;
	[smem:$0x3FD2] =	sst s25  }
0xa6: {  	s4 =	sshll.u32 s26, $0x1;
	_ =	strace $0x80000046;
	[dreg:$0x1] =	wrdreg $0xFFFFFFFF  }
0xa7: {  	s28 =	simm.s32 $_size_execute0_lowered;
	s2 =	sadd.s32 s2, s4;
	[dreg:$0x0] =	wrdreg $0x0  }
0xa8: {  	s4 =	sshll.u32 s28, $0x1;
	[dreg:$0x2] =	wrdreg s2  }
0xa9: {  	[dreg:$0x3] =	wrdreg s4  }
0xaa: {  	[dreg:$0x4] =	wrdreg $0xC0  }
0xab: {  	_ =	task [dreg:s6], $0x5FFFF  }
0xac: {  	[dreg:$0x1] =	wrdreg $0xFFFFFFFF  }
0xad: {  	[dreg:$0x0] =	wrdreg $0x60  }
0xae: {  	[dreg:$0x2] =	wrdreg s24  }
0xaf: {  	[dreg:$0x3] =	wrdreg $0x9  }
0xb0: {  	_ =	task.clear_ibuf [dreg:s6], $0x4FFFF;
	_ =	strace $0x90000046  }
0xb1: {  	s29 =	simm.s32 $0x9;
	_ =	strace $0x80000048  }
0xb2: {  	_ =	swait.ge [sflag:s29], $0x1  }
0xb3: {  	[sflag:s29] =	ssyncadd.s32 $0xFFFFFFFF  }
0xb4: {  	_ =	strace $0x90000048  }
0xb5: {  	_ =	sfence  }
0xb6: {  	s30 =	sld [smem:$0x0];
	_ =	sdelay $0x2  }
0xb7: {  	s31 =	sshll.u32 s1, $0xD;
	s1 =	sshrl.u32 s1, $0x2  }
0xb8: {  	s3 =	sand.u32 $0x4000, s31;
	s1 =	sadd.s32 s1, s30  }
0xb9: {  	s0 =	sor.u32 s3, s0;
	s1 =	sshll.u32 s1, $0x11  }
0xba: {  	s0 =	sor.u32 s1, s0  }
0xbb: {  	s0 =	sadd.s32 $0x8F2B, s0  }
0xbc: {  	[sflag:s0] =	ssyncadd.remote.s32 $0x1  }
0xbd: {  	_ =	sfence.sel $0xFFFF  }
0xbe: {  	[dreg:$0x0] =	wrdreg $0xFFFFFFFF;
	(pc) =	sbr.abs _section_cstart, $3  }
0xbf: {  	[dreg:$0x1] =	wrdreg $0xFFFFFFFF  }
0xc0: {  	_ =	task.clear_ibuf [dreg:s6], $0x2FFFF;
	_ =	strace $0x9FFFFFFF  }
0xc1: {  	(tm) =	ssettm $0x7FFFFFFF  }
tec
execute0_lowered:
.L_overlay_start_1:
0x0: {  	(tag) =	ssettag $0x1  }
0x1: {  	s10 =	rddreg [dreg:$0x0]  }
0x2: {  	s0 =	rddreg [dreg:$0x1]  }
0x3: {  	s2 =	simm.s32 $0x0;
	s3 =	srdreg.scid;
	s1 =	stileid.u32  }
0x4: {  	s15 =	simm.s32 $0x3;
	s16 =	simm.s32 $0x2;
	s17 =	simm.s32 $0x4100  }
0x5: {  	s18 =	simm.s32 $0x5;
	s19 =	simm.s32 $0x4;
	s20 =	simm.s32 $0x0  }
0x6: {  	[smem:$0x7FF] =	sst s2;
	s9 =	sand.u32 $0x1, s3;
	s3 =	sadd.s32 $0x2000, s10  }
0x7: {  	s4 =	sshll.u32 s1, $0xC;
	s11 =	sadd.s32 $0x12000, s10;
	s14 =	sshll.u32 s1, $0x10  }
0x8: {  	_ =	strace $0x80000047;
	s5 =	sshll.u32 s9, $0xB;
	s6 =	ssub.s32 $0x2, s9  }
0x9: {  	s9 =	sshll.u32 s9, $0xF;
	s12 =	sor.u32 s5, s4;
	s31 =	sshrl.u32 s6, $0x1  }
0xa: {  	s5 =	sshrl.u32 s12, $0x3;
	s7 =	sshll.u32 s12, $0x4;
	s6 =	ssub.s32 s6, s31  }
0xb: {  	s13 =	sor.u32 $0x180, s12;
	s12 =	sor.u32 $0x100, s12;
	s4 =	sadd.s32 s10, s5  }
0xc: {  	s8 =	sadd.s32 s7, s11;
	s6 =	smax.u32 s6, $0x1;
	s11 =	sadd.s32 s14, s11  }
0xd: {  	s13 =	sshrl.u32 s13, $0x3;
	s12 =	sshrl.u32 s12, $0x3;
	s14 =	simm.s32 $0x100  }
0xe: {  	s5 =	sadd.s32 $0x10, s4;
	s7 =	sadd.s32 $0x7000, s8;
	s8 =	sadd.s32 $0x7800, s8  }
0xf: {  	s11 =	sadd.s32 s9, s11;
	s9 =	sadd.s32 s13, s10;
	s10 =	sadd.s32 s12, s10  }
0x10: {  	s12 =	simm.s32 $0x1;
	s13 =	simm.s32 $0x80;
	s11 =	sadd.s32 $0x800, s11  }
.LBB2_1:
0x11: {  	[tilespmem:s2], [sflag:$0x1] =	stream.linear.gather [hbm4b:s4+s2], $0x80, $0x38;
	[tilespmem:$0x8100] =	vst v63  }
0x12: {  	_ =	swait.ge [sflag:s12], $0x80  }
0x13: {  	[sflag:s12] =	ssyncset.done $0x0  }
0x14: {  	[sflag:s12] =	ssyncadd.s32 $0xFFFFFF80  }
0x15: {  	[tilespmem:s14], [sflag:$0x3] =	stream.indirect.gather [hbm4b:s3+s13], $0x80, s2, s13, $0xb8;
	[tilespmem:$0x8100] =	vst v63  }
0x16: {  	_ = 	snop  }
0x17: {  	[tilespmem:s13], [sflag:$0x2] =	stream.linear.gather [hbm4b:s5+s2], $0x80, $0x38;
	[tilespmem:$0x8100] =	vst v63  }
0x18: {  	_ =	swait.ge [sflag:s15], $0x4000  }
0x19: {  	[sflag:s15] =	ssyncset.done $0x0  }
0x1a: {  	[sflag:s15] =	ssyncadd.s32 $0xFFFFC000  }
0x1b: {  	_ =	swait.ge [sflag:s16], $0x80  }
0x1c: {  	[sflag:s16] =	ssyncset.done $0x0  }
0x1d: {  	[sflag:s16] =	ssyncadd.s32 $0xFFFFFF80  }
0x1e: {  	[tilespmem:s17], [sflag:$0x4] =	stream.indirect.gather [hbm4b:s3+s13], $0x80, s13, s13, $0xb8;
	[tilespmem:$0x8100] =	vst v63  }
0x1f: {  	s21 =	sadd.s32 $0x0, s10  }
0x20: {  	[tilespmem:s2], [sflag:$0x1] =	stream.linear.gather [hbm4b:s21+s2], $0x80, $0x38;
	[tilespmem:$0x8100] =	vst v63  }
0x21: {  	s30 =	sadd.s32 $0xFFFFF800, s11  }
0x22: {  	[hbm4b:s30+s2] =	stream.linear.scatter [tilespmem:s14], [sflag:$0x5], $0x4000, $0x38;
	[tilespmem:$0x8100] =	vst v63  }
0x23: {  	_ =	swait.ge [sflag:s18], $0x4000  }
0x24: {  	[sflag:s18] =	ssyncset.done $0x0  }
0x25: {  	[sflag:s18] =	ssyncadd.s32 $0xFFFFC000  }
0x26: {  	_ =	swait.ge [sflag:s19], $0x4000  }
0x27: {  	[sflag:s19] =	ssyncset.done $0x0  }
0x28: {  	[sflag:s19] =	ssyncadd.s32 $0xFFFFC000  }
0x29: {  	_ =	swait.ge [sflag:s12], $0x80  }
0x2a: {  	[sflag:s12] =	ssyncset.done $0x0  }
0x2b: {  	[sflag:s12] =	ssyncadd.s32 $0xFFFFFF80  }
0x2c: {  	[tilespmem:s14], [sflag:$0x3] =	stream.indirect.gather [hbm4b:s3+s13], $0x80, s2, s13, $0xb8;
	[tilespmem:$0x8100] =	vst v63  }
0x2d: {  	s31 =	sadd.s32 $0x0, s9  }
0x2e: {  	[tilespmem:s13], [sflag:$0x2] =	stream.linear.gather [hbm4b:s31+s2], $0x80, $0x38;
	[tilespmem:$0x8100] =	vst v63  }
0x2f: {  	_ = 	snop  }
0x30: {  	[hbm4b:s11+s2] =	stream.linear.scatter [tilespmem:s17], [sflag:$0x5], $0x4000, $0x38;
	[tilespmem:$0x8100] =	vst v63  }
0x31: {  	_ =	swait.ge [sflag:s18], $0x4000  }
0x32: {  	s22 =	smov.u32 s11;
	s21 =	simm.s32 $0x20;
	[sflag:s18] =	ssyncset.done $0x0  }
.LBB2_2:
0x33: {  	p0 =	sne.s32 s21, $0xC0;
	[sflag:s18] =	ssyncadd.s32 $0xFFFFC000;
	s22 =	sadd.s32 $0x1000, s22  }
0x34: {  	s23 =	smov.u32 s21;
	s21 =	sadd.s32 $0x20, s21  }
0x35: {  	_ =	swait.ge [sflag:s15], $0x4000  }
0x36: {  	[sflag:s15] =	ssyncset.done $0x0  }
0x37: {  	[sflag:s15] =	ssyncadd.s32 $0xFFFFC000  }
0x38: {  	_ =	swait.ge [sflag:s16], $0x80  }
0x39: {  	[sflag:s16] =	ssyncset.done $0x0  }
0x3a: {  	[sflag:s16] =	ssyncadd.s32 $0xFFFFFF80  }
0x3b: {  	[tilespmem:s17], [sflag:$0x4] =	stream.indirect.gather [hbm4b:s3+s13], $0x80, s13, s13, $0xb8;
	[tilespmem:$0x8100] =	vst v63  }
0x3c: {  	s24 =	sadd.s32 s23, s10  }
0x3d: {  	[tilespmem:s2], [sflag:$0x1] =	stream.linear.gather [hbm4b:s24+s2], $0x80, $0x38;
	[tilespmem:$0x8100] =	vst v63  }
0x3e: {  	s24 =	sadd.s32 $0xFFFFF800, s22  }
0x3f: {  	[hbm4b:s24+s2] =	stream.linear.scatter [tilespmem:s14], [sflag:$0x5], $0x4000, $0x38;
	[tilespmem:$0x8100] =	vst v63  }
0x40: {  	_ =	swait.ge [sflag:s18], $0x4000  }
0x41: {  	[sflag:s18] =	ssyncset.done $0x0  }
0x42: {  	[sflag:s18] =	ssyncadd.s32 $0xFFFFC000  }
0x43: {  	_ =	swait.ge [sflag:s19], $0x4000  }
0x44: {  	[sflag:s19] =	ssyncset.done $0x0  }
0x45: {  	[sflag:s19] =	ssyncadd.s32 $0xFFFFC000  }
0x46: {  	_ =	swait.ge [sflag:s12], $0x80  }
0x47: {  	[sflag:s12] =	ssyncset.done $0x0  }
0x48: {  	[sflag:s12] =	ssyncadd.s32 $0xFFFFFF80  }
0x49: {  	[tilespmem:s14], [sflag:$0x3] =	stream.indirect.gather [hbm4b:s3+s13], $0x80, s2, s13, $0xb8;
	[tilespmem:$0x8100] =	vst v63  }
0x4a: {  	s23 =	sadd.s32 s23, s9  }
0x4b: {  	[tilespmem:s13], [sflag:$0x2] =	stream.linear.gather [hbm4b:s23+s2], $0x80, $0x38;
	[tilespmem:$0x8100] =	vst v63  }
.Ltmp0:
0x4c: {  	_ = 	snop;
	(pc) =	sbr.rel @p0 .LBB2_2-.Ltmp0, $4  }
0x4d: {  	_ = 	snop  }
0x4e: {  	[hbm4b:s22+s2] =	stream.linear.scatter [tilespmem:s17], [sflag:$0x5], $0x4000, $0x38;
	[tilespmem:$0x8100] =	vst v63  }
0x4f: {  	_ =	swait.ge [sflag:s18], $0x4000  }
0x50: {  	[sflag:s18] =	ssyncset.done $0x0  }
0x51: {  	[sflag:s18] =	ssyncadd.s32 $0xFFFFC000  }
0x52: {  	_ =	swait.ge [sflag:s15], $0x4000  }
0x53: {  	[sflag:s15] =	ssyncset.done $0x0  }
0x54: {  	[sflag:s15] =	ssyncadd.s32 $0xFFFFC000  }
0x55: {  	_ =	swait.ge [sflag:s16], $0x80  }
0x56: {  	[sflag:s16] =	ssyncset.done $0x0  }
0x57: {  	[sflag:s16] =	ssyncadd.s32 $0xFFFFFF80  }
0x58: {  	[tilespmem:s17], [sflag:$0x4] =	stream.indirect.gather [hbm4b:s3+s13], $0x80, s13, s13, $0xb8;
	[tilespmem:$0x8100] =	vst v63  }
0x59: {  	_ = 	snop  }
0x5a: {  	[hbm4b:s7+s2] =	stream.linear.scatter [tilespmem:s14], [sflag:$0x5], $0x4000, $0x38;
	[tilespmem:$0x8100] =	vst v63  }
0x5b: {  	_ =	swait.ge [sflag:s18], $0x4000  }
0x5c: {  	[sflag:s18] =	ssyncset.done $0x0  }
0x5d: {  	[sflag:s18] =	ssyncadd.s32 $0xFFFFC000  }
0x5e: {  	s20 =	sadd.s32 $0x1, s20;
	_ =	swait.ge [sflag:s19], $0x4000  }
0x5f: {  	p0 =	sne.s32 s20, s6;
	[sflag:s19] =	ssyncset.done $0x0  }
.Ltmp1:
0x60: {  	[sflag:s19] =	ssyncadd.s32 $0xFFFFC000;
	(pc) =	sbr.rel @p0 .LBB2_1-.Ltmp1, $4  }
0x61: {  	[hbm4b:s8+s2] =	stream.linear.scatter [tilespmem:s17], [sflag:$0x5], $0x4000, $0x38;
	[tilespmem:$0x8100] =	vst v63  }
0x62: {  	_ =	swait.ge [sflag:s18], $0x4000  }
0x63: {  	[sflag:s18] =	ssyncset.done $0x0  }
0x64: {  	[sflag:s18] =	ssyncadd.s32 $0xFFFFC000  }
0x65: {  	_ =	sfence.sel $0x180000  }
0x66: {  	[bflag:$0x0] =	sbarrier.arrive $0xFFFF  }
0x67: {  	p0 =	sne.s32 s1, $0x0;
	_ =	strace $0x90000047  }
0x68: {  	s0 =	sadd.s32 @!p0 $0x100000, s0;
	[bflag:$0x2] =	sbarrier.arrive $0xFFFF  }
0x69: {  	[sflag:s0] =	ssyncadd.tile.s32 @!p0 $0x1;
	_ =	shalt  }
.Lfunc_end2:
_tile_overlayer_lowered:
.L_overlay_start_2:
0x6a: {  	(tag) =	ssettag $0x2  }
0x6b: {  	s0 =	rddreg [dreg:$0x0];
	s2 =	stileid.u32  }
0x6c: {  	s1 =	rddreg [dreg:$0x1];
	p0 =	sne.s32 s2, $0x0  }
0x6d: {  	s3 =	rddreg [dreg:$0x2];
	[bflag:$0x3] =	sbarrier.arrive $0xFFFF;
	s2 =	simm.s32 @!p0 $0x1C05  }
0x6e: {  	[timem:s3], [sflag:s2] =	dma.local @!p0 [hbm:s0], s1  }
0x6f: {  	s0 =	simm.s32 @!p0 $0x5  }
0x70: {  	_ =	swait.ge @!p0 [sflag:s0], s1  }
0x71: {  	s1 =	ssub.s32 @!p0 $0x0, s1;
	[sflag:s0] =	ssyncset.done @!p0 $0x0  }
0x72: {  	[sflag:s0] =	ssyncadd.s32 @!p0 s1  }
0x73: {  	[bflag:$0x3] =	sbarrier.arrive $0xFFFF  }
0x74: {  	_ =	shalt  }

// kernel: kernel.15.cloned.1.call-start
scs
__scs_entry_jumppad:
0x0: {  	(pc) =	sbr.rel $0x88, $3  }
0x1: {  	(tag) =	ssettag $0x0;
	lr =	simm.s32 $0x1  }
0x2: {  	[smem:$0x3F85] =	sst lr;
	_ =	strace $0xD0000000  }
0x3: {  	_ = 	snop  }
0x4: {  	_ = 	snop  }
0x5: {  	_ = 	snop  }
0x6: {  	_ = 	snop  }
0x7: {  	_ = 	snop  }
__scs_overlays_trampoline_lowered:
0x8: {  	[smem:$0x3F94] =	sst s0  }
0x9: {  	[smem:$0x3F95] =	sst s1  }
0xa: {  	[smem:$0x3F96] =	sst s2  }
0xb: {  	[smem:$0x3F97] =	sst s3  }
0xc: {  	[smem:$0x3F98] =	sst s4  }
0xd: {  	[smem:$0x3F99] =	sst s5  }
0xe: {  	[smem:$0x3F9A] =	sst s6  }
0xf: {  	[smem:$0x3F9B] =	sst s7  }
0x10: {  	[smem:$0x3F9C] =	sst s8  }
0x11: {  	[smem:$0x3F9D] =	sst s9;
	s0 =	simm.s32 @!p0 $0x0  }
0x12: {  	s1 =	sld [smem:$0x3F83];
	s0 =	simm.s32 @p0 $0x1  }
0x13: {  	[smem:$0x3F9E] =	sst s0;
	s0 =	simm.s32 @!p1 $0x0  }
0x14: {  	s2 =	sld [smem:$0x3F82];
	s0 =	simm.s32 @p1 $0x1  }
0x15: {  	[smem:$0x3F9F] =	sst s0;
	s0 =	simm.s32 @!p2 $0x0  }
0x16: {  	s3 =	sld [smem:$0x3FDB];
	s0 =	simm.s32 @p2 $0x1  }
0x17: {  	s4 =	simm.s32 $0x1BF5;
	[smem:$0x3FA1] =	sst s0  }
0x18: {  	s0 =	sld [smem:$0x3F84];
	_ =	swait.ge [sflag:s4], $0x0  }
0x19: {  	s7 =	sld [smem:$0x3F85]  }
0x1a: {  	s8 =	sadd.s32 $0xFFFFE003, lr  }
0x1b: {  	s9 =	sadd.s32 $0xFFFFFEF7, lr;
	s5 =	simm.s32 $0xFFFFFFFF;
	p2 =	slt.u32 s8, $0xFFFFF086  }
0x1c: {  	p1 =	slt.u32 s9, $0xF7A;
	s5 =	simm.s32 @!p2 $0x0  }
0x1d: {  	s5 =	simm.s32 @p1 $0x1;
	p0 =	seq.s32 s7, s2  }
0x1e: {  	s7 =	smul.u32 @!p0 $0xF7A, s2;
	p2 =	seq.s32 @!p0 s5, $0x0  }
0x1f: {  	s9 =	smul.u32 $0xF7A, s1;
	s8 =	simm.s32 @!p0 $0x1BF5;
	p2 =	por !p2, p0  }
0x20: {  	[sflag:s8] =	ssyncset.s32 @!p0 $0xFFFFF086;
	s6 =	sadd.s32 @!p0 s3, s7;
	s7 =	simm.s32 @!p0 $0x108  }
0x21: {  	s3 =	sadd.s32 s3, s9;
	s6 =	sadd.s32 @!p0 $0x88, s6;
	s7 =	simm.s32 @p2 $0x1082  }
0x22: {  	[simem:s7], [sflag:s8] =	dma.local @!p0 [hbm:s6], $0xF7A  }
0x23: {  	s9 =	sor.u32 $0xD0000000, s2;
	s6 =	simm.s32 $0x108;
	_ =	swait.ge @!p0 [sflag:s8], $0x0  }
0x24: {  	s3 =	sadd.s32 $0x88, s3;
	s6 =	simm.s32 @!p1 $0x1082;
	[sflag:s4] =	ssyncset.s32 $0xFFFFF086  }
0x25: {  	[simem:s6], [sflag:s4] =	dma.local [hbm:s3], $0xF7A  }
0x26: {  	[smem:$0x3F85] =	sst s1;
	(tag) =	ssettag s2;
	_ =	strace s9  }
0x27: {  	s1 =	sld [smem:$0x3F95]  }
0x28: {  	s2 =	sld [smem:$0x3F96]  }
0x29: {  	s4 =	sld [smem:$0x3F98]  }
0x2a: {  	p0 =	seq.s32 s5, $0x0;
	s5 =	sld [smem:$0x3F99]  }
0x2b: {  	s6 =	sld [smem:$0x3F9A]  }
0x2c: {  	s7 =	sld [smem:$0x3F9B]  }
0x2d: {  	s3 =	simm.s32 $0x108;
	s8 =	sld [smem:$0x3F9C]  }
0x2e: {  	s3 =	simm.s32 @!p0 $0x1082;
	s9 =	sld [smem:$0x3F9D]  }
0x2f: {  	lr =	sadd.s32 s0, s3;
	s0 =	sld [smem:$0x3F94]  }
0x30: {  	s3 =	sld [smem:$0x3F97]  }
0x31: {  	[smem:$0x3FA0] =	sst s10  }
0x32: {  	s10 =	sld [smem:$0x3F9E];
	_ =	sdelay $0x3  }
0x33: {  	p0 =	seq.s32 s10, $0x1;
	s10 =	sld [smem:$0x3FA0];
	_ =	sdelay $0x3  }
0x34: {  	[smem:$0x3FA0] =	sst s10  }
0x35: {  	s10 =	sld [smem:$0x3F9F];
	_ =	sdelay $0x3  }
0x36: {  	p1 =	seq.s32 s10, $0x1;
	s10 =	sld [smem:$0x3FA0];
	_ =	sdelay $0x3  }
0x37: {  	[smem:$0x3FA0] =	sst s10  }
0x38: {  	s10 =	sld [smem:$0x3FA1]  }
0x39: {  	_ = 	snop;
	(pc) =	sbr.ind lr, $3  }
0x3a: {  	_ = 	snop  }
0x3b: {  	_ = 	snop  }
0x3c: {  	p2 =	seq.s32 s10, $0x1;
	s10 =	sld [smem:$0x3FA0]  }
0x3d: {  	_ =	shalt  }
0x3e: {  	_ =	shalt  }
0x3f: {  	_ =	shalt  }
0x40: {  	_ =	shalt  }
0x41: {  	_ =	shalt  }
0x42: {  	_ =	shalt  }
0x43: {  	_ =	shalt  }
0x44: {  	_ =	shalt  }
0x45: {  	_ =	shalt  }
0x46: {  	_ =	shalt  }
0x47: {  	_ =	shalt  }
0x48: {  	_ =	shalt  }
0x49: {  	_ =	shalt  }
0x4a: {  	_ =	shalt  }
0x4b: {  	_ =	shalt  }
0x4c: {  	_ =	shalt  }
0x4d: {  	_ =	shalt  }
0x4e: {  	_ =	shalt  }
0x4f: {  	_ =	shalt  }
0x50: {  	_ =	shalt  }
0x51: {  	_ =	shalt  }
0x52: {  	_ =	shalt  }
0x53: {  	_ =	shalt  }
0x54: {  	_ =	shalt  }
0x55: {  	_ =	shalt  }
0x56: {  	_ =	shalt  }
0x57: {  	_ =	shalt  }
0x58: {  	_ =	shalt  }
0x59: {  	_ =	shalt  }
0x5a: {  	_ =	shalt  }
0x5b: {  	_ =	shalt  }
0x5c: {  	_ =	shalt  }
0x5d: {  	_ =	shalt  }
0x5e: {  	_ =	shalt  }
0x5f: {  	_ =	shalt  }
0x60: {  	_ =	shalt  }
0x61: {  	_ =	shalt  }
0x62: {  	_ =	shalt  }
0x63: {  	_ =	shalt  }
0x64: {  	_ =	shalt  }
0x65: {  	_ =	shalt  }
0x66: {  	_ =	shalt  }
0x67: {  	_ =	shalt  }
0x68: {  	_ =	shalt  }
0x69: {  	_ =	shalt  }
0x6a: {  	_ =	shalt  }
0x6b: {  	_ =	shalt  }
0x6c: {  	_ =	shalt  }
0x6d: {  	_ =	shalt  }
0x6e: {  	_ =	shalt  }
0x6f: {  	_ =	shalt  }
0x70: {  	_ =	shalt  }
0x71: {  	_ =	shalt  }
0x72: {  	_ =	shalt  }
0x73: {  	_ =	shalt  }
0x74: {  	_ =	shalt  }
0x75: {  	_ =	shalt  }
0x76: {  	_ =	shalt  }
0x77: {  	_ =	shalt  }
0x78: {  	_ =	shalt  }
0x79: {  	_ =	shalt  }
0x7a: {  	_ =	shalt  }
0x7b: {  	_ =	shalt  }
0x7c: {  	_ =	shalt  }
0x7d: {  	_ =	shalt  }
0x7e: {  	_ =	shalt  }
0x7f: {  	_ =	shalt  }
0x80: {  	_ =	shalt  }
0x81: {  	_ =	shalt  }
0x82: {  	_ =	shalt  }
0x83: {  	_ =	shalt  }
0x84: {  	_ =	shalt  }
0x85: {  	_ =	shalt  }
0x86: {  	_ =	shalt  }
0x87: {  	_ =	shalt  }
.Lfunc_end0:
.L_simem_size_0:
called_computation.1_lowered:
.L_overlay_start_0:
0x88: {  	s2 =	sld [smem:$0x3FD9]  }
0x89: {  	s3 =	sld [smem:$0x3FFE];
	_ =	sdelay $0x1  }
0x8a: {  	s1 =	srdreg.scid  }
0x8b: {  	s0 =	sand.u32 $0x1, s1  }
0x8c: {  	s16 =	sshll.u32 s0, $0xA;
	s2 =	sadd.s32 s3, s2  }
0x8d: {  	s2 =	sadd.s32 s2, s16  }
0x8e: {  	[smem:$0x3FAC] =	sst s2  }
0x8f: {  	_ = 	snop  }
0x90: {  	(tm) =	ssettm $0x1  }
0x91: {  	s17 =	sld [smem:$0x3FFB];
	_ =	sdelay $0x3  }
0x92: {  	_ =	strace s17  }
0x93: {  	s2 =	sld [smem:$0x3FFC];
	_ =	sdelay $0x3  }
0x94: {  	_ =	strace s2  }
0x95: {  	s2 =	sld [smem:$0x3FFD];
	_ =	sdelay $0x3  }
0x96: {  	_ =	strace s2  }
0x97: {  	_ =	strace $0x8FFFFFFF  }
0x98: {  	s18 =	sld [smem:$0x3FDB];
	_ =	sdelay $0x1  }
0x99: {  	s19 =	simm.s32 $_scs_section_size  }
0x9a: {  	s4 =	simm.s32 $_size__tile_overlayer_lowered;
	s5 =	simm.s32 $_tile_overlayer_lowered  }
0x9b: {  	s22 =	simm.s32 $0x1BFF;
	s21 =	sshll.u32 s5, $0x1;
	s2 =	sadd.s32 s19, s18  }
0x9c: {  	s6 =	simm.s32 $0x0;
	s20 =	sshll.u32 s4, $0x1;
	s4 =	sadd.s32 s21, s2  }
0x9d: {  	[timem:s6], [sflag:s22] =	dma.local [hbm:s4], s20  }
0x9e: {  	_ =	swait.ge [sflag:s22], s20  }
0x9f: {  	s3 =	ssub.s32 $0x0, s20;
	[sflag:s22] =	ssyncset.done $0x0  }
0xa0: {  	[sflag:s22] =	ssyncadd.s32 s3;
	_ =	sdelay $0x1  }
0xa1: {  	s23 =	simm.s32 $0x1B8B  }
0xa2: {  	_ =	swait.ge [sflag:s23], $0x1  }
0xa3: {  	[sflag:s23] =	ssyncset.done $0x0  }
0xa4: {  	s25 =	simm.s32 $0x1B8E;
	s24 =	sld [smem:$0x3FFE];
	[sflag:s23] =	ssyncadd.s32 $0xFFFFFFFF  }
0xa5: {  	s26 =	simm.s32 $execute0_lowered;
	[smem:$0x3FD2] =	sst s25  }
0xa6: {  	s4 =	sshll.u32 s26, $0x1;
	_ =	strace $0x80000049;
	[dreg:$0x1] =	wrdreg $0xFFFFFFFF  }
0xa7: {  	s28 =	simm.s32 $_size_execute0_lowered;
	s2 =	sadd.s32 s2, s4;
	[dreg:$0x0] =	wrdreg $0x0  }
0xa8: {  	s4 =	sshll.u32 s28, $0x1;
	[dreg:$0x2] =	wrdreg s2  }
0xa9: {  	[dreg:$0x3] =	wrdreg s4  }
0xaa: {  	[dreg:$0x4] =	wrdreg $0xC0  }
0xab: {  	_ =	task [dreg:s6], $0x5FFFF  }
0xac: {  	[dreg:$0x1] =	wrdreg $0xFFFFFFFF  }
0xad: {  	[dreg:$0x0] =	wrdreg $0x60  }
0xae: {  	[dreg:$0x2] =	wrdreg s24  }
0xaf: {  	[dreg:$0x3] =	wrdreg $0x9  }
0xb0: {  	_ =	task.clear_ibuf [dreg:s6], $0x4FFFF;
	_ =	strace $0x90000049  }
0xb1: {  	s29 =	simm.s32 $0x9;
	_ =	strace $0x8000004B  }
0xb2: {  	_ =	swait.ge [sflag:s29], $0x1  }
0xb3: {  	[sflag:s29] =	ssyncadd.s32 $0xFFFFFFFF  }
0xb4: {  	_ =	strace $0x9000004B  }
0xb5: {  	_ =	sfence  }
0xb6: {  	s30 =	sld [smem:$0x0];
	_ =	sdelay $0x2  }
0xb7: {  	s31 =	sshll.u32 s1, $0xD;
	s1 =	sshrl.u32 s1, $0x2  }
0xb8: {  	s3 =	sand.u32 $0x4000, s31;
	s1 =	sadd.s32 s1, s30  }
0xb9: {  	s0 =	sor.u32 s3, s0;
	s1 =	sshll.u32 s1, $0x11  }
0xba: {  	s0 =	sor.u32 s1, s0  }
0xbb: {  	s0 =	sadd.s32 $0x8F2B, s0  }
0xbc: {  	[sflag:s0] =	ssyncadd.remote.s32 $0x1  }
0xbd: {  	_ =	sfence.sel $0xFFFF  }
0xbe: {  	[dreg:$0x0] =	wrdreg $0xFFFFFFFF;
	(pc) =	sbr.abs _section_cstart, $3  }
0xbf: {  	[dreg:$0x1] =	wrdreg $0xFFFFFFFF  }
0xc0: {  	_ =	task.clear_ibuf [dreg:s6], $0x2FFFF;
	_ =	strace $0x9FFFFFFF  }
0xc1: {  	(tm) =	ssettm $0x7FFFFFFF  }
tec
execute0_lowered:
.L_overlay_start_1:
0x0: {  	(tag) =	ssettag $0x1  }
0x1: {  	s10 =	rddreg [dreg:$0x0]  }
0x2: {  	s0 =	rddreg [dreg:$0x1]  }
0x3: {  	s2 =	simm.s32 $0x0;
	s3 =	srdreg.scid;
	s1 =	stileid.u32  }
0x4: {  	s15 =	simm.s32 $0x3;
	s16 =	simm.s32 $0x2;
	s17 =	simm.s32 $0x4100  }
0x5: {  	s18 =	simm.s32 $0x5;
	s19 =	simm.s32 $0x4;
	s20 =	simm.s32 $0x0  }
0x6: {  	[smem:$0x7FF] =	sst s2;
	s9 =	sand.u32 $0x1, s3;
	s3 =	sadd.s32 $0x2000, s10  }
0x7: {  	s4 =	sshll.u32 s1, $0xC;
	s11 =	sadd.s32 $0x12000, s10;
	s14 =	sshll.u32 s1, $0x10  }
0x8: {  	_ =	strace $0x8000004A;
	s5 =	sshll.u32 s9, $0xB;
	s6 =	ssub.s32 $0x2, s9  }
0x9: {  	s9 =	sshll.u32 s9, $0xF;
	s12 =	sor.u32 s5, s4;
	s31 =	sshrl.u32 s6, $0x1  }
0xa: {  	s5 =	sshrl.u32 s12, $0x3;
	s7 =	sshll.u32 s12, $0x4;
	s6 =	ssub.s32 s6, s31  }
0xb: {  	s13 =	sor.u32 $0x180, s12;
	s12 =	sor.u32 $0x100, s12;
	s4 =	sadd.s32 s10, s5  }
0xc: {  	s8 =	sadd.s32 s7, s11;
	s6 =	smax.u32 s6, $0x1;
	s11 =	sadd.s32 s14, s11  }
0xd: {  	s13 =	sshrl.u32 s13, $0x3;
	s12 =	sshrl.u32 s12, $0x3;
	s14 =	simm.s32 $0x100  }
0xe: {  	s5 =	sadd.s32 $0x10, s4;
	s7 =	sadd.s32 $0x7000, s8;
	s8 =	sadd.s32 $0x7800, s8  }
0xf: {  	s11 =	sadd.s32 s9, s11;
	s9 =	sadd.s32 s13, s10;
	s10 =	sadd.s32 s12, s10  }
0x10: {  	s12 =	simm.s32 $0x1;
	s13 =	simm.s32 $0x80;
	s11 =	sadd.s32 $0x800, s11  }
.LBB2_1:
0x11: {  	[tilespmem:s2], [sflag:$0x1] =	stream.linear.gather [hbm4b:s4+s2], $0x80, $0x38;
	[tilespmem:$0x8100] =	vst v63  }
0x12: {  	_ =	swait.ge [sflag:s12], $0x80  }
0x13: {  	[sflag:s12] =	ssyncset.done $0x0  }
0x14: {  	[sflag:s12] =	ssyncadd.s32 $0xFFFFFF80  }
0x15: {  	[tilespmem:s14], [sflag:$0x3] =	stream.indirect.gather [hbm4b:s3+s13], $0x80, s2, s13, $0xb8;
	[tilespmem:$0x8100] =	vst v63  }
0x16: {  	_ = 	snop  }
0x17: {  	[tilespmem:s13], [sflag:$0x2] =	stream.linear.gather [hbm4b:s5+s2], $0x80, $0x38;
	[tilespmem:$0x8100] =	vst v63  }
0x18: {  	_ =	swait.ge [sflag:s15], $0x4000  }
0x19: {  	[sflag:s15] =	ssyncset.done $0x0  }
0x1a: {  	[sflag:s15] =	ssyncadd.s32 $0xFFFFC000  }
0x1b: {  	_ =	swait.ge [sflag:s16], $0x80  }
0x1c: {  	[sflag:s16] =	ssyncset.done $0x0  }
0x1d: {  	[sflag:s16] =	ssyncadd.s32 $0xFFFFFF80  }
0x1e: {  	[tilespmem:s17], [sflag:$0x4] =	stream.indirect.gather [hbm4b:s3+s13], $0x80, s13, s13, $0xb8;
	[tilespmem:$0x8100] =	vst v63  }
0x1f: {  	s21 =	sadd.s32 $0x0, s10  }
0x20: {  	[tilespmem:s2], [sflag:$0x1] =	stream.linear.gather [hbm4b:s21+s2], $0x80, $0x38;
	[tilespmem:$0x8100] =	vst v63  }
0x21: {  	s30 =	sadd.s32 $0xFFFFF800, s11  }
0x22: {  	[hbm4b:s30+s2] =	stream.linear.scatter [tilespmem:s14], [sflag:$0x5], $0x4000, $0x38;
	[tilespmem:$0x8100] =	vst v63  }
0x23: {  	_ =	swait.ge [sflag:s18], $0x4000  }
0x24: {  	[sflag:s18] =	ssyncset.done $0x0  }
0x25: {  	[sflag:s18] =	ssyncadd.s32 $0xFFFFC000  }
0x26: {  	_ =	swait.ge [sflag:s19], $0x4000  }
0x27: {  	[sflag:s19] =	ssyncset.done $0x0  }
0x28: {  	[sflag:s19] =	ssyncadd.s32 $0xFFFFC000  }
0x29: {  	_ =	swait.ge [sflag:s12], $0x80  }
0x2a: {  	[sflag:s12] =	ssyncset.done $0x0  }
0x2b: {  	[sflag:s12] =	ssyncadd.s32 $0xFFFFFF80  }
0x2c: {  	[tilespmem:s14], [sflag:$0x3] =	stream.indirect.gather [hbm4b:s3+s13], $0x80, s2, s13, $0xb8;
	[tilespmem:$0x8100] =	vst v63  }
0x2d: {  	s31 =	sadd.s32 $0x0, s9  }
0x2e: {  	[tilespmem:s13], [sflag:$0x2] =	stream.linear.gather [hbm4b:s31+s2], $0x80, $0x38;
	[tilespmem:$0x8100] =	vst v63  }
0x2f: {  	_ = 	snop  }
0x30: {  	[hbm4b:s11+s2] =	stream.linear.scatter [tilespmem:s17], [sflag:$0x5], $0x4000, $0x38;
	[tilespmem:$0x8100] =	vst v63  }
0x31: {  	_ =	swait.ge [sflag:s18], $0x4000  }
0x32: {  	s22 =	smov.u32 s11;
	s21 =	simm.s32 $0x20;
	[sflag:s18] =	ssyncset.done $0x0  }
.LBB2_2:
0x33: {  	p0 =	sne.s32 s21, $0xC0;
	[sflag:s18] =	ssyncadd.s32 $0xFFFFC000;
	s22 =	sadd.s32 $0x1000, s22  }
0x34: {  	s23 =	smov.u32 s21;
	s21 =	sadd.s32 $0x20, s21  }
0x35: {  	_ =	swait.ge [sflag:s15], $0x4000  }
0x36: {  	[sflag:s15] =	ssyncset.done $0x0  }
0x37: {  	[sflag:s15] =	ssyncadd.s32 $0xFFFFC000  }
0x38: {  	_ =	swait.ge [sflag:s16], $0x80  }
0x39: {  	[sflag:s16] =	ssyncset.done $0x0  }
0x3a: {  	[sflag:s16] =	ssyncadd.s32 $0xFFFFFF80  }
0x3b: {  	[tilespmem:s17], [sflag:$0x4] =	stream.indirect.gather [hbm4b:s3+s13], $0x80, s13, s13, $0xb8;
	[tilespmem:$0x8100] =	vst v63  }
0x3c: {  	s24 =	sadd.s32 s23, s10  }
0x3d: {  	[tilespmem:s2], [sflag:$0x1] =	stream.linear.gather [hbm4b:s24+s2], $0x80, $0x38;
	[tilespmem:$0x8100] =	vst v63  }
0x3e: {  	s24 =	sadd.s32 $0xFFFFF800, s22  }
0x3f: {  	[hbm4b:s24+s2] =	stream.linear.scatter [tilespmem:s14], [sflag:$0x5], $0x4000, $0x38;
	[tilespmem:$0x8100] =	vst v63  }
0x40: {  	_ =	swait.ge [sflag:s18], $0x4000  }
0x41: {  	[sflag:s18] =	ssyncset.done $0x0  }
0x42: {  	[sflag:s18] =	ssyncadd.s32 $0xFFFFC000  }
0x43: {  	_ =	swait.ge [sflag:s19], $0x4000  }
0x44: {  	[sflag:s19] =	ssyncset.done $0x0  }
0x45: {  	[sflag:s19] =	ssyncadd.s32 $0xFFFFC000  }
0x46: {  	_ =	swait.ge [sflag:s12], $0x80  }
0x47: {  	[sflag:s12] =	ssyncset.done $0x0  }
0x48: {  	[sflag:s12] =	ssyncadd.s32 $0xFFFFFF80  }
0x49: {  	[tilespmem:s14], [sflag:$0x3] =	stream.indirect.gather [hbm4b:s3+s13], $0x80, s2, s13, $0xb8;
	[tilespmem:$0x8100] =	vst v63  }
0x4a: {  	s23 =	sadd.s32 s23, s9  }
0x4b: {  	[tilespmem:s13], [sflag:$0x2] =	stream.linear.gather [hbm4b:s23+s2], $0x80, $0x38;
	[tilespmem:$0x8100] =	vst v63  }
.Ltmp0:
0x4c: {  	_ = 	snop;
	(pc) =	sbr.rel @p0 .LBB2_2-.Ltmp0, $4  }
0x4d: {  	_ = 	snop  }
0x4e: {  	[hbm4b:s22+s2] =	stream.linear.scatter [tilespmem:s17], [sflag:$0x5], $0x4000, $0x38;
	[tilespmem:$0x8100] =	vst v63  }
0x4f: {  	_ =	swait.ge [sflag:s18], $0x4000  }
0x50: {  	[sflag:s18] =	ssyncset.done $0x0  }
0x51: {  	[sflag:s18] =	ssyncadd.s32 $0xFFFFC000  }
0x52: {  	_ =	swait.ge [sflag:s15], $0x4000  }
0x53: {  	[sflag:s15] =	ssyncset.done $0x0  }
0x54: {  	[sflag:s15] =	ssyncadd.s32 $0xFFFFC000  }
0x55: {  	_ =	swait.ge [sflag:s16], $0x80  }
0x56: {  	[sflag:s16] =	ssyncset.done $0x0  }
0x57: {  	[sflag:s16] =	ssyncadd.s32 $0xFFFFFF80  }
0x58: {  	[tilespmem:s17], [sflag:$0x4] =	stream.indirect.gather [hbm4b:s3+s13], $0x80, s13, s13, $0xb8;
	[tilespmem:$0x8100] =	vst v63  }
0x59: {  	_ = 	snop  }
0x5a: {  	[hbm4b:s7+s2] =	stream.linear.scatter [tilespmem:s14], [sflag:$0x5], $0x4000, $0x38;
	[tilespmem:$0x8100] =	vst v63  }
0x5b: {  	_ =	swait.ge [sflag:s18], $0x4000  }
0x5c: {  	[sflag:s18] =	ssyncset.done $0x0  }
0x5d: {  	[sflag:s18] =	ssyncadd.s32 $0xFFFFC000  }
0x5e: {  	s20 =	sadd.s32 $0x1, s20;
	_ =	swait.ge [sflag:s19], $0x4000  }
0x5f: {  	p0 =	sne.s32 s20, s6;
	[sflag:s19] =	ssyncset.done $0x0  }
.Ltmp1:
0x60: {  	[sflag:s19] =	ssyncadd.s32 $0xFFFFC000;
	(pc) =	sbr.rel @p0 .LBB2_1-.Ltmp1, $4  }
0x61: {  	[hbm4b:s8+s2] =	stream.linear.scatter [tilespmem:s17], [sflag:$0x5], $0x4000, $0x38;
	[tilespmem:$0x8100] =	vst v63  }
0x62: {  	_ =	swait.ge [sflag:s18], $0x4000  }
0x63: {  	[sflag:s18] =	ssyncset.done $0x0  }
0x64: {  	[sflag:s18] =	ssyncadd.s32 $0xFFFFC000  }
0x65: {  	_ =	sfence.sel $0x180000  }
0x66: {  	[bflag:$0x0] =	sbarrier.arrive $0xFFFF  }
0x67: {  	p0 =	sne.s32 s1, $0x0;
	_ =	strace $0x9000004A  }
0x68: {  	s0 =	sadd.s32 @!p0 $0x100000, s0;
	[bflag:$0x2] =	sbarrier.arrive $0xFFFF  }
0x69: {  	[sflag:s0] =	ssyncadd.tile.s32 @!p0 $0x1;
	_ =	shalt  }
.Lfunc_end2:
_tile_overlayer_lowered:
.L_overlay_start_2:
0x6a: {  	(tag) =	ssettag $0x2  }
0x6b: {  	s0 =	rddreg [dreg:$0x0];
	s2 =	stileid.u32  }
0x6c: {  	s1 =	rddreg [dreg:$0x1];
	p0 =	sne.s32 s2, $0x0  }
0x6d: {  	s3 =	rddreg [dreg:$0x2];
	[bflag:$0x3] =	sbarrier.arrive $0xFFFF;
	s2 =	simm.s32 @!p0 $0x1C05  }
0x6e: {  	[timem:s3], [sflag:s2] =	dma.local @!p0 [hbm:s0], s1  }
0x6f: {  	s0 =	simm.s32 @!p0 $0x5  }
0x70: {  	_ =	swait.ge @!p0 [sflag:s0], s1  }
0x71: {  	s1 =	ssub.s32 @!p0 $0x0, s1;
	[sflag:s0] =	ssyncset.done @!p0 $0x0  }
0x72: {  	[sflag:s0] =	ssyncadd.s32 @!p0 s1  }
0x73: {  	[bflag:$0x3] =	sbarrier.arrive $0xFFFF  }
0x74: {  	_ =	shalt  }

// kernel: kernel.18.cloned.1.call-start
scs
__scs_entry_jumppad:
0x0: {  	(pc) =	sbr.rel $0x88, $3  }
0x1: {  	(tag) =	ssettag $0x0;
	lr =	simm.s32 $0x1  }
0x2: {  	[smem:$0x3F85] =	sst lr;
	_ =	strace $0xD0000000  }
0x3: {  	_ = 	snop  }
0x4: {  	_ = 	snop  }
0x5: {  	_ = 	snop  }
0x6: {  	_ = 	snop  }
0x7: {  	_ = 	snop  }
__scs_overlays_trampoline_lowered:
0x8: {  	[smem:$0x3F94] =	sst s0  }
0x9: {  	[smem:$0x3F95] =	sst s1  }
0xa: {  	[smem:$0x3F96] =	sst s2  }
0xb: {  	[smem:$0x3F97] =	sst s3  }
0xc: {  	[smem:$0x3F98] =	sst s4  }
0xd: {  	[smem:$0x3F99] =	sst s5  }
0xe: {  	[smem:$0x3F9A] =	sst s6  }
0xf: {  	[smem:$0x3F9B] =	sst s7  }
0x10: {  	[smem:$0x3F9C] =	sst s8  }
0x11: {  	[smem:$0x3F9D] =	sst s9;
	s0 =	simm.s32 @!p0 $0x0  }
0x12: {  	s1 =	sld [smem:$0x3F83];
	s0 =	simm.s32 @p0 $0x1  }
0x13: {  	[smem:$0x3F9E] =	sst s0;
	s0 =	simm.s32 @!p1 $0x0  }
0x14: {  	s2 =	sld [smem:$0x3F82];
	s0 =	simm.s32 @p1 $0x1  }
0x15: {  	[smem:$0x3F9F] =	sst s0;
	s0 =	simm.s32 @!p2 $0x0  }
0x16: {  	s3 =	sld [smem:$0x3FDB];
	s0 =	simm.s32 @p2 $0x1  }
0x17: {  	s4 =	simm.s32 $0x1BF5;
	[smem:$0x3FA1] =	sst s0  }
0x18: {  	s0 =	sld [smem:$0x3F84];
	_ =	swait.ge [sflag:s4], $0x0  }
0x19: {  	s7 =	sld [smem:$0x3F85]  }
0x1a: {  	s8 =	sadd.s32 $0xFFFFE003, lr  }
0x1b: {  	s9 =	sadd.s32 $0xFFFFFEF7, lr;
	s5 =	simm.s32 $0xFFFFFFFF;
	p2 =	slt.u32 s8, $0xFFFFF086  }
0x1c: {  	p1 =	slt.u32 s9, $0xF7A;
	s5 =	simm.s32 @!p2 $0x0  }
0x1d: {  	s5 =	simm.s32 @p1 $0x1;
	p0 =	seq.s32 s7, s2  }
0x1e: {  	s7 =	smul.u32 @!p0 $0xF7A, s2;
	p2 =	seq.s32 @!p0 s5, $0x0  }
0x1f: {  	s9 =	smul.u32 $0xF7A, s1;
	s8 =	simm.s32 @!p0 $0x1BF5;
	p2 =	por !p2, p0  }
0x20: {  	[sflag:s8] =	ssyncset.s32 @!p0 $0xFFFFF086;
	s6 =	sadd.s32 @!p0 s3, s7;
	s7 =	simm.s32 @!p0 $0x108  }
0x21: {  	s3 =	sadd.s32 s3, s9;
	s6 =	sadd.s32 @!p0 $0x88, s6;
	s7 =	simm.s32 @p2 $0x1082  }
0x22: {  	[simem:s7], [sflag:s8] =	dma.local @!p0 [hbm:s6], $0xF7A  }
0x23: {  	s9 =	sor.u32 $0xD0000000, s2;
	s6 =	simm.s32 $0x108;
	_ =	swait.ge @!p0 [sflag:s8], $0x0  }
0x24: {  	s3 =	sadd.s32 $0x88, s3;
	s6 =	simm.s32 @!p1 $0x1082;
	[sflag:s4] =	ssyncset.s32 $0xFFFFF086  }
0x25: {  	[simem:s6], [sflag:s4] =	dma.local [hbm:s3], $0xF7A  }
0x26: {  	[smem:$0x3F85] =	sst s1;
	(tag) =	ssettag s2;
	_ =	strace s9  }
0x27: {  	s1 =	sld [smem:$0x3F95]  }
0x28: {  	s2 =	sld [smem:$0x3F96]  }
0x29: {  	s4 =	sld [smem:$0x3F98]  }
0x2a: {  	p0 =	seq.s32 s5, $0x0;
	s5 =	sld [smem:$0x3F99]  }
0x2b: {  	s6 =	sld [smem:$0x3F9A]  }
0x2c: {  	s7 =	sld [smem:$0x3F9B]  }
0x2d: {  	s3 =	simm.s32 $0x108;
	s8 =	sld [smem:$0x3F9C]  }
0x2e: {  	s3 =	simm.s32 @!p0 $0x1082;
	s9 =	sld [smem:$0x3F9D]  }
0x2f: {  	lr =	sadd.s32 s0, s3;
	s0 =	sld [smem:$0x3F94]  }
0x30: {  	s3 =	sld [smem:$0x3F97]  }
0x31: {  	[smem:$0x3FA0] =	sst s10  }
0x32: {  	s10 =	sld [smem:$0x3F9E];
	_ =	sdelay $0x3  }
0x33: {  	p0 =	seq.s32 s10, $0x1;
	s10 =	sld [smem:$0x3FA0];
	_ =	sdelay $0x3  }
0x34: {  	[smem:$0x3FA0] =	sst s10  }
0x35: {  	s10 =	sld [smem:$0x3F9F];
	_ =	sdelay $0x3  }
0x36: {  	p1 =	seq.s32 s10, $0x1;
	s10 =	sld [smem:$0x3FA0];
	_ =	sdelay $0x3  }
0x37: {  	[smem:$0x3FA0] =	sst s10  }
0x38: {  	s10 =	sld [smem:$0x3FA1]  }
0x39: {  	_ = 	snop;
	(pc) =	sbr.ind lr, $3  }
0x3a: {  	_ = 	snop  }
0x3b: {  	_ = 	snop  }
0x3c: {  	p2 =	seq.s32 s10, $0x1;
	s10 =	sld [smem:$0x3FA0]  }
0x3d: {  	_ =	shalt  }
0x3e: {  	_ =	shalt  }
0x3f: {  	_ =	shalt  }
0x40: {  	_ =	shalt  }
0x41: {  	_ =	shalt  }
0x42: {  	_ =	shalt  }
0x43: {  	_ =	shalt  }
0x44: {  	_ =	shalt  }
0x45: {  	_ =	shalt  }
0x46: {  	_ =	shalt  }
0x47: {  	_ =	shalt  }
0x48: {  	_ =	shalt  }
0x49: {  	_ =	shalt  }
0x4a: {  	_ =	shalt  }
0x4b: {  	_ =	shalt  }
0x4c: {  	_ =	shalt  }
0x4d: {  	_ =	shalt  }
0x4e: {  	_ =	shalt  }
0x4f: {  	_ =	shalt  }
0x50: {  	_ =	shalt  }
0x51: {  	_ =	shalt  }
0x52: {  	_ =	shalt  }
0x53: {  	_ =	shalt  }
0x54: {  	_ =	shalt  }
0x55: {  	_ =	shalt  }
0x56: {  	_ =	shalt  }
0x57: {  	_ =	shalt  }
0x58: {  	_ =	shalt  }
0x59: {  	_ =	shalt  }
0x5a: {  	_ =	shalt  }
0x5b: {  	_ =	shalt  }
0x5c: {  	_ =	shalt  }
0x5d: {  	_ =	shalt  }
0x5e: {  	_ =	shalt  }
0x5f: {  	_ =	shalt  }
0x60: {  	_ =	shalt  }
0x61: {  	_ =	shalt  }
0x62: {  	_ =	shalt  }
0x63: {  	_ =	shalt  }
0x64: {  	_ =	shalt  }
0x65: {  	_ =	shalt  }
0x66: {  	_ =	shalt  }
0x67: {  	_ =	shalt  }
0x68: {  	_ =	shalt  }
0x69: {  	_ =	shalt  }
0x6a: {  	_ =	shalt  }
0x6b: {  	_ =	shalt  }
0x6c: {  	_ =	shalt  }
0x6d: {  	_ =	shalt  }
0x6e: {  	_ =	shalt  }
0x6f: {  	_ =	shalt  }
0x70: {  	_ =	shalt  }
0x71: {  	_ =	shalt  }
0x72: {  	_ =	shalt  }
0x73: {  	_ =	shalt  }
0x74: {  	_ =	shalt  }
0x75: {  	_ =	shalt  }
0x76: {  	_ =	shalt  }
0x77: {  	_ =	shalt  }
0x78: {  	_ =	shalt  }
0x79: {  	_ =	shalt  }
0x7a: {  	_ =	shalt  }
0x7b: {  	_ =	shalt  }
0x7c: {  	_ =	shalt  }
0x7d: {  	_ =	shalt  }
0x7e: {  	_ =	shalt  }
0x7f: {  	_ =	shalt  }
0x80: {  	_ =	shalt  }
0x81: {  	_ =	shalt  }
0x82: {  	_ =	shalt  }
0x83: {  	_ =	shalt  }
0x84: {  	_ =	shalt  }
0x85: {  	_ =	shalt  }
0x86: {  	_ =	shalt  }
0x87: {  	_ =	shalt  }
.Lfunc_end0:
.L_simem_size_0:
called_computation.2_lowered:
.L_overlay_start_0:
0x88: {  	s2 =	sld [smem:$0x3FD9]  }
0x89: {  	s3 =	sld [smem:$0x3FFE];
	_ =	sdelay $0x1  }
0x8a: {  	s1 =	srdreg.scid  }
0x8b: {  	s0 =	sand.u32 $0x1, s1  }
0x8c: {  	s16 =	sshll.u32 s0, $0xA;
	s2 =	sadd.s32 s3, s2  }
0x8d: {  	s2 =	sadd.s32 s2, s16  }
0x8e: {  	[smem:$0x3FAC] =	sst s2  }
0x8f: {  	_ = 	snop  }
0x90: {  	(tm) =	ssettm $0x1  }
0x91: {  	s17 =	sld [smem:$0x3FFB];
	_ =	sdelay $0x3  }
0x92: {  	_ =	strace s17  }
0x93: {  	s2 =	sld [smem:$0x3FFC];
	_ =	sdelay $0x3  }
0x94: {  	_ =	strace s2  }
0x95: {  	s2 =	sld [smem:$0x3FFD];
	_ =	sdelay $0x3  }
0x96: {  	_ =	strace s2  }
0x97: {  	_ =	strace $0x8FFFFFFF  }
0x98: {  	s18 =	sld [smem:$0x3FDB];
	_ =	sdelay $0x1  }
0x99: {  	s19 =	simm.s32 $_scs_section_size  }
0x9a: {  	s4 =	simm.s32 $_size__tile_overlayer_lowered;
	s5 =	simm.s32 $_tile_overlayer_lowered  }
0x9b: {  	s22 =	simm.s32 $0x1BFF;
	s21 =	sshll.u32 s5, $0x1;
	s2 =	sadd.s32 s19, s18  }
0x9c: {  	s6 =	simm.s32 $0x0;
	s20 =	sshll.u32 s4, $0x1;
	s4 =	sadd.s32 s21, s2  }
0x9d: {  	[timem:s6], [sflag:s22] =	dma.local [hbm:s4], s20  }
0x9e: {  	_ =	swait.ge [sflag:s22], s20  }
0x9f: {  	s3 =	ssub.s32 $0x0, s20;
	[sflag:s22] =	ssyncset.done $0x0  }
0xa0: {  	[sflag:s22] =	ssyncadd.s32 s3;
	_ =	sdelay $0x1  }
0xa1: {  	s23 =	simm.s32 $0x1B8B  }
0xa2: {  	_ =	swait.ge [sflag:s23], $0x1  }
0xa3: {  	[sflag:s23] =	ssyncset.done $0x0  }
0xa4: {  	s25 =	simm.s32 $0x1B8E;
	s24 =	sld [smem:$0x3FFE];
	[sflag:s23] =	ssyncadd.s32 $0xFFFFFFFF  }
0xa5: {  	s26 =	simm.s32 $execute0_lowered;
	[smem:$0x3FD2] =	sst s25  }
0xa6: {  	s4 =	sshll.u32 s26, $0x1;
	_ =	strace $0x8000004C;
	[dreg:$0x1] =	wrdreg $0xFFFFFFFF  }
0xa7: {  	s28 =	simm.s32 $_size_execute0_lowered;
	s2 =	sadd.s32 s2, s4;
	[dreg:$0x0] =	wrdreg $0x0  }
0xa8: {  	s4 =	sshll.u32 s28, $0x1;
	[dreg:$0x2] =	wrdreg s2  }
0xa9: {  	[dreg:$0x3] =	wrdreg s4  }
0xaa: {  	[dreg:$0x4] =	wrdreg $0xC0  }
0xab: {  	_ =	task [dreg:s6], $0x5FFFF  }
0xac: {  	[dreg:$0x1] =	wrdreg $0xFFFFFFFF  }
0xad: {  	[dreg:$0x0] =	wrdreg $0x60  }
0xae: {  	[dreg:$0x2] =	wrdreg s24  }
0xaf: {  	[dreg:$0x3] =	wrdreg $0x9  }
0xb0: {  	_ =	task.clear_ibuf [dreg:s6], $0x4FFFF;
	_ =	strace $0x9000004C  }
0xb1: {  	s29 =	simm.s32 $0x9;
	_ =	strace $0x8000004E  }
0xb2: {  	_ =	swait.ge [sflag:s29], $0x1  }
0xb3: {  	[sflag:s29] =	ssyncadd.s32 $0xFFFFFFFF  }
0xb4: {  	_ =	strace $0x9000004E  }
0xb5: {  	_ =	sfence  }
0xb6: {  	s30 =	sld [smem:$0x0];
	_ =	sdelay $0x2  }
0xb7: {  	s31 =	sshll.u32 s1, $0xD;
	s1 =	sshrl.u32 s1, $0x2  }
0xb8: {  	s3 =	sand.u32 $0x4000, s31;
	s1 =	sadd.s32 s1, s30  }
0xb9: {  	s0 =	sor.u32 s3, s0;
	s1 =	sshll.u32 s1, $0x11  }
0xba: {  	s0 =	sor.u32 s1, s0  }
0xbb: {  	s0 =	sadd.s32 $0x8F2B, s0  }
0xbc: {  	[sflag:s0] =	ssyncadd.remote.s32 $0x1  }
0xbd: {  	_ =	sfence.sel $0xFFFF  }
0xbe: {  	[dreg:$0x0] =	wrdreg $0xFFFFFFFF;
	(pc) =	sbr.abs _section_cstart, $3  }
0xbf: {  	[dreg:$0x1] =	wrdreg $0xFFFFFFFF  }
0xc0: {  	_ =	task.clear_ibuf [dreg:s6], $0x2FFFF;
	_ =	strace $0x9FFFFFFF  }
0xc1: {  	(tm) =	ssettm $0x7FFFFFFF  }
tec
execute0_lowered:
.L_overlay_start_1:
0x0: {  	(tag) =	ssettag $0x1  }
0x1: {  	s0 =	rddreg [dreg:$0x0]  }
0x2: {  	s1 =	srdreg.scid;
	s2 =	simm.s32 $0x0;
	s8 =	stileid.u32  }
0x3: {  	s10 =	simm.s32 $0x1;
	s11 =	simm.s32 $0x100;
	s28 =	simm.s32 $0x80  }
0x4: {  	s29 =	simm.s32 $0x3;
	s30 =	simm.s32 $0x2;
	s31 =	simm.s32 $0x8100  }
0x5: {  	s9 =	simm.s32 $0xB100;
	s12 =	simm.s32 $0xB900;
	s13 =	simm.s32 $0xC100  }
0x6: {  	s14 =	simm.s32 $0xC900;
	s15 =	simm.s32 $0xD100;
	s16 =	simm.s32 $0xD900  }
0x7: {  	s17 =	simm.s32 $0xE100;
	s18 =	simm.s32 $0xE900;
	s19 =	simm.s32 $0xF100  }
0x8: {  	s20 =	simm.s32 $0xF900;
	s21 =	simm.s32 $0x5;
	s22 =	simm.s32 $0x4  }
0x9: {  	s1 =	sand.u32 $0x1, s1;
	[smem:$0x7FF] =	sst s2;
	s3 =	sshll.u32 s8, $0xC  }
0xa: {  	s8 =	sshll.u32 s8, $0x11;
	s4 =	sshll.u32 s1, $0xB;
	_ =	strace $0x8000004D  }
0xb: {  	s5 =	ssub.s32 $0x2, s1;
	s24 =	sadd.s32 s8, s0;
	s1 =	sshll.u32 s1, $0x10  }
0xc: {  	s4 =	sor.u32 s4, s3;
	s3 =	sadd.s32 $0x12000, s0;
	s6 =	sshrl.u32 s5, $0x1  }
0xd: {  	s1 =	sadd.s32 s1, s24;
	s24 =	simm.s32 $0x0;
	s7 =	sshrl.u32 s4, $0x3  }
0xe: {  	s5 =	ssub.s32 s5, s6;
	s25 =	sor.u32 $0x180, s4;
	s4 =	sor.u32 $0x100, s4  }
0xf: {  	s26 =	sadd.s32 $0x33000, s1;
	s1 =	simm.s32 $0x9100;
	s6 =	simm.s32 $0xA100  }
.Ltmp0:
0x10: {  	s7 =	sadd.s32 s0, s7;
	[dreg:$0x5] =	wrdreg s26;
	(pc) =	sbr.rel .LBB2_1-.Ltmp0, $4  }
0x11: {  	s5 =	smax.u32 s5, $0x1;
	s4 =	sshrl.u32 s4, $0x3;
	[dreg:$0x2] =	wrdreg s7  }
0x12: {  	v2 =	vlaneseq.u32;
	s7 =	sadd.s32 $0x10, s7;
	[dreg:$0x4] =	wrdreg s5;
	s5 =	sshrl.u32 s25, $0x3  }
0x13: {  	vm0 =	vmmov $0xffff;
	v1 =	vshrl.u32 v2, $0x3;
	s8 =	sadd.s32 s4, s0;
	s4 =	simm.s32 $0xA900;
	[dreg:$0x3] =	wrdreg s7  }
0x14: {  	v0 =	vand.u32 $0x7, v2;
	v2 =	vor.u32 $0x8, v2;
	v1 =	vmul.u32 $0x8, v1;
	s7 =	sadd.s32 s5, s0;
	s0 =	simm.s32 $0x8900;
	s5 =	simm.s32 $0x9900  }
.LBB2_5:
0x15: {  	s24 =	rddreg [dreg:$0x6]  }
0x16: {  	s23 =	rddreg [dreg:$0x4];
	s24 =	sadd.s32 $0x1, s24  }
0x17: {  	p0 =	sne.s32 s24, s23  }
.Ltmp1:
0x18: {  	_ = 	snop;
	(pc) =	sbr.rel @!p0 .LBB2_6-.Ltmp1, $1  }
0x19: {  	_ =	sdelay $0x3  }
.LBB2_1:
0x1a: {  	[dreg:$0x6] =	wrdreg s24  }
0x1b: {  	s23 =	rddreg [dreg:$0x2]  }
0x1c: {  	[tilespmem:s2], [sflag:$0x1] =	stream.linear.gather [hbm4b:s23+s2], $0x80, $0x38;
	[tilespmem:$0x10100] =	vst v63  }
0x1d: {  	_ =	swait.ge [sflag:s10], $0x80  }
0x1e: {  	[sflag:s10] =	ssyncset.done $0x0  }
0x1f: {  	[sflag:s10] =	ssyncadd.s32 $0xFFFFFF80  }
0x20: {  	v3 =	vld [tilespmem:$0x0];
	_ =	sdelay $0x4  }
0x21: {  	v4 =	vshll.u32 v3, $0x1  }
0x22: {  	v3 =	vand.u32 $0x7, v3;
	v4 =	vand.u32 $0xFFFFFFF0, v4  }
0x23: {  	v3 =	vor.u32 v3, v4  }
0x24: {  	v4 =	vperm.xlane v3, v0;
	_ =	sdelay $0x1  }
0x25: {  	v3 =	vperm.xlane v3, v2;
	v4 =	vadd.s32 v1, v4;
	_ =	sdelay $0x1  }
0x26: {  	v3 =	vadd.s32 v1, v3;
	_ =	sdelay $0x2  }
0x27: {  	[tilespmem:s11], [sflag:$0x3] =	stream.indirect_vreg.gather [hbm4b:s3+s2], $0x80, v4, vm0, $0xb8;
	[tilespmem:$0x10100] =	vst v63  }
0x28: {  	s26 =	simm.s32 $0x900  }
0x29: {  	[tilespmem:s26], [sflag:$0x3] =	stream.indirect_vreg.gather [hbm4b:s3+s2], $0x80, v3, vm0, $0xb8;
	[tilespmem:$0x10100] =	vst v63  }
0x2a: {  	v3 =	vld [tilespmem:$0x10];
	_ =	sdelay $0x4  }
0x2b: {  	v57 =	vshll.u32 v3, $0x1  }
0x2c: {  	v3 =	vand.u32 $0x7, v3;
	v4 =	vand.u32 $0xFFFFFFF0, v57  }
0x2d: {  	v3 =	vor.u32 v3, v4  }
0x2e: {  	v4 =	vperm.xlane v3, v0;
	_ =	sdelay $0x1  }
0x2f: {  	v3 =	vperm.xlane v3, v2;
	v4 =	vadd.s32 v1, v4;
	_ =	sdelay $0x1  }
0x30: {  	v3 =	vadd.s32 v1, v3;
	_ =	sdelay $0x1  }
0x31: {  	s24 =	simm.s32 $0x1100  }
0x32: {  	[tilespmem:s24], [sflag:$0x3] =	stream.indirect_vreg.gather [hbm4b:s3+s2], $0x80, v4, vm0, $0xb8;
	[tilespmem:$0x10100] =	vst v63  }
0x33: {  	s25 =	simm.s32 $0x1900  }
0x34: {  	[tilespmem:s25], [sflag:$0x3] =	stream.indirect_vreg.gather [hbm4b:s3+s2], $0x80, v3, vm0, $0xb8;
	[tilespmem:$0x10100] =	vst v63  }
0x35: {  	v3 =	vld [tilespmem:$0x20];
	_ =	sdelay $0x4  }
0x36: {  	v58 =	vshll.u32 v3, $0x1  }
0x37: {  	v3 =	vand.u32 $0x7, v3;
	v4 =	vand.u32 $0xFFFFFFF0, v58  }
0x38: {  	v3 =	vor.u32 v3, v4  }
0x39: {  	v4 =	vperm.xlane v3, v0;
	_ =	sdelay $0x1  }
0x3a: {  	v3 =	vperm.xlane v3, v2;
	v4 =	vadd.s32 v1, v4;
	_ =	sdelay $0x1  }
0x3b: {  	v3 =	vadd.s32 v1, v3;
	_ =	sdelay $0x1  }
0x3c: {  	s26 =	simm.s32 $0x2100  }
0x3d: {  	[tilespmem:s26], [sflag:$0x3] =	stream.indirect_vreg.gather [hbm4b:s3+s2], $0x80, v4, vm0, $0xb8;
	[tilespmem:$0x10100] =	vst v63  }
0x3e: {  	s24 =	simm.s32 $0x2900  }
0x3f: {  	[tilespmem:s24], [sflag:$0x3] =	stream.indirect_vreg.gather [hbm4b:s3+s2], $0x80, v3, vm0, $0xb8;
	[tilespmem:$0x10100] =	vst v63  }
0x40: {  	v3 =	vld [tilespmem:$0x30];
	_ =	sdelay $0x4  }
0x41: {  	v59 =	vshll.u32 v3, $0x1  }
0x42: {  	v3 =	vand.u32 $0x7, v3;
	v4 =	vand.u32 $0xFFFFFFF0, v59  }
0x43: {  	v3 =	vor.u32 v3, v4  }
0x44: {  	v4 =	vperm.xlane v3, v0;
	_ =	sdelay $0x1  }
0x45: {  	v3 =	vperm.xlane v3, v2;
	v4 =	vadd.s32 v1, v4;
	_ =	sdelay $0x1  }
0x46: {  	v3 =	vadd.s32 v1, v3;
	_ =	sdelay $0x1  }
0x47: {  	s25 =	simm.s32 $0x3100  }
0x48: {  	[tilespmem:s25], [sflag:$0x3] =	stream.indirect_vreg.gather [hbm4b:s3+s2], $0x80, v4, vm0, $0xb8;
	[tilespmem:$0x10100] =	vst v63  }
0x49: {  	s26 =	simm.s32 $0x3900  }
0x4a: {  	[tilespmem:s26], [sflag:$0x3] =	stream.indirect_vreg.gather [hbm4b:s3+s2], $0x80, v3, vm0, $0xb8;
	[tilespmem:$0x10100] =	vst v63  }
0x4b: {  	v3 =	vld [tilespmem:$0x40];
	_ =	sdelay $0x4  }
0x4c: {  	v60 =	vshll.u32 v3, $0x1  }
0x4d: {  	v3 =	vand.u32 $0x7, v3;
	v4 =	vand.u32 $0xFFFFFFF0, v60  }
0x4e: {  	v3 =	vor.u32 v3, v4  }
0x4f: {  	v4 =	vperm.xlane v3, v0;
	_ =	sdelay $0x1  }
0x50: {  	v3 =	vperm.xlane v3, v2;
	v4 =	vadd.s32 v1, v4;
	_ =	sdelay $0x1  }
0x51: {  	v3 =	vadd.s32 v1, v3;
	_ =	sdelay $0x1  }
0x52: {  	s24 =	simm.s32 $0x4100  }
0x53: {  	[tilespmem:s24], [sflag:$0x3] =	stream.indirect_vreg.gather [hbm4b:s3+s2], $0x80, v4, vm0, $0xb8;
	[tilespmem:$0x10100] =	vst v63  }
0x54: {  	s25 =	simm.s32 $0x4900  }
0x55: {  	[tilespmem:s25], [sflag:$0x3] =	stream.indirect_vreg.gather [hbm4b:s3+s2], $0x80, v3, vm0, $0xb8;
	[tilespmem:$0x10100] =	vst v63  }
0x56: {  	v3 =	vld [tilespmem:$0x50];
	_ =	sdelay $0x4  }
0x57: {  	v61 =	vshll.u32 v3, $0x1  }
0x58: {  	v3 =	vand.u32 $0x7, v3;
	v4 =	vand.u32 $0xFFFFFFF0, v61  }
0x59: {  	v3 =	vor.u32 v3, v4  }
0x5a: {  	v4 =	vperm.xlane v3, v0;
	_ =	sdelay $0x1  }
0x5b: {  	v3 =	vperm.xlane v3, v2;
	v4 =	vadd.s32 v1, v4;
	_ =	sdelay $0x1  }
0x5c: {  	v3 =	vadd.s32 v1, v3;
	_ =	sdelay $0x1  }
0x5d: {  	s26 =	simm.s32 $0x5100  }
0x5e: {  	[tilespmem:s26], [sflag:$0x3] =	stream.indirect_vreg.gather [hbm4b:s3+s2], $0x80, v4, vm0, $0xb8;
	[tilespmem:$0x10100] =	vst v63  }
0x5f: {  	s24 =	simm.s32 $0x5900  }
0x60: {  	[tilespmem:s24], [sflag:$0x3] =	stream.indirect_vreg.gather [hbm4b:s3+s2], $0x80, v3, vm0, $0xb8;
	[tilespmem:$0x10100] =	vst v63  }
0x61: {  	v3 =	vld [tilespmem:$0x60];
	_ =	sdelay $0x4  }
0x62: {  	v62 =	vshll.u32 v3, $0x1  }
0x63: {  	v3 =	vand.u32 $0x7, v3;
	v4 =	vand.u32 $0xFFFFFFF0, v62  }
0x64: {  	v3 =	vor.u32 v3, v4  }
0x65: {  	v4 =	vperm.xlane v3, v0;
	_ =	sdelay $0x1  }
0x66: {  	v3 =	vperm.xlane v3, v2;
	v4 =	vadd.s32 v1, v4;
	_ =	sdelay $0x1  }
0x67: {  	v3 =	vadd.s32 v1, v3;
	_ =	sdelay $0x1  }
0x68: {  	s25 =	simm.s32 $0x6100  }
0x69: {  	[tilespmem:s25], [sflag:$0x3] =	stream.indirect_vreg.gather [hbm4b:s3+s2], $0x80, v4, vm0, $0xb8;
	[tilespmem:$0x10100] =	vst v63  }
0x6a: {  	s26 =	simm.s32 $0x6900  }
0x6b: {  	[tilespmem:s26], [sflag:$0x3] =	stream.indirect_vreg.gather [hbm4b:s3+s2], $0x80, v3, vm0, $0xb8;
	[tilespmem:$0x10100] =	vst v63  }
0x6c: {  	v3 =	vld [tilespmem:$0x70];
	_ =	sdelay $0x4  }
0x6d: {  	v63 =	vshll.u32 v3, $0x1  }
0x6e: {  	v3 =	vand.u32 $0x7, v3;
	v4 =	vand.u32 $0xFFFFFFF0, v63  }
0x6f: {  	v3 =	vor.u32 v3, v4  }
0x70: {  	v4 =	vperm.xlane v3, v0;
	_ =	sdelay $0x1  }
0x71: {  	v4 =	vadd.s32 v1, v4  }
0x72: {  	v3 =	vperm.xlane v3, v2;
	_ =	sdelay $0x1  }
0x73: {  	v3 =	vadd.s32 v1, v3  }
0x74: {  	s24 =	simm.s32 $0x7100  }
0x75: {  	[tilespmem:s24], [sflag:$0x3] =	stream.indirect_vreg.gather [hbm4b:s3+s2], $0x80, v4, vm0, $0xb8;
	[tilespmem:$0x10100] =	vst v63  }
.Ltmp2:
0x76: {  	_ = 	snop;
	(pc) =	sbr.rel .LBB2_2-.Ltmp2, $4  }
0x77: {  	s23 =	rddreg [dreg:$0x5];
	s25 =	simm.s32 $0x7900  }
0x78: {  	[tilespmem:s25], [sflag:$0x3] =	stream.indirect_vreg.gather [hbm4b:s3+s2], $0x80, v3, vm0, $0xb8;
	[tilespmem:$0x10100] =	vst v63  }
0x79: {  	s26 =	rddreg [dreg:$0x3];
	s24 =	simm.s32 $0x0  }
0x7a: {  	[tilespmem:s28], [sflag:$0x2] =	stream.linear.gather [hbm4b:s26+s2], $0x80, $0x38;
	[tilespmem:$0x10100] =	vst v63  }
.LBB2_4:
0x7b: {  	s24 =	sadd.s32 $0x20, s24  }
0x7c: {  	p0 =	sne.s32 s24, $0x100  }
.Ltmp3:
0x7d: {  	_ = 	snop;
	(pc) =	sbr.rel @!p0 .LBB2_5-.Ltmp3, $4  }
0x7e: {  	[hbm4b:s23+s2] =	stream.linear.scatter [tilespmem:s31], [sflag:$0x5], $0x8000, $0x38;
	[tilespmem:$0x10100] =	vst v63  }
0x7f: {  	_ =	swait.ge [sflag:s21], $0x8000  }
0x80: {  	[sflag:s21] =	ssyncset.done $0x0  }
0x81: {  	s23 =	sadd.s32 $0x2000, s23;
	[sflag:s21] =	ssyncadd.s32 $0xFFFF8000  }
.LBB2_2:
0x82: {  	_ =	swait.ge [sflag:s29], $0x8000  }
0x83: {  	[sflag:s29] =	ssyncset.done $0x0  }
0x84: {  	[sflag:s29] =	ssyncadd.s32 $0xFFFF8000  }
0x85: {  	_ =	swait.ge [sflag:s30], $0x80  }
0x86: {  	[sflag:s30] =	ssyncset.done $0x0  }
0x87: {  	[sflag:s30] =	ssyncadd.s32 $0xFFFFFF80  }
0x88: {  	v3 =	vld [tilespmem:$0x80];
	_ =	sdelay $0x4  }
0x89: {  	v4 =	vshll.u32 v3, $0x1  }
0x8a: {  	v3 =	vand.u32 $0x7, v3;
	v4 =	vand.u32 $0xFFFFFFF0, v4  }
0x8b: {  	v3 =	vor.u32 v3, v4  }
0x8c: {  	v4 =	vperm.xlane v3, v0;
	_ =	sdelay $0x1  }
0x8d: {  	v3 =	vperm.xlane v3, v2;
	v4 =	vadd.s32 v1, v4;
	_ =	sdelay $0x1  }
0x8e: {  	v3 =	vadd.s32 v1, v3;
	_ =	sdelay $0x2  }
0x8f: {  	[tilespmem:s31], [sflag:$0x4] =	stream.indirect_vreg.gather [hbm4b:s3+s2], $0x80, v4, vm0, $0xb8;
	[tilespmem:$0x10100] =	vst v63  }
0x90: {  	_ = 	snop  }
0x91: {  	[tilespmem:s0], [sflag:$0x4] =	stream.indirect_vreg.gather [hbm4b:s3+s2], $0x80, v3, vm0, $0xb8;
	[tilespmem:$0x10100] =	vst v63  }
0x92: {  	v3 =	vld [tilespmem:$0x90];
	_ =	sdelay $0x4  }
0x93: {  	v57 =	vshll.u32 v3, $0x1  }
0x94: {  	v3 =	vand.u32 $0x7, v3;
	v4 =	vand.u32 $0xFFFFFFF0, v57  }
0x95: {  	v3 =	vor.u32 v3, v4  }
0x96: {  	v4 =	vperm.xlane v3, v0;
	_ =	sdelay $0x1  }
0x97: {  	v3 =	vperm.xlane v3, v2;
	v4 =	vadd.s32 v1, v4;
	_ =	sdelay $0x1  }
0x98: {  	v3 =	vadd.s32 v1, v3;
	_ =	sdelay $0x2  }
0x99: {  	[tilespmem:s1], [sflag:$0x4] =	stream.indirect_vreg.gather [hbm4b:s3+s2], $0x80, v4, vm0, $0xb8;
	[tilespmem:$0x10100] =	vst v63  }
0x9a: {  	_ = 	snop  }
0x9b: {  	[tilespmem:s5], [sflag:$0x4] =	stream.indirect_vreg.gather [hbm4b:s3+s2], $0x80, v3, vm0, $0xb8;
	[tilespmem:$0x10100] =	vst v63  }
0x9c: {  	v3 =	vld [tilespmem:$0xA0];
	_ =	sdelay $0x4  }
0x9d: {  	v58 =	vshll.u32 v3, $0x1  }
0x9e: {  	v3 =	vand.u32 $0x7, v3;
	v4 =	vand.u32 $0xFFFFFFF0, v58  }
0x9f: {  	v3 =	vor.u32 v3, v4  }
0xa0: {  	v4 =	vperm.xlane v3, v0;
	_ =	sdelay $0x1  }
0xa1: {  	v3 =	vperm.xlane v3, v2;
	v4 =	vadd.s32 v1, v4;
	_ =	sdelay $0x1  }
0xa2: {  	v3 =	vadd.s32 v1, v3;
	_ =	sdelay $0x2  }
0xa3: {  	[tilespmem:s6], [sflag:$0x4] =	stream.indirect_vreg.gather [hbm4b:s3+s2], $0x80, v4, vm0, $0xb8;
	[tilespmem:$0x10100] =	vst v63  }
0xa4: {  	_ = 	snop  }
0xa5: {  	[tilespmem:s4], [sflag:$0x4] =	stream.indirect_vreg.gather [hbm4b:s3+s2], $0x80, v3, vm0, $0xb8;
	[tilespmem:$0x10100] =	vst v63  }
0xa6: {  	v3 =	vld [tilespmem:$0xB0];
	_ =	sdelay $0x4  }
0xa7: {  	v59 =	vshll.u32 v3, $0x1  }
0xa8: {  	v3 =	vand.u32 $0x7, v3;
	v4 =	vand.u32 $0xFFFFFFF0, v59  }
0xa9: {  	v3 =	vor.u32 v3, v4  }
0xaa: {  	v4 =	vperm.xlane v3, v0;
	_ =	sdelay $0x1  }
0xab: {  	v3 =	vperm.xlane v3, v2;
	v4 =	vadd.s32 v1, v4;
	_ =	sdelay $0x1  }
0xac: {  	v3 =	vadd.s32 v1, v3;
	_ =	sdelay $0x2  }
0xad: {  	[tilespmem:s9], [sflag:$0x4] =	stream.indirect_vreg.gather [hbm4b:s3+s2], $0x80, v4, vm0, $0xb8;
	[tilespmem:$0x10100] =	vst v63  }
0xae: {  	_ = 	snop  }
0xaf: {  	[tilespmem:s12], [sflag:$0x4] =	stream.indirect_vreg.gather [hbm4b:s3+s2], $0x80, v3, vm0, $0xb8;
	[tilespmem:$0x10100] =	vst v63  }
0xb0: {  	v3 =	vld [tilespmem:$0xC0];
	_ =	sdelay $0x4  }
0xb1: {  	v60 =	vshll.u32 v3, $0x1  }
0xb2: {  	v3 =	vand.u32 $0x7, v3;
	v4 =	vand.u32 $0xFFFFFFF0, v60  }
0xb3: {  	v3 =	vor.u32 v3, v4  }
0xb4: {  	v4 =	vperm.xlane v3, v0;
	_ =	sdelay $0x1  }
0xb5: {  	v3 =	vperm.xlane v3, v2;
	v4 =	vadd.s32 v1, v4;
	_ =	sdelay $0x1  }
0xb6: {  	v3 =	vadd.s32 v1, v3;
	_ =	sdelay $0x2  }
0xb7: {  	[tilespmem:s13], [sflag:$0x4] =	stream.indirect_vreg.gather [hbm4b:s3+s2], $0x80, v4, vm0, $0xb8;
	[tilespmem:$0x10100] =	vst v63  }
0xb8: {  	_ = 	snop  }
0xb9: {  	[tilespmem:s14], [sflag:$0x4] =	stream.indirect_vreg.gather [hbm4b:s3+s2], $0x80, v3, vm0, $0xb8;
	[tilespmem:$0x10100] =	vst v63  }
0xba: {  	v3 =	vld [tilespmem:$0xD0];
	_ =	sdelay $0x4  }
0xbb: {  	v61 =	vshll.u32 v3, $0x1  }
0xbc: {  	v3 =	vand.u32 $0x7, v3;
	v4 =	vand.u32 $0xFFFFFFF0, v61  }
0xbd: {  	v3 =	vor.u32 v3, v4  }
0xbe: {  	v4 =	vperm.xlane v3, v0;
	_ =	sdelay $0x1  }
0xbf: {  	v3 =	vperm.xlane v3, v2;
	v4 =	vadd.s32 v1, v4;
	_ =	sdelay $0x1  }
0xc0: {  	v3 =	vadd.s32 v1, v3;
	_ =	sdelay $0x2  }
0xc1: {  	[tilespmem:s15], [sflag:$0x4] =	stream.indirect_vreg.gather [hbm4b:s3+s2], $0x80, v4, vm0, $0xb8;
	[tilespmem:$0x10100] =	vst v63  }
0xc2: {  	_ = 	snop  }
0xc3: {  	[tilespmem:s16], [sflag:$0x4] =	stream.indirect_vreg.gather [hbm4b:s3+s2], $0x80, v3, vm0, $0xb8;
	[tilespmem:$0x10100] =	vst v63  }
0xc4: {  	v3 =	vld [tilespmem:$0xE0];
	_ =	sdelay $0x4  }
0xc5: {  	v62 =	vshll.u32 v3, $0x1  }
0xc6: {  	v3 =	vand.u32 $0x7, v3;
	v4 =	vand.u32 $0xFFFFFFF0, v62  }
0xc7: {  	v3 =	vor.u32 v3, v4  }
0xc8: {  	v4 =	vperm.xlane v3, v0;
	_ =	sdelay $0x1  }
0xc9: {  	v3 =	vperm.xlane v3, v2;
	v4 =	vadd.s32 v1, v4;
	_ =	sdelay $0x1  }
0xca: {  	v3 =	vadd.s32 v1, v3;
	_ =	sdelay $0x2  }
0xcb: {  	[tilespmem:s17], [sflag:$0x4] =	stream.indirect_vreg.gather [hbm4b:s3+s2], $0x80, v4, vm0, $0xb8;
	[tilespmem:$0x10100] =	vst v63  }
0xcc: {  	_ = 	snop  }
0xcd: {  	[tilespmem:s18], [sflag:$0x4] =	stream.indirect_vreg.gather [hbm4b:s3+s2], $0x80, v3, vm0, $0xb8;
	[tilespmem:$0x10100] =	vst v63  }
0xce: {  	v3 =	vld [tilespmem:$0xF0];
	_ =	sdelay $0x4  }
0xcf: {  	v63 =	vshll.u32 v3, $0x1  }
0xd0: {  	v3 =	vand.u32 $0x7, v3;
	v4 =	vand.u32 $0xFFFFFFF0, v63  }
0xd1: {  	v3 =	vor.u32 v3, v4  }
0xd2: {  	v4 =	vperm.xlane v3, v0;
	_ =	sdelay $0x1  }
0xd3: {  	v3 =	vperm.xlane v3, v2;
	v4 =	vadd.s32 v1, v4;
	_ =	sdelay $0x1  }
0xd4: {  	v3 =	vadd.s32 v1, v3;
	_ =	sdelay $0x2  }
0xd5: {  	[tilespmem:s19], [sflag:$0x4] =	stream.indirect_vreg.gather [hbm4b:s3+s2], $0x80, v4, vm0, $0xb8;
	[tilespmem:$0x10100] =	vst v63  }
0xd6: {  	p0 =	seq.s32 s24, $0xE0  }
0xd7: {  	[tilespmem:s20], [sflag:$0x4] =	stream.indirect_vreg.gather [hbm4b:s3+s2], $0x80, v3, vm0, $0xb8;
	[tilespmem:$0x10100] =	vst v63  }
0xd8: {  	s25 =	sadd.s32 @!p0 s24, s8;
	s26 =	simm.s32 @!p0 $0x0  }
0xd9: {  	[tilespmem:s26], [sflag:$0x1] =	stream.linear.gather @!p0 [hbm4b:s25+s26], $0x80, $0x38;
	[tilespmem:$0x10100] =	vst v63  }
0xda: {  	s26 =	sadd.s32 $0xFFFFF000, s23  }
0xdb: {  	[hbm4b:s26+s2] =	stream.linear.scatter [tilespmem:s11], [sflag:$0x5], $0x8000, $0x38;
	[tilespmem:$0x10100] =	vst v63  }
0xdc: {  	_ =	swait.ge [sflag:s21], $0x8000  }
.Ltmp4:
0xdd: {  	[sflag:s21] =	ssyncset.done $0x0;
	(pc) =	sbr.rel @p0 .LBB2_4-.Ltmp4, $4  }
0xde: {  	[sflag:s21] =	ssyncadd.s32 $0xFFFF8000  }
0xdf: {  	_ =	swait.ge [sflag:s22], $0x8000  }
0xe0: {  	[sflag:s22] =	ssyncset.done $0x0  }
0xe1: {  	[sflag:s22] =	ssyncadd.s32 $0xFFFF8000  }
0xe2: {  	_ =	swait.ge [sflag:s10], $0x80  }
0xe3: {  	[sflag:s10] =	ssyncset.done $0x0  }
0xe4: {  	[sflag:s10] =	ssyncadd.s32 $0xFFFFFF80  }
0xe5: {  	v3 =	vld [tilespmem:$0x0];
	_ =	sdelay $0x4  }
0xe6: {  	v4 =	vshll.u32 v3, $0x1  }
0xe7: {  	v3 =	vand.u32 $0x7, v3;
	v4 =	vand.u32 $0xFFFFFFF0, v4  }
0xe8: {  	v3 =	vor.u32 v3, v4  }
0xe9: {  	v4 =	vperm.xlane v3, v0;
	_ =	sdelay $0x1  }
0xea: {  	v3 =	vperm.xlane v3, v2;
	v4 =	vadd.s32 v1, v4;
	_ =	sdelay $0x1  }
0xeb: {  	v3 =	vadd.s32 v1, v3;
	_ =	sdelay $0x2  }
0xec: {  	[tilespmem:s11], [sflag:$0x3] =	stream.indirect_vreg.gather [hbm4b:s3+s2], $0x80, v4, vm0, $0xb8;
	[tilespmem:$0x10100] =	vst v63  }
0xed: {  	s25 =	simm.s32 $0x900  }
0xee: {  	[tilespmem:s25], [sflag:$0x3] =	stream.indirect_vreg.gather [hbm4b:s3+s2], $0x80, v3, vm0, $0xb8;
	[tilespmem:$0x10100] =	vst v63  }
0xef: {  	v3 =	vld [tilespmem:$0x10];
	_ =	sdelay $0x4  }
0xf0: {  	v57 =	vshll.u32 v3, $0x1  }
0xf1: {  	v3 =	vand.u32 $0x7, v3;
	v4 =	vand.u32 $0xFFFFFFF0, v57  }
0xf2: {  	v3 =	vor.u32 v3, v4  }
0xf3: {  	v4 =	vperm.xlane v3, v0;
	_ =	sdelay $0x1  }
0xf4: {  	v3 =	vperm.xlane v3, v2;
	v4 =	vadd.s32 v1, v4;
	_ =	sdelay $0x1  }
0xf5: {  	v3 =	vadd.s32 v1, v3;
	_ =	sdelay $0x1  }
0xf6: {  	s26 =	simm.s32 $0x1100  }
0xf7: {  	[tilespmem:s26], [sflag:$0x3] =	stream.indirect_vreg.gather [hbm4b:s3+s2], $0x80, v4, vm0, $0xb8;
	[tilespmem:$0x10100] =	vst v63  }
0xf8: {  	s26 =	simm.s32 $0x1900  }
0xf9: {  	[tilespmem:s26], [sflag:$0x3] =	stream.indirect_vreg.gather [hbm4b:s3+s2], $0x80, v3, vm0, $0xb8;
	[tilespmem:$0x10100] =	vst v63  }
0xfa: {  	v3 =	vld [tilespmem:$0x20];
	_ =	sdelay $0x4  }
0xfb: {  	v58 =	vshll.u32 v3, $0x1  }
0xfc: {  	v3 =	vand.u32 $0x7, v3;
	v4 =	vand.u32 $0xFFFFFFF0, v58  }
0xfd: {  	v3 =	vor.u32 v3, v4  }
0xfe: {  	v4 =	vperm.xlane v3, v0;
	_ =	sdelay $0x1  }
0xff: {  	v3 =	vperm.xlane v3, v2;
	v4 =	vadd.s32 v1, v4;
	_ =	sdelay $0x1  }
0x100: {  	v3 =	vadd.s32 v1, v3;
	_ =	sdelay $0x1  }
0x101: {  	s26 =	simm.s32 $0x2100  }
0x102: {  	[tilespmem:s26], [sflag:$0x3] =	stream.indirect_vreg.gather [hbm4b:s3+s2], $0x80, v4, vm0, $0xb8;
	[tilespmem:$0x10100] =	vst v63  }
0x103: {  	s26 =	simm.s32 $0x2900  }
0x104: {  	[tilespmem:s26], [sflag:$0x3] =	stream.indirect_vreg.gather [hbm4b:s3+s2], $0x80, v3, vm0, $0xb8;
	[tilespmem:$0x10100] =	vst v63  }
0x105: {  	v3 =	vld [tilespmem:$0x30];
	_ =	sdelay $0x4  }
0x106: {  	v59 =	vshll.u32 v3, $0x1  }
0x107: {  	v3 =	vand.u32 $0x7, v3;
	v4 =	vand.u32 $0xFFFFFFF0, v59  }
0x108: {  	v3 =	vor.u32 v3, v4  }
0x109: {  	v4 =	vperm.xlane v3, v0;
	_ =	sdelay $0x1  }
0x10a: {  	v3 =	vperm.xlane v3, v2;
	v4 =	vadd.s32 v1, v4;
	_ =	sdelay $0x1  }
0x10b: {  	v3 =	vadd.s32 v1, v3;
	_ =	sdelay $0x1  }
0x10c: {  	s26 =	simm.s32 $0x3100  }
0x10d: {  	[tilespmem:s26], [sflag:$0x3] =	stream.indirect_vreg.gather [hbm4b:s3+s2], $0x80, v4, vm0, $0xb8;
	[tilespmem:$0x10100] =	vst v63  }
0x10e: {  	s26 =	simm.s32 $0x3900  }
0x10f: {  	[tilespmem:s26], [sflag:$0x3] =	stream.indirect_vreg.gather [hbm4b:s3+s2], $0x80, v3, vm0, $0xb8;
	[tilespmem:$0x10100] =	vst v63  }
0x110: {  	v3 =	vld [tilespmem:$0x40];
	_ =	sdelay $0x4  }
0x111: {  	v60 =	vshll.u32 v3, $0x1  }
0x112: {  	v3 =	vand.u32 $0x7, v3;
	v4 =	vand.u32 $0xFFFFFFF0, v60  }
0x113: {  	v3 =	vor.u32 v3, v4  }
0x114: {  	v4 =	vperm.xlane v3, v0;
	_ =	sdelay $0x1  }
0x115: {  	v3 =	vperm.xlane v3, v2;
	v4 =	vadd.s32 v1, v4;
	_ =	sdelay $0x1  }
0x116: {  	v3 =	vadd.s32 v1, v3;
	_ =	sdelay $0x1  }
0x117: {  	s26 =	simm.s32 $0x4100  }
0x118: {  	[tilespmem:s26], [sflag:$0x3] =	stream.indirect_vreg.gather [hbm4b:s3+s2], $0x80, v4, vm0, $0xb8;
	[tilespmem:$0x10100] =	vst v63  }
0x119: {  	s26 =	simm.s32 $0x4900  }
0x11a: {  	[tilespmem:s26], [sflag:$0x3] =	stream.indirect_vreg.gather [hbm4b:s3+s2], $0x80, v3, vm0, $0xb8;
	[tilespmem:$0x10100] =	vst v63  }
0x11b: {  	v3 =	vld [tilespmem:$0x50];
	_ =	sdelay $0x4  }
0x11c: {  	v61 =	vshll.u32 v3, $0x1  }
0x11d: {  	v3 =	vand.u32 $0x7, v3;
	v4 =	vand.u32 $0xFFFFFFF0, v61  }
0x11e: {  	v3 =	vor.u32 v3, v4  }
0x11f: {  	v4 =	vperm.xlane v3, v0;
	_ =	sdelay $0x1  }
0x120: {  	v3 =	vperm.xlane v3, v2;
	v4 =	vadd.s32 v1, v4;
	_ =	sdelay $0x1  }
0x121: {  	v3 =	vadd.s32 v1, v3;
	_ =	sdelay $0x1  }
0x122: {  	s26 =	simm.s32 $0x5100  }
0x123: {  	[tilespmem:s26], [sflag:$0x3] =	stream.indirect_vreg.gather [hbm4b:s3+s2], $0x80, v4, vm0, $0xb8;
	[tilespmem:$0x10100] =	vst v63  }
0x124: {  	s26 =	simm.s32 $0x5900  }
0x125: {  	[tilespmem:s26], [sflag:$0x3] =	stream.indirect_vreg.gather [hbm4b:s3+s2], $0x80, v3, vm0, $0xb8;
	[tilespmem:$0x10100] =	vst v63  }
0x126: {  	v3 =	vld [tilespmem:$0x60];
	_ =	sdelay $0x4  }
0x127: {  	v62 =	vshll.u32 v3, $0x1  }
0x128: {  	v3 =	vand.u32 $0x7, v3;
	v4 =	vand.u32 $0xFFFFFFF0, v62  }
0x129: {  	v3 =	vor.u32 v3, v4  }
0x12a: {  	v4 =	vperm.xlane v3, v0;
	_ =	sdelay $0x1  }
0x12b: {  	v3 =	vperm.xlane v3, v2;
	v4 =	vadd.s32 v1, v4;
	_ =	sdelay $0x1  }
0x12c: {  	v3 =	vadd.s32 v1, v3;
	_ =	sdelay $0x1  }
0x12d: {  	s26 =	simm.s32 $0x6100  }
0x12e: {  	[tilespmem:s26], [sflag:$0x3] =	stream.indirect_vreg.gather [hbm4b:s3+s2], $0x80, v4, vm0, $0xb8;
	[tilespmem:$0x10100] =	vst v63  }
0x12f: {  	s26 =	simm.s32 $0x6900  }
0x130: {  	[tilespmem:s26], [sflag:$0x3] =	stream.indirect_vreg.gather [hbm4b:s3+s2], $0x80, v3, vm0, $0xb8;
	[tilespmem:$0x10100] =	vst v63  }
0x131: {  	v3 =	vld [tilespmem:$0x70];
	_ =	sdelay $0x4  }
0x132: {  	v63 =	vshll.u32 v3, $0x1  }
0x133: {  	v3 =	vand.u32 $0x7, v3;
	v4 =	vand.u32 $0xFFFFFFF0, v63  }
0x134: {  	v3 =	vor.u32 v3, v4  }
0x135: {  	v4 =	vperm.xlane v3, v0;
	_ =	sdelay $0x1  }
0x136: {  	v4 =	vadd.s32 v1, v4  }
0x137: {  	v3 =	vperm.xlane v3, v2;
	_ =	sdelay $0x1  }
0x138: {  	v3 =	vadd.s32 v1, v3  }
0x139: {  	s26 =	simm.s32 $0x7100  }
0x13a: {  	[tilespmem:s26], [sflag:$0x3] =	stream.indirect_vreg.gather [hbm4b:s3+s2], $0x80, v4, vm0, $0xb8;
	[tilespmem:$0x10100] =	vst v63  }
.Ltmp5:
0x13b: {  	_ = 	snop;
	(pc) =	sbr.rel .LBB2_4-.Ltmp5, $4  }
0x13c: {  	s26 =	simm.s32 $0x7900  }
0x13d: {  	[tilespmem:s26], [sflag:$0x3] =	stream.indirect_vreg.gather [hbm4b:s3+s2], $0x80, v3, vm0, $0xb8;
	[tilespmem:$0x10100] =	vst v63  }
0x13e: {  	s26 =	sadd.s32 s24, s7  }
0x13f: {  	[tilespmem:s28], [sflag:$0x2] =	stream.linear.gather [hbm4b:s26+s2], $0x80, $0x38;
	[tilespmem:$0x10100] =	vst v63  }
.LBB2_6:
0x140: {  	_ =	sfence.sel $0x180000  }
0x141: {  	[bflag:$0x0] =	sbarrier.arrive $0xFFFF  }
0x142: {  	_ =	strace $0x9000004D  }
0x143: {  	s0 =	stileid.u32;
	[bflag:$0x2] =	sbarrier.arrive $0xFFFF  }
0x144: {  	p0 =	sne.s32 s0, $0x0;
	s0 =	rddreg [dreg:$0x1]  }
0x145: {  	s0 =	sadd.s32 @!p0 $0x100000, s0  }
0x146: {  	[sflag:s0] =	ssyncadd.tile.s32 @!p0 $0x1;
	_ =	shalt  }
.Lfunc_end2:
_tile_overlayer_lowered:
.L_overlay_start_2:
0x147: {  	(tag) =	ssettag $0x2  }
0x148: {  	s0 =	rddreg [dreg:$0x0];
	s2 =	stileid.u32  }
0x149: {  	s1 =	rddreg [dreg:$0x1];
	p0 =	sne.s32 s2, $0x0  }
0x14a: {  	s3 =	rddreg [dreg:$0x2];
	[bflag:$0x3] =	sbarrier.arrive $0xFFFF;
	s2 =	simm.s32 @!p0 $0x1C05  }
0x14b: {  	[timem:s3], [sflag:s2] =	dma.local @!p0 [hbm:s0], s1  }
0x14c: {  	s0 =	simm.s32 @!p0 $0x5  }
0x14d: {  	_ =	swait.ge @!p0 [sflag:s0], s1  }
0x14e: {  	s1 =	ssub.s32 @!p0 $0x0, s1;
	[sflag:s0] =	ssyncset.done @!p0 $0x0  }
0x14f: {  	[sflag:s0] =	ssyncadd.s32 @!p0 s1  }
0x150: {  	[bflag:$0x3] =	sbarrier.arrive $0xFFFF  }
0x151: {  	_ =	shalt  }

// kernel: kernel.21.cloned.1.call-start
scs
__scs_entry_jumppad:
0x0: {  	(pc) =	sbr.rel $0x88, $3  }
0x1: {  	(tag) =	ssettag $0x0;
	lr =	simm.s32 $0x1  }
0x2: {  	[smem:$0x3F85] =	sst lr;
	_ =	strace $0xD0000000  }
0x3: {  	_ = 	snop  }
0x4: {  	_ = 	snop  }
0x5: {  	_ = 	snop  }
0x6: {  	_ = 	snop  }
0x7: {  	_ = 	snop  }
__scs_overlays_trampoline_lowered:
0x8: {  	[smem:$0x3F94] =	sst s0  }
0x9: {  	[smem:$0x3F95] =	sst s1  }
0xa: {  	[smem:$0x3F96] =	sst s2  }
0xb: {  	[smem:$0x3F97] =	sst s3  }
0xc: {  	[smem:$0x3F98] =	sst s4  }
0xd: {  	[smem:$0x3F99] =	sst s5  }
0xe: {  	[smem:$0x3F9A] =	sst s6  }
0xf: {  	[smem:$0x3F9B] =	sst s7  }
0x10: {  	[smem:$0x3F9C] =	sst s8  }
0x11: {  	[smem:$0x3F9D] =	sst s9;
	s0 =	simm.s32 @!p0 $0x0  }
0x12: {  	s1 =	sld [smem:$0x3F83];
	s0 =	simm.s32 @p0 $0x1  }
0x13: {  	[smem:$0x3F9E] =	sst s0;
	s0 =	simm.s32 @!p1 $0x0  }
0x14: {  	s2 =	sld [smem:$0x3F82];
	s0 =	simm.s32 @p1 $0x1  }
0x15: {  	[smem:$0x3F9F] =	sst s0;
	s0 =	simm.s32 @!p2 $0x0  }
0x16: {  	s3 =	sld [smem:$0x3FDB];
	s0 =	simm.s32 @p2 $0x1  }
0x17: {  	s4 =	simm.s32 $0x1BF5;
	[smem:$0x3FA1] =	sst s0  }
0x18: {  	s0 =	sld [smem:$0x3F84];
	_ =	swait.ge [sflag:s4], $0x0  }
0x19: {  	s7 =	sld [smem:$0x3F85]  }
0x1a: {  	s8 =	sadd.s32 $0xFFFFE003, lr  }
0x1b: {  	s9 =	sadd.s32 $0xFFFFFEF7, lr;
	s5 =	simm.s32 $0xFFFFFFFF;
	p2 =	slt.u32 s8, $0xFFFFF086  }
0x1c: {  	p1 =	slt.u32 s9, $0xF7A;
	s5 =	simm.s32 @!p2 $0x0  }
0x1d: {  	s5 =	simm.s32 @p1 $0x1;
	p0 =	seq.s32 s7, s2  }
0x1e: {  	s7 =	smul.u32 @!p0 $0xF7A, s2;
	p2 =	seq.s32 @!p0 s5, $0x0  }
0x1f: {  	s9 =	smul.u32 $0xF7A, s1;
	s8 =	simm.s32 @!p0 $0x1BF5;
	p2 =	por !p2, p0  }
0x20: {  	[sflag:s8] =	ssyncset.s32 @!p0 $0xFFFFF086;
	s6 =	sadd.s32 @!p0 s3, s7;
	s7 =	simm.s32 @!p0 $0x108  }
0x21: {  	s3 =	sadd.s32 s3, s9;
	s6 =	sadd.s32 @!p0 $0x88, s6;
	s7 =	simm.s32 @p2 $0x1082  }
0x22: {  	[simem:s7], [sflag:s8] =	dma.local @!p0 [hbm:s6], $0xF7A  }
0x23: {  	s9 =	sor.u32 $0xD0000000, s2;
	s6 =	simm.s32 $0x108;
	_ =	swait.ge @!p0 [sflag:s8], $0x0  }
0x24: {  	s3 =	sadd.s32 $0x88, s3;
	s6 =	simm.s32 @!p1 $0x1082;
	[sflag:s4] =	ssyncset.s32 $0xFFFFF086  }
0x25: {  	[simem:s6], [sflag:s4] =	dma.local [hbm:s3], $0xF7A  }
0x26: {  	[smem:$0x3F85] =	sst s1;
	(tag) =	ssettag s2;
	_ =	strace s9  }
0x27: {  	s1 =	sld [smem:$0x3F95]  }
0x28: {  	s2 =	sld [smem:$0x3F96]  }
0x29: {  	s4 =	sld [smem:$0x3F98]  }
0x2a: {  	p0 =	seq.s32 s5, $0x0;
	s5 =	sld [smem:$0x3F99]  }
0x2b: {  	s6 =	sld [smem:$0x3F9A]  }
0x2c: {  	s7 =	sld [smem:$0x3F9B]  }
0x2d: {  	s3 =	simm.s32 $0x108;
	s8 =	sld [smem:$0x3F9C]  }
0x2e: {  	s3 =	simm.s32 @!p0 $0x1082;
	s9 =	sld [smem:$0x3F9D]  }
0x2f: {  	lr =	sadd.s32 s0, s3;
	s0 =	sld [smem:$0x3F94]  }
0x30: {  	s3 =	sld [smem:$0x3F97]  }
0x31: {  	[smem:$0x3FA0] =	sst s10  }
0x32: {  	s10 =	sld [smem:$0x3F9E];
	_ =	sdelay $0x3  }
0x33: {  	p0 =	seq.s32 s10, $0x1;
	s10 =	sld [smem:$0x3FA0];
	_ =	sdelay $0x3  }
0x34: {  	[smem:$0x3FA0] =	sst s10  }
0x35: {  	s10 =	sld [smem:$0x3F9F];
	_ =	sdelay $0x3  }
0x36: {  	p1 =	seq.s32 s10, $0x1;
	s10 =	sld [smem:$0x3FA0];
	_ =	sdelay $0x3  }
0x37: {  	[smem:$0x3FA0] =	sst s10  }
0x38: {  	s10 =	sld [smem:$0x3FA1]  }
0x39: {  	_ = 	snop;
	(pc) =	sbr.ind lr, $3  }
0x3a: {  	_ = 	snop  }
0x3b: {  	_ = 	snop  }
0x3c: {  	p2 =	seq.s32 s10, $0x1;
	s10 =	sld [smem:$0x3FA0]  }
0x3d: {  	_ =	shalt  }
0x3e: {  	_ =	shalt  }
0x3f: {  	_ =	shalt  }
0x40: {  	_ =	shalt  }
0x41: {  	_ =	shalt  }
0x42: {  	_ =	shalt  }
0x43: {  	_ =	shalt  }
0x44: {  	_ =	shalt  }
0x45: {  	_ =	shalt  }
0x46: {  	_ =	shalt  }
0x47: {  	_ =	shalt  }
0x48: {  	_ =	shalt  }
0x49: {  	_ =	shalt  }
0x4a: {  	_ =	shalt  }
0x4b: {  	_ =	shalt  }
0x4c: {  	_ =	shalt  }
0x4d: {  	_ =	shalt  }
0x4e: {  	_ =	shalt  }
0x4f: {  	_ =	shalt  }
0x50: {  	_ =	shalt  }
0x51: {  	_ =	shalt  }
0x52: {  	_ =	shalt  }
0x53: {  	_ =	shalt  }
0x54: {  	_ =	shalt  }
0x55: {  	_ =	shalt  }
0x56: {  	_ =	shalt  }
0x57: {  	_ =	shalt  }
0x58: {  	_ =	shalt  }
0x59: {  	_ =	shalt  }
0x5a: {  	_ =	shalt  }
0x5b: {  	_ =	shalt  }
0x5c: {  	_ =	shalt  }
0x5d: {  	_ =	shalt  }
0x5e: {  	_ =	shalt  }
0x5f: {  	_ =	shalt  }
0x60: {  	_ =	shalt  }
0x61: {  	_ =	shalt  }
0x62: {  	_ =	shalt  }
0x63: {  	_ =	shalt  }
0x64: {  	_ =	shalt  }
0x65: {  	_ =	shalt  }
0x66: {  	_ =	shalt  }
0x67: {  	_ =	shalt  }
0x68: {  	_ =	shalt  }
0x69: {  	_ =	shalt  }
0x6a: {  	_ =	shalt  }
0x6b: {  	_ =	shalt  }
0x6c: {  	_ =	shalt  }
0x6d: {  	_ =	shalt  }
0x6e: {  	_ =	shalt  }
0x6f: {  	_ =	shalt  }
0x70: {  	_ =	shalt  }
0x71: {  	_ =	shalt  }
0x72: {  	_ =	shalt  }
0x73: {  	_ =	shalt  }
0x74: {  	_ =	shalt  }
0x75: {  	_ =	shalt  }
0x76: {  	_ =	shalt  }
0x77: {  	_ =	shalt  }
0x78: {  	_ =	shalt  }
0x79: {  	_ =	shalt  }
0x7a: {  	_ =	shalt  }
0x7b: {  	_ =	shalt  }
0x7c: {  	_ =	shalt  }
0x7d: {  	_ =	shalt  }
0x7e: {  	_ =	shalt  }
0x7f: {  	_ =	shalt  }
0x80: {  	_ =	shalt  }
0x81: {  	_ =	shalt  }
0x82: {  	_ =	shalt  }
0x83: {  	_ =	shalt  }
0x84: {  	_ =	shalt  }
0x85: {  	_ =	shalt  }
0x86: {  	_ =	shalt  }
0x87: {  	_ =	shalt  }
.Lfunc_end0:
.L_simem_size_0:
called_computation.3_lowered:
.L_overlay_start_0:
0x88: {  	s2 =	sld [smem:$0x3FD9]  }
0x89: {  	s3 =	sld [smem:$0x3FFE];
	_ =	sdelay $0x1  }
0x8a: {  	s1 =	srdreg.scid  }
0x8b: {  	s0 =	sand.u32 $0x1, s1  }
0x8c: {  	s16 =	sshll.u32 s0, $0xA;
	s2 =	sadd.s32 s3, s2  }
0x8d: {  	s2 =	sadd.s32 s2, s16  }
0x8e: {  	[smem:$0x3FAC] =	sst s2  }
0x8f: {  	_ = 	snop  }
0x90: {  	(tm) =	ssettm $0x1  }
0x91: {  	s17 =	sld [smem:$0x3FFB];
	_ =	sdelay $0x3  }
0x92: {  	_ =	strace s17  }
0x93: {  	s2 =	sld [smem:$0x3FFC];
	_ =	sdelay $0x3  }
0x94: {  	_ =	strace s2  }
0x95: {  	s2 =	sld [smem:$0x3FFD];
	_ =	sdelay $0x3  }
0x96: {  	_ =	strace s2  }
0x97: {  	_ =	strace $0x8FFFFFFF  }
0x98: {  	s18 =	sld [smem:$0x3FDB];
	_ =	sdelay $0x1  }
0x99: {  	s19 =	simm.s32 $_scs_section_size  }
0x9a: {  	s4 =	simm.s32 $_size__tile_overlayer_lowered;
	s5 =	simm.s32 $_tile_overlayer_lowered  }
0x9b: {  	s22 =	simm.s32 $0x1BFF;
	s21 =	sshll.u32 s5, $0x1;
	s2 =	sadd.s32 s19, s18  }
0x9c: {  	s6 =	simm.s32 $0x0;
	s20 =	sshll.u32 s4, $0x1;
	s4 =	sadd.s32 s21, s2  }
0x9d: {  	[timem:s6], [sflag:s22] =	dma.local [hbm:s4], s20  }
0x9e: {  	_ =	swait.ge [sflag:s22], s20  }
0x9f: {  	s3 =	ssub.s32 $0x0, s20;
	[sflag:s22] =	ssyncset.done $0x0  }
0xa0: {  	[sflag:s22] =	ssyncadd.s32 s3;
	_ =	sdelay $0x1  }
0xa1: {  	s23 =	simm.s32 $0x1B8B  }
0xa2: {  	_ =	swait.ge [sflag:s23], $0x1  }
0xa3: {  	[sflag:s23] =	ssyncset.done $0x0  }
0xa4: {  	s25 =	simm.s32 $0x1B8E;
	s24 =	sld [smem:$0x3FFE];
	[sflag:s23] =	ssyncadd.s32 $0xFFFFFFFF  }
0xa5: {  	s26 =	simm.s32 $execute0_lowered;
	[smem:$0x3FD2] =	sst s25  }
0xa6: {  	s4 =	sshll.u32 s26, $0x1;
	_ =	strace $0x8000004F;
	[dreg:$0x1] =	wrdreg $0xFFFFFFFF  }
0xa7: {  	s28 =	simm.s32 $_size_execute0_lowered;
	s2 =	sadd.s32 s2, s4;
	[dreg:$0x0] =	wrdreg $0x0  }
0xa8: {  	s4 =	sshll.u32 s28, $0x1;
	[dreg:$0x2] =	wrdreg s2  }
0xa9: {  	[dreg:$0x3] =	wrdreg s4  }
0xaa: {  	[dreg:$0x4] =	wrdreg $0xC0  }
0xab: {  	_ =	task [dreg:s6], $0x5FFFF  }
0xac: {  	[dreg:$0x1] =	wrdreg $0xFFFFFFFF  }
0xad: {  	[dreg:$0x0] =	wrdreg $0x60  }
0xae: {  	[dreg:$0x2] =	wrdreg s24  }
0xaf: {  	[dreg:$0x3] =	wrdreg $0x9  }
0xb0: {  	_ =	task.clear_ibuf [dreg:s6], $0x4FFFF;
	_ =	strace $0x9000004F  }
0xb1: {  	s29 =	simm.s32 $0x9;
	_ =	strace $0x80000051  }
0xb2: {  	_ =	swait.ge [sflag:s29], $0x1  }
0xb3: {  	[sflag:s29] =	ssyncadd.s32 $0xFFFFFFFF  }
0xb4: {  	_ =	strace $0x90000051  }
0xb5: {  	_ =	sfence  }
0xb6: {  	s30 =	sld [smem:$0x0];
	_ =	sdelay $0x2  }
0xb7: {  	s31 =	sshll.u32 s1, $0xD;
	s1 =	sshrl.u32 s1, $0x2  }
0xb8: {  	s3 =	sand.u32 $0x4000, s31;
	s1 =	sadd.s32 s1, s30  }
0xb9: {  	s0 =	sor.u32 s3, s0;
	s1 =	sshll.u32 s1, $0x11  }
0xba: {  	s0 =	sor.u32 s1, s0  }
0xbb: {  	s0 =	sadd.s32 $0x8F2B, s0  }
0xbc: {  	[sflag:s0] =	ssyncadd.remote.s32 $0x1  }
0xbd: {  	_ =	sfence.sel $0xFFFF  }
0xbe: {  	[dreg:$0x0] =	wrdreg $0xFFFFFFFF;
	(pc) =	sbr.abs _section_cstart, $3  }
0xbf: {  	[dreg:$0x1] =	wrdreg $0xFFFFFFFF  }
0xc0: {  	_ =	task.clear_ibuf [dreg:s6], $0x2FFFF;
	_ =	strace $0x9FFFFFFF  }
0xc1: {  	(tm) =	ssettm $0x7FFFFFFF  }
tec
execute0_lowered:
.L_overlay_start_1:
0x0: {  	(tag) =	ssettag $0x1  }
0x1: {  	s0 =	srdreg.scid  }
0x2: {  	s1 =	stileid.u32;
	s4 =	rddreg [dreg:$0x0];
	s11 =	simm.s32 $0x1  }
0x3: {  	s12 =	simm.s32 $0x100;
	s21 =	simm.s32 $0x3;
	s22 =	simm.s32 $0x2  }
0x4: {  	s23 =	simm.s32 $0xC100;
	s15 =	simm.s32 $0x12100;
	s16 =	simm.s32 $0x12900  }
0x5: {  	s17 =	simm.s32 $0x12D00;
	s18 =	simm.s32 $0x13500;
	s19 =	simm.s32 $0x13900  }
0x6: {  	s20 =	simm.s32 $0x14100;
	s28 =	simm.s32 $0x15D00;
	s29 =	simm.s32 $0x16500  }
0x7: {  	s30 =	simm.s32 $0x16900;
	s31 =	simm.s32 $0x17100;
	s0 =	sand.u32 $0x1, s0  }
0x8: {  	s10 =	simm.s32 $0x0;
	s1 =	sshll.u32 s1, $0xC;
	s2 =	sshll.u32 s0, $0xB  }
0x9: {  	s3 =	sadd.s32 $0x32000, s4;
	s0 =	ssub.s32 $0x2, s0;
	s1 =	sor.u32 s2, s1  }
0xa: {  	s2 =	simm.s32 $0x0;
	s7 =	sshrl.u32 s0, $0x1;
	s5 =	sshrl.u32 s1, $0x3  }
0xb: {  	[smem:$0x7FF] =	sst s2;
	s0 =	ssub.s32 s0, s7;
	s24 =	sor.u32 $0x180, s1  }
0xc: {  	s1 =	sor.u32 $0x100, s1;
	s6 =	smul.u32 $0x180, s5;
	_ =	strace $0x80000050  }
0xd: {  	s8 =	sadd.s32 s4, s5;
	s5 =	sadd.s32 $0x32100, s4;
	s7 =	sshrl.u32 s24, $0x3  }
0xe: {  	s1 =	sshrl.u32 s1, $0x3;
	s0 =	smax.u32 s0, $0x1;
	[dreg:$0x2] =	wrdreg s8  }
0xf: {  	s24 =	simm.s32 $0x14D00;
	s8 =	sadd.s32 $0x10, s8;
	[dreg:$0x4] =	wrdreg s0  }
.Ltmp0:
0x10: {  	s25 =	sadd.s32 s7, s4;
	s9 =	sadd.s32 s1, s4;
	(pc) =	sbr.rel .LBB2_1-.Ltmp0, $4  }
0x11: {  	s1 =	simm.s32 $0x17500;
	s0 =	simm.s32 $0x17D00;
	[dreg:$0x3] =	wrdreg s8  }
0x12: {  	v2 =	vlaneseq.u32;
	s7 =	simm.s32 $0x4;
	s6 =	sadd.s32 s6, s4;
	[dreg:$0x5] =	wrdreg s25  }
0x13: {  	vm0 =	vmmov $0xffff;
	vm1 =	vmmov $0xff;
	v1 =	vshrl.u32 v2, $0x3;
	s8 =	simm.s32 $0x14500;
	s25 =	simm.s32 $0x15100;
	s26 =	sadd.s32 $0x63800, s6  }
0x14: {  	v0 =	vand.u32 $0x7, v2;
	v2 =	vor.u32 $0x8, v2;
	v1 =	vmul.u32 $0x8, v1;
	s6 =	simm.s32 $0x5;
	[dreg:$0x6] =	wrdreg s26;
	s26 =	simm.s32 $0x15900  }
.LBB2_5:
0x15: {  	s10 =	rddreg [dreg:$0x7]  }
0x16: {  	s4 =	rddreg [dreg:$0x4];
	s10 =	sadd.s32 $0x1, s10  }
0x17: {  	p0 =	sne.s32 s10, s4  }
.Ltmp1:
0x18: {  	_ = 	snop;
	(pc) =	sbr.rel @!p0 .LBB2_6-.Ltmp1, $1  }
0x19: {  	_ =	sdelay $0x3  }
.LBB2_1:
0x1a: {  	[dreg:$0x7] =	wrdreg s10  }
0x1b: {  	s4 =	rddreg [dreg:$0x2]  }
0x1c: {  	[tilespmem:s2], [sflag:$0x1] =	stream.linear.gather [hbm4b:s4+s2], $0x80, $0x38;
	[tilespmem:$0x18100] =	vst v63  }
0x1d: {  	_ =	swait.ge [sflag:s11], $0x80  }
0x1e: {  	[sflag:s11] =	ssyncset.done $0x0  }
0x1f: {  	[sflag:s11] =	ssyncadd.s32 $0xFFFFFF80  }
0x20: {  	v3 =	vld [tilespmem:$0x0];
	_ =	sdelay $0x4  }
0x21: {  	v4 =	vshrl.u32 v3, $0x3  }
0x22: {  	v4 =	vmul.u32 $0x18, v4  }
0x23: {  	v3 =	vand.u32 $0x7, v3  }
0x24: {  	v3 =	vor.u32 v3, v4  }
0x25: {  	v4 =	vperm.xlane v3, v0;
	_ =	sdelay $0x1  }
0x26: {  	v4 =	vadd.s32 v1, v4;
	_ =	sdelay $0x1  }
0x27: {  	v3 =	vperm.xlane v3, v2;
	_ =	sdelay $0x1  }
0x28: {  	v3 =	vadd.s32 v1, v3  }
0x29: {  	[tilespmem:s12], [sflag:$0x3] =	stream.indirect_vreg.gather [hbm4b:s3+s2], $0x80, v4, vm0, $0xb8;
	[tilespmem:$0x18100] =	vst v63  }
0x2a: {  	s10 =	simm.s32 $0x900  }
0x2b: {  	[tilespmem:s10], [sflag:$0x3] =	stream.indirect_vreg.gather [hbm4b:s5+s2], $0x80, v4, vm1, $0xb8;
	[tilespmem:$0x18100] =	vst v63  }
0x2c: {  	s13 =	simm.s32 $0xD00  }
0x2d: {  	[tilespmem:s13], [sflag:$0x3] =	stream.indirect_vreg.gather [hbm4b:s3+s2], $0x80, v3, vm0, $0xb8;
	[tilespmem:$0x18100] =	vst v63  }
0x2e: {  	s14 =	simm.s32 $0x1500  }
0x2f: {  	[tilespmem:s14], [sflag:$0x3] =	stream.indirect_vreg.gather [hbm4b:s5+s2], $0x80, v3, vm1, $0xb8;
	[tilespmem:$0x18100] =	vst v63  }
0x30: {  	v3 =	vld [tilespmem:$0x10];
	_ =	sdelay $0x4  }
0x31: {  	v57 =	vshrl.u32 v3, $0x3  }
0x32: {  	v4 =	vmul.u32 $0x18, v57  }
0x33: {  	v3 =	vand.u32 $0x7, v3  }
0x34: {  	v3 =	vor.u32 v3, v4  }
0x35: {  	v4 =	vperm.xlane v3, v0;
	_ =	sdelay $0x1  }
0x36: {  	v4 =	vadd.s32 v1, v4;
	_ =	sdelay $0x1  }
0x37: {  	v3 =	vperm.xlane v3, v2;
	_ =	sdelay $0x1  }
0x38: {  	s10 =	simm.s32 $0x1900;
	v3 =	vadd.s32 v1, v3  }
0x39: {  	[tilespmem:s10], [sflag:$0x3] =	stream.indirect_vreg.gather [hbm4b:s3+s2], $0x80, v4, vm0, $0xb8;
	[tilespmem:$0x18100] =	vst v63  }
0x3a: {  	s13 =	simm.s32 $0x2100  }
0x3b: {  	[tilespmem:s13], [sflag:$0x3] =	stream.indirect_vreg.gather [hbm4b:s5+s2], $0x80, v4, vm1, $0xb8;
	[tilespmem:$0x18100] =	vst v63  }
0x3c: {  	s14 =	simm.s32 $0x2500  }
0x3d: {  	[tilespmem:s14], [sflag:$0x3] =	stream.indirect_vreg.gather [hbm4b:s3+s2], $0x80, v3, vm0, $0xb8;
	[tilespmem:$0x18100] =	vst v63  }
0x3e: {  	s10 =	simm.s32 $0x2D00  }
0x3f: {  	[tilespmem:s10], [sflag:$0x3] =	stream.indirect_vreg.gather [hbm4b:s5+s2], $0x80, v3, vm1, $0xb8;
	[tilespmem:$0x18100] =	vst v63  }
0x40: {  	v3 =	vld [tilespmem:$0x20];
	_ =	sdelay $0x4  }
0x41: {  	v58 =	vshrl.u32 v3, $0x3  }
0x42: {  	v4 =	vmul.u32 $0x18, v58  }
0x43: {  	v3 =	vand.u32 $0x7, v3  }
0x44: {  	v3 =	vor.u32 v3, v4  }
0x45: {  	v4 =	vperm.xlane v3, v0;
	_ =	sdelay $0x1  }
0x46: {  	v4 =	vadd.s32 v1, v4;
	_ =	sdelay $0x1  }
0x47: {  	v3 =	vperm.xlane v3, v2;
	_ =	sdelay $0x1  }
0x48: {  	s13 =	simm.s32 $0x3100;
	v3 =	vadd.s32 v1, v3  }
0x49: {  	[tilespmem:s13], [sflag:$0x3] =	stream.indirect_vreg.gather [hbm4b:s3+s2], $0x80, v4, vm0, $0xb8;
	[tilespmem:$0x18100] =	vst v63  }
0x4a: {  	s14 =	simm.s32 $0x3900  }
0x4b: {  	[tilespmem:s14], [sflag:$0x3] =	stream.indirect_vreg.gather [hbm4b:s5+s2], $0x80, v4, vm1, $0xb8;
	[tilespmem:$0x18100] =	vst v63  }
0x4c: {  	s10 =	simm.s32 $0x3D00  }
0x4d: {  	[tilespmem:s10], [sflag:$0x3] =	stream.indirect_vreg.gather [hbm4b:s3+s2], $0x80, v3, vm0, $0xb8;
	[tilespmem:$0x18100] =	vst v63  }
0x4e: {  	s13 =	simm.s32 $0x4500  }
0x4f: {  	[tilespmem:s13], [sflag:$0x3] =	stream.indirect_vreg.gather [hbm4b:s5+s2], $0x80, v3, vm1, $0xb8;
	[tilespmem:$0x18100] =	vst v63  }
0x50: {  	v3 =	vld [tilespmem:$0x30];
	_ =	sdelay $0x4  }
0x51: {  	v59 =	vshrl.u32 v3, $0x3  }
0x52: {  	v4 =	vmul.u32 $0x18, v59  }
0x53: {  	v3 =	vand.u32 $0x7, v3  }
0x54: {  	v3 =	vor.u32 v3, v4  }
0x55: {  	v4 =	vperm.xlane v3, v0;
	_ =	sdelay $0x1  }
0x56: {  	v4 =	vadd.s32 v1, v4;
	_ =	sdelay $0x1  }
0x57: {  	v3 =	vperm.xlane v3, v2;
	_ =	sdelay $0x1  }
0x58: {  	s14 =	simm.s32 $0x4900;
	v3 =	vadd.s32 v1, v3  }
0x59: {  	[tilespmem:s14], [sflag:$0x3] =	stream.indirect_vreg.gather [hbm4b:s3+s2], $0x80, v4, vm0, $0xb8;
	[tilespmem:$0x18100] =	vst v63  }
0x5a: {  	s10 =	simm.s32 $0x5100  }
0x5b: {  	[tilespmem:s10], [sflag:$0x3] =	stream.indirect_vreg.gather [hbm4b:s5+s2], $0x80, v4, vm1, $0xb8;
	[tilespmem:$0x18100] =	vst v63  }
0x5c: {  	s13 =	simm.s32 $0x5500  }
0x5d: {  	[tilespmem:s13], [sflag:$0x3] =	stream.indirect_vreg.gather [hbm4b:s3+s2], $0x80, v3, vm0, $0xb8;
	[tilespmem:$0x18100] =	vst v63  }
0x5e: {  	s14 =	simm.s32 $0x5D00  }
0x5f: {  	[tilespmem:s14], [sflag:$0x3] =	stream.indirect_vreg.gather [hbm4b:s5+s2], $0x80, v3, vm1, $0xb8;
	[tilespmem:$0x18100] =	vst v63  }
0x60: {  	v3 =	vld [tilespmem:$0x40];
	_ =	sdelay $0x4  }
0x61: {  	v60 =	vshrl.u32 v3, $0x3  }
0x62: {  	v4 =	vmul.u32 $0x18, v60  }
0x63: {  	v3 =	vand.u32 $0x7, v3  }
0x64: {  	v3 =	vor.u32 v3, v4  }
0x65: {  	v4 =	vperm.xlane v3, v0;
	_ =	sdelay $0x1  }
0x66: {  	v4 =	vadd.s32 v1, v4;
	_ =	sdelay $0x1  }
0x67: {  	v3 =	vperm.xlane v3, v2;
	_ =	sdelay $0x1  }
0x68: {  	s10 =	simm.s32 $0x6100;
	v3 =	vadd.s32 v1, v3  }
0x69: {  	[tilespmem:s10], [sflag:$0x3] =	stream.indirect_vreg.gather [hbm4b:s3+s2], $0x80, v4, vm0, $0xb8;
	[tilespmem:$0x18100] =	vst v63  }
0x6a: {  	s13 =	simm.s32 $0x6900  }
0x6b: {  	[tilespmem:s13], [sflag:$0x3] =	stream.indirect_vreg.gather [hbm4b:s5+s2], $0x80, v4, vm1, $0xb8;
	[tilespmem:$0x18100] =	vst v63  }
0x6c: {  	s14 =	simm.s32 $0x6D00  }
0x6d: {  	[tilespmem:s14], [sflag:$0x3] =	stream.indirect_vreg.gather [hbm4b:s3+s2], $0x80, v3, vm0, $0xb8;
	[tilespmem:$0x18100] =	vst v63  }
0x6e: {  	s10 =	simm.s32 $0x7500  }
0x6f: {  	[tilespmem:s10], [sflag:$0x3] =	stream.indirect_vreg.gather [hbm4b:s5+s2], $0x80, v3, vm1, $0xb8;
	[tilespmem:$0x18100] =	vst v63  }
0x70: {  	v3 =	vld [tilespmem:$0x50];
	_ =	sdelay $0x4  }
0x71: {  	v61 =	vshrl.u32 v3, $0x3  }
0x72: {  	v4 =	vmul.u32 $0x18, v61  }
0x73: {  	v3 =	vand.u32 $0x7, v3  }
0x74: {  	v3 =	vor.u32 v3, v4  }
0x75: {  	v4 =	vperm.xlane v3, v0;
	_ =	sdelay $0x1  }
0x76: {  	v4 =	vadd.s32 v1, v4;
	_ =	sdelay $0x1  }
0x77: {  	v3 =	vperm.xlane v3, v2;
	_ =	sdelay $0x1  }
0x78: {  	s13 =	simm.s32 $0x7900;
	v3 =	vadd.s32 v1, v3  }
0x79: {  	[tilespmem:s13], [sflag:$0x3] =	stream.indirect_vreg.gather [hbm4b:s3+s2], $0x80, v4, vm0, $0xb8;
	[tilespmem:$0x18100] =	vst v63  }
0x7a: {  	s14 =	simm.s32 $0x8100  }
0x7b: {  	[tilespmem:s14], [sflag:$0x3] =	stream.indirect_vreg.gather [hbm4b:s5+s2], $0x80, v4, vm1, $0xb8;
	[tilespmem:$0x18100] =	vst v63  }
0x7c: {  	s10 =	simm.s32 $0x8500  }
0x7d: {  	[tilespmem:s10], [sflag:$0x3] =	stream.indirect_vreg.gather [hbm4b:s3+s2], $0x80, v3, vm0, $0xb8;
	[tilespmem:$0x18100] =	vst v63  }
0x7e: {  	s13 =	simm.s32 $0x8D00  }
0x7f: {  	[tilespmem:s13], [sflag:$0x3] =	stream.indirect_vreg.gather [hbm4b:s5+s2], $0x80, v3, vm1, $0xb8;
	[tilespmem:$0x18100] =	vst v63  }
0x80: {  	v3 =	vld [tilespmem:$0x60];
	_ =	sdelay $0x4  }
0x81: {  	v62 =	vshrl.u32 v3, $0x3  }
0x82: {  	v4 =	vmul.u32 $0x18, v62  }
0x83: {  	v3 =	vand.u32 $0x7, v3  }
0x84: {  	v3 =	vor.u32 v3, v4  }
0x85: {  	v4 =	vperm.xlane v3, v0;
	_ =	sdelay $0x1  }
0x86: {  	v4 =	vadd.s32 v1, v4;
	_ =	sdelay $0x1  }
0x87: {  	v3 =	vperm.xlane v3, v2;
	_ =	sdelay $0x1  }
0x88: {  	s14 =	simm.s32 $0x9100;
	v3 =	vadd.s32 v1, v3  }
0x89: {  	[tilespmem:s14], [sflag:$0x3] =	stream.indirect_vreg.gather [hbm4b:s3+s2], $0x80, v4, vm0, $0xb8;
	[tilespmem:$0x18100] =	vst v63  }
0x8a: {  	s10 =	simm.s32 $0x9900  }
0x8b: {  	[tilespmem:s10], [sflag:$0x3] =	stream.indirect_vreg.gather [hbm4b:s5+s2], $0x80, v4, vm1, $0xb8;
	[tilespmem:$0x18100] =	vst v63  }
0x8c: {  	s13 =	simm.s32 $0x9D00  }
0x8d: {  	[tilespmem:s13], [sflag:$0x3] =	stream.indirect_vreg.gather [hbm4b:s3+s2], $0x80, v3, vm0, $0xb8;
	[tilespmem:$0x18100] =	vst v63  }
0x8e: {  	s14 =	simm.s32 $0xA500  }
0x8f: {  	[tilespmem:s14], [sflag:$0x3] =	stream.indirect_vreg.gather [hbm4b:s5+s2], $0x80, v3, vm1, $0xb8;
	[tilespmem:$0x18100] =	vst v63  }
0x90: {  	v3 =	vld [tilespmem:$0x70];
	_ =	sdelay $0x4  }
0x91: {  	v63 =	vshrl.u32 v3, $0x3  }
0x92: {  	v4 =	vmul.u32 $0x18, v63  }
0x93: {  	v3 =	vand.u32 $0x7, v3  }
0x94: {  	v3 =	vor.u32 v3, v4  }
0x95: {  	v4 =	vperm.xlane v3, v0;
	_ =	sdelay $0x1  }
0x96: {  	v4 =	vadd.s32 v1, v4;
	_ =	sdelay $0x1  }
0x97: {  	v3 =	vperm.xlane v3, v2;
	_ =	sdelay $0x1  }
0x98: {  	s10 =	simm.s32 $0xA900;
	v3 =	vadd.s32 v1, v3  }
0x99: {  	[tilespmem:s10], [sflag:$0x3] =	stream.indirect_vreg.gather [hbm4b:s3+s2], $0x80, v4, vm0, $0xb8;
	[tilespmem:$0x18100] =	vst v63  }
0x9a: {  	s13 =	simm.s32 $0xB100  }
0x9b: {  	[tilespmem:s13], [sflag:$0x3] =	stream.indirect_vreg.gather [hbm4b:s5+s2], $0x80, v4, vm1, $0xb8;
	[tilespmem:$0x18100] =	vst v63  }
0x9c: {  	s14 =	simm.s32 $0xB500  }
0x9d: {  	[tilespmem:s14], [sflag:$0x3] =	stream.indirect_vreg.gather [hbm4b:s3+s2], $0x80, v3, vm0, $0xb8;
	[tilespmem:$0x18100] =	vst v63  }
.Ltmp2:
0x9e: {  	_ = 	snop;
	(pc) =	sbr.rel .LBB2_2-.Ltmp2, $4  }
0x9f: {  	s4 =	rddreg [dreg:$0x6];
	s10 =	simm.s32 $0xBD00  }
0xa0: {  	[tilespmem:s10], [sflag:$0x3] =	stream.indirect_vreg.gather [hbm4b:s5+s2], $0x80, v3, vm1, $0xb8;
	[tilespmem:$0x18100] =	vst v63  }
0xa1: {  	s13 =	rddreg [dreg:$0x3];
	s14 =	simm.s32 $0x80;
	s10 =	simm.s32 $0x0  }
0xa2: {  	[tilespmem:s14], [sflag:$0x2] =	stream.linear.gather [hbm4b:s13+s2], $0x80, $0x38;
	[tilespmem:$0x18100] =	vst v63  }
.LBB2_4:
0xa3: {  	s10 =	sadd.s32 $0x20, s10  }
0xa4: {  	p0 =	sne.s32 s10, $0x100  }
.Ltmp3:
0xa5: {  	_ = 	snop;
	(pc) =	sbr.rel @!p0 .LBB2_5-.Ltmp3, $4  }
0xa6: {  	[hbm4b:s4+s2] =	stream.linear.scatter [tilespmem:s23], [sflag:$0x5], $0xC000, $0x38;
	[tilespmem:$0x18100] =	vst v63  }
0xa7: {  	_ =	swait.ge [sflag:s6], $0xC000  }
0xa8: {  	[sflag:s6] =	ssyncset.done $0x0  }
0xa9: {  	s4 =	sadd.s32 $0x3000, s4;
	[sflag:s6] =	ssyncadd.s32 $0xFFFF4000  }
.LBB2_2:
0xaa: {  	_ =	swait.ge [sflag:s21], $0xC000  }
0xab: {  	[sflag:s21] =	ssyncset.done $0x0  }
0xac: {  	[sflag:s21] =	ssyncadd.s32 $0xFFFF4000  }
0xad: {  	_ =	swait.ge [sflag:s22], $0x80  }
0xae: {  	[sflag:s22] =	ssyncset.done $0x0  }
0xaf: {  	[sflag:s22] =	ssyncadd.s32 $0xFFFFFF80  }
0xb0: {  	v3 =	vld [tilespmem:$0x80];
	_ =	sdelay $0x4  }
0xb1: {  	v4 =	vshrl.u32 v3, $0x3  }
0xb2: {  	v4 =	vmul.u32 $0x18, v4  }
0xb3: {  	v3 =	vand.u32 $0x7, v3  }
0xb4: {  	v3 =	vor.u32 v3, v4  }
0xb5: {  	v4 =	vperm.xlane v3, v0;
	_ =	sdelay $0x1  }
0xb6: {  	v4 =	vadd.s32 v1, v4;
	_ =	sdelay $0x1  }
0xb7: {  	v3 =	vperm.xlane v3, v2;
	_ =	sdelay $0x1  }
0xb8: {  	v3 =	vadd.s32 v1, v3  }
0xb9: {  	[tilespmem:s23], [sflag:$0x4] =	stream.indirect_vreg.gather [hbm4b:s3+s2], $0x80, v4, vm0, $0xb8;
	[tilespmem:$0x18100] =	vst v63  }
0xba: {  	s13 =	simm.s32 $0xC900  }
0xbb: {  	[tilespmem:s13], [sflag:$0x4] =	stream.indirect_vreg.gather [hbm4b:s5+s2], $0x80, v4, vm1, $0xb8;
	[tilespmem:$0x18100] =	vst v63  }
0xbc: {  	s14 =	simm.s32 $0xCD00  }
0xbd: {  	[tilespmem:s14], [sflag:$0x4] =	stream.indirect_vreg.gather [hbm4b:s3+s2], $0x80, v3, vm0, $0xb8;
	[tilespmem:$0x18100] =	vst v63  }
0xbe: {  	s14 =	simm.s32 $0xD500  }
0xbf: {  	[tilespmem:s14], [sflag:$0x4] =	stream.indirect_vreg.gather [hbm4b:s5+s2], $0x80, v3, vm1, $0xb8;
	[tilespmem:$0x18100] =	vst v63  }
0xc0: {  	v3 =	vld [tilespmem:$0x90];
	_ =	sdelay $0x4  }
0xc1: {  	v57 =	vshrl.u32 v3, $0x3  }
0xc2: {  	v4 =	vmul.u32 $0x18, v57  }
0xc3: {  	v3 =	vand.u32 $0x7, v3  }
0xc4: {  	v3 =	vor.u32 v3, v4  }
0xc5: {  	v4 =	vperm.xlane v3, v0;
	_ =	sdelay $0x1  }
0xc6: {  	v4 =	vadd.s32 v1, v4;
	_ =	sdelay $0x1  }
0xc7: {  	v3 =	vperm.xlane v3, v2;
	_ =	sdelay $0x1  }
0xc8: {  	s14 =	simm.s32 $0xD900;
	v3 =	vadd.s32 v1, v3  }
0xc9: {  	[tilespmem:s14], [sflag:$0x4] =	stream.indirect_vreg.gather [hbm4b:s3+s2], $0x80, v4, vm0, $0xb8;
	[tilespmem:$0x18100] =	vst v63  }
0xca: {  	s14 =	simm.s32 $0xE100  }
0xcb: {  	[tilespmem:s14], [sflag:$0x4] =	stream.indirect_vreg.gather [hbm4b:s5+s2], $0x80, v4, vm1, $0xb8;
	[tilespmem:$0x18100] =	vst v63  }
0xcc: {  	s14 =	simm.s32 $0xE500  }
0xcd: {  	[tilespmem:s14], [sflag:$0x4] =	stream.indirect_vreg.gather [hbm4b:s3+s2], $0x80, v3, vm0, $0xb8;
	[tilespmem:$0x18100] =	vst v63  }
0xce: {  	s14 =	simm.s32 $0xED00  }
0xcf: {  	[tilespmem:s14], [sflag:$0x4] =	stream.indirect_vreg.gather [hbm4b:s5+s2], $0x80, v3, vm1, $0xb8;
	[tilespmem:$0x18100] =	vst v63  }
0xd0: {  	v3 =	vld [tilespmem:$0xA0];
	_ =	sdelay $0x4  }
0xd1: {  	v58 =	vshrl.u32 v3, $0x3  }
0xd2: {  	v4 =	vmul.u32 $0x18, v58  }
0xd3: {  	v3 =	vand.u32 $0x7, v3  }
0xd4: {  	v3 =	vor.u32 v3, v4  }
0xd5: {  	v4 =	vperm.xlane v3, v0;
	_ =	sdelay $0x1  }
0xd6: {  	v4 =	vadd.s32 v1, v4;
	_ =	sdelay $0x1  }
0xd7: {  	v3 =	vperm.xlane v3, v2;
	_ =	sdelay $0x1  }
0xd8: {  	s14 =	simm.s32 $0xF100;
	v3 =	vadd.s32 v1, v3  }
0xd9: {  	[tilespmem:s14], [sflag:$0x4] =	stream.indirect_vreg.gather [hbm4b:s3+s2], $0x80, v4, vm0, $0xb8;
	[tilespmem:$0x18100] =	vst v63  }
0xda: {  	s14 =	simm.s32 $0xF900  }
0xdb: {  	[tilespmem:s14], [sflag:$0x4] =	stream.indirect_vreg.gather [hbm4b:s5+s2], $0x80, v4, vm1, $0xb8;
	[tilespmem:$0x18100] =	vst v63  }
0xdc: {  	s14 =	simm.s32 $0xFD00  }
0xdd: {  	[tilespmem:s14], [sflag:$0x4] =	stream.indirect_vreg.gather [hbm4b:s3+s2], $0x80, v3, vm0, $0xb8;
	[tilespmem:$0x18100] =	vst v63  }
0xde: {  	s14 =	simm.s32 $0x10500  }
0xdf: {  	[tilespmem:s14], [sflag:$0x4] =	stream.indirect_vreg.gather [hbm4b:s5+s2], $0x80, v3, vm1, $0xb8;
	[tilespmem:$0x18100] =	vst v63  }
0xe0: {  	v3 =	vld [tilespmem:$0xB0];
	_ =	sdelay $0x4  }
0xe1: {  	v59 =	vshrl.u32 v3, $0x3  }
0xe2: {  	v4 =	vmul.u32 $0x18, v59  }
0xe3: {  	v3 =	vand.u32 $0x7, v3  }
0xe4: {  	v3 =	vor.u32 v3, v4  }
0xe5: {  	v4 =	vperm.xlane v3, v0;
	_ =	sdelay $0x1  }
0xe6: {  	v4 =	vadd.s32 v1, v4;
	_ =	sdelay $0x1  }
0xe7: {  	v3 =	vperm.xlane v3, v2;
	_ =	sdelay $0x1  }
0xe8: {  	s14 =	simm.s32 $0x10900;
	v3 =	vadd.s32 v1, v3  }
0xe9: {  	[tilespmem:s14], [sflag:$0x4] =	stream.indirect_vreg.gather [hbm4b:s3+s2], $0x80, v4, vm0, $0xb8;
	[tilespmem:$0x18100] =	vst v63  }
0xea: {  	s14 =	simm.s32 $0x11100  }
0xeb: {  	[tilespmem:s14], [sflag:$0x4] =	stream.indirect_vreg.gather [hbm4b:s5+s2], $0x80, v4, vm1, $0xb8;
	[tilespmem:$0x18100] =	vst v63  }
0xec: {  	s14 =	simm.s32 $0x11500  }
0xed: {  	[tilespmem:s14], [sflag:$0x4] =	stream.indirect_vreg.gather [hbm4b:s3+s2], $0x80, v3, vm0, $0xb8;
	[tilespmem:$0x18100] =	vst v63  }
0xee: {  	s14 =	simm.s32 $0x11D00  }
0xef: {  	[tilespmem:s14], [sflag:$0x4] =	stream.indirect_vreg.gather [hbm4b:s5+s2], $0x80, v3, vm1, $0xb8;
	[tilespmem:$0x18100] =	vst v63  }
0xf0: {  	v3 =	vld [tilespmem:$0xC0];
	_ =	sdelay $0x4  }
0xf1: {  	v60 =	vshrl.u32 v3, $0x3  }
0xf2: {  	v4 =	vmul.u32 $0x18, v60  }
0xf3: {  	v3 =	vand.u32 $0x7, v3  }
0xf4: {  	v3 =	vor.u32 v3, v4  }
0xf5: {  	v4 =	vperm.xlane v3, v0;
	_ =	sdelay $0x1  }
0xf6: {  	v4 =	vadd.s32 v1, v4;
	_ =	sdelay $0x1  }
0xf7: {  	v3 =	vperm.xlane v3, v2;
	_ =	sdelay $0x1  }
0xf8: {  	v3 =	vadd.s32 v1, v3  }
0xf9: {  	[tilespmem:s15], [sflag:$0x4] =	stream.indirect_vreg.gather [hbm4b:s3+s2], $0x80, v4, vm0, $0xb8;
	[tilespmem:$0x18100] =	vst v63  }
0xfa: {  	_ = 	snop  }
0xfb: {  	[tilespmem:s16], [sflag:$0x4] =	stream.indirect_vreg.gather [hbm4b:s5+s2], $0x80, v4, vm1, $0xb8;
	[tilespmem:$0x18100] =	vst v63  }
0xfc: {  	_ = 	snop  }
0xfd: {  	[tilespmem:s17], [sflag:$0x4] =	stream.indirect_vreg.gather [hbm4b:s3+s2], $0x80, v3, vm0, $0xb8;
	[tilespmem:$0x18100] =	vst v63  }
0xfe: {  	_ = 	snop  }
0xff: {  	[tilespmem:s18], [sflag:$0x4] =	stream.indirect_vreg.gather [hbm4b:s5+s2], $0x80, v3, vm1, $0xb8;
	[tilespmem:$0x18100] =	vst v63  }
0x100: {  	v3 =	vld [tilespmem:$0xD0];
	_ =	sdelay $0x4  }
0x101: {  	v61 =	vshrl.u32 v3, $0x3  }
0x102: {  	v4 =	vmul.u32 $0x18, v61  }
0x103: {  	v3 =	vand.u32 $0x7, v3  }
0x104: {  	v3 =	vor.u32 v3, v4  }
0x105: {  	v4 =	vperm.xlane v3, v0;
	_ =	sdelay $0x1  }
0x106: {  	v4 =	vadd.s32 v1, v4;
	_ =	sdelay $0x1  }
0x107: {  	v3 =	vperm.xlane v3, v2;
	_ =	sdelay $0x1  }
0x108: {  	v3 =	vadd.s32 v1, v3  }
0x109: {  	[tilespmem:s19], [sflag:$0x4] =	stream.indirect_vreg.gather [hbm4b:s3+s2], $0x80, v4, vm0, $0xb8;
	[tilespmem:$0x18100] =	vst v63  }
0x10a: {  	_ = 	snop  }
0x10b: {  	[tilespmem:s20], [sflag:$0x4] =	stream.indirect_vreg.gather [hbm4b:s5+s2], $0x80, v4, vm1, $0xb8;
	[tilespmem:$0x18100] =	vst v63  }
0x10c: {  	_ = 	snop  }
0x10d: {  	[tilespmem:s8], [sflag:$0x4] =	stream.indirect_vreg.gather [hbm4b:s3+s2], $0x80, v3, vm0, $0xb8;
	[tilespmem:$0x18100] =	vst v63  }
0x10e: {  	_ = 	snop  }
0x10f: {  	[tilespmem:s24], [sflag:$0x4] =	stream.indirect_vreg.gather [hbm4b:s5+s2], $0x80, v3, vm1, $0xb8;
	[tilespmem:$0x18100] =	vst v63  }
0x110: {  	v3 =	vld [tilespmem:$0xE0];
	_ =	sdelay $0x4  }
0x111: {  	v62 =	vshrl.u32 v3, $0x3  }
0x112: {  	v4 =	vmul.u32 $0x18, v62  }
0x113: {  	v3 =	vand.u32 $0x7, v3  }
0x114: {  	v3 =	vor.u32 v3, v4  }
0x115: {  	v4 =	vperm.xlane v3, v0;
	_ =	sdelay $0x1  }
0x116: {  	v4 =	vadd.s32 v1, v4;
	_ =	sdelay $0x1  }
0x117: {  	v3 =	vperm.xlane v3, v2;
	_ =	sdelay $0x1  }
0x118: {  	v3 =	vadd.s32 v1, v3  }
0x119: {  	[tilespmem:s25], [sflag:$0x4] =	stream.indirect_vreg.gather [hbm4b:s3+s2], $0x80, v4, vm0, $0xb8;
	[tilespmem:$0x18100] =	vst v63  }
0x11a: {  	_ = 	snop  }
0x11b: {  	[tilespmem:s26], [sflag:$0x4] =	stream.indirect_vreg.gather [hbm4b:s5+s2], $0x80, v4, vm1, $0xb8;
	[tilespmem:$0x18100] =	vst v63  }
0x11c: {  	_ = 	snop  }
0x11d: {  	[tilespmem:s28], [sflag:$0x4] =	stream.indirect_vreg.gather [hbm4b:s3+s2], $0x80, v3, vm0, $0xb8;
	[tilespmem:$0x18100] =	vst v63  }
0x11e: {  	_ = 	snop  }
0x11f: {  	[tilespmem:s29], [sflag:$0x4] =	stream.indirect_vreg.gather [hbm4b:s5+s2], $0x80, v3, vm1, $0xb8;
	[tilespmem:$0x18100] =	vst v63  }
0x120: {  	v3 =	vld [tilespmem:$0xF0];
	_ =	sdelay $0x4  }
0x121: {  	v63 =	vshrl.u32 v3, $0x3  }
0x122: {  	v4 =	vmul.u32 $0x18, v63  }
0x123: {  	v3 =	vand.u32 $0x7, v3  }
0x124: {  	v3 =	vor.u32 v3, v4  }
0x125: {  	v4 =	vperm.xlane v3, v0;
	_ =	sdelay $0x1  }
0x126: {  	v4 =	vadd.s32 v1, v4;
	_ =	sdelay $0x1  }
0x127: {  	v3 =	vperm.xlane v3, v2;
	_ =	sdelay $0x1  }
0x128: {  	v3 =	vadd.s32 v1, v3  }
0x129: {  	[tilespmem:s30], [sflag:$0x4] =	stream.indirect_vreg.gather [hbm4b:s3+s2], $0x80, v4, vm0, $0xb8;
	[tilespmem:$0x18100] =	vst v63  }
0x12a: {  	_ = 	snop  }
0x12b: {  	[tilespmem:s31], [sflag:$0x4] =	stream.indirect_vreg.gather [hbm4b:s5+s2], $0x80, v4, vm1, $0xb8;
	[tilespmem:$0x18100] =	vst v63  }
0x12c: {  	_ = 	snop  }
0x12d: {  	[tilespmem:s1], [sflag:$0x4] =	stream.indirect_vreg.gather [hbm4b:s3+s2], $0x80, v3, vm0, $0xb8;
	[tilespmem:$0x18100] =	vst v63  }
0x12e: {  	p0 =	seq.s32 s10, $0xE0  }
0x12f: {  	[tilespmem:s0], [sflag:$0x4] =	stream.indirect_vreg.gather [hbm4b:s5+s2], $0x80, v3, vm1, $0xb8;
	[tilespmem:$0x18100] =	vst v63  }
0x130: {  	s13 =	sadd.s32 @!p0 s10, s9;
	s14 =	simm.s32 @!p0 $0x0  }
0x131: {  	[tilespmem:s14], [sflag:$0x1] =	stream.linear.gather @!p0 [hbm4b:s13+s14], $0x80, $0x38;
	[tilespmem:$0x18100] =	vst v63  }
0x132: {  	s14 =	sadd.s32 $0xFFFFE800, s4  }
0x133: {  	[hbm4b:s14+s2] =	stream.linear.scatter [tilespmem:s12], [sflag:$0x5], $0xC000, $0x38;
	[tilespmem:$0x18100] =	vst v63  }
0x134: {  	_ =	swait.ge [sflag:s6], $0xC000  }
.Ltmp4:
0x135: {  	[sflag:s6] =	ssyncset.done $0x0;
	(pc) =	sbr.rel @p0 .LBB2_4-.Ltmp4, $4  }
0x136: {  	[sflag:s6] =	ssyncadd.s32 $0xFFFF4000  }
0x137: {  	_ =	swait.ge [sflag:s7], $0xC000  }
0x138: {  	[sflag:s7] =	ssyncset.done $0x0  }
0x139: {  	[sflag:s7] =	ssyncadd.s32 $0xFFFF4000  }
0x13a: {  	_ =	swait.ge [sflag:s11], $0x80  }
0x13b: {  	[sflag:s11] =	ssyncset.done $0x0  }
0x13c: {  	[sflag:s11] =	ssyncadd.s32 $0xFFFFFF80  }
0x13d: {  	v3 =	vld [tilespmem:$0x0];
	_ =	sdelay $0x4  }
0x13e: {  	v4 =	vshrl.u32 v3, $0x3  }
0x13f: {  	v4 =	vmul.u32 $0x18, v4  }
0x140: {  	v3 =	vand.u32 $0x7, v3  }
0x141: {  	v3 =	vor.u32 v3, v4  }
0x142: {  	v4 =	vperm.xlane v3, v0;
	_ =	sdelay $0x1  }
0x143: {  	v4 =	vadd.s32 v1, v4;
	_ =	sdelay $0x1  }
0x144: {  	v3 =	vperm.xlane v3, v2;
	_ =	sdelay $0x1  }
0x145: {  	v3 =	vadd.s32 v1, v3  }
0x146: {  	[tilespmem:s12], [sflag:$0x3] =	stream.indirect_vreg.gather [hbm4b:s3+s2], $0x80, v4, vm0, $0xb8;
	[tilespmem:$0x18100] =	vst v63  }
0x147: {  	s13 =	simm.s32 $0x900  }
0x148: {  	[tilespmem:s13], [sflag:$0x3] =	stream.indirect_vreg.gather [hbm4b:s5+s2], $0x80, v4, vm1, $0xb8;
	[tilespmem:$0x18100] =	vst v63  }
0x149: {  	s14 =	simm.s32 $0xD00  }
0x14a: {  	[tilespmem:s14], [sflag:$0x3] =	stream.indirect_vreg.gather [hbm4b:s3+s2], $0x80, v3, vm0, $0xb8;
	[tilespmem:$0x18100] =	vst v63  }
0x14b: {  	s14 =	simm.s32 $0x1500  }
0x14c: {  	[tilespmem:s14], [sflag:$0x3] =	stream.indirect_vreg.gather [hbm4b:s5+s2], $0x80, v3, vm1, $0xb8;
	[tilespmem:$0x18100] =	vst v63  }
0x14d: {  	v3 =	vld [tilespmem:$0x10];
	_ =	sdelay $0x4  }
0x14e: {  	v57 =	vshrl.u32 v3, $0x3  }
0x14f: {  	v4 =	vmul.u32 $0x18, v57  }
0x150: {  	v3 =	vand.u32 $0x7, v3  }
0x151: {  	v3 =	vor.u32 v3, v4  }
0x152: {  	v4 =	vperm.xlane v3, v0;
	_ =	sdelay $0x1  }
0x153: {  	v4 =	vadd.s32 v1, v4;
	_ =	sdelay $0x1  }
0x154: {  	v3 =	vperm.xlane v3, v2;
	_ =	sdelay $0x1  }
0x155: {  	s14 =	simm.s32 $0x1900;
	v3 =	vadd.s32 v1, v3  }
0x156: {  	[tilespmem:s14], [sflag:$0x3] =	stream.indirect_vreg.gather [hbm4b:s3+s2], $0x80, v4, vm0, $0xb8;
	[tilespmem:$0x18100] =	vst v63  }
0x157: {  	s14 =	simm.s32 $0x2100  }
0x158: {  	[tilespmem:s14], [sflag:$0x3] =	stream.indirect_vreg.gather [hbm4b:s5+s2], $0x80, v4, vm1, $0xb8;
	[tilespmem:$0x18100] =	vst v63  }
0x159: {  	s14 =	simm.s32 $0x2500  }
0x15a: {  	[tilespmem:s14], [sflag:$0x3] =	stream.indirect_vreg.gather [hbm4b:s3+s2], $0x80, v3, vm0, $0xb8;
	[tilespmem:$0x18100] =	vst v63  }
0x15b: {  	s14 =	simm.s32 $0x2D00  }
0x15c: {  	[tilespmem:s14], [sflag:$0x3] =	stream.indirect_vreg.gather [hbm4b:s5+s2], $0x80, v3, vm1, $0xb8;
	[tilespmem:$0x18100] =	vst v63  }
0x15d: {  	v3 =	vld [tilespmem:$0x20];
	_ =	sdelay $0x4  }
0x15e: {  	v58 =	vshrl.u32 v3, $0x3  }
0x15f: {  	v4 =	vmul.u32 $0x18, v58  }
0x160: {  	v3 =	vand.u32 $0x7, v3  }
0x161: {  	v3 =	vor.u32 v3, v4  }
0x162: {  	v4 =	vperm.xlane v3, v0;
	_ =	sdelay $0x1  }
0x163: {  	v4 =	vadd.s32 v1, v4;
	_ =	sdelay $0x1  }
0x164: {  	v3 =	vperm.xlane v3, v2;
	_ =	sdelay $0x1  }
0x165: {  	s14 =	simm.s32 $0x3100;
	v3 =	vadd.s32 v1, v3  }
0x166: {  	[tilespmem:s14], [sflag:$0x3] =	stream.indirect_vreg.gather [hbm4b:s3+s2], $0x80, v4, vm0, $0xb8;
	[tilespmem:$0x18100] =	vst v63  }
0x167: {  	s14 =	simm.s32 $0x3900  }
0x168: {  	[tilespmem:s14], [sflag:$0x3] =	stream.indirect_vreg.gather [hbm4b:s5+s2], $0x80, v4, vm1, $0xb8;
	[tilespmem:$0x18100] =	vst v63  }
0x169: {  	s14 =	simm.s32 $0x3D00  }
0x16a: {  	[tilespmem:s14], [sflag:$0x3] =	stream.indirect_vreg.gather [hbm4b:s3+s2], $0x80, v3, vm0, $0xb8;
	[tilespmem:$0x18100] =	vst v63  }
0x16b: {  	s14 =	simm.s32 $0x4500  }
0x16c: {  	[tilespmem:s14], [sflag:$0x3] =	stream.indirect_vreg.gather [hbm4b:s5+s2], $0x80, v3, vm1, $0xb8;
	[tilespmem:$0x18100] =	vst v63  }
0x16d: {  	v3 =	vld [tilespmem:$0x30];
	_ =	sdelay $0x4  }
0x16e: {  	v59 =	vshrl.u32 v3, $0x3  }
0x16f: {  	v4 =	vmul.u32 $0x18, v59  }
0x170: {  	v3 =	vand.u32 $0x7, v3  }
0x171: {  	v3 =	vor.u32 v3, v4  }
0x172: {  	v4 =	vperm.xlane v3, v0;
	_ =	sdelay $0x1  }
0x173: {  	v4 =	vadd.s32 v1, v4;
	_ =	sdelay $0x1  }
0x174: {  	v3 =	vperm.xlane v3, v2;
	_ =	sdelay $0x1  }
0x175: {  	s14 =	simm.s32 $0x4900;
	v3 =	vadd.s32 v1, v3  }
0x176: {  	[tilespmem:s14], [sflag:$0x3] =	stream.indirect_vreg.gather [hbm4b:s3+s2], $0x80, v4, vm0, $0xb8;
	[tilespmem:$0x18100] =	vst v63  }
0x177: {  	s14 =	simm.s32 $0x5100  }
0x178: {  	[tilespmem:s14], [sflag:$0x3] =	stream.indirect_vreg.gather [hbm4b:s5+s2], $0x80, v4, vm1, $0xb8;
	[tilespmem:$0x18100] =	vst v63  }
0x179: {  	s14 =	simm.s32 $0x5500  }
0x17a: {  	[tilespmem:s14], [sflag:$0x3] =	stream.indirect_vreg.gather [hbm4b:s3+s2], $0x80, v3, vm0, $0xb8;
	[tilespmem:$0x18100] =	vst v63  }
0x17b: {  	s14 =	simm.s32 $0x5D00  }
0x17c: {  	[tilespmem:s14], [sflag:$0x3] =	stream.indirect_vreg.gather [hbm4b:s5+s2], $0x80, v3, vm1, $0xb8;
	[tilespmem:$0x18100] =	vst v63  }
0x17d: {  	v3 =	vld [tilespmem:$0x40];
	_ =	sdelay $0x4  }
0x17e: {  	v60 =	vshrl.u32 v3, $0x3  }
0x17f: {  	v4 =	vmul.u32 $0x18, v60  }
0x180: {  	v3 =	vand.u32 $0x7, v3  }
0x181: {  	v3 =	vor.u32 v3, v4  }
0x182: {  	v4 =	vperm.xlane v3, v0;
	_ =	sdelay $0x1  }
0x183: {  	v4 =	vadd.s32 v1, v4;
	_ =	sdelay $0x1  }
0x184: {  	v3 =	vperm.xlane v3, v2;
	_ =	sdelay $0x1  }
0x185: {  	s14 =	simm.s32 $0x6100;
	v3 =	vadd.s32 v1, v3  }
0x186: {  	[tilespmem:s14], [sflag:$0x3] =	stream.indirect_vreg.gather [hbm4b:s3+s2], $0x80, v4, vm0, $0xb8;
	[tilespmem:$0x18100] =	vst v63  }
0x187: {  	s14 =	simm.s32 $0x6900  }
0x188: {  	[tilespmem:s14], [sflag:$0x3] =	stream.indirect_vreg.gather [hbm4b:s5+s2], $0x80, v4, vm1, $0xb8;
	[tilespmem:$0x18100] =	vst v63  }
0x189: {  	s14 =	simm.s32 $0x6D00  }
0x18a: {  	[tilespmem:s14], [sflag:$0x3] =	stream.indirect_vreg.gather [hbm4b:s3+s2], $0x80, v3, vm0, $0xb8;
	[tilespmem:$0x18100] =	vst v63  }
0x18b: {  	s14 =	simm.s32 $0x7500  }
0x18c: {  	[tilespmem:s14], [sflag:$0x3] =	stream.indirect_vreg.gather [hbm4b:s5+s2], $0x80, v3, vm1, $0xb8;
	[tilespmem:$0x18100] =	vst v63  }
0x18d: {  	v3 =	vld [tilespmem:$0x50];
	_ =	sdelay $0x4  }
0x18e: {  	v61 =	vshrl.u32 v3, $0x3  }
0x18f: {  	v4 =	vmul.u32 $0x18, v61  }
0x190: {  	v3 =	vand.u32 $0x7, v3  }
0x191: {  	v3 =	vor.u32 v3, v4  }
0x192: {  	v4 =	vperm.xlane v3, v0;
	_ =	sdelay $0x1  }
0x193: {  	v4 =	vadd.s32 v1, v4;
	_ =	sdelay $0x1  }
0x194: {  	v3 =	vperm.xlane v3, v2;
	_ =	sdelay $0x1  }
0x195: {  	s14 =	simm.s32 $0x7900;
	v3 =	vadd.s32 v1, v3  }
0x196: {  	[tilespmem:s14], [sflag:$0x3] =	stream.indirect_vreg.gather [hbm4b:s3+s2], $0x80, v4, vm0, $0xb8;
	[tilespmem:$0x18100] =	vst v63  }
0x197: {  	s14 =	simm.s32 $0x8100  }
0x198: {  	[tilespmem:s14], [sflag:$0x3] =	stream.indirect_vreg.gather [hbm4b:s5+s2], $0x80, v4, vm1, $0xb8;
	[tilespmem:$0x18100] =	vst v63  }
0x199: {  	s14 =	simm.s32 $0x8500  }
0x19a: {  	[tilespmem:s14], [sflag:$0x3] =	stream.indirect_vreg.gather [hbm4b:s3+s2], $0x80, v3, vm0, $0xb8;
	[tilespmem:$0x18100] =	vst v63  }
0x19b: {  	s14 =	simm.s32 $0x8D00  }
0x19c: {  	[tilespmem:s14], [sflag:$0x3] =	stream.indirect_vreg.gather [hbm4b:s5+s2], $0x80, v3, vm1, $0xb8;
	[tilespmem:$0x18100] =	vst v63  }
0x19d: {  	v3 =	vld [tilespmem:$0x60];
	_ =	sdelay $0x4  }
0x19e: {  	v62 =	vshrl.u32 v3, $0x3  }
0x19f: {  	v4 =	vmul.u32 $0x18, v62  }
0x1a0: {  	v3 =	vand.u32 $0x7, v3  }
0x1a1: {  	v3 =	vor.u32 v3, v4  }
0x1a2: {  	v4 =	vperm.xlane v3, v0;
	_ =	sdelay $0x1  }
0x1a3: {  	v4 =	vadd.s32 v1, v4;
	_ =	sdelay $0x1  }
0x1a4: {  	v3 =	vperm.xlane v3, v2;
	_ =	sdelay $0x1  }
0x1a5: {  	s14 =	simm.s32 $0x9100;
	v3 =	vadd.s32 v1, v3  }
0x1a6: {  	[tilespmem:s14], [sflag:$0x3] =	stream.indirect_vreg.gather [hbm4b:s3+s2], $0x80, v4, vm0, $0xb8;
	[tilespmem:$0x18100] =	vst v63  }
0x1a7: {  	s14 =	simm.s32 $0x9900  }
0x1a8: {  	[tilespmem:s14], [sflag:$0x3] =	stream.indirect_vreg.gather [hbm4b:s5+s2], $0x80, v4, vm1, $0xb8;
	[tilespmem:$0x18100] =	vst v63  }
0x1a9: {  	s14 =	simm.s32 $0x9D00  }
0x1aa: {  	[tilespmem:s14], [sflag:$0x3] =	stream.indirect_vreg.gather [hbm4b:s3+s2], $0x80, v3, vm0, $0xb8;
	[tilespmem:$0x18100] =	vst v63  }
0x1ab: {  	s14 =	simm.s32 $0xA500  }
0x1ac: {  	[tilespmem:s14], [sflag:$0x3] =	stream.indirect_vreg.gather [hbm4b:s5+s2], $0x80, v3, vm1, $0xb8;
	[tilespmem:$0x18100] =	vst v63  }
0x1ad: {  	v3 =	vld [tilespmem:$0x70];
	_ =	sdelay $0x4  }
0x1ae: {  	v63 =	vshrl.u32 v3, $0x3  }
0x1af: {  	v4 =	vmul.u32 $0x18, v63  }
0x1b0: {  	v3 =	vand.u32 $0x7, v3  }
0x1b1: {  	v3 =	vor.u32 v3, v4  }
0x1b2: {  	v4 =	vperm.xlane v3, v0;
	_ =	sdelay $0x1  }
0x1b3: {  	v4 =	vadd.s32 v1, v4;
	_ =	sdelay $0x1  }
0x1b4: {  	v3 =	vperm.xlane v3, v2;
	_ =	sdelay $0x1  }
0x1b5: {  	s14 =	simm.s32 $0xA900;
	v3 =	vadd.s32 v1, v3  }
0x1b6: {  	[tilespmem:s14], [sflag:$0x3] =	stream.indirect_vreg.gather [hbm4b:s3+s2], $0x80, v4, vm0, $0xb8;
	[tilespmem:$0x18100] =	vst v63  }
0x1b7: {  	s14 =	simm.s32 $0xB100  }
0x1b8: {  	[tilespmem:s14], [sflag:$0x3] =	stream.indirect_vreg.gather [hbm4b:s5+s2], $0x80, v4, vm1, $0xb8;
	[tilespmem:$0x18100] =	vst v63  }
0x1b9: {  	s14 =	simm.s32 $0xB500  }
0x1ba: {  	[tilespmem:s14], [sflag:$0x3] =	stream.indirect_vreg.gather [hbm4b:s3+s2], $0x80, v3, vm0, $0xb8;
	[tilespmem:$0x18100] =	vst v63  }
.Ltmp5:
0x1bb: {  	s14 =	simm.s32 $0xBD00;
	(pc) =	sbr.rel .LBB2_4-.Ltmp5, $4  }
0x1bc: {  	[tilespmem:s14], [sflag:$0x3] =	stream.indirect_vreg.gather [hbm4b:s5+s2], $0x80, v3, vm1, $0xb8;
	[tilespmem:$0x18100] =	vst v63  }
0x1bd: {  	s14 =	rddreg [dreg:$0x5]  }
0x1be: {  	s13 =	sadd.s32 s10, s14;
	s14 =	simm.s32 $0x80  }
0x1bf: {  	[tilespmem:s14], [sflag:$0x2] =	stream.linear.gather [hbm4b:s13+s2], $0x80, $0x38;
	[tilespmem:$0x18100] =	vst v63  }
.LBB2_6:
0x1c0: {  	_ =	sfence.sel $0x180000  }
0x1c1: {  	[bflag:$0x0] =	sbarrier.arrive $0xFFFF  }
0x1c2: {  	_ =	strace $0x90000050  }
0x1c3: {  	s0 =	stileid.u32;
	[bflag:$0x2] =	sbarrier.arrive $0xFFFF  }
0x1c4: {  	p0 =	sne.s32 s0, $0x0;
	s0 =	rddreg [dreg:$0x1]  }
0x1c5: {  	s0 =	sadd.s32 @!p0 $0x100000, s0  }
0x1c6: {  	[sflag:s0] =	ssyncadd.tile.s32 @!p0 $0x1;
	_ =	shalt  }
.Lfunc_end2:
_tile_overlayer_lowered:
.L_overlay_start_2:
0x1c7: {  	(tag) =	ssettag $0x2  }
0x1c8: {  	s0 =	rddreg [dreg:$0x0];
	s2 =	stileid.u32  }
0x1c9: {  	s1 =	rddreg [dreg:$0x1];
	p0 =	sne.s32 s2, $0x0  }
0x1ca: {  	s3 =	rddreg [dreg:$0x2];
	[bflag:$0x3] =	sbarrier.arrive $0xFFFF;
	s2 =	simm.s32 @!p0 $0x1C05  }
0x1cb: {  	[timem:s3], [sflag:s2] =	dma.local @!p0 [hbm:s0], s1  }
0x1cc: {  	s0 =	simm.s32 @!p0 $0x5  }
0x1cd: {  	_ =	swait.ge @!p0 [sflag:s0], s1  }
0x1ce: {  	s1 =	ssub.s32 @!p0 $0x0, s1;
	[sflag:s0] =	ssyncset.done @!p0 $0x0  }
0x1cf: {  	[sflag:s0] =	ssyncadd.s32 @!p0 s1  }
0x1d0: {  	[bflag:$0x3] =	sbarrier.arrive $0xFFFF  }
0x1d1: {  	_ =	shalt  }

</sc_bundles>
